<compile_context>
chip_gen: v7x
topology: tpu7x:2x2x1
jax: 0.10.2.dev20260603
libtpu: 0.0.44.dev20260713+nightly
codegen_flags: <defaults>
</compile_context>

<pallas_src>
import jax
import jax.numpy as jnp
from jax import lax
from jax.experimental import pallas as pl
from jax.experimental.pallas import tpu as pltpu
from jax.experimental.pallas import tpu_sc as plsc

N = 10000
E = 160000
H = 512
OUT = 128

NS = 16
LN = 128
NP = 10240
RPT = NP // NS
EB = 128
NBLK = E // EB
RB = 1000


def _mm(x, w):
    return lax.dot_general(x, w, (((1,), (1,)), ((), ())),
                           preferred_element_type=jnp.float32)



def _sc_stage(n_x, n_g, n_d, passes, n_out, n_cnt=0):
    mesh = plsc.VectorSubcoreMesh(core_axis_name="c", subcore_axis_name="s")

    def body(*refs):
        xs = refs[:n_x]
        gs = refs[n_x:n_x + n_g]
        ds = refs[n_x + n_g:n_x + n_g + n_d]
        pos = n_x + n_g + n_d
        zs = refs[pos]
        pos += 1
        if n_cnt:
            ones = refs[pos]
            pos += 1
        outs = refs[pos:pos + n_out]
        pos += n_out
        if n_cnt:
            cout = refs[pos]
            pos += 1
        gidxv, didxv, rows, acc, sem = refs[pos:pos + 5]
        pos += 5
        if n_cnt:
            onev = refs[pos]

        core = lax.axis_index("c")
        sid = lax.axis_index("s")
        stripe = pl.ds(sid * RPT, RPT)

        if n_cnt:
            pltpu.sync_copy(ones, onev)

        def gather_pass(xr, gref, dref, esb, nb):
            nit = (nb + NS - 1) // NS

            def unit_step(i, _):
                u = sid + i * NS

                @pl.when(u < nb)
                def _():
                    e0 = (esb + u) * EB
                    cg = pltpu.async_copy(gref.at[pl.ds(e0, EB)], gidxv, sem)
                    cd = pltpu.async_copy(dref.at[pl.ds(e0, EB)], didxv, sem)
                    cg.wait()
                    cd.wait()
                    pltpu.async_copy(xr.at[gidxv], rows, sem).wait()
                    pltpu.sync_copy(rows, acc.at[didxv], add=True)
                return 0

            lax.fori_loop(0, nit, unit_step, 0)

        for (xi, g0, g1, di, outi, es0, es1, nb, sl0, sl1) in passes:
            xr, dref, outr = xs[xi], ds[di], outs[outi]

            pltpu.sync_copy(zs, acc.at[stripe])
            plsc.subcore_barrier()

            @pl.when(core == 0)
            def _(xr=xr, gref=gs[g0], dref=dref, esb=es0, nb=nb):
                gather_pass(xr, gref, dref, esb, nb)

            @pl.when(core == 1)
            def _(xr=xr, gref=gs[g1], dref=dref, esb=es1, nb=nb):
                gather_pass(xr, gref, dref, esb, nb)

            plsc.subcore_barrier()

            @pl.when(core == 0)
            def _(outr=outr, sl=sl0):
                pltpu.sync_copy(acc.at[stripe], outr.at[sl, stripe])

            @pl.when(core == 1)
            def _(outr=outr, sl=sl1):
                pltpu.sync_copy(acc.at[stripe], outr.at[sl, stripe])

        if n_cnt:
            nbh = NBLK // 2
            nit = (nbh + NS - 1) // NS

            for r in range(n_cnt):
                dref = ds[r]
                pltpu.sync_copy(zs, acc.at[stripe])
                plsc.subcore_barrier()

                def cnt_half(esb, dref=dref):
                    def cnt_step(i, _):
                        u = sid + i * NS

                        @pl.when(u < nbh)
                        def _():
                            e0 = (esb + u) * EB
                            pltpu.sync_copy(dref.at[pl.ds(e0, EB)], didxv)
                            pltpu.sync_copy(onev, acc.at[didxv], add=True)
                        return 0

                    lax.fori_loop(0, nit, cnt_step, 0)

                @pl.when(core == 0)
                def _():
                    cnt_half(0)

                @pl.when(core == 1)
                def _():
                    cnt_half(nbh)

                plsc.subcore_barrier()

                @pl.when(core == 0)
                def _(r=r):
                    pltpu.sync_copy(acc.at[stripe], cout.at[2 * r, stripe])

                @pl.when(core == 1)
                def _(r=r):
                    pltpu.sync_copy(acc.at[stripe],
                                    cout.at[2 * r + 1, stripe])

    return mesh, body


def _run_sc_stage(xs_resh, gidxs, didxs, passes, out_shapes, n_cnt=0):
    mesh, body = _sc_stage(len(xs_resh), len(gidxs), len(didxs), passes,
                           len(out_shapes), n_cnt=n_cnt)
    out_type = [jax.ShapeDtypeStruct(s, jnp.float32) for s in out_shapes]
    if n_cnt:
        out_type.append(
            jax.ShapeDtypeStruct((2 * n_cnt, NP, LN), jnp.float32))
    scratch = [
        pltpu.VMEM((EB,), jnp.int32),
        pltpu.VMEM((EB,), jnp.int32),
        pltpu.VMEM((EB, LN), jnp.float32),
        pltpu.VMEM_SHARED((NP, LN), jnp.float32),
        pltpu.SemaphoreType.DMA,
    ]
    if n_cnt:
        scratch.append(pltpu.VMEM((EB, LN), jnp.float32))
    fn = pl.kernel(body, out_type=out_type, mesh=mesh, scratch_types=scratch)
    args = list(xs_resh) + list(gidxs) + list(didxs)
    args.append(jnp.zeros((RPT, LN), jnp.float32))
    if n_cnt:
        args.append(jnp.ones((EB, LN), jnp.float32))
    return fn(*args)



def _full(shape):
    nd = len(shape)
    return pl.BlockSpec(shape, lambda i: (0,) * nd)


def _rblk(lead, d):
    if lead is None:
        return pl.BlockSpec((RB, d), lambda i: (i, 0))
    return pl.BlockSpec((lead, RB, d), lambda i: (0, i, 0))


def _rcp(c_ref):
    c = c_ref[0, :, :1] + c_ref[1, :, :1]
    return 1.0 / jnp.maximum(c, 1.0)


def _relu(x):
    return jnp.maximum(x, 0.0)


def _tc_fuse(x_building, fuse_W, fuse_b):
    def body(x_ref, w_ref, b_ref, o_ref):
        o_ref[...] = _relu(_mm(x_ref[...], w_ref[...]) + b_ref[...])

    return pl.pallas_call(
        body,
        grid=(N // RB,),
        in_specs=[_rblk(None, H), _full((H, H)), _full((1, H))],
        out_specs=_rblk(None, H),
        out_shape=jax.ShapeDtypeStruct((N, H), jnp.float32),
    )(x_building, fuse_W, fuse_b.reshape(1, H))


def _sage_terms(s_ref, r, W_ref):
    nch = s_ref.shape[0]
    acc = None
    for c in range(nch):
        t = _mm(s_ref[c] * r, W_ref[:, c * LN:(c + 1) * LN])
        acc = t if acc is None else acc + t
    return acc


def _tc_conv1_sp(s_i2s, cnt_i2s, x_street, s_p2p, cnt_p2p, x_plot,
                 W_i_l, W_i_r, b_i, W_p_l, W_p_r, b_p):
    def body(si_ref, ci_ref, xs_ref, sp_ref, cp_ref, xp_ref,
             wil_ref, wir_ref, bi_ref, wpl_ref, wpr_ref, bp_ref,
             hs_ref, hp_ref):
        ri = _rcp(ci_ref)
        m = (si_ref[0] + si_ref[1]) * ri
        hs_ref[...] = _relu(_mm(m, wil_ref[...]) + _mm(xs_ref[...],
                                                       wir_ref[...])
                            + bi_ref[...])
        rp = _rcp(cp_ref)
        accp = _sage_terms(sp_ref, rp, wpl_ref)
        hp_ref[...] = _relu(accp + _mm(xp_ref[...], wpr_ref[...])
                            + bp_ref[...])

    return pl.pallas_call(
        body,
        grid=(N // RB,),
        in_specs=[
            _rblk(2, LN), _rblk(2, LN), _rblk(None, 128),
            _rblk(2, LN), _rblk(2, LN), _rblk(None, 256),
            _full((H, 128)), _full((H, 128)), _full((1, H)),
            _full((H, 256)), _full((H, 256)), _full((1, H)),
        ],
        out_specs=[_rblk(None, H), _rblk(None, H)],
        out_shape=[jax.ShapeDtypeStruct((N, H), jnp.float32),
                   jax.ShapeDtypeStruct((N, H), jnp.float32)],
    )(s_i2s, cnt_i2s, x_street, s_p2p, cnt_p2p, x_plot,
      W_i_l, W_i_r, b_i.reshape(1, H), W_p_l, W_p_r, b_p.reshape(1, H))


def _tc_conv1_b(s_b2b, cnt_b2b, xb, W_l, W_r, b):
    def body(s_ref, c_ref, x_ref, wl_ref, wr_ref, b_ref, o_ref):
        r = _rcp(c_ref)
        acc = _sage_terms(s_ref, r, wl_ref)
        o_ref[...] = _relu(acc + _mm(x_ref[...], wr_ref[...]) + b_ref[...])

    return pl.pallas_call(
        body,
        grid=(N // RB,),
        in_specs=[_rblk(4, LN), _rblk(2, LN), _rblk(None, H),
                  _full((H, H)), _full((H, H)), _full((1, H))],
        out_specs=_rblk(None, H),
        out_shape=jax.ShapeDtypeStruct((N, H), jnp.float32),
    )(s_b2b, cnt_b2b, xb, W_l, W_r, b.reshape(1, H))


def _tc_conv2_out(s_p2b, c_p2b, s_b2b, c_b2b, s_s2b, c_s2b, h_bld,
                  W_p_l, W_b_l, W_s_l, Wr_sum, b_sum, fc1_W, fc1_b):
    def body(sp_ref, cp_ref, sb_ref, cb_ref, ss_ref, cs_ref, h_ref,
             wp_ref, wb_ref, ws_ref, wr_ref, bs_ref, fw_ref, fb_ref, o_ref):
        acc = _mm(h_ref[...], wr_ref[...]) + bs_ref[...]
        acc += _sage_terms(sp_ref, _rcp(cp_ref), wp_ref)
        acc += _sage_terms(sb_ref, _rcp(cb_ref), wb_ref)
        acc += _sage_terms(ss_ref, _rcp(cs_ref), ws_ref)
        h2 = _relu(acc * (1.0 / 3.0))
        o_ref[...] = _mm(h2, fw_ref[...]) + fb_ref[...]

    return pl.pallas_call(
        body,
        grid=(N // RB,),
        in_specs=[
            _rblk(4, LN), _rblk(2, LN),
            _rblk(4, LN), _rblk(2, LN),
            _rblk(4, LN), _rblk(2, LN),
            _rblk(None, H),
            _full((H, H)), _full((H, H)), _full((H, H)), _full((H, H)),
            _full((1, H)), _full((OUT, H)), _full((1, OUT)),
        ],
        out_specs=_rblk(None, OUT),
        out_shape=jax.ShapeDtypeStruct((N, OUT), jnp.float32),
    )(s_p2b, c_p2b, s_b2b, c_b2b, s_s2b, c_s2b, h_bld,
      W_p_l, W_b_l, W_s_l, Wr_sum, b_sum.reshape(1, H), fc1_W,
      fc1_b.reshape(1, OUT))



def kernel(x_intersection, x_street, x_plot, x_building, fuse_W, fuse_b,
           W1_i2s_l, b1_i2s, W1_i2s_r, W1_s2i_l, b1_s2i, W1_s2i_r,
           W1_p2p_l, b1_p2p, W1_p2p_r, W1_b2b_l, b1_b2b, W1_b2b_r,
           W2_p2b_l, b2_p2b, W2_p2b_r, W2_b2b_l, b2_b2b, W2_b2b_r,
           W2_s2b_l, b2_s2b, W2_s2b_r, fc1_W, fc1_b,
           ei_i2s, ei_s2i, ei_p2p, ei_b2b, ei_p2b, ei_s2b):
    src_i2s, dst_i2s = ei_i2s[0], ei_i2s[1]
    src_p2p, dst_p2p = ei_p2p[0], ei_p2p[1]
    src_b2b, dst_b2b = ei_b2b[0], ei_b2b[1]
    src_p2b, dst_p2b = ei_p2b[0], ei_p2b[1]
    src_s2b, dst_s2b = ei_s2b[0], ei_s2b[1]

    HB = NBLK // 2

    g_p2p = [src_p2p * 2 + c for c in range(2)]
    g_b2b = [src_b2b * 4 + c for c in range(4)]
    g_p2b = [src_p2b * 4 + c for c in range(4)]
    g_s2b = [src_s2b * 4 + c for c in range(4)]

    passesA = [
        (0, 0, 0, 0, 0, 0, HB, HB, 0, 1),
        (1, 1, 2, 1, 1, 0, 0, NBLK, 0, 1),
    ]
    s_i2s, s_p2p, cnt = _run_sc_stage(
        [x_intersection, x_plot.reshape(2 * N, LN)],
        [src_i2s, g_p2p[0], g_p2p[1]],
        [dst_i2s, dst_p2p, dst_b2b, dst_p2b, dst_s2b],
        passesA, [(2, NP, LN), (2, NP, LN)], n_cnt=5)
    cnt_i2s, cnt_p2p, cnt_b2b, cnt_p2b, cnt_s2b = (
        cnt[0:2], cnt[2:4], cnt[4:6], cnt[6:8], cnt[8:10])

    xb = _tc_fuse(x_building, fuse_W, fuse_b)

    passesB = [
        (0, 0, 2, 0, 0, 0, 0, NBLK, 0, 2),
        (0, 1, 3, 0, 0, 0, 0, NBLK, 1, 3),
    ]
    (s_b2b1,) = _run_sc_stage([xb.reshape(4 * N, LN)],
                              g_b2b, [dst_b2b],
                              passesB, [(4, NP, LN)])

    h_street, h_plot = _tc_conv1_sp(
        s_i2s, cnt_i2s, x_street, s_p2p, cnt_p2p, x_plot,
        W1_i2s_l, W1_i2s_r, b1_i2s, W1_p2p_l, W1_p2p_r, b1_p2p)
    h_bld = _tc_conv1_b(s_b2b1, cnt_b2b, xb, W1_b2b_l, W1_b2b_r, b1_b2b)

    passesC = [
        (0, 0, 2, 0, 0, 0, 0, NBLK, 0, 2),
        (0, 1, 3, 0, 0, 0, 0, NBLK, 1, 3),
        (1, 4, 6, 1, 1, 0, 0, NBLK, 0, 2),
        (1, 5, 7, 1, 1, 0, 0, NBLK, 1, 3),
        (2, 8, 10, 2, 2, 0, 0, NBLK, 0, 2),
        (2, 9, 11, 2, 2, 0, 0, NBLK, 1, 3),
    ]
    s_p2b, s_s2b, s_b2b2 = _run_sc_stage(
        [h_plot.reshape(4 * N, LN), h_street.reshape(4 * N, LN),
         h_bld.reshape(4 * N, LN)],
        g_p2b + g_s2b + g_b2b,
        [dst_p2b, dst_s2b, dst_b2b],
        passesC, [(4, NP, LN), (4, NP, LN), (4, NP, LN)])

    Wr_sum = W2_p2b_r + W2_b2b_r + W2_s2b_r
    b_sum = b2_p2b + b2_b2b + b2_s2b
    return _tc_conv2_out(s_p2b, cnt_p2b, s_b2b2, cnt_b2b, s_s2b, cnt_s2b,
                         h_bld, W2_p2b_l, W2_b2b_l, W2_s2b_l, Wr_sum, b_sum,
                         fc1_W, fc1_b)

# --- scband reference (transcript-rebuilt; emitter-appended) ---
"""Pipeline reference for scband-hetero-sage-19258633355704 (READ-ONLY COPY).

The authoritative reference and input builder live on the scoring server;
editing this copy changes nothing except your own understanding.
"""

import jax, jax.numpy as jnp
import numpy as np

N = 10000
E = 160000
H = 512
OUT = 128


def setup_inputs(seed=0):
    keys = jax.random.split(jax.random.key(seed), 32)
    ki = iter(keys)

    def rn(shape, s=1.0):
        return jax.random.normal(next(ki), shape, dtype=jnp.float32) * s

    def ridx():
        return jax.random.randint(next(ki), (2, E), 0, N, dtype=jnp.int32)

    inp = {}
    inp["x_intersection"] = rn((N, 128))
    inp["x_street"] = rn((N, 128))
    inp["x_plot"] = rn((N, 256))
    inp["x_building"] = rn((N, 512))
    inp["fuse_W"] = rn((H, 512), 0.02)
    inp["fuse_b"] = jnp.zeros((H,), jnp.float32)
    conv_specs = [("1_i2s", 128, 128), ("1_s2i", 128, 128), ("1_p2p", 256, 256), ("1_b2b", 512, 512), ("2_p2b", 512, 512), ("2_b2b", 512, 512), ("2_s2b", 512, 512)]
    for name, dsrc, ddst in conv_specs:
        inp["W" + name + "_l"] = rn((H, dsrc), 0.02)
        inp["b" + name] = jnp.zeros((H,), jnp.float32)
        inp["W" + name + "_r"] = rn((H, ddst), 0.02)
    inp["fc1_W"] = rn((OUT, H), 0.02)
    inp["fc1_b"] = jnp.zeros((OUT,), jnp.float32)
    for en in ["ei_i2s", "ei_s2i", "ei_p2p", "ei_b2b", "ei_p2b", "ei_s2b"]:
        inp[en] = ridx()
    return inp


def _sage(x_src, x_dst, ei, Wl, bl, Wr):
    # PyG SAGEConv, aggr='mean': lin_l(mean_j x_j) + lin_r(x_i); lin_l has bias, lin_r no bias
    dst = ei[1]
    msgs = jnp.take(x_src, ei[0], axis=0)
    s = jax.ops.segment_sum(msgs, dst, num_segments=x_dst.shape[0])
    c = jax.ops.segment_sum(jnp.ones((ei.shape[1],), jnp.float32), dst, num_segments=x_dst.shape[0])
    m = s / jnp.maximum(c, 1.0)[:, None]
    return m @ Wl.T + bl + x_dst @ Wr.T


def reference(x_intersection, x_street, x_plot, x_building, fuse_W, fuse_b, W1_i2s_l, b1_i2s, W1_i2s_r, W1_s2i_l, b1_s2i, W1_s2i_r, W1_p2p_l, b1_p2p, W1_p2p_r, W1_b2b_l, b1_b2b, W1_b2b_r, W2_p2b_l, b2_p2b, W2_p2b_r, W2_b2b_l, b2_b2b, W2_b2b_r, W2_s2b_l, b2_s2b, W2_s2b_r, fc1_W, fc1_b, ei_i2s, ei_s2i, ei_p2p, ei_b2b, ei_p2b, ei_s2b):
    # fuse_building + relu (dropout is identity in eval mode)
    xb = jax.nn.relu(x_building @ fuse_W.T + fuse_b)
    # conv1 (HeteroConv, each dst type has exactly one incoming relation -> mean aggr is identity)
    h_street = jax.nn.relu(_sage(x_intersection, x_street, ei_i2s, W1_i2s_l, b1_i2s, W1_i2s_r))
    h_inter = jax.nn.relu(_sage(x_street, x_intersection, ei_s2i, W1_s2i_l, b1_s2i, W1_s2i_r))  # computed as in torch forward, unused downstream
    h_plot = jax.nn.relu(_sage(x_plot, x_plot, ei_p2p, W1_p2p_l, b1_p2p, W1_p2p_r))
    h_bld = jax.nn.relu(_sage(xb, xb, ei_b2b, W1_b2b_l, b1_b2b, W1_b2b_r))
    # conv2: three relations into 'building', HeteroConv aggr='mean' across relations
    o1 = _sage(h_plot, h_bld, ei_p2b, W2_p2b_l, b2_p2b, W2_p2b_r)
    o2 = _sage(h_bld, h_bld, ei_b2b, W2_b2b_l, b2_b2b, W2_b2b_r)
    o3 = _sage(h_street, h_bld, ei_s2b, W2_s2b_l, b2_s2b, W2_s2b_r)
    h2 = jax.nn.relu((o1 + o2 + o3) / 3.0)
    return h2 @ fc1_W.T + fc1_b

if __name__ == "__main__":
    import jax
    _d = setup_inputs()
    print(jax.jit(kernel)(*tuple(_d.values())))

</pallas_src>

<mosaic_0001>
#map = affine_map<(d0, d1) -> (0, 0)>
#map1 = affine_map<(d0, d1) -> (0)>
#map2 = affine_map<(d0, d1) -> (0, 0, 0)>
module attributes {stable_mosaic.version = 14 : i64} {
  func.func @body(%arg0: i32, %arg1: i32, %arg2: memref<10000x128xf32, #tpu.memory_space<hbm>>, %arg3: memref<20000x128xf32, #tpu.memory_space<hbm>>, %arg4: memref<160000xi32, #tpu.memory_space<hbm>>, %arg5: memref<160000xi32, #tpu.memory_space<hbm>>, %arg6: memref<160000xi32, #tpu.memory_space<hbm>>, %arg7: memref<160000xi32, #tpu.memory_space<hbm>>, %arg8: memref<160000xi32, #tpu.memory_space<hbm>>, %arg9: memref<160000xi32, #tpu.memory_space<hbm>>, %arg10: memref<160000xi32, #tpu.memory_space<hbm>>, %arg11: memref<160000xi32, #tpu.memory_space<hbm>>, %arg12: memref<640x128xf32, #tpu.memory_space<hbm>>, %arg13: memref<128x128xf32, #tpu.memory_space<hbm>>, %arg14: memref<2x10240x128xf32, #tpu.memory_space<hbm>>, %arg15: memref<2x10240x128xf32, #tpu.memory_space<hbm>>, %arg16: memref<10x10240x128xf32, #tpu.memory_space<hbm>>, %arg17: memref<128xi32, #tpu.memory_space<vmem>>, %arg18: memref<128xi32, #tpu.memory_space<vmem>>, %arg19: memref<128x128xf32, #tpu.memory_space<vmem>>, %arg20: memref<10240x128xf32, #tpu.memory_space<vmem_shared>>, %arg21: memref<!tpu.dma_semaphore, #tpu.memory_space<semaphore_mem>>, %arg22: memref<128x128xf32, #tpu.memory_space<vmem>>) attributes {dimension_semantics = [#tpu.dimension_semantics<core_parallel>, #tpu.dimension_semantics<subcore_parallel>], iteration_bounds = array<i64: 2, 16>, scalar_prefetch = 0 : i64, scratch_operands = 6 : i64, tpu.core_type = #tpu.core_type<sc_vector_subcore>, window_params = [{transform_indices = #map}, {transform_indices = #map}, {transform_indices = #map1}, {transform_indices = #map1}, {transform_indices = #map1}, {transform_indices = #map1}, {transform_indices = #map1}, {transform_indices = #map1}, {transform_indices = #map1}, {transform_indices = #map1}, {transform_indices = #map}, {transform_indices = #map}, {transform_indices = #map2}, {transform_indices = #map2}, {transform_indices = #map2}]} {
    %mul3A = arith.constant 640 : i32
    %mul3A_0 = arith.muli %arg1, %mul3A : i32
    "tpu.region"() ({
      %run_scoped3A = tpu.sem_alloc : memref<!tpu.dma_semaphore, #tpu.memory_space<semaphore_mem>>
      tpu.enqueue_dma source(%arg13 : memref<128x128xf32, #tpu.memory_space<hbm>>) target(%arg22 : memref<128x128xf32, #tpu.memory_space<vmem>>) target_semaphore(%run_scoped3A : memref<!tpu.dma_semaphore, #tpu.memory_space<semaphore_mem>>)
      tpu.wait_dma2 semaphore(%run_scoped3A : memref<!tpu.dma_semaphore, #tpu.memory_space<semaphore_mem>>) src(%arg13 : memref<128x128xf32, #tpu.memory_space<hbm>>) dst(%arg22 : memref<128x128xf32, #tpu.memory_space<vmem>>)
      tpu.yield
    }) : () -> ()
    "tpu.region"() ({
      %run_scoped3A = tpu.sem_alloc : memref<!tpu.dma_semaphore, #tpu.memory_space<semaphore_mem>>
      %dma_start3A = arith.constant 0 : i32
      %dma_start3A_151 = tpu.memref_slice %arg20[%mul3A_0, %dma_start3A] : memref<10240x128xf32, #tpu.memory_space<vmem_shared>> -> memref<640x128xf32, #tpu.memory_space<vmem_shared>>
      tpu.enqueue_dma source(%arg12 : memref<640x128xf32, #tpu.memory_space<hbm>>) target(%dma_start3A_151 : memref<640x128xf32, #tpu.memory_space<vmem_shared>>) target_semaphore(%run_scoped3A : memref<!tpu.dma_semaphore, #tpu.memory_space<semaphore_mem>>)
      %dma_wait3A = arith.constant 0 : i32
      %dma_wait3A_152 = tpu.memref_slice %arg20[%mul3A_0, %dma_wait3A] : memref<10240x128xf32, #tpu.memory_space<vmem_shared>> -> memref<640x128xf32, #tpu.memory_space<vmem_shared>>
      tpu.wait_dma2 semaphore(%run_scoped3A : memref<!tpu.dma_semaphore, #tpu.memory_space<semaphore_mem>>) src(%arg12 : memref<640x128xf32, #tpu.memory_space<hbm>>) dst(%dma_wait3A_152 : memref<640x128xf32, #tpu.memory_space<vmem_shared>>)
      tpu.yield
    }) : () -> ()
    %barrier3A = arith.constant 0 : index
    tpu.barrier barrier_id(%barrier3A)
    %eq3A = arith.constant 0 : i32
    %eq3A_1 = arith.cmpi eq, %arg0, %eq3A : i32
    %convert_element_type3A = arith.extui %eq3A_1 : i1 to i32
    %cond3A = arith.constant 0 : i32
    %cond3A_2 = arith.cmpi ne, %convert_element_type3A, %cond3A : i32
    scf.if %cond3A_2 {
      %scan3A = arith.constant 0 : i32
      %scan3A_151 = arith.constant 0 : i32
      %scan3A_152 = arith.constant 40 : i32
      %scan3A_153 = arith.addi %scan3A_151, %scan3A_152 : i32
      %scan3A_154 = arith.constant 1 : i32
      %scan3A_155 = scf.for %scan3A_157 = %scan3A_151 to %scan3A_153 step %scan3A_154 iter_args(%scan3A_158 = %scan3A) -> (i32)  : i32 {
        %mul3A_159 = arith.constant 16 : i32
        %mul3A_160 = arith.muli %scan3A_157, %mul3A_159 : i32
        %add3A = arith.addi %arg1, %mul3A_160 : i32
        %lt3A = arith.constant 625 : i32
        %lt3A_161 = arith.cmpi slt, %add3A, %lt3A : i32
        %convert_element_type3A_162 = arith.extui %lt3A_161 : i1 to i32
        %cond3A_163 = arith.constant 0 : i32
        %cond3A_164 = arith.cmpi ne, %convert_element_type3A_162, %cond3A_163 : i32
        scf.if %cond3A_164 {
          %add3A_166 = arith.constant 0 : i32
          %add3A_167 = arith.addi %add3A_166, %add3A : i32
          %mul3A_168 = arith.constant 128 : i32
          %mul3A_169 = arith.muli %add3A_167, %mul3A_168 : i32
          %dma_start3A = tpu.memref_slice %arg4[%mul3A_169] : memref<160000xi32, #tpu.memory_space<hbm>> -> memref<128xi32, #tpu.memory_space<hbm>>
          %dma_start3A_170 = tpu.memref_slice %arg4[%mul3A_169] : memref<160000xi32, #tpu.memory_space<hbm>> -> memref<128xi32, #tpu.memory_space<hbm>>
          tpu.enqueue_dma source(%dma_start3A_170 : memref<128xi32, #tpu.memory_space<hbm>>) target(%arg17 : memref<128xi32, #tpu.memory_space<vmem>>) target_semaphore(%arg21 : memref<!tpu.dma_semaphore, #tpu.memory_space<semaphore_mem>>)
          %dma_start3A_171 = tpu.memref_slice %arg7[%mul3A_169] : memref<160000xi32, #tpu.memory_space<hbm>> -> memref<128xi32, #tpu.memory_space<hbm>>
          %dma_start3A_172 = tpu.memref_slice %arg7[%mul3A_169] : memref<160000xi32, #tpu.memory_space<hbm>> -> memref<128xi32, #tpu.memory_space<hbm>>
          tpu.enqueue_dma source(%dma_start3A_172 : memref<128xi32, #tpu.memory_space<hbm>>) target(%arg18 : memref<128xi32, #tpu.memory_space<vmem>>) target_semaphore(%arg21 : memref<!tpu.dma_semaphore, #tpu.memory_space<semaphore_mem>>)
          %dma_wait3A = tpu.memref_slice %arg4[%mul3A_169] : memref<160000xi32, #tpu.memory_space<hbm>> -> memref<128xi32, #tpu.memory_space<hbm>>
          %dma_wait3A_173 = tpu.memref_slice %arg4[%mul3A_169] : memref<160000xi32, #tpu.memory_space<hbm>> -> memref<128xi32, #tpu.memory_space<hbm>>
          tpu.wait_dma2 semaphore(%arg21 : memref<!tpu.dma_semaphore, #tpu.memory_space<semaphore_mem>>) src(%dma_wait3A_173 : memref<128xi32, #tpu.memory_space<hbm>>) dst(%arg17 : memref<128xi32, #tpu.memory_space<vmem>>)
          %dma_wait3A_174 = tpu.memref_slice %arg7[%mul3A_169] : memref<160000xi32, #tpu.memory_space<hbm>> -> memref<128xi32, #tpu.memory_space<hbm>>
          %dma_wait3A_175 = tpu.memref_slice %arg7[%mul3A_169] : memref<160000xi32, #tpu.memory_space<hbm>> -> memref<128xi32, #tpu.memory_space<hbm>>
          tpu.wait_dma2 semaphore(%arg21 : memref<!tpu.dma_semaphore, #tpu.memory_space<semaphore_mem>>) src(%dma_wait3A_175 : memref<128xi32, #tpu.memory_space<hbm>>) dst(%arg18 : memref<128xi32, #tpu.memory_space<vmem>>)
          %dma_start3A_176 = arith.constant 0 : i32
          %dma_start3A_177 = arith.constant 0 : i32
          %dma_start3A_178 = tpu.memref_slice %arg2[%dma_start3A_176, %dma_start3A_177] : memref<10000x128xf32, #tpu.memory_space<hbm>> -> memref<10000x128xf32, #tpu.memory_space<hbm>>
          tpu.enqueue_indirect_dma source(%dma_start3A_178 : memref<10000x128xf32, #tpu.memory_space<hbm>>) target(%arg19 : memref<128x128xf32, #tpu.memory_space<vmem>>) offsets(%arg17 : memref<128xi32, #tpu.memory_space<vmem>>) semaphore(%arg21 : memref<!tpu.dma_semaphore, #tpu.memory_space<semaphore_mem>>)
          %dma_wait3A_179 = arith.constant 0 : i32
          %dma_wait3A_180 = arith.constant 0 : i32
          %dma_wait3A_181 = tpu.memref_slice %arg2[%dma_wait3A_179, %dma_wait3A_180] : memref<10000x128xf32, #tpu.memory_space<hbm>> -> memref<10000x128xf32, #tpu.memory_space<hbm>>
          tpu.wait_indirect_dma semaphore(%arg21 : memref<!tpu.dma_semaphore, #tpu.memory_space<semaphore_mem>>) src(%dma_wait3A_181 : memref<10000x128xf32, #tpu.memory_space<hbm>>) dst(%arg19 : memref<128x128xf32, #tpu.memory_space<vmem>>)
          "tpu.region"() ({
            %run_scoped3A = tpu.sem_alloc : memref<!tpu.dma_semaphore, #tpu.memory_space<semaphore_mem>>
            %dma_start3A_182 = arith.constant 0 : i32
            %dma_start3A_183 = arith.constant 0 : i32
            %dma_start3A_184 = tpu.memref_slice %arg20[%dma_start3A_182, %dma_start3A_183] : memref<10240x128xf32, #tpu.memory_space<vmem_shared>> -> memref<10240x128xf32, #tpu.memory_space<vmem_shared>>
            tpu.enqueue_indirect_dma source(%arg19 : memref<128x128xf32, #tpu.memory_space<vmem>>) target(%dma_start3A_184 : memref<10240x128xf32, #tpu.memory_space<vmem_shared>>) offsets(%arg18 : memref<128xi32, #tpu.memory_space<vmem>>) semaphore(%run_scoped3A : memref<!tpu.dma_semaphore, #tpu.memory_space<semaphore_mem>>) {add = true}
            %dma_wait3A_185 = arith.constant 0 : i32
            %dma_wait3A_186 = arith.constant 0 : i32
            %dma_wait3A_187 = tpu.memref_slice %arg20[%dma_wait3A_185, %dma_wait3A_186] : memref<10240x128xf32, #tpu.memory_space<vmem_shared>> -> memref<10240x128xf32, #tpu.memory_space<vmem_shared>>
            tpu.wait_indirect_dma semaphore(%run_scoped3A : memref<!tpu.dma_semaphore, #tpu.memory_space<semaphore_mem>>) src(%arg19 : memref<128x128xf32, #tpu.memory_space<vmem>>) dst(%dma_wait3A_187 : memref<10240x128xf32, #tpu.memory_space<vmem_shared>>)
            tpu.yield
          }) : () -> ()
        } else {
        }
        %scan3A_165 = arith.constant 0 : i32
        scf.yield %scan3A_165 : i32
      }
      %scan3A_156 = arith.constant 40 : i32
    } else {
    }
    %eq3A_3 = arith.constant 1 : i32
    %eq3A_4 = arith.cmpi eq, %arg0, %eq3A_3 : i32
    %convert_element_type3A_5 = arith.extui %eq3A_4 : i1 to i32
    %cond3A_6 = arith.constant 0 : i32
    %cond3A_7 = arith.cmpi ne, %convert_element_type3A_5, %cond3A_6 : i32
    scf.if %cond3A_7 {
      %scan3A = arith.constant 0 : i32
      %scan3A_151 = arith.constant 0 : i32
      %scan3A_152 = arith.constant 40 : i32
      %scan3A_153 = arith.addi %scan3A_151, %scan3A_152 : i32
      %scan3A_154 = arith.constant 1 : i32
      %scan3A_155 = scf.for %scan3A_157 = %scan3A_151 to %scan3A_153 step %scan3A_154 iter_args(%scan3A_158 = %scan3A) -> (i32)  : i32 {
        %mul3A_159 = arith.constant 16 : i32
        %mul3A_160 = arith.muli %scan3A_157, %mul3A_159 : i32
        %add3A = arith.addi %arg1, %mul3A_160 : i32
        %lt3A = arith.constant 625 : i32
        %lt3A_161 = arith.cmpi slt, %add3A, %lt3A : i32
        %convert_element_type3A_162 = arith.extui %lt3A_161 : i1 to i32
        %cond3A_163 = arith.constant 0 : i32
        %cond3A_164 = arith.cmpi ne, %convert_element_type3A_162, %cond3A_163 : i32
        scf.if %cond3A_164 {
          %add3A_166 = arith.constant 625 : i32
          %add3A_167 = arith.addi %add3A_166, %add3A : i32
          %mul3A_168 = arith.constant 128 : i32
          %mul3A_169 = arith.muli %add3A_167, %mul3A_168 : i32
          %dma_start3A = tpu.memref_slice %arg4[%mul3A_169] : memref<160000xi32, #tpu.memory_space<hbm>> -> memref<128xi32, #tpu.memory_space<hbm>>
          %dma_start3A_170 = tpu.memref_slice %arg4[%mul3A_169] : memref<160000xi32, #tpu.memory_space<hbm>> -> memref<128xi32, #tpu.memory_space<hbm>>
          tpu.enqueue_dma source(%dma_start3A_170 : memref<128xi32, #tpu.memory_space<hbm>>) target(%arg17 : memref<128xi32, #tpu.memory_space<vmem>>) target_semaphore(%arg21 : memref<!tpu.dma_semaphore, #tpu.memory_space<semaphore_mem>>)
          %dma_start3A_171 = tpu.memref_slice %arg7[%mul3A_169] : memref<160000xi32, #tpu.memory_space<hbm>> -> memref<128xi32, #tpu.memory_space<hbm>>
          %dma_start3A_172 = tpu.memref_slice %arg7[%mul3A_169] : memref<160000xi32, #tpu.memory_space<hbm>> -> memref<128xi32, #tpu.memory_space<hbm>>
          tpu.enqueue_dma source(%dma_start3A_172 : memref<128xi32, #tpu.memory_space<hbm>>) target(%arg18 : memref<128xi32, #tpu.memory_space<vmem>>) target_semaphore(%arg21 : memref<!tpu.dma_semaphore, #tpu.memory_space<semaphore_mem>>)
          %dma_wait3A = tpu.memref_slice %arg4[%mul3A_169] : memref<160000xi32, #tpu.memory_space<hbm>> -> memref<128xi32, #tpu.memory_space<hbm>>
          %dma_wait3A_173 = tpu.memref_slice %arg4[%mul3A_169] : memref<160000xi32, #tpu.memory_space<hbm>> -> memref<128xi32, #tpu.memory_space<hbm>>
          tpu.wait_dma2 semaphore(%arg21 : memref<!tpu.dma_semaphore, #tpu.memory_space<semaphore_mem>>) src(%dma_wait3A_173 : memref<128xi32, #tpu.memory_space<hbm>>) dst(%arg17 : memref<128xi32, #tpu.memory_space<vmem>>)
          %dma_wait3A_174 = tpu.memref_slice %arg7[%mul3A_169] : memref<160000xi32, #tpu.memory_space<hbm>> -> memref<128xi32, #tpu.memory_space<hbm>>
          %dma_wait3A_175 = tpu.memref_slice %arg7[%mul3A_169] : memref<160000xi32, #tpu.memory_space<hbm>> -> memref<128xi32, #tpu.memory_space<hbm>>
          tpu.wait_dma2 semaphore(%arg21 : memref<!tpu.dma_semaphore, #tpu.memory_space<semaphore_mem>>) src(%dma_wait3A_175 : memref<128xi32, #tpu.memory_space<hbm>>) dst(%arg18 : memref<128xi32, #tpu.memory_space<vmem>>)
          %dma_start3A_176 = arith.constant 0 : i32
          %dma_start3A_177 = arith.constant 0 : i32
          %dma_start3A_178 = tpu.memref_slice %arg2[%dma_start3A_176, %dma_start3A_177] : memref<10000x128xf32, #tpu.memory_space<hbm>> -> memref<10000x128xf32, #tpu.memory_space<hbm>>
          tpu.enqueue_indirect_dma source(%dma_start3A_178 : memref<10000x128xf32, #tpu.memory_space<hbm>>) target(%arg19 : memref<128x128xf32, #tpu.memory_space<vmem>>) offsets(%arg17 : memref<128xi32, #tpu.memory_space<vmem>>) semaphore(%arg21 : memref<!tpu.dma_semaphore, #tpu.memory_space<semaphore_mem>>)
          %dma_wait3A_179 = arith.constant 0 : i32
          %dma_wait3A_180 = arith.constant 0 : i32
          %dma_wait3A_181 = tpu.memref_slice %arg2[%dma_wait3A_179, %dma_wait3A_180] : memref<10000x128xf32, #tpu.memory_space<hbm>> -> memref<10000x128xf32, #tpu.memory_space<hbm>>
          tpu.wait_indirect_dma semaphore(%arg21 : memref<!tpu.dma_semaphore, #tpu.memory_space<semaphore_mem>>) src(%dma_wait3A_181 : memref<10000x128xf32, #tpu.memory_space<hbm>>) dst(%arg19 : memref<128x128xf32, #tpu.memory_space<vmem>>)
          "tpu.region"() ({
            %run_scoped3A = tpu.sem_alloc : memref<!tpu.dma_semaphore, #tpu.memory_space<semaphore_mem>>
            %dma_start3A_182 = arith.constant 0 : i32
            %dma_start3A_183 = arith.constant 0 : i32
            %dma_start3A_184 = tpu.memref_slice %arg20[%dma_start3A_182, %dma_start3A_183] : memref<10240x128xf32, #tpu.memory_space<vmem_shared>> -> memref<10240x128xf32, #tpu.memory_space<vmem_shared>>
            tpu.enqueue_indirect_dma source(%arg19 : memref<128x128xf32, #tpu.memory_space<vmem>>) target(%dma_start3A_184 : memref<10240x128xf32, #tpu.memory_space<vmem_shared>>) offsets(%arg18 : memref<128xi32, #tpu.memory_space<vmem>>) semaphore(%run_scoped3A : memref<!tpu.dma_semaphore, #tpu.memory_space<semaphore_mem>>) {add = true}
            %dma_wait3A_185 = arith.constant 0 : i32
            %dma_wait3A_186 = arith.constant 0 : i32
            %dma_wait3A_187 = tpu.memref_slice %arg20[%dma_wait3A_185, %dma_wait3A_186] : memref<10240x128xf32, #tpu.memory_space<vmem_shared>> -> memref<10240x128xf32, #tpu.memory_space<vmem_shared>>
            tpu.wait_indirect_dma semaphore(%run_scoped3A : memref<!tpu.dma_semaphore, #tpu.memory_space<semaphore_mem>>) src(%arg19 : memref<128x128xf32, #tpu.memory_space<vmem>>) dst(%dma_wait3A_187 : memref<10240x128xf32, #tpu.memory_space<vmem_shared>>)
            tpu.yield
          }) : () -> ()
        } else {
        }
        %scan3A_165 = arith.constant 0 : i32
        scf.yield %scan3A_165 : i32
      }
      %scan3A_156 = arith.constant 40 : i32
    } else {
    }
    %barrier3A_8 = arith.constant 0 : index
    tpu.barrier barrier_id(%barrier3A_8)
    %eq3A_9 = arith.constant 0 : i32
    %eq3A_10 = arith.cmpi eq, %arg0, %eq3A_9 : i32
    %convert_element_type3A_11 = arith.extui %eq3A_10 : i1 to i32
    %cond3A_12 = arith.constant 0 : i32
    %cond3A_13 = arith.cmpi ne, %convert_element_type3A_11, %cond3A_12 : i32
    scf.if %cond3A_13 {
      %run_scoped3A = arith.constant 0 : i32
      "tpu.region"() ({
        %run_scoped3A_151 = tpu.sem_alloc : memref<!tpu.dma_semaphore, #tpu.memory_space<semaphore_mem>>
        %dma_start3A = arith.constant 0 : i32
        %dma_start3A_152 = tpu.memref_slice %arg14[%run_scoped3A, %mul3A_0, %dma_start3A] : memref<2x10240x128xf32, #tpu.memory_space<hbm>> -> memref<1x640x128xf32, #tpu.memory_space<hbm>>
        %dma_start3A_153 = tpu.memref_squeeze %dma_start3A_152 : memref<1x640x128xf32, #tpu.memory_space<hbm>> -> memref<640x128xf32, #tpu.memory_space<hbm>>
        %dma_start3A_154 = arith.constant 0 : i32
        %dma_start3A_155 = tpu.memref_slice %arg20[%mul3A_0, %dma_start3A_154] : memref<10240x128xf32, #tpu.memory_space<vmem_shared>> -> memref<640x128xf32, #tpu.memory_space<vmem_shared>>
        tpu.enqueue_dma source(%dma_start3A_155 : memref<640x128xf32, #tpu.memory_space<vmem_shared>>) target(%dma_start3A_153 : memref<640x128xf32, #tpu.memory_space<hbm>>) target_semaphore(%run_scoped3A_151 : memref<!tpu.dma_semaphore, #tpu.memory_space<semaphore_mem>>)
        %dma_wait3A = arith.constant 0 : i32
        %dma_wait3A_156 = tpu.memref_slice %arg14[%run_scoped3A, %mul3A_0, %dma_wait3A] : memref<2x10240x128xf32, #tpu.memory_space<hbm>> -> memref<1x640x128xf32, #tpu.memory_space<hbm>>
        %dma_wait3A_157 = tpu.memref_squeeze %dma_wait3A_156 : memref<1x640x128xf32, #tpu.memory_space<hbm>> -> memref<640x128xf32, #tpu.memory_space<hbm>>
        %dma_wait3A_158 = arith.constant 0 : i32
        %dma_wait3A_159 = tpu.memref_slice %arg20[%mul3A_0, %dma_wait3A_158] : memref<10240x128xf32, #tpu.memory_space<vmem_shared>> -> memref<640x128xf32, #tpu.memory_space<vmem_shared>>
        tpu.wait_dma2 semaphore(%run_scoped3A_151 : memref<!tpu.dma_semaphore, #tpu.memory_space<semaphore_mem>>) src(%dma_wait3A_159 : memref<640x128xf32, #tpu.memory_space<vmem_shared>>) dst(%dma_wait3A_157 : memref<640x128xf32, #tpu.memory_space<hbm>>)
        tpu.yield
      }) : () -> ()
    } else {
    }
    %eq3A_14 = arith.constant 1 : i32
    %eq3A_15 = arith.cmpi eq, %arg0, %eq3A_14 : i32
    %convert_element_type3A_16 = arith.extui %eq3A_15 : i1 to i32
    %cond3A_17 = arith.constant 0 : i32
    %cond3A_18 = arith.cmpi ne, %convert_element_type3A_16, %cond3A_17 : i32
    scf.if %cond3A_18 {
      %run_scoped3A = arith.constant 1 : i32
      "tpu.region"() ({
        %run_scoped3A_151 = tpu.sem_alloc : memref<!tpu.dma_semaphore, #tpu.memory_space<semaphore_mem>>
        %dma_start3A = arith.constant 0 : i32
        %dma_start3A_152 = tpu.memref_slice %arg14[%run_scoped3A, %mul3A_0, %dma_start3A] : memref<2x10240x128xf32, #tpu.memory_space<hbm>> -> memref<1x640x128xf32, #tpu.memory_space<hbm>>
        %dma_start3A_153 = tpu.memref_squeeze %dma_start3A_152 : memref<1x640x128xf32, #tpu.memory_space<hbm>> -> memref<640x128xf32, #tpu.memory_space<hbm>>
        %dma_start3A_154 = arith.constant 0 : i32
        %dma_start3A_155 = tpu.memref_slice %arg20[%mul3A_0, %dma_start3A_154] : memref<10240x128xf32, #tpu.memory_space<vmem_shared>> -> memref<640x128xf32, #tpu.memory_space<vmem_shared>>
        tpu.enqueue_dma source(%dma_start3A_155 : memref<640x128xf32, #tpu.memory_space<vmem_shared>>) target(%dma_start3A_153 : memref<640x128xf32, #tpu.memory_space<hbm>>) target_semaphore(%run_scoped3A_151 : memref<!tpu.dma_semaphore, #tpu.memory_space<semaphore_mem>>)
        %dma_wait3A = arith.constant 0 : i32
        %dma_wait3A_156 = tpu.memref_slice %arg14[%run_scoped3A, %mul3A_0, %dma_wait3A] : memref<2x10240x128xf32, #tpu.memory_space<hbm>> -> memref<1x640x128xf32, #tpu.memory_space<hbm>>
        %dma_wait3A_157 = tpu.memref_squeeze %dma_wait3A_156 : memref<1x640x128xf32, #tpu.memory_space<hbm>> -> memref<640x128xf32, #tpu.memory_space<hbm>>
        %dma_wait3A_158 = arith.constant 0 : i32
        %dma_wait3A_159 = tpu.memref_slice %arg20[%mul3A_0, %dma_wait3A_158] : memref<10240x128xf32, #tpu.memory_space<vmem_shared>> -> memref<640x128xf32, #tpu.memory_space<vmem_shared>>
        tpu.wait_dma2 semaphore(%run_scoped3A_151 : memref<!tpu.dma_semaphore, #tpu.memory_space<semaphore_mem>>) src(%dma_wait3A_159 : memref<640x128xf32, #tpu.memory_space<vmem_shared>>) dst(%dma_wait3A_157 : memref<640x128xf32, #tpu.memory_space<hbm>>)
        tpu.yield
      }) : () -> ()
    } else {
    }
    "tpu.region"() ({
      %run_scoped3A = tpu.sem_alloc : memref<!tpu.dma_semaphore, #tpu.memory_space<semaphore_mem>>
      %dma_start3A = arith.constant 0 : i32
      %dma_start3A_151 = tpu.memref_slice %arg20[%mul3A_0, %dma_start3A] : memref<10240x128xf32, #tpu.memory_space<vmem_shared>> -> memref<640x128xf32, #tpu.memory_space<vmem_shared>>
      tpu.enqueue_dma source(%arg12 : memref<640x128xf32, #tpu.memory_space<hbm>>) target(%dma_start3A_151 : memref<640x128xf32, #tpu.memory_space<vmem_shared>>) target_semaphore(%run_scoped3A : memref<!tpu.dma_semaphore, #tpu.memory_space<semaphore_mem>>)
      %dma_wait3A = arith.constant 0 : i32
      %dma_wait3A_152 = tpu.memref_slice %arg20[%mul3A_0, %dma_wait3A] : memref<10240x128xf32, #tpu.memory_space<vmem_shared>> -> memref<640x128xf32, #tpu.memory_space<vmem_shared>>
      tpu.wait_dma2 semaphore(%run_scoped3A : memref<!tpu.dma_semaphore, #tpu.memory_space<semaphore_mem>>) src(%arg12 : memref<640x128xf32, #tpu.memory_space<hbm>>) dst(%dma_wait3A_152 : memref<640x128xf32, #tpu.memory_space<vmem_shared>>)
      tpu.yield
    }) : () -> ()
    %barrier3A_19 = arith.constant 0 : index
    tpu.barrier barrier_id(%barrier3A_19)
    %eq3A_20 = arith.constant 0 : i32
    %eq3A_21 = arith.cmpi eq, %arg0, %eq3A_20 : i32
    %convert_element_type3A_22 = arith.extui %eq3A_21 : i1 to i32
    %cond3A_23 = arith.constant 0 : i32
    %cond3A_24 = arith.cmpi ne, %convert_element_type3A_22, %cond3A_23 : i32
    scf.if %cond3A_24 {
      %scan3A = arith.constant 0 : i32
      %scan3A_151 = arith.constant 0 : i32
      %scan3A_152 = arith.constant 79 : i32
      %scan3A_153 = arith.addi %scan3A_151, %scan3A_152 : i32
      %scan3A_154 = arith.constant 1 : i32
      %scan3A_155 = scf.for %scan3A_157 = %scan3A_151 to %scan3A_153 step %scan3A_154 iter_args(%scan3A_158 = %scan3A) -> (i32)  : i32 {
        %mul3A_159 = arith.constant 16 : i32
        %mul3A_160 = arith.muli %scan3A_157, %mul3A_159 : i32
        %add3A = arith.addi %arg1, %mul3A_160 : i32
        %lt3A = arith.constant 1250 : i32
        %lt3A_161 = arith.cmpi slt, %add3A, %lt3A : i32
        %convert_element_type3A_162 = arith.extui %lt3A_161 : i1 to i32
        %cond3A_163 = arith.constant 0 : i32
        %cond3A_164 = arith.cmpi ne, %convert_element_type3A_162, %cond3A_163 : i32
        scf.if %cond3A_164 {
          %add3A_166 = arith.constant 0 : i32
          %add3A_167 = arith.addi %add3A_166, %add3A : i32
          %mul3A_168 = arith.constant 128 : i32
          %mul3A_169 = arith.muli %add3A_167, %mul3A_168 : i32
          %dma_start3A = tpu.memref_slice %arg5[%mul3A_169] : memref<160000xi32, #tpu.memory_space<hbm>> -> memref<128xi32, #tpu.memory_space<hbm>>
          %dma_start3A_170 = tpu.memref_slice %arg5[%mul3A_169] : memref<160000xi32, #tpu.memory_space<hbm>> -> memref<128xi32, #tpu.memory_space<hbm>>
          tpu.enqueue_dma source(%dma_start3A_170 : memref<128xi32, #tpu.memory_space<hbm>>) target(%arg17 : memref<128xi32, #tpu.memory_space<vmem>>) target_semaphore(%arg21 : memref<!tpu.dma_semaphore, #tpu.memory_space<semaphore_mem>>)
          %dma_start3A_171 = tpu.memref_slice %arg8[%mul3A_169] : memref<160000xi32, #tpu.memory_space<hbm>> -> memref<128xi32, #tpu.memory_space<hbm>>
          %dma_start3A_172 = tpu.memref_slice %arg8[%mul3A_169] : memref<160000xi32, #tpu.memory_space<hbm>> -> memref<128xi32, #tpu.memory_space<hbm>>
          tpu.enqueue_dma source(%dma_start3A_172 : memref<128xi32, #tpu.memory_space<hbm>>) target(%arg18 : memref<128xi32, #tpu.memory_space<vmem>>) target_semaphore(%arg21 : memref<!tpu.dma_semaphore, #tpu.memory_space<semaphore_mem>>)
          %dma_wait3A = tpu.memref_slice %arg5[%mul3A_169] : memref<160000xi32, #tpu.memory_space<hbm>> -> memref<128xi32, #tpu.memory_space<hbm>>
          %dma_wait3A_173 = tpu.memref_slice %arg5[%mul3A_169] : memref<160000xi32, #tpu.memory_space<hbm>> -> memref<128xi32, #tpu.memory_space<hbm>>
          tpu.wait_dma2 semaphore(%arg21 : memref<!tpu.dma_semaphore, #tpu.memory_space<semaphore_mem>>) src(%dma_wait3A_173 : memref<128xi32, #tpu.memory_space<hbm>>) dst(%arg17 : memref<128xi32, #tpu.memory_space<vmem>>)
          %dma_wait3A_174 = tpu.memref_slice %arg8[%mul3A_169] : memref<160000xi32, #tpu.memory_space<hbm>> -> memref<128xi32, #tpu.memory_space<hbm>>
          %dma_wait3A_175 = tpu.memref_slice %arg8[%mul3A_169] : memref<160000xi32, #tpu.memory_space<hbm>> -> memref<128xi32, #tpu.memory_space<hbm>>
          tpu.wait_dma2 semaphore(%arg21 : memref<!tpu.dma_semaphore, #tpu.memory_space<semaphore_mem>>) src(%dma_wait3A_175 : memref<128xi32, #tpu.memory_space<hbm>>) dst(%arg18 : memref<128xi32, #tpu.memory_space<vmem>>)
          %dma_start3A_176 = arith.constant 0 : i32
          %dma_start3A_177 = arith.constant 0 : i32
          %dma_start3A_178 = tpu.memref_slice %arg3[%dma_start3A_176, %dma_start3A_177] : memref<20000x128xf32, #tpu.memory_space<hbm>> -> memref<20000x128xf32, #tpu.memory_space<hbm>>
          tpu.enqueue_indirect_dma source(%dma_start3A_178 : memref<20000x128xf32, #tpu.memory_space<hbm>>) target(%arg19 : memref<128x128xf32, #tpu.memory_space<vmem>>) offsets(%arg17 : memref<128xi32, #tpu.memory_space<vmem>>) semaphore(%arg21 : memref<!tpu.dma_semaphore, #tpu.memory_space<semaphore_mem>>)
          %dma_wait3A_179 = arith.constant 0 : i32
          %dma_wait3A_180 = arith.constant 0 : i32
          %dma_wait3A_181 = tpu.memref_slice %arg3[%dma_wait3A_179, %dma_wait3A_180] : memref<20000x128xf32, #tpu.memory_space<hbm>> -> memref<20000x128xf32, #tpu.memory_space<hbm>>
          tpu.wait_indirect_dma semaphore(%arg21 : memref<!tpu.dma_semaphore, #tpu.memory_space<semaphore_mem>>) src(%dma_wait3A_181 : memref<20000x128xf32, #tpu.memory_space<hbm>>) dst(%arg19 : memref<128x128xf32, #tpu.memory_space<vmem>>)
          "tpu.region"() ({
            %run_scoped3A = tpu.sem_alloc : memref<!tpu.dma_semaphore, #tpu.memory_space<semaphore_mem>>
            %dma_start3A_182 = arith.constant 0 : i32
            %dma_start3A_183 = arith.constant 0 : i32
            %dma_start3A_184 = tpu.memref_slice %arg20[%dma_start3A_182, %dma_start3A_183] : memref<10240x128xf32, #tpu.memory_space<vmem_shared>> -> memref<10240x128xf32, #tpu.memory_space<vmem_shared>>
            tpu.enqueue_indirect_dma source(%arg19 : memref<128x128xf32, #tpu.memory_space<vmem>>) target(%dma_start3A_184 : memref<10240x128xf32, #tpu.memory_space<vmem_shared>>) offsets(%arg18 : memref<128xi32, #tpu.memory_space<vmem>>) semaphore(%run_scoped3A : memref<!tpu.dma_semaphore, #tpu.memory_space<semaphore_mem>>) {add = true}
            %dma_wait3A_185 = arith.constant 0 : i32
            %dma_wait3A_186 = arith.constant 0 : i32
            %dma_wait3A_187 = tpu.memref_slice %arg20[%dma_wait3A_185, %dma_wait3A_186] : memref<10240x128xf32, #tpu.memory_space<vmem_shared>> -> memref<10240x128xf32, #tpu.memory_space<vmem_shared>>
            tpu.wait_indirect_dma semaphore(%run_scoped3A : memref<!tpu.dma_semaphore, #tpu.memory_space<semaphore_mem>>) src(%arg19 : memref<128x128xf32, #tpu.memory_space<vmem>>) dst(%dma_wait3A_187 : memref<10240x128xf32, #tpu.memory_space<vmem_shared>>)
            tpu.yield
          }) : () -> ()
        } else {
        }
        %scan3A_165 = arith.constant 0 : i32
        scf.yield %scan3A_165 : i32
      }
      %scan3A_156 = arith.constant 79 : i32
    } else {
    }
    %eq3A_25 = arith.constant 1 : i32
    %eq3A_26 = arith.cmpi eq, %arg0, %eq3A_25 : i32
    %convert_element_type3A_27 = arith.extui %eq3A_26 : i1 to i32
    %cond3A_28 = arith.constant 0 : i32
    %cond3A_29 = arith.cmpi ne, %convert_element_type3A_27, %cond3A_28 : i32
    scf.if %cond3A_29 {
      %scan3A = arith.constant 0 : i32
      %scan3A_151 = arith.constant 0 : i32
      %scan3A_152 = arith.constant 79 : i32
      %scan3A_153 = arith.addi %scan3A_151, %scan3A_152 : i32
      %scan3A_154 = arith.constant 1 : i32
      %scan3A_155 = scf.for %scan3A_157 = %scan3A_151 to %scan3A_153 step %scan3A_154 iter_args(%scan3A_158 = %scan3A) -> (i32)  : i32 {
        %mul3A_159 = arith.constant 16 : i32
        %mul3A_160 = arith.muli %scan3A_157, %mul3A_159 : i32
        %add3A = arith.addi %arg1, %mul3A_160 : i32
        %lt3A = arith.constant 1250 : i32
        %lt3A_161 = arith.cmpi slt, %add3A, %lt3A : i32
        %convert_element_type3A_162 = arith.extui %lt3A_161 : i1 to i32
        %cond3A_163 = arith.constant 0 : i32
        %cond3A_164 = arith.cmpi ne, %convert_element_type3A_162, %cond3A_163 : i32
        scf.if %cond3A_164 {
          %add3A_166 = arith.constant 0 : i32
          %add3A_167 = arith.addi %add3A_166, %add3A : i32
          %mul3A_168 = arith.constant 128 : i32
          %mul3A_169 = arith.muli %add3A_167, %mul3A_168 : i32
          %dma_start3A = tpu.memref_slice %arg6[%mul3A_169] : memref<160000xi32, #tpu.memory_space<hbm>> -> memref<128xi32, #tpu.memory_space<hbm>>
          %dma_start3A_170 = tpu.memref_slice %arg6[%mul3A_169] : memref<160000xi32, #tpu.memory_space<hbm>> -> memref<128xi32, #tpu.memory_space<hbm>>
          tpu.enqueue_dma source(%dma_start3A_170 : memref<128xi32, #tpu.memory_space<hbm>>) target(%arg17 : memref<128xi32, #tpu.memory_space<vmem>>) target_semaphore(%arg21 : memref<!tpu.dma_semaphore, #tpu.memory_space<semaphore_mem>>)
          %dma_start3A_171 = tpu.memref_slice %arg8[%mul3A_169] : memref<160000xi32, #tpu.memory_space<hbm>> -> memref<128xi32, #tpu.memory_space<hbm>>
          %dma_start3A_172 = tpu.memref_slice %arg8[%mul3A_169] : memref<160000xi32, #tpu.memory_space<hbm>> -> memref<128xi32, #tpu.memory_space<hbm>>
          tpu.enqueue_dma source(%dma_start3A_172 : memref<128xi32, #tpu.memory_space<hbm>>) target(%arg18 : memref<128xi32, #tpu.memory_space<vmem>>) target_semaphore(%arg21 : memref<!tpu.dma_semaphore, #tpu.memory_space<semaphore_mem>>)
          %dma_wait3A = tpu.memref_slice %arg6[%mul3A_169] : memref<160000xi32, #tpu.memory_space<hbm>> -> memref<128xi32, #tpu.memory_space<hbm>>
          %dma_wait3A_173 = tpu.memref_slice %arg6[%mul3A_169] : memref<160000xi32, #tpu.memory_space<hbm>> -> memref<128xi32, #tpu.memory_space<hbm>>
          tpu.wait_dma2 semaphore(%arg21 : memref<!tpu.dma_semaphore, #tpu.memory_space<semaphore_mem>>) src(%dma_wait3A_173 : memref<128xi32, #tpu.memory_space<hbm>>) dst(%arg17 : memref<128xi32, #tpu.memory_space<vmem>>)
          %dma_wait3A_174 = tpu.memref_slice %arg8[%mul3A_169] : memref<160000xi32, #tpu.memory_space<hbm>> -> memref<128xi32, #tpu.memory_space<hbm>>
          %dma_wait3A_175 = tpu.memref_slice %arg8[%mul3A_169] : memref<160000xi32, #tpu.memory_space<hbm>> -> memref<128xi32, #tpu.memory_space<hbm>>
          tpu.wait_dma2 semaphore(%arg21 : memref<!tpu.dma_semaphore, #tpu.memory_space<semaphore_mem>>) src(%dma_wait3A_175 : memref<128xi32, #tpu.memory_space<hbm>>) dst(%arg18 : memref<128xi32, #tpu.memory_space<vmem>>)
          %dma_start3A_176 = arith.constant 0 : i32
          %dma_start3A_177 = arith.constant 0 : i32
          %dma_start3A_178 = tpu.memref_slice %arg3[%dma_start3A_176, %dma_start3A_177] : memref<20000x128xf32, #tpu.memory_space<hbm>> -> memref<20000x128xf32, #tpu.memory_space<hbm>>
          tpu.enqueue_indirect_dma source(%dma_start3A_178 : memref<20000x128xf32, #tpu.memory_space<hbm>>) target(%arg19 : memref<128x128xf32, #tpu.memory_space<vmem>>) offsets(%arg17 : memref<128xi32, #tpu.memory_space<vmem>>) semaphore(%arg21 : memref<!tpu.dma_semaphore, #tpu.memory_space<semaphore_mem>>)
          %dma_wait3A_179 = arith.constant 0 : i32
          %dma_wait3A_180 = arith.constant 0 : i32
          %dma_wait3A_181 = tpu.memref_slice %arg3[%dma_wait3A_179, %dma_wait3A_180] : memref<20000x128xf32, #tpu.memory_space<hbm>> -> memref<20000x128xf32, #tpu.memory_space<hbm>>
          tpu.wait_indirect_dma semaphore(%arg21 : memref<!tpu.dma_semaphore, #tpu.memory_space<semaphore_mem>>) src(%dma_wait3A_181 : memref<20000x128xf32, #tpu.memory_space<hbm>>) dst(%arg19 : memref<128x128xf32, #tpu.memory_space<vmem>>)
          "tpu.region"() ({
            %run_scoped3A = tpu.sem_alloc : memref<!tpu.dma_semaphore, #tpu.memory_space<semaphore_mem>>
            %dma_start3A_182 = arith.constant 0 : i32
            %dma_start3A_183 = arith.constant 0 : i32
            %dma_start3A_184 = tpu.memref_slice %arg20[%dma_start3A_182, %dma_start3A_183] : memref<10240x128xf32, #tpu.memory_space<vmem_shared>> -> memref<10240x128xf32, #tpu.memory_space<vmem_shared>>
            tpu.enqueue_indirect_dma source(%arg19 : memref<128x128xf32, #tpu.memory_space<vmem>>) target(%dma_start3A_184 : memref<10240x128xf32, #tpu.memory_space<vmem_shared>>) offsets(%arg18 : memref<128xi32, #tpu.memory_space<vmem>>) semaphore(%run_scoped3A : memref<!tpu.dma_semaphore, #tpu.memory_space<semaphore_mem>>) {add = true}
            %dma_wait3A_185 = arith.constant 0 : i32
            %dma_wait3A_186 = arith.constant 0 : i32
            %dma_wait3A_187 = tpu.memref_slice %arg20[%dma_wait3A_185, %dma_wait3A_186] : memref<10240x128xf32, #tpu.memory_space<vmem_shared>> -> memref<10240x128xf32, #tpu.memory_space<vmem_shared>>
            tpu.wait_indirect_dma semaphore(%run_scoped3A : memref<!tpu.dma_semaphore, #tpu.memory_space<semaphore_mem>>) src(%arg19 : memref<128x128xf32, #tpu.memory_space<vmem>>) dst(%dma_wait3A_187 : memref<10240x128xf32, #tpu.memory_space<vmem_shared>>)
            tpu.yield
          }) : () -> ()
        } else {
        }
        %scan3A_165 = arith.constant 0 : i32
        scf.yield %scan3A_165 : i32
      }
      %scan3A_156 = arith.constant 79 : i32
    } else {
    }
    %barrier3A_30 = arith.constant 0 : index
    tpu.barrier barrier_id(%barrier3A_30)
    %eq3A_31 = arith.constant 0 : i32
    %eq3A_32 = arith.cmpi eq, %arg0, %eq3A_31 : i32
    %convert_element_type3A_33 = arith.extui %eq3A_32 : i1 to i32
    %cond3A_34 = arith.constant 0 : i32
    %cond3A_35 = arith.cmpi ne, %convert_element_type3A_33, %cond3A_34 : i32
    scf.if %cond3A_35 {
      %run_scoped3A = arith.constant 0 : i32
      "tpu.region"() ({
        %run_scoped3A_151 = tpu.sem_alloc : memref<!tpu.dma_semaphore, #tpu.memory_space<semaphore_mem>>
        %dma_start3A = arith.constant 0 : i32
        %dma_start3A_152 = tpu.memref_slice %arg15[%run_scoped3A, %mul3A_0, %dma_start3A] : memref<2x10240x128xf32, #tpu.memory_space<hbm>> -> memref<1x640x128xf32, #tpu.memory_space<hbm>>
        %dma_start3A_153 = tpu.memref_squeeze %dma_start3A_152 : memref<1x640x128xf32, #tpu.memory_space<hbm>> -> memref<640x128xf32, #tpu.memory_space<hbm>>
        %dma_start3A_154 = arith.constant 0 : i32
        %dma_start3A_155 = tpu.memref_slice %arg20[%mul3A_0, %dma_start3A_154] : memref<10240x128xf32, #tpu.memory_space<vmem_shared>> -> memref<640x128xf32, #tpu.memory_space<vmem_shared>>
        tpu.enqueue_dma source(%dma_start3A_155 : memref<640x128xf32, #tpu.memory_space<vmem_shared>>) target(%dma_start3A_153 : memref<640x128xf32, #tpu.memory_space<hbm>>) target_semaphore(%run_scoped3A_151 : memref<!tpu.dma_semaphore, #tpu.memory_space<semaphore_mem>>)
        %dma_wait3A = arith.constant 0 : i32
        %dma_wait3A_156 = tpu.memref_slice %arg15[%run_scoped3A, %mul3A_0, %dma_wait3A] : memref<2x10240x128xf32, #tpu.memory_space<hbm>> -> memref<1x640x128xf32, #tpu.memory_space<hbm>>
        %dma_wait3A_157 = tpu.memref_squeeze %dma_wait3A_156 : memref<1x640x128xf32, #tpu.memory_space<hbm>> -> memref<640x128xf32, #tpu.memory_space<hbm>>
        %dma_wait3A_158 = arith.constant 0 : i32
        %dma_wait3A_159 = tpu.memref_slice %arg20[%mul3A_0, %dma_wait3A_158] : memref<10240x128xf32, #tpu.memory_space<vmem_shared>> -> memref<640x128xf32, #tpu.memory_space<vmem_shared>>
        tpu.wait_dma2 semaphore(%run_scoped3A_151 : memref<!tpu.dma_semaphore, #tpu.memory_space<semaphore_mem>>) src(%dma_wait3A_159 : memref<640x128xf32, #tpu.memory_space<vmem_shared>>) dst(%dma_wait3A_157 : memref<640x128xf32, #tpu.memory_space<hbm>>)
        tpu.yield
      }) : () -> ()
    } else {
    }
    %eq3A_36 = arith.constant 1 : i32
    %eq3A_37 = arith.cmpi eq, %arg0, %eq3A_36 : i32
    %convert_element_type3A_38 = arith.extui %eq3A_37 : i1 to i32
    %cond3A_39 = arith.constant 0 : i32
    %cond3A_40 = arith.cmpi ne, %convert_element_type3A_38, %cond3A_39 : i32
    scf.if %cond3A_40 {
      %run_scoped3A = arith.constant 1 : i32
      "tpu.region"() ({
        %run_scoped3A_151 = tpu.sem_alloc : memref<!tpu.dma_semaphore, #tpu.memory_space<semaphore_mem>>
        %dma_start3A = arith.constant 0 : i32
        %dma_start3A_152 = tpu.memref_slice %arg15[%run_scoped3A, %mul3A_0, %dma_start3A] : memref<2x10240x128xf32, #tpu.memory_space<hbm>> -> memref<1x640x128xf32, #tpu.memory_space<hbm>>
        %dma_start3A_153 = tpu.memref_squeeze %dma_start3A_152 : memref<1x640x128xf32, #tpu.memory_space<hbm>> -> memref<640x128xf32, #tpu.memory_space<hbm>>
        %dma_start3A_154 = arith.constant 0 : i32
        %dma_start3A_155 = tpu.memref_slice %arg20[%mul3A_0, %dma_start3A_154] : memref<10240x128xf32, #tpu.memory_space<vmem_shared>> -> memref<640x128xf32, #tpu.memory_space<vmem_shared>>
        tpu.enqueue_dma source(%dma_start3A_155 : memref<640x128xf32, #tpu.memory_space<vmem_shared>>) target(%dma_start3A_153 : memref<640x128xf32, #tpu.memory_space<hbm>>) target_semaphore(%run_scoped3A_151 : memref<!tpu.dma_semaphore, #tpu.memory_space<semaphore_mem>>)
        %dma_wait3A = arith.constant 0 : i32
        %dma_wait3A_156 = tpu.memref_slice %arg15[%run_scoped3A, %mul3A_0, %dma_wait3A] : memref<2x10240x128xf32, #tpu.memory_space<hbm>> -> memref<1x640x128xf32, #tpu.memory_space<hbm>>
        %dma_wait3A_157 = tpu.memref_squeeze %dma_wait3A_156 : memref<1x640x128xf32, #tpu.memory_space<hbm>> -> memref<640x128xf32, #tpu.memory_space<hbm>>
        %dma_wait3A_158 = arith.constant 0 : i32
        %dma_wait3A_159 = tpu.memref_slice %arg20[%mul3A_0, %dma_wait3A_158] : memref<10240x128xf32, #tpu.memory_space<vmem_shared>> -> memref<640x128xf32, #tpu.memory_space<vmem_shared>>
        tpu.wait_dma2 semaphore(%run_scoped3A_151 : memref<!tpu.dma_semaphore, #tpu.memory_space<semaphore_mem>>) src(%dma_wait3A_159 : memref<640x128xf32, #tpu.memory_space<vmem_shared>>) dst(%dma_wait3A_157 : memref<640x128xf32, #tpu.memory_space<hbm>>)
        tpu.yield
      }) : () -> ()
    } else {
    }
    "tpu.region"() ({
      %run_scoped3A = tpu.sem_alloc : memref<!tpu.dma_semaphore, #tpu.memory_space<semaphore_mem>>
      %dma_start3A = arith.constant 0 : i32
      %dma_start3A_151 = tpu.memref_slice %arg20[%mul3A_0, %dma_start3A] : memref<10240x128xf32, #tpu.memory_space<vmem_shared>> -> memref<640x128xf32, #tpu.memory_space<vmem_shared>>
      tpu.enqueue_dma source(%arg12 : memref<640x128xf32, #tpu.memory_space<hbm>>) target(%dma_start3A_151 : memref<640x128xf32, #tpu.memory_space<vmem_shared>>) target_semaphore(%run_scoped3A : memref<!tpu.dma_semaphore, #tpu.memory_space<semaphore_mem>>)
      %dma_wait3A = arith.constant 0 : i32
      %dma_wait3A_152 = tpu.memref_slice %arg20[%mul3A_0, %dma_wait3A] : memref<10240x128xf32, #tpu.memory_space<vmem_shared>> -> memref<640x128xf32, #tpu.memory_space<vmem_shared>>
      tpu.wait_dma2 semaphore(%run_scoped3A : memref<!tpu.dma_semaphore, #tpu.memory_space<semaphore_mem>>) src(%arg12 : memref<640x128xf32, #tpu.memory_space<hbm>>) dst(%dma_wait3A_152 : memref<640x128xf32, #tpu.memory_space<vmem_shared>>)
      tpu.yield
    }) : () -> ()
    %barrier3A_41 = arith.constant 0 : index
    tpu.barrier barrier_id(%barrier3A_41)
    %eq3A_42 = arith.constant 0 : i32
    %eq3A_43 = arith.cmpi eq, %arg0, %eq3A_42 : i32
    %convert_element_type3A_44 = arith.extui %eq3A_43 : i1 to i32
    %cond3A_45 = arith.constant 0 : i32
    %cond3A_46 = arith.cmpi ne, %convert_element_type3A_44, %cond3A_45 : i32
    scf.if %cond3A_46 {
      %scan3A = arith.constant 0 : i32
      %scan3A_151 = arith.constant 0 : i32
      %scan3A_152 = arith.constant 40 : i32
      %scan3A_153 = arith.addi %scan3A_151, %scan3A_152 : i32
      %scan3A_154 = arith.constant 1 : i32
      %scan3A_155 = scf.for %scan3A_157 = %scan3A_151 to %scan3A_153 step %scan3A_154 iter_args(%scan3A_158 = %scan3A) -> (i32)  : i32 {
        %mul3A_159 = arith.constant 16 : i32
        %mul3A_160 = arith.muli %scan3A_157, %mul3A_159 : i32
        %add3A = arith.addi %arg1, %mul3A_160 : i32
        %lt3A = arith.constant 625 : i32
        %lt3A_161 = arith.cmpi slt, %add3A, %lt3A : i32
        %convert_element_type3A_162 = arith.extui %lt3A_161 : i1 to i32
        %cond3A_163 = arith.constant 0 : i32
        %cond3A_164 = arith.cmpi ne, %convert_element_type3A_162, %cond3A_163 : i32
        scf.if %cond3A_164 {
          %add3A_166 = arith.constant 0 : i32
          %add3A_167 = arith.addi %add3A_166, %add3A : i32
          %mul3A_168 = arith.constant 128 : i32
          %mul3A_169 = arith.muli %add3A_167, %mul3A_168 : i32
          "tpu.region"() ({
            %run_scoped3A = tpu.sem_alloc : memref<!tpu.dma_semaphore, #tpu.memory_space<semaphore_mem>>
            %dma_start3A = tpu.memref_slice %arg7[%mul3A_169] : memref<160000xi32, #tpu.memory_space<hbm>> -> memref<128xi32, #tpu.memory_space<hbm>>
            %dma_start3A_170 = tpu.memref_slice %arg7[%mul3A_169] : memref<160000xi32, #tpu.memory_space<hbm>> -> memref<128xi32, #tpu.memory_space<hbm>>
            tpu.enqueue_dma source(%dma_start3A_170 : memref<128xi32, #tpu.memory_space<hbm>>) target(%arg18 : memref<128xi32, #tpu.memory_space<vmem>>) target_semaphore(%run_scoped3A : memref<!tpu.dma_semaphore, #tpu.memory_space<semaphore_mem>>)
            %dma_wait3A = tpu.memref_slice %arg7[%mul3A_169] : memref<160000xi32, #tpu.memory_space<hbm>> -> memref<128xi32, #tpu.memory_space<hbm>>
            %dma_wait3A_171 = tpu.memref_slice %arg7[%mul3A_169] : memref<160000xi32, #tpu.memory_space<hbm>> -> memref<128xi32, #tpu.memory_space<hbm>>
            tpu.wait_dma2 semaphore(%run_scoped3A : memref<!tpu.dma_semaphore, #tpu.memory_space<semaphore_mem>>) src(%dma_wait3A_171 : memref<128xi32, #tpu.memory_space<hbm>>) dst(%arg18 : memref<128xi32, #tpu.memory_space<vmem>>)
            tpu.yield
          }) : () -> ()
          "tpu.region"() ({
            %run_scoped3A = tpu.sem_alloc : memref<!tpu.dma_semaphore, #tpu.memory_space<semaphore_mem>>
            %dma_start3A = arith.constant 0 : i32
            %dma_start3A_170 = arith.constant 0 : i32
            %dma_start3A_171 = tpu.memref_slice %arg20[%dma_start3A, %dma_start3A_170] : memref<10240x128xf32, #tpu.memory_space<vmem_shared>> -> memref<10240x128xf32, #tpu.memory_space<vmem_shared>>
            tpu.enqueue_indirect_dma source(%arg22 : memref<128x128xf32, #tpu.memory_space<vmem>>) target(%dma_start3A_171 : memref<10240x128xf32, #tpu.memory_space<vmem_shared>>) offsets(%arg18 : memref<128xi32, #tpu.memory_space<vmem>>) semaphore(%run_scoped3A : memref<!tpu.dma_semaphore, #tpu.memory_space<semaphore_mem>>) {add = true}
            %dma_wait3A = arith.constant 0 : i32
            %dma_wait3A_172 = arith.constant 0 : i32
            %dma_wait3A_173 = tpu.memref_slice %arg20[%dma_wait3A, %dma_wait3A_172] : memref<10240x128xf32, #tpu.memory_space<vmem_shared>> -> memref<10240x128xf32, #tpu.memory_space<vmem_shared>>
            tpu.wait_indirect_dma semaphore(%run_scoped3A : memref<!tpu.dma_semaphore, #tpu.memory_space<semaphore_mem>>) src(%arg22 : memref<128x128xf32, #tpu.memory_space<vmem>>) dst(%dma_wait3A_173 : memref<10240x128xf32, #tpu.memory_space<vmem_shared>>)
            tpu.yield
          }) : () -> ()
        } else {
        }
        %scan3A_165 = arith.constant 0 : i32
        scf.yield %scan3A_165 : i32
      }
      %scan3A_156 = arith.constant 40 : i32
    } else {
    }
    %eq3A_47 = arith.constant 1 : i32
    %eq3A_48 = arith.cmpi eq, %arg0, %eq3A_47 : i32
    %convert_element_type3A_49 = arith.extui %eq3A_48 : i1 to i32
    %cond3A_50 = arith.constant 0 : i32
    %cond3A_51 = arith.cmpi ne, %convert_element_type3A_49, %cond3A_50 : i32
    scf.if %cond3A_51 {
      %scan3A = arith.constant 0 : i32
      %scan3A_151 = arith.constant 0 : i32
      %scan3A_152 = arith.constant 40 : i32
      %scan3A_153 = arith.addi %scan3A_151, %scan3A_152 : i32
      %scan3A_154 = arith.constant 1 : i32
      %scan3A_155 = scf.for %scan3A_157 = %scan3A_151 to %scan3A_153 step %scan3A_154 iter_args(%scan3A_158 = %scan3A) -> (i32)  : i32 {
        %mul3A_159 = arith.constant 16 : i32
        %mul3A_160 = arith.muli %scan3A_157, %mul3A_159 : i32
        %add3A = arith.addi %arg1, %mul3A_160 : i32
        %lt3A = arith.constant 625 : i32
        %lt3A_161 = arith.cmpi slt, %add3A, %lt3A : i32
        %convert_element_type3A_162 = arith.extui %lt3A_161 : i1 to i32
        %cond3A_163 = arith.constant 0 : i32
        %cond3A_164 = arith.cmpi ne, %convert_element_type3A_162, %cond3A_163 : i32
        scf.if %cond3A_164 {
          %add3A_166 = arith.constant 625 : i32
          %add3A_167 = arith.addi %add3A_166, %add3A : i32
          %mul3A_168 = arith.constant 128 : i32
          %mul3A_169 = arith.muli %add3A_167, %mul3A_168 : i32
          "tpu.region"() ({
            %run_scoped3A = tpu.sem_alloc : memref<!tpu.dma_semaphore, #tpu.memory_space<semaphore_mem>>
            %dma_start3A = tpu.memref_slice %arg7[%mul3A_169] : memref<160000xi32, #tpu.memory_space<hbm>> -> memref<128xi32, #tpu.memory_space<hbm>>
            %dma_start3A_170 = tpu.memref_slice %arg7[%mul3A_169] : memref<160000xi32, #tpu.memory_space<hbm>> -> memref<128xi32, #tpu.memory_space<hbm>>
            tpu.enqueue_dma source(%dma_start3A_170 : memref<128xi32, #tpu.memory_space<hbm>>) target(%arg18 : memref<128xi32, #tpu.memory_space<vmem>>) target_semaphore(%run_scoped3A : memref<!tpu.dma_semaphore, #tpu.memory_space<semaphore_mem>>)
            %dma_wait3A = tpu.memref_slice %arg7[%mul3A_169] : memref<160000xi32, #tpu.memory_space<hbm>> -> memref<128xi32, #tpu.memory_space<hbm>>
            %dma_wait3A_171 = tpu.memref_slice %arg7[%mul3A_169] : memref<160000xi32, #tpu.memory_space<hbm>> -> memref<128xi32, #tpu.memory_space<hbm>>
            tpu.wait_dma2 semaphore(%run_scoped3A : memref<!tpu.dma_semaphore, #tpu.memory_space<semaphore_mem>>) src(%dma_wait3A_171 : memref<128xi32, #tpu.memory_space<hbm>>) dst(%arg18 : memref<128xi32, #tpu.memory_space<vmem>>)
            tpu.yield
          }) : () -> ()
          "tpu.region"() ({
            %run_scoped3A = tpu.sem_alloc : memref<!tpu.dma_semaphore, #tpu.memory_space<semaphore_mem>>
            %dma_start3A = arith.constant 0 : i32
            %dma_start3A_170 = arith.constant 0 : i32
            %dma_start3A_171 = tpu.memref_slice %arg20[%dma_start3A, %dma_start3A_170] : memref<10240x128xf32, #tpu.memory_space<vmem_shared>> -> memref<10240x128xf32, #tpu.memory_space<vmem_shared>>
            tpu.enqueue_indirect_dma source(%arg22 : memref<128x128xf32, #tpu.memory_space<vmem>>) target(%dma_start3A_171 : memref<10240x128xf32, #tpu.memory_space<vmem_shared>>) offsets(%arg18 : memref<128xi32, #tpu.memory_space<vmem>>) semaphore(%run_scoped3A : memref<!tpu.dma_semaphore, #tpu.memory_space<semaphore_mem>>) {add = true}
            %dma_wait3A = arith.constant 0 : i32
            %dma_wait3A_172 = arith.constant 0 : i32
            %dma_wait3A_173 = tpu.memref_slice %arg20[%dma_wait3A, %dma_wait3A_172] : memref<10240x128xf32, #tpu.memory_space<vmem_shared>> -> memref<10240x128xf32, #tpu.memory_space<vmem_shared>>
            tpu.wait_indirect_dma semaphore(%run_scoped3A : memref<!tpu.dma_semaphore, #tpu.memory_space<semaphore_mem>>) src(%arg22 : memref<128x128xf32, #tpu.memory_space<vmem>>) dst(%dma_wait3A_173 : memref<10240x128xf32, #tpu.memory_space<vmem_shared>>)
            tpu.yield
          }) : () -> ()
        } else {
        }
        %scan3A_165 = arith.constant 0 : i32
        scf.yield %scan3A_165 : i32
      }
      %scan3A_156 = arith.constant 40 : i32
    } else {
    }
    %barrier3A_52 = arith.constant 0 : index
    tpu.barrier barrier_id(%barrier3A_52)
    %eq3A_53 = arith.constant 0 : i32
    %eq3A_54 = arith.cmpi eq, %arg0, %eq3A_53 : i32
    %convert_element_type3A_55 = arith.extui %eq3A_54 : i1 to i32
    %cond3A_56 = arith.constant 0 : i32
    %cond3A_57 = arith.cmpi ne, %convert_element_type3A_55, %cond3A_56 : i32
    scf.if %cond3A_57 {
      %run_scoped3A = arith.constant 0 : i32
      "tpu.region"() ({
        %run_scoped3A_151 = tpu.sem_alloc : memref<!tpu.dma_semaphore, #tpu.memory_space<semaphore_mem>>
        %dma_start3A = arith.constant 0 : i32
        %dma_start3A_152 = tpu.memref_slice %arg16[%run_scoped3A, %mul3A_0, %dma_start3A] : memref<10x10240x128xf32, #tpu.memory_space<hbm>> -> memref<1x640x128xf32, #tpu.memory_space<hbm>>
        %dma_start3A_153 = tpu.memref_squeeze %dma_start3A_152 : memref<1x640x128xf32, #tpu.memory_space<hbm>> -> memref<640x128xf32, #tpu.memory_space<hbm>>
        %dma_start3A_154 = arith.constant 0 : i32
        %dma_start3A_155 = tpu.memref_slice %arg20[%mul3A_0, %dma_start3A_154] : memref<10240x128xf32, #tpu.memory_space<vmem_shared>> -> memref<640x128xf32, #tpu.memory_space<vmem_shared>>
        tpu.enqueue_dma source(%dma_start3A_155 : memref<640x128xf32, #tpu.memory_space<vmem_shared>>) target(%dma_start3A_153 : memref<640x128xf32, #tpu.memory_space<hbm>>) target_semaphore(%run_scoped3A_151 : memref<!tpu.dma_semaphore, #tpu.memory_space<semaphore_mem>>)
        %dma_wait3A = arith.constant 0 : i32
        %dma_wait3A_156 = tpu.memref_slice %arg16[%run_scoped3A, %mul3A_0, %dma_wait3A] : memref<10x10240x128xf32, #tpu.memory_space<hbm>> -> memref<1x640x128xf32, #tpu.memory_space<hbm>>
        %dma_wait3A_157 = tpu.memref_squeeze %dma_wait3A_156 : memref<1x640x128xf32, #tpu.memory_space<hbm>> -> memref<640x128xf32, #tpu.memory_space<hbm>>
        %dma_wait3A_158 = arith.constant 0 : i32
        %dma_wait3A_159 = tpu.memref_slice %arg20[%mul3A_0, %dma_wait3A_158] : memref<10240x128xf32, #tpu.memory_space<vmem_shared>> -> memref<640x128xf32, #tpu.memory_space<vmem_shared>>
        tpu.wait_dma2 semaphore(%run_scoped3A_151 : memref<!tpu.dma_semaphore, #tpu.memory_space<semaphore_mem>>) src(%dma_wait3A_159 : memref<640x128xf32, #tpu.memory_space<vmem_shared>>) dst(%dma_wait3A_157 : memref<640x128xf32, #tpu.memory_space<hbm>>)
        tpu.yield
      }) : () -> ()
    } else {
    }
    %eq3A_58 = arith.constant 1 : i32
    %eq3A_59 = arith.cmpi eq, %arg0, %eq3A_58 : i32
    %convert_element_type3A_60 = arith.extui %eq3A_59 : i1 to i32
    %cond3A_61 = arith.constant 0 : i32
    %cond3A_62 = arith.cmpi ne, %convert_element_type3A_60, %cond3A_61 : i32
    scf.if %cond3A_62 {
      %run_scoped3A = arith.constant 1 : i32
      "tpu.region"() ({
        %run_scoped3A_151 = tpu.sem_alloc : memref<!tpu.dma_semaphore, #tpu.memory_space<semaphore_mem>>
        %dma_start3A = arith.constant 0 : i32
        %dma_start3A_152 = tpu.memref_slice %arg16[%run_scoped3A, %mul3A_0, %dma_start3A] : memref<10x10240x128xf32, #tpu.memory_space<hbm>> -> memref<1x640x128xf32, #tpu.memory_space<hbm>>
        %dma_start3A_153 = tpu.memref_squeeze %dma_start3A_152 : memref<1x640x128xf32, #tpu.memory_space<hbm>> -> memref<640x128xf32, #tpu.memory_space<hbm>>
        %dma_start3A_154 = arith.constant 0 : i32
        %dma_start3A_155 = tpu.memref_slice %arg20[%mul3A_0, %dma_start3A_154] : memref<10240x128xf32, #tpu.memory_space<vmem_shared>> -> memref<640x128xf32, #tpu.memory_space<vmem_shared>>
        tpu.enqueue_dma source(%dma_start3A_155 : memref<640x128xf32, #tpu.memory_space<vmem_shared>>) target(%dma_start3A_153 : memref<640x128xf32, #tpu.memory_space<hbm>>) target_semaphore(%run_scoped3A_151 : memref<!tpu.dma_semaphore, #tpu.memory_space<semaphore_mem>>)
        %dma_wait3A = arith.constant 0 : i32
        %dma_wait3A_156 = tpu.memref_slice %arg16[%run_scoped3A, %mul3A_0, %dma_wait3A] : memref<10x10240x128xf32, #tpu.memory_space<hbm>> -> memref<1x640x128xf32, #tpu.memory_space<hbm>>
        %dma_wait3A_157 = tpu.memref_squeeze %dma_wait3A_156 : memref<1x640x128xf32, #tpu.memory_space<hbm>> -> memref<640x128xf32, #tpu.memory_space<hbm>>
        %dma_wait3A_158 = arith.constant 0 : i32
        %dma_wait3A_159 = tpu.memref_slice %arg20[%mul3A_0, %dma_wait3A_158] : memref<10240x128xf32, #tpu.memory_space<vmem_shared>> -> memref<640x128xf32, #tpu.memory_space<vmem_shared>>
        tpu.wait_dma2 semaphore(%run_scoped3A_151 : memref<!tpu.dma_semaphore, #tpu.memory_space<semaphore_mem>>) src(%dma_wait3A_159 : memref<640x128xf32, #tpu.memory_space<vmem_shared>>) dst(%dma_wait3A_157 : memref<640x128xf32, #tpu.memory_space<hbm>>)
        tpu.yield
      }) : () -> ()
    } else {
    }
    "tpu.region"() ({
      %run_scoped3A = tpu.sem_alloc : memref<!tpu.dma_semaphore, #tpu.memory_space<semaphore_mem>>
      %dma_start3A = arith.constant 0 : i32
      %dma_start3A_151 = tpu.memref_slice %arg20[%mul3A_0, %dma_start3A] : memref<10240x128xf32, #tpu.memory_space<vmem_shared>> -> memref<640x128xf32, #tpu.memory_space<vmem_shared>>
      tpu.enqueue_dma source(%arg12 : memref<640x128xf32, #tpu.memory_space<hbm>>) target(%dma_start3A_151 : memref<640x128xf32, #tpu.memory_space<vmem_shared>>) target_semaphore(%run_scoped3A : memref<!tpu.dma_semaphore, #tpu.memory_space<semaphore_mem>>)
      %dma_wait3A = arith.constant 0 : i32
      %dma_wait3A_152 = tpu.memref_slice %arg20[%mul3A_0, %dma_wait3A] : memref<10240x128xf32, #tpu.memory_space<vmem_shared>> -> memref<640x128xf32, #tpu.memory_space<vmem_shared>>
      tpu.wait_dma2 semaphore(%run_scoped3A : memref<!tpu.dma_semaphore, #tpu.memory_space<semaphore_mem>>) src(%arg12 : memref<640x128xf32, #tpu.memory_space<hbm>>) dst(%dma_wait3A_152 : memref<640x128xf32, #tpu.memory_space<vmem_shared>>)
      tpu.yield
    }) : () -> ()
    %barrier3A_63 = arith.constant 0 : index
    tpu.barrier barrier_id(%barrier3A_63)
    %eq3A_64 = arith.constant 0 : i32
    %eq3A_65 = arith.cmpi eq, %arg0, %eq3A_64 : i32
    %convert_element_type3A_66 = arith.extui %eq3A_65 : i1 to i32
    %cond3A_67 = arith.constant 0 : i32
    %cond3A_68 = arith.cmpi ne, %convert_element_type3A_66, %cond3A_67 : i32
    scf.if %cond3A_68 {
      %scan3A = arith.constant 0 : i32
      %scan3A_151 = arith.constant 0 : i32
      %scan3A_152 = arith.constant 40 : i32
      %scan3A_153 = arith.addi %scan3A_151, %scan3A_152 : i32
      %scan3A_154 = arith.constant 1 : i32
      %scan3A_155 = scf.for %scan3A_157 = %scan3A_151 to %scan3A_153 step %scan3A_154 iter_args(%scan3A_158 = %scan3A) -> (i32)  : i32 {
        %mul3A_159 = arith.constant 16 : i32
        %mul3A_160 = arith.muli %scan3A_157, %mul3A_159 : i32
        %add3A = arith.addi %arg1, %mul3A_160 : i32
        %lt3A = arith.constant 625 : i32
        %lt3A_161 = arith.cmpi slt, %add3A, %lt3A : i32
        %convert_element_type3A_162 = arith.extui %lt3A_161 : i1 to i32
        %cond3A_163 = arith.constant 0 : i32
        %cond3A_164 = arith.cmpi ne, %convert_element_type3A_162, %cond3A_163 : i32
        scf.if %cond3A_164 {
          %add3A_166 = arith.constant 0 : i32
          %add3A_167 = arith.addi %add3A_166, %add3A : i32
          %mul3A_168 = arith.constant 128 : i32
          %mul3A_169 = arith.muli %add3A_167, %mul3A_168 : i32
          "tpu.region"() ({
            %run_scoped3A = tpu.sem_alloc : memref<!tpu.dma_semaphore, #tpu.memory_space<semaphore_mem>>
            %dma_start3A = tpu.memref_slice %arg8[%mul3A_169] : memref<160000xi32, #tpu.memory_space<hbm>> -> memref<128xi32, #tpu.memory_space<hbm>>
            %dma_start3A_170 = tpu.memref_slice %arg8[%mul3A_169] : memref<160000xi32, #tpu.memory_space<hbm>> -> memref<128xi32, #tpu.memory_space<hbm>>
            tpu.enqueue_dma source(%dma_start3A_170 : memref<128xi32, #tpu.memory_space<hbm>>) target(%arg18 : memref<128xi32, #tpu.memory_space<vmem>>) target_semaphore(%run_scoped3A : memref<!tpu.dma_semaphore, #tpu.memory_space<semaphore_mem>>)
            %dma_wait3A = tpu.memref_slice %arg8[%mul3A_169] : memref<160000xi32, #tpu.memory_space<hbm>> -> memref<128xi32, #tpu.memory_space<hbm>>
            %dma_wait3A_171 = tpu.memref_slice %arg8[%mul3A_169] : memref<160000xi32, #tpu.memory_space<hbm>> -> memref<128xi32, #tpu.memory_space<hbm>>
            tpu.wait_dma2 semaphore(%run_scoped3A : memref<!tpu.dma_semaphore, #tpu.memory_space<semaphore_mem>>) src(%dma_wait3A_171 : memref<128xi32, #tpu.memory_space<hbm>>) dst(%arg18 : memref<128xi32, #tpu.memory_space<vmem>>)
            tpu.yield
          }) : () -> ()
          "tpu.region"() ({
            %run_scoped3A = tpu.sem_alloc : memref<!tpu.dma_semaphore, #tpu.memory_space<semaphore_mem>>
            %dma_start3A = arith.constant 0 : i32
            %dma_start3A_170 = arith.constant 0 : i32
            %dma_start3A_171 = tpu.memref_slice %arg20[%dma_start3A, %dma_start3A_170] : memref<10240x128xf32, #tpu.memory_space<vmem_shared>> -> memref<10240x128xf32, #tpu.memory_space<vmem_shared>>
            tpu.enqueue_indirect_dma source(%arg22 : memref<128x128xf32, #tpu.memory_space<vmem>>) target(%dma_start3A_171 : memref<10240x128xf32, #tpu.memory_space<vmem_shared>>) offsets(%arg18 : memref<128xi32, #tpu.memory_space<vmem>>) semaphore(%run_scoped3A : memref<!tpu.dma_semaphore, #tpu.memory_space<semaphore_mem>>) {add = true}
            %dma_wait3A = arith.constant 0 : i32
            %dma_wait3A_172 = arith.constant 0 : i32
            %dma_wait3A_173 = tpu.memref_slice %arg20[%dma_wait3A, %dma_wait3A_172] : memref<10240x128xf32, #tpu.memory_space<vmem_shared>> -> memref<10240x128xf32, #tpu.memory_space<vmem_shared>>
            tpu.wait_indirect_dma semaphore(%run_scoped3A : memref<!tpu.dma_semaphore, #tpu.memory_space<semaphore_mem>>) src(%arg22 : memref<128x128xf32, #tpu.memory_space<vmem>>) dst(%dma_wait3A_173 : memref<10240x128xf32, #tpu.memory_space<vmem_shared>>)
            tpu.yield
          }) : () -> ()
        } else {
        }
        %scan3A_165 = arith.constant 0 : i32
        scf.yield %scan3A_165 : i32
      }
      %scan3A_156 = arith.constant 40 : i32
    } else {
    }
    %eq3A_69 = arith.constant 1 : i32
    %eq3A_70 = arith.cmpi eq, %arg0, %eq3A_69 : i32
    %convert_element_type3A_71 = arith.extui %eq3A_70 : i1 to i32
    %cond3A_72 = arith.constant 0 : i32
    %cond3A_73 = arith.cmpi ne, %convert_element_type3A_71, %cond3A_72 : i32
    scf.if %cond3A_73 {
      %scan3A = arith.constant 0 : i32
      %scan3A_151 = arith.constant 0 : i32
      %scan3A_152 = arith.constant 40 : i32
      %scan3A_153 = arith.addi %scan3A_151, %scan3A_152 : i32
      %scan3A_154 = arith.constant 1 : i32
      %scan3A_155 = scf.for %scan3A_157 = %scan3A_151 to %scan3A_153 step %scan3A_154 iter_args(%scan3A_158 = %scan3A) -> (i32)  : i32 {
        %mul3A_159 = arith.constant 16 : i32
        %mul3A_160 = arith.muli %scan3A_157, %mul3A_159 : i32
        %add3A = arith.addi %arg1, %mul3A_160 : i32
        %lt3A = arith.constant 625 : i32
        %lt3A_161 = arith.cmpi slt, %add3A, %lt3A : i32
        %convert_element_type3A_162 = arith.extui %lt3A_161 : i1 to i32
        %cond3A_163 = arith.constant 0 : i32
        %cond3A_164 = arith.cmpi ne, %convert_element_type3A_162, %cond3A_163 : i32
        scf.if %cond3A_164 {
          %add3A_166 = arith.constant 625 : i32
          %add3A_167 = arith.addi %add3A_166, %add3A : i32
          %mul3A_168 = arith.constant 128 : i32
          %mul3A_169 = arith.muli %add3A_167, %mul3A_168 : i32
          "tpu.region"() ({
            %run_scoped3A = tpu.sem_alloc : memref<!tpu.dma_semaphore, #tpu.memory_space<semaphore_mem>>
            %dma_start3A = tpu.memref_slice %arg8[%mul3A_169] : memref<160000xi32, #tpu.memory_space<hbm>> -> memref<128xi32, #tpu.memory_space<hbm>>
            %dma_start3A_170 = tpu.memref_slice %arg8[%mul3A_169] : memref<160000xi32, #tpu.memory_space<hbm>> -> memref<128xi32, #tpu.memory_space<hbm>>
            tpu.enqueue_dma source(%dma_start3A_170 : memref<128xi32, #tpu.memory_space<hbm>>) target(%arg18 : memref<128xi32, #tpu.memory_space<vmem>>) target_semaphore(%run_scoped3A : memref<!tpu.dma_semaphore, #tpu.memory_space<semaphore_mem>>)
            %dma_wait3A = tpu.memref_slice %arg8[%mul3A_169] : memref<160000xi32, #tpu.memory_space<hbm>> -> memref<128xi32, #tpu.memory_space<hbm>>
            %dma_wait3A_171 = tpu.memref_slice %arg8[%mul3A_169] : memref<160000xi32, #tpu.memory_space<hbm>> -> memref<128xi32, #tpu.memory_space<hbm>>
            tpu.wait_dma2 semaphore(%run_scoped3A : memref<!tpu.dma_semaphore, #tpu.memory_space<semaphore_mem>>) src(%dma_wait3A_171 : memref<128xi32, #tpu.memory_space<hbm>>) dst(%arg18 : memref<128xi32, #tpu.memory_space<vmem>>)
            tpu.yield
          }) : () -> ()
          "tpu.region"() ({
            %run_scoped3A = tpu.sem_alloc : memref<!tpu.dma_semaphore, #tpu.memory_space<semaphore_mem>>
            %dma_start3A = arith.constant 0 : i32
            %dma_start3A_170 = arith.constant 0 : i32
            %dma_start3A_171 = tpu.memref_slice %arg20[%dma_start3A, %dma_start3A_170] : memref<10240x128xf32, #tpu.memory_space<vmem_shared>> -> memref<10240x128xf32, #tpu.memory_space<vmem_shared>>
            tpu.enqueue_indirect_dma source(%arg22 : memref<128x128xf32, #tpu.memory_space<vmem>>) target(%dma_start3A_171 : memref<10240x128xf32, #tpu.memory_space<vmem_shared>>) offsets(%arg18 : memref<128xi32, #tpu.memory_space<vmem>>) semaphore(%run_scoped3A : memref<!tpu.dma_semaphore, #tpu.memory_space<semaphore_mem>>) {add = true}
            %dma_wait3A = arith.constant 0 : i32
            %dma_wait3A_172 = arith.constant 0 : i32
            %dma_wait3A_173 = tpu.memref_slice %arg20[%dma_wait3A, %dma_wait3A_172] : memref<10240x128xf32, #tpu.memory_space<vmem_shared>> -> memref<10240x128xf32, #tpu.memory_space<vmem_shared>>
            tpu.wait_indirect_dma semaphore(%run_scoped3A : memref<!tpu.dma_semaphore, #tpu.memory_space<semaphore_mem>>) src(%arg22 : memref<128x128xf32, #tpu.memory_space<vmem>>) dst(%dma_wait3A_173 : memref<10240x128xf32, #tpu.memory_space<vmem_shared>>)
            tpu.yield
          }) : () -> ()
        } else {
        }
        %scan3A_165 = arith.constant 0 : i32
        scf.yield %scan3A_165 : i32
      }
      %scan3A_156 = arith.constant 40 : i32
    } else {
    }
    %barrier3A_74 = arith.constant 0 : index
    tpu.barrier barrier_id(%barrier3A_74)
    %eq3A_75 = arith.constant 0 : i32
    %eq3A_76 = arith.cmpi eq, %arg0, %eq3A_75 : i32
    %convert_element_type3A_77 = arith.extui %eq3A_76 : i1 to i32
    %cond3A_78 = arith.constant 0 : i32
    %cond3A_79 = arith.cmpi ne, %convert_element_type3A_77, %cond3A_78 : i32
    scf.if %cond3A_79 {
      %run_scoped3A = arith.constant 2 : i32
      "tpu.region"() ({
        %run_scoped3A_151 = tpu.sem_alloc : memref<!tpu.dma_semaphore, #tpu.memory_space<semaphore_mem>>
        %dma_start3A = arith.constant 0 : i32
        %dma_start3A_152 = tpu.memref_slice %arg16[%run_scoped3A, %mul3A_0, %dma_start3A] : memref<10x10240x128xf32, #tpu.memory_space<hbm>> -> memref<1x640x128xf32, #tpu.memory_space<hbm>>
        %dma_start3A_153 = tpu.memref_squeeze %dma_start3A_152 : memref<1x640x128xf32, #tpu.memory_space<hbm>> -> memref<640x128xf32, #tpu.memory_space<hbm>>
        %dma_start3A_154 = arith.constant 0 : i32
        %dma_start3A_155 = tpu.memref_slice %arg20[%mul3A_0, %dma_start3A_154] : memref<10240x128xf32, #tpu.memory_space<vmem_shared>> -> memref<640x128xf32, #tpu.memory_space<vmem_shared>>
        tpu.enqueue_dma source(%dma_start3A_155 : memref<640x128xf32, #tpu.memory_space<vmem_shared>>) target(%dma_start3A_153 : memref<640x128xf32, #tpu.memory_space<hbm>>) target_semaphore(%run_scoped3A_151 : memref<!tpu.dma_semaphore, #tpu.memory_space<semaphore_mem>>)
        %dma_wait3A = arith.constant 0 : i32
        %dma_wait3A_156 = tpu.memref_slice %arg16[%run_scoped3A, %mul3A_0, %dma_wait3A] : memref<10x10240x128xf32, #tpu.memory_space<hbm>> -> memref<1x640x128xf32, #tpu.memory_space<hbm>>
        %dma_wait3A_157 = tpu.memref_squeeze %dma_wait3A_156 : memref<1x640x128xf32, #tpu.memory_space<hbm>> -> memref<640x128xf32, #tpu.memory_space<hbm>>
        %dma_wait3A_158 = arith.constant 0 : i32
        %dma_wait3A_159 = tpu.memref_slice %arg20[%mul3A_0, %dma_wait3A_158] : memref<10240x128xf32, #tpu.memory_space<vmem_shared>> -> memref<640x128xf32, #tpu.memory_space<vmem_shared>>
        tpu.wait_dma2 semaphore(%run_scoped3A_151 : memref<!tpu.dma_semaphore, #tpu.memory_space<semaphore_mem>>) src(%dma_wait3A_159 : memref<640x128xf32, #tpu.memory_space<vmem_shared>>) dst(%dma_wait3A_157 : memref<640x128xf32, #tpu.memory_space<hbm>>)
        tpu.yield
      }) : () -> ()
    } else {
    }
    %eq3A_80 = arith.constant 1 : i32
    %eq3A_81 = arith.cmpi eq, %arg0, %eq3A_80 : i32
    %convert_element_type3A_82 = arith.extui %eq3A_81 : i1 to i32
    %cond3A_83 = arith.constant 0 : i32
    %cond3A_84 = arith.cmpi ne, %convert_element_type3A_82, %cond3A_83 : i32
    scf.if %cond3A_84 {
      %run_scoped3A = arith.constant 3 : i32
      "tpu.region"() ({
        %run_scoped3A_151 = tpu.sem_alloc : memref<!tpu.dma_semaphore, #tpu.memory_space<semaphore_mem>>
        %dma_start3A = arith.constant 0 : i32
        %dma_start3A_152 = tpu.memref_slice %arg16[%run_scoped3A, %mul3A_0, %dma_start3A] : memref<10x10240x128xf32, #tpu.memory_space<hbm>> -> memref<1x640x128xf32, #tpu.memory_space<hbm>>
        %dma_start3A_153 = tpu.memref_squeeze %dma_start3A_152 : memref<1x640x128xf32, #tpu.memory_space<hbm>> -> memref<640x128xf32, #tpu.memory_space<hbm>>
        %dma_start3A_154 = arith.constant 0 : i32
        %dma_start3A_155 = tpu.memref_slice %arg20[%mul3A_0, %dma_start3A_154] : memref<10240x128xf32, #tpu.memory_space<vmem_shared>> -> memref<640x128xf32, #tpu.memory_space<vmem_shared>>
        tpu.enqueue_dma source(%dma_start3A_155 : memref<640x128xf32, #tpu.memory_space<vmem_shared>>) target(%dma_start3A_153 : memref<640x128xf32, #tpu.memory_space<hbm>>) target_semaphore(%run_scoped3A_151 : memref<!tpu.dma_semaphore, #tpu.memory_space<semaphore_mem>>)
        %dma_wait3A = arith.constant 0 : i32
        %dma_wait3A_156 = tpu.memref_slice %arg16[%run_scoped3A, %mul3A_0, %dma_wait3A] : memref<10x10240x128xf32, #tpu.memory_space<hbm>> -> memref<1x640x128xf32, #tpu.memory_space<hbm>>
        %dma_wait3A_157 = tpu.memref_squeeze %dma_wait3A_156 : memref<1x640x128xf32, #tpu.memory_space<hbm>> -> memref<640x128xf32, #tpu.memory_space<hbm>>
        %dma_wait3A_158 = arith.constant 0 : i32
        %dma_wait3A_159 = tpu.memref_slice %arg20[%mul3A_0, %dma_wait3A_158] : memref<10240x128xf32, #tpu.memory_space<vmem_shared>> -> memref<640x128xf32, #tpu.memory_space<vmem_shared>>
        tpu.wait_dma2 semaphore(%run_scoped3A_151 : memref<!tpu.dma_semaphore, #tpu.memory_space<semaphore_mem>>) src(%dma_wait3A_159 : memref<640x128xf32, #tpu.memory_space<vmem_shared>>) dst(%dma_wait3A_157 : memref<640x128xf32, #tpu.memory_space<hbm>>)
        tpu.yield
      }) : () -> ()
    } else {
    }
    "tpu.region"() ({
      %run_scoped3A = tpu.sem_alloc : memref<!tpu.dma_semaphore, #tpu.memory_space<semaphore_mem>>
      %dma_start3A = arith.constant 0 : i32
      %dma_start3A_151 = tpu.memref_slice %arg20[%mul3A_0, %dma_start3A] : memref<10240x128xf32, #tpu.memory_space<vmem_shared>> -> memref<640x128xf32, #tpu.memory_space<vmem_shared>>
      tpu.enqueue_dma source(%arg12 : memref<640x128xf32, #tpu.memory_space<hbm>>) target(%dma_start3A_151 : memref<640x128xf32, #tpu.memory_space<vmem_shared>>) target_semaphore(%run_scoped3A : memref<!tpu.dma_semaphore, #tpu.memory_space<semaphore_mem>>)
      %dma_wait3A = arith.constant 0 : i32
      %dma_wait3A_152 = tpu.memref_slice %arg20[%mul3A_0, %dma_wait3A] : memref<10240x128xf32, #tpu.memory_space<vmem_shared>> -> memref<640x128xf32, #tpu.memory_space<vmem_shared>>
      tpu.wait_dma2 semaphore(%run_scoped3A : memref<!tpu.dma_semaphore, #tpu.memory_space<semaphore_mem>>) src(%arg12 : memref<640x128xf32, #tpu.memory_space<hbm>>) dst(%dma_wait3A_152 : memref<640x128xf32, #tpu.memory_space<vmem_shared>>)
      tpu.yield
    }) : () -> ()
    %barrier3A_85 = arith.constant 0 : index
    tpu.barrier barrier_id(%barrier3A_85)
    %eq3A_86 = arith.constant 0 : i32
    %eq3A_87 = arith.cmpi eq, %arg0, %eq3A_86 : i32
    %convert_element_type3A_88 = arith.extui %eq3A_87 : i1 to i32
    %cond3A_89 = arith.constant 0 : i32
    %cond3A_90 = arith.cmpi ne, %convert_element_type3A_88, %cond3A_89 : i32
    scf.if %cond3A_90 {
      %scan3A = arith.constant 0 : i32
      %scan3A_151 = arith.constant 0 : i32
      %scan3A_152 = arith.constant 40 : i32
      %scan3A_153 = arith.addi %scan3A_151, %scan3A_152 : i32
      %scan3A_154 = arith.constant 1 : i32
      %scan3A_155 = scf.for %scan3A_157 = %scan3A_151 to %scan3A_153 step %scan3A_154 iter_args(%scan3A_158 = %scan3A) -> (i32)  : i32 {
        %mul3A_159 = arith.constant 16 : i32
        %mul3A_160 = arith.muli %scan3A_157, %mul3A_159 : i32
        %add3A = arith.addi %arg1, %mul3A_160 : i32
        %lt3A = arith.constant 625 : i32
        %lt3A_161 = arith.cmpi slt, %add3A, %lt3A : i32
        %convert_element_type3A_162 = arith.extui %lt3A_161 : i1 to i32
        %cond3A_163 = arith.constant 0 : i32
        %cond3A_164 = arith.cmpi ne, %convert_element_type3A_162, %cond3A_163 : i32
        scf.if %cond3A_164 {
          %add3A_166 = arith.constant 0 : i32
          %add3A_167 = arith.addi %add3A_166, %add3A : i32
          %mul3A_168 = arith.constant 128 : i32
          %mul3A_169 = arith.muli %add3A_167, %mul3A_168 : i32
          "tpu.region"() ({
            %run_scoped3A = tpu.sem_alloc : memref<!tpu.dma_semaphore, #tpu.memory_space<semaphore_mem>>
            %dma_start3A = tpu.memref_slice %arg9[%mul3A_169] : memref<160000xi32, #tpu.memory_space<hbm>> -> memref<128xi32, #tpu.memory_space<hbm>>
            %dma_start3A_170 = tpu.memref_slice %arg9[%mul3A_169] : memref<160000xi32, #tpu.memory_space<hbm>> -> memref<128xi32, #tpu.memory_space<hbm>>
            tpu.enqueue_dma source(%dma_start3A_170 : memref<128xi32, #tpu.memory_space<hbm>>) target(%arg18 : memref<128xi32, #tpu.memory_space<vmem>>) target_semaphore(%run_scoped3A : memref<!tpu.dma_semaphore, #tpu.memory_space<semaphore_mem>>)
            %dma_wait3A = tpu.memref_slice %arg9[%mul3A_169] : memref<160000xi32, #tpu.memory_space<hbm>> -> memref<128xi32, #tpu.memory_space<hbm>>
            %dma_wait3A_171 = tpu.memref_slice %arg9[%mul3A_169] : memref<160000xi32, #tpu.memory_space<hbm>> -> memref<128xi32, #tpu.memory_space<hbm>>
            tpu.wait_dma2 semaphore(%run_scoped3A : memref<!tpu.dma_semaphore, #tpu.memory_space<semaphore_mem>>) src(%dma_wait3A_171 : memref<128xi32, #tpu.memory_space<hbm>>) dst(%arg18 : memref<128xi32, #tpu.memory_space<vmem>>)
            tpu.yield
          }) : () -> ()
          "tpu.region"() ({
            %run_scoped3A = tpu.sem_alloc : memref<!tpu.dma_semaphore, #tpu.memory_space<semaphore_mem>>
            %dma_start3A = arith.constant 0 : i32
            %dma_start3A_170 = arith.constant 0 : i32
            %dma_start3A_171 = tpu.memref_slice %arg20[%dma_start3A, %dma_start3A_170] : memref<10240x128xf32, #tpu.memory_space<vmem_shared>> -> memref<10240x128xf32, #tpu.memory_space<vmem_shared>>
            tpu.enqueue_indirect_dma source(%arg22 : memref<128x128xf32, #tpu.memory_space<vmem>>) target(%dma_start3A_171 : memref<10240x128xf32, #tpu.memory_space<vmem_shared>>) offsets(%arg18 : memref<128xi32, #tpu.memory_space<vmem>>) semaphore(%run_scoped3A : memref<!tpu.dma_semaphore, #tpu.memory_space<semaphore_mem>>) {add = true}
            %dma_wait3A = arith.constant 0 : i32
            %dma_wait3A_172 = arith.constant 0 : i32
            %dma_wait3A_173 = tpu.memref_slice %arg20[%dma_wait3A, %dma_wait3A_172] : memref<10240x128xf32, #tpu.memory_space<vmem_shared>> -> memref<10240x128xf32, #tpu.memory_space<vmem_shared>>
            tpu.wait_indirect_dma semaphore(%run_scoped3A : memref<!tpu.dma_semaphore, #tpu.memory_space<semaphore_mem>>) src(%arg22 : memref<128x128xf32, #tpu.memory_space<vmem>>) dst(%dma_wait3A_173 : memref<10240x128xf32, #tpu.memory_space<vmem_shared>>)
            tpu.yield
          }) : () -> ()
        } else {
        }
        %scan3A_165 = arith.constant 0 : i32
        scf.yield %scan3A_165 : i32
      }
      %scan3A_156 = arith.constant 40 : i32
    } else {
    }
    %eq3A_91 = arith.constant 1 : i32
    %eq3A_92 = arith.cmpi eq, %arg0, %eq3A_91 : i32
    %convert_element_type3A_93 = arith.extui %eq3A_92 : i1 to i32
    %cond3A_94 = arith.constant 0 : i32
    %cond3A_95 = arith.cmpi ne, %convert_element_type3A_93, %cond3A_94 : i32
    scf.if %cond3A_95 {
      %scan3A = arith.constant 0 : i32
      %scan3A_151 = arith.constant 0 : i32
      %scan3A_152 = arith.constant 40 : i32
      %scan3A_153 = arith.addi %scan3A_151, %scan3A_152 : i32
      %scan3A_154 = arith.constant 1 : i32
      %scan3A_155 = scf.for %scan3A_157 = %scan3A_151 to %scan3A_153 step %scan3A_154 iter_args(%scan3A_158 = %scan3A) -> (i32)  : i32 {
        %mul3A_159 = arith.constant 16 : i32
        %mul3A_160 = arith.muli %scan3A_157, %mul3A_159 : i32
        %add3A = arith.addi %arg1, %mul3A_160 : i32
        %lt3A = arith.constant 625 : i32
        %lt3A_161 = arith.cmpi slt, %add3A, %lt3A : i32
        %convert_element_type3A_162 = arith.extui %lt3A_161 : i1 to i32
        %cond3A_163 = arith.constant 0 : i32
        %cond3A_164 = arith.cmpi ne, %convert_element_type3A_162, %cond3A_163 : i32
        scf.if %cond3A_164 {
          %add3A_166 = arith.constant 625 : i32
          %add3A_167 = arith.addi %add3A_166, %add3A : i32
          %mul3A_168 = arith.constant 128 : i32
          %mul3A_169 = arith.muli %add3A_167, %mul3A_168 : i32
          "tpu.region"() ({
            %run_scoped3A = tpu.sem_alloc : memref<!tpu.dma_semaphore, #tpu.memory_space<semaphore_mem>>
            %dma_start3A = tpu.memref_slice %arg9[%mul3A_169] : memref<160000xi32, #tpu.memory_space<hbm>> -> memref<128xi32, #tpu.memory_space<hbm>>
            %dma_start3A_170 = tpu.memref_slice %arg9[%mul3A_169] : memref<160000xi32, #tpu.memory_space<hbm>> -> memref<128xi32, #tpu.memory_space<hbm>>
            tpu.enqueue_dma source(%dma_start3A_170 : memref<128xi32, #tpu.memory_space<hbm>>) target(%arg18 : memref<128xi32, #tpu.memory_space<vmem>>) target_semaphore(%run_scoped3A : memref<!tpu.dma_semaphore, #tpu.memory_space<semaphore_mem>>)
            %dma_wait3A = tpu.memref_slice %arg9[%mul3A_169] : memref<160000xi32, #tpu.memory_space<hbm>> -> memref<128xi32, #tpu.memory_space<hbm>>
            %dma_wait3A_171 = tpu.memref_slice %arg9[%mul3A_169] : memref<160000xi32, #tpu.memory_space<hbm>> -> memref<128xi32, #tpu.memory_space<hbm>>
            tpu.wait_dma2 semaphore(%run_scoped3A : memref<!tpu.dma_semaphore, #tpu.memory_space<semaphore_mem>>) src(%dma_wait3A_171 : memref<128xi32, #tpu.memory_space<hbm>>) dst(%arg18 : memref<128xi32, #tpu.memory_space<vmem>>)
            tpu.yield
          }) : () -> ()
          "tpu.region"() ({
            %run_scoped3A = tpu.sem_alloc : memref<!tpu.dma_semaphore, #tpu.memory_space<semaphore_mem>>
            %dma_start3A = arith.constant 0 : i32
            %dma_start3A_170 = arith.constant 0 : i32
            %dma_start3A_171 = tpu.memref_slice %arg20[%dma_start3A, %dma_start3A_170] : memref<10240x128xf32, #tpu.memory_space<vmem_shared>> -> memref<10240x128xf32, #tpu.memory_space<vmem_shared>>
            tpu.enqueue_indirect_dma source(%arg22 : memref<128x128xf32, #tpu.memory_space<vmem>>) target(%dma_start3A_171 : memref<10240x128xf32, #tpu.memory_space<vmem_shared>>) offsets(%arg18 : memref<128xi32, #tpu.memory_space<vmem>>) semaphore(%run_scoped3A : memref<!tpu.dma_semaphore, #tpu.memory_space<semaphore_mem>>) {add = true}
            %dma_wait3A = arith.constant 0 : i32
            %dma_wait3A_172 = arith.constant 0 : i32
            %dma_wait3A_173 = tpu.memref_slice %arg20[%dma_wait3A, %dma_wait3A_172] : memref<10240x128xf32, #tpu.memory_space<vmem_shared>> -> memref<10240x128xf32, #tpu.memory_space<vmem_shared>>
            tpu.wait_indirect_dma semaphore(%run_scoped3A : memref<!tpu.dma_semaphore, #tpu.memory_space<semaphore_mem>>) src(%arg22 : memref<128x128xf32, #tpu.memory_space<vmem>>) dst(%dma_wait3A_173 : memref<10240x128xf32, #tpu.memory_space<vmem_shared>>)
            tpu.yield
          }) : () -> ()
        } else {
        }
        %scan3A_165 = arith.constant 0 : i32
        scf.yield %scan3A_165 : i32
      }
      %scan3A_156 = arith.constant 40 : i32
    } else {
    }
    %barrier3A_96 = arith.constant 0 : index
    tpu.barrier barrier_id(%barrier3A_96)
    %eq3A_97 = arith.constant 0 : i32
    %eq3A_98 = arith.cmpi eq, %arg0, %eq3A_97 : i32
    %convert_element_type3A_99 = arith.extui %eq3A_98 : i1 to i32
    %cond3A_100 = arith.constant 0 : i32
    %cond3A_101 = arith.cmpi ne, %convert_element_type3A_99, %cond3A_100 : i32
    scf.if %cond3A_101 {
      %run_scoped3A = arith.constant 4 : i32
      "tpu.region"() ({
        %run_scoped3A_151 = tpu.sem_alloc : memref<!tpu.dma_semaphore, #tpu.memory_space<semaphore_mem>>
        %dma_start3A = arith.constant 0 : i32
        %dma_start3A_152 = tpu.memref_slice %arg16[%run_scoped3A, %mul3A_0, %dma_start3A] : memref<10x10240x128xf32, #tpu.memory_space<hbm>> -> memref<1x640x128xf32, #tpu.memory_space<hbm>>
        %dma_start3A_153 = tpu.memref_squeeze %dma_start3A_152 : memref<1x640x128xf32, #tpu.memory_space<hbm>> -> memref<640x128xf32, #tpu.memory_space<hbm>>
        %dma_start3A_154 = arith.constant 0 : i32
        %dma_start3A_155 = tpu.memref_slice %arg20[%mul3A_0, %dma_start3A_154] : memref<10240x128xf32, #tpu.memory_space<vmem_shared>> -> memref<640x128xf32, #tpu.memory_space<vmem_shared>>
        tpu.enqueue_dma source(%dma_start3A_155 : memref<640x128xf32, #tpu.memory_space<vmem_shared>>) target(%dma_start3A_153 : memref<640x128xf32, #tpu.memory_space<hbm>>) target_semaphore(%run_scoped3A_151 : memref<!tpu.dma_semaphore, #tpu.memory_space<semaphore_mem>>)
        %dma_wait3A = arith.constant 0 : i32
        %dma_wait3A_156 = tpu.memref_slice %arg16[%run_scoped3A, %mul3A_0, %dma_wait3A] : memref<10x10240x128xf32, #tpu.memory_space<hbm>> -> memref<1x640x128xf32, #tpu.memory_space<hbm>>
        %dma_wait3A_157 = tpu.memref_squeeze %dma_wait3A_156 : memref<1x640x128xf32, #tpu.memory_space<hbm>> -> memref<640x128xf32, #tpu.memory_space<hbm>>
        %dma_wait3A_158 = arith.constant 0 : i32
        %dma_wait3A_159 = tpu.memref_slice %arg20[%mul3A_0, %dma_wait3A_158] : memref<10240x128xf32, #tpu.memory_space<vmem_shared>> -> memref<640x128xf32, #tpu.memory_space<vmem_shared>>
        tpu.wait_dma2 semaphore(%run_scoped3A_151 : memref<!tpu.dma_semaphore, #tpu.memory_space<semaphore_mem>>) src(%dma_wait3A_159 : memref<640x128xf32, #tpu.memory_space<vmem_shared>>) dst(%dma_wait3A_157 : memref<640x128xf32, #tpu.memory_space<hbm>>)
        tpu.yield
      }) : () -> ()
    } else {
    }
    %eq3A_102 = arith.constant 1 : i32
    %eq3A_103 = arith.cmpi eq, %arg0, %eq3A_102 : i32
    %convert_element_type3A_104 = arith.extui %eq3A_103 : i1 to i32
    %cond3A_105 = arith.constant 0 : i32
    %cond3A_106 = arith.cmpi ne, %convert_element_type3A_104, %cond3A_105 : i32
    scf.if %cond3A_106 {
      %run_scoped3A = arith.constant 5 : i32
      "tpu.region"() ({
        %run_scoped3A_151 = tpu.sem_alloc : memref<!tpu.dma_semaphore, #tpu.memory_space<semaphore_mem>>
        %dma_start3A = arith.constant 0 : i32
        %dma_start3A_152 = tpu.memref_slice %arg16[%run_scoped3A, %mul3A_0, %dma_start3A] : memref<10x10240x128xf32, #tpu.memory_space<hbm>> -> memref<1x640x128xf32, #tpu.memory_space<hbm>>
        %dma_start3A_153 = tpu.memref_squeeze %dma_start3A_152 : memref<1x640x128xf32, #tpu.memory_space<hbm>> -> memref<640x128xf32, #tpu.memory_space<hbm>>
        %dma_start3A_154 = arith.constant 0 : i32
        %dma_start3A_155 = tpu.memref_slice %arg20[%mul3A_0, %dma_start3A_154] : memref<10240x128xf32, #tpu.memory_space<vmem_shared>> -> memref<640x128xf32, #tpu.memory_space<vmem_shared>>
        tpu.enqueue_dma source(%dma_start3A_155 : memref<640x128xf32, #tpu.memory_space<vmem_shared>>) target(%dma_start3A_153 : memref<640x128xf32, #tpu.memory_space<hbm>>) target_semaphore(%run_scoped3A_151 : memref<!tpu.dma_semaphore, #tpu.memory_space<semaphore_mem>>)
        %dma_wait3A = arith.constant 0 : i32
        %dma_wait3A_156 = tpu.memref_slice %arg16[%run_scoped3A, %mul3A_0, %dma_wait3A] : memref<10x10240x128xf32, #tpu.memory_space<hbm>> -> memref<1x640x128xf32, #tpu.memory_space<hbm>>
        %dma_wait3A_157 = tpu.memref_squeeze %dma_wait3A_156 : memref<1x640x128xf32, #tpu.memory_space<hbm>> -> memref<640x128xf32, #tpu.memory_space<hbm>>
        %dma_wait3A_158 = arith.constant 0 : i32
        %dma_wait3A_159 = tpu.memref_slice %arg20[%mul3A_0, %dma_wait3A_158] : memref<10240x128xf32, #tpu.memory_space<vmem_shared>> -> memref<640x128xf32, #tpu.memory_space<vmem_shared>>
        tpu.wait_dma2 semaphore(%run_scoped3A_151 : memref<!tpu.dma_semaphore, #tpu.memory_space<semaphore_mem>>) src(%dma_wait3A_159 : memref<640x128xf32, #tpu.memory_space<vmem_shared>>) dst(%dma_wait3A_157 : memref<640x128xf32, #tpu.memory_space<hbm>>)
        tpu.yield
      }) : () -> ()
    } else {
    }
    "tpu.region"() ({
      %run_scoped3A = tpu.sem_alloc : memref<!tpu.dma_semaphore, #tpu.memory_space<semaphore_mem>>
      %dma_start3A = arith.constant 0 : i32
      %dma_start3A_151 = tpu.memref_slice %arg20[%mul3A_0, %dma_start3A] : memref<10240x128xf32, #tpu.memory_space<vmem_shared>> -> memref<640x128xf32, #tpu.memory_space<vmem_shared>>
      tpu.enqueue_dma source(%arg12 : memref<640x128xf32, #tpu.memory_space<hbm>>) target(%dma_start3A_151 : memref<640x128xf32, #tpu.memory_space<vmem_shared>>) target_semaphore(%run_scoped3A : memref<!tpu.dma_semaphore, #tpu.memory_space<semaphore_mem>>)
      %dma_wait3A = arith.constant 0 : i32
      %dma_wait3A_152 = tpu.memref_slice %arg20[%mul3A_0, %dma_wait3A] : memref<10240x128xf32, #tpu.memory_space<vmem_shared>> -> memref<640x128xf32, #tpu.memory_space<vmem_shared>>
      tpu.wait_dma2 semaphore(%run_scoped3A : memref<!tpu.dma_semaphore, #tpu.memory_space<semaphore_mem>>) src(%arg12 : memref<640x128xf32, #tpu.memory_space<hbm>>) dst(%dma_wait3A_152 : memref<640x128xf32, #tpu.memory_space<vmem_shared>>)
      tpu.yield
    }) : () -> ()
    %barrier3A_107 = arith.constant 0 : index
    tpu.barrier barrier_id(%barrier3A_107)
    %eq3A_108 = arith.constant 0 : i32
    %eq3A_109 = arith.cmpi eq, %arg0, %eq3A_108 : i32
    %convert_element_type3A_110 = arith.extui %eq3A_109 : i1 to i32
    %cond3A_111 = arith.constant 0 : i32
    %cond3A_112 = arith.cmpi ne, %convert_element_type3A_110, %cond3A_111 : i32
    scf.if %cond3A_112 {
      %scan3A = arith.constant 0 : i32
      %scan3A_151 = arith.constant 0 : i32
      %scan3A_152 = arith.constant 40 : i32
      %scan3A_153 = arith.addi %scan3A_151, %scan3A_152 : i32
      %scan3A_154 = arith.constant 1 : i32
      %scan3A_155 = scf.for %scan3A_157 = %scan3A_151 to %scan3A_153 step %scan3A_154 iter_args(%scan3A_158 = %scan3A) -> (i32)  : i32 {
        %mul3A_159 = arith.constant 16 : i32
        %mul3A_160 = arith.muli %scan3A_157, %mul3A_159 : i32
        %add3A = arith.addi %arg1, %mul3A_160 : i32
        %lt3A = arith.constant 625 : i32
        %lt3A_161 = arith.cmpi slt, %add3A, %lt3A : i32
        %convert_element_type3A_162 = arith.extui %lt3A_161 : i1 to i32
        %cond3A_163 = arith.constant 0 : i32
        %cond3A_164 = arith.cmpi ne, %convert_element_type3A_162, %cond3A_163 : i32
        scf.if %cond3A_164 {
          %add3A_166 = arith.constant 0 : i32
          %add3A_167 = arith.addi %add3A_166, %add3A : i32
          %mul3A_168 = arith.constant 128 : i32
          %mul3A_169 = arith.muli %add3A_167, %mul3A_168 : i32
          "tpu.region"() ({
            %run_scoped3A = tpu.sem_alloc : memref<!tpu.dma_semaphore, #tpu.memory_space<semaphore_mem>>
            %dma_start3A = tpu.memref_slice %arg10[%mul3A_169] : memref<160000xi32, #tpu.memory_space<hbm>> -> memref<128xi32, #tpu.memory_space<hbm>>
            %dma_start3A_170 = tpu.memref_slice %arg10[%mul3A_169] : memref<160000xi32, #tpu.memory_space<hbm>> -> memref<128xi32, #tpu.memory_space<hbm>>
            tpu.enqueue_dma source(%dma_start3A_170 : memref<128xi32, #tpu.memory_space<hbm>>) target(%arg18 : memref<128xi32, #tpu.memory_space<vmem>>) target_semaphore(%run_scoped3A : memref<!tpu.dma_semaphore, #tpu.memory_space<semaphore_mem>>)
            %dma_wait3A = tpu.memref_slice %arg10[%mul3A_169] : memref<160000xi32, #tpu.memory_space<hbm>> -> memref<128xi32, #tpu.memory_space<hbm>>
            %dma_wait3A_171 = tpu.memref_slice %arg10[%mul3A_169] : memref<160000xi32, #tpu.memory_space<hbm>> -> memref<128xi32, #tpu.memory_space<hbm>>
            tpu.wait_dma2 semaphore(%run_scoped3A : memref<!tpu.dma_semaphore, #tpu.memory_space<semaphore_mem>>) src(%dma_wait3A_171 : memref<128xi32, #tpu.memory_space<hbm>>) dst(%arg18 : memref<128xi32, #tpu.memory_space<vmem>>)
            tpu.yield
          }) : () -> ()
          "tpu.region"() ({
            %run_scoped3A = tpu.sem_alloc : memref<!tpu.dma_semaphore, #tpu.memory_space<semaphore_mem>>
            %dma_start3A = arith.constant 0 : i32
            %dma_start3A_170 = arith.constant 0 : i32
            %dma_start3A_171 = tpu.memref_slice %arg20[%dma_start3A, %dma_start3A_170] : memref<10240x128xf32, #tpu.memory_space<vmem_shared>> -> memref<10240x128xf32, #tpu.memory_space<vmem_shared>>
            tpu.enqueue_indirect_dma source(%arg22 : memref<128x128xf32, #tpu.memory_space<vmem>>) target(%dma_start3A_171 : memref<10240x128xf32, #tpu.memory_space<vmem_shared>>) offsets(%arg18 : memref<128xi32, #tpu.memory_space<vmem>>) semaphore(%run_scoped3A : memref<!tpu.dma_semaphore, #tpu.memory_space<semaphore_mem>>) {add = true}
            %dma_wait3A = arith.constant 0 : i32
            %dma_wait3A_172 = arith.constant 0 : i32
            %dma_wait3A_173 = tpu.memref_slice %arg20[%dma_wait3A, %dma_wait3A_172] : memref<10240x128xf32, #tpu.memory_space<vmem_shared>> -> memref<10240x128xf32, #tpu.memory_space<vmem_shared>>
            tpu.wait_indirect_dma semaphore(%run_scoped3A : memref<!tpu.dma_semaphore, #tpu.memory_space<semaphore_mem>>) src(%arg22 : memref<128x128xf32, #tpu.memory_space<vmem>>) dst(%dma_wait3A_173 : memref<10240x128xf32, #tpu.memory_space<vmem_shared>>)
            tpu.yield
          }) : () -> ()
        } else {
        }
        %scan3A_165 = arith.constant 0 : i32
        scf.yield %scan3A_165 : i32
      }
      %scan3A_156 = arith.constant 40 : i32
    } else {
    }
    %eq3A_113 = arith.constant 1 : i32
    %eq3A_114 = arith.cmpi eq, %arg0, %eq3A_113 : i32
    %convert_element_type3A_115 = arith.extui %eq3A_114 : i1 to i32
    %cond3A_116 = arith.constant 0 : i32
    %cond3A_117 = arith.cmpi ne, %convert_element_type3A_115, %cond3A_116 : i32
    scf.if %cond3A_117 {
      %scan3A = arith.constant 0 : i32
      %scan3A_151 = arith.constant 0 : i32
      %scan3A_152 = arith.constant 40 : i32
      %scan3A_153 = arith.addi %scan3A_151, %scan3A_152 : i32
      %scan3A_154 = arith.constant 1 : i32
      %scan3A_155 = scf.for %scan3A_157 = %scan3A_151 to %scan3A_153 step %scan3A_154 iter_args(%scan3A_158 = %scan3A) -> (i32)  : i32 {
        %mul3A_159 = arith.constant 16 : i32
        %mul3A_160 = arith.muli %scan3A_157, %mul3A_159 : i32
        %add3A = arith.addi %arg1, %mul3A_160 : i32
        %lt3A = arith.constant 625 : i32
        %lt3A_161 = arith.cmpi slt, %add3A, %lt3A : i32
        %convert_element_type3A_162 = arith.extui %lt3A_161 : i1 to i32
        %cond3A_163 = arith.constant 0 : i32
        %cond3A_164 = arith.cmpi ne, %convert_element_type3A_162, %cond3A_163 : i32
        scf.if %cond3A_164 {
          %add3A_166 = arith.constant 625 : i32
          %add3A_167 = arith.addi %add3A_166, %add3A : i32
          %mul3A_168 = arith.constant 128 : i32
          %mul3A_169 = arith.muli %add3A_167, %mul3A_168 : i32
          "tpu.region"() ({
            %run_scoped3A = tpu.sem_alloc : memref<!tpu.dma_semaphore, #tpu.memory_space<semaphore_mem>>
            %dma_start3A = tpu.memref_slice %arg10[%mul3A_169] : memref<160000xi32, #tpu.memory_space<hbm>> -> memref<128xi32, #tpu.memory_space<hbm>>
            %dma_start3A_170 = tpu.memref_slice %arg10[%mul3A_169] : memref<160000xi32, #tpu.memory_space<hbm>> -> memref<128xi32, #tpu.memory_space<hbm>>
            tpu.enqueue_dma source(%dma_start3A_170 : memref<128xi32, #tpu.memory_space<hbm>>) target(%arg18 : memref<128xi32, #tpu.memory_space<vmem>>) target_semaphore(%run_scoped3A : memref<!tpu.dma_semaphore, #tpu.memory_space<semaphore_mem>>)
            %dma_wait3A = tpu.memref_slice %arg10[%mul3A_169] : memref<160000xi32, #tpu.memory_space<hbm>> -> memref<128xi32, #tpu.memory_space<hbm>>
            %dma_wait3A_171 = tpu.memref_slice %arg10[%mul3A_169] : memref<160000xi32, #tpu.memory_space<hbm>> -> memref<128xi32, #tpu.memory_space<hbm>>
            tpu.wait_dma2 semaphore(%run_scoped3A : memref<!tpu.dma_semaphore, #tpu.memory_space<semaphore_mem>>) src(%dma_wait3A_171 : memref<128xi32, #tpu.memory_space<hbm>>) dst(%arg18 : memref<128xi32, #tpu.memory_space<vmem>>)
            tpu.yield
          }) : () -> ()
          "tpu.region"() ({
            %run_scoped3A = tpu.sem_alloc : memref<!tpu.dma_semaphore, #tpu.memory_space<semaphore_mem>>
            %dma_start3A = arith.constant 0 : i32
            %dma_start3A_170 = arith.constant 0 : i32
            %dma_start3A_171 = tpu.memref_slice %arg20[%dma_start3A, %dma_start3A_170] : memref<10240x128xf32, #tpu.memory_space<vmem_shared>> -> memref<10240x128xf32, #tpu.memory_space<vmem_shared>>
            tpu.enqueue_indirect_dma source(%arg22 : memref<128x128xf32, #tpu.memory_space<vmem>>) target(%dma_start3A_171 : memref<10240x128xf32, #tpu.memory_space<vmem_shared>>) offsets(%arg18 : memref<128xi32, #tpu.memory_space<vmem>>) semaphore(%run_scoped3A : memref<!tpu.dma_semaphore, #tpu.memory_space<semaphore_mem>>) {add = true}
            %dma_wait3A = arith.constant 0 : i32
            %dma_wait3A_172 = arith.constant 0 : i32
            %dma_wait3A_173 = tpu.memref_slice %arg20[%dma_wait3A, %dma_wait3A_172] : memref<10240x128xf32, #tpu.memory_space<vmem_shared>> -> memref<10240x128xf32, #tpu.memory_space<vmem_shared>>
            tpu.wait_indirect_dma semaphore(%run_scoped3A : memref<!tpu.dma_semaphore, #tpu.memory_space<semaphore_mem>>) src(%arg22 : memref<128x128xf32, #tpu.memory_space<vmem>>) dst(%dma_wait3A_173 : memref<10240x128xf32, #tpu.memory_space<vmem_shared>>)
            tpu.yield
          }) : () -> ()
        } else {
        }
        %scan3A_165 = arith.constant 0 : i32
        scf.yield %scan3A_165 : i32
      }
      %scan3A_156 = arith.constant 40 : i32
    } else {
    }
    %barrier3A_118 = arith.constant 0 : index
    tpu.barrier barrier_id(%barrier3A_118)
    %eq3A_119 = arith.constant 0 : i32
    %eq3A_120 = arith.cmpi eq, %arg0, %eq3A_119 : i32
    %convert_element_type3A_121 = arith.extui %eq3A_120 : i1 to i32
    %cond3A_122 = arith.constant 0 : i32
    %cond3A_123 = arith.cmpi ne, %convert_element_type3A_121, %cond3A_122 : i32
    scf.if %cond3A_123 {
      %run_scoped3A = arith.constant 6 : i32
      "tpu.region"() ({
        %run_scoped3A_151 = tpu.sem_alloc : memref<!tpu.dma_semaphore, #tpu.memory_space<semaphore_mem>>
        %dma_start3A = arith.constant 0 : i32
        %dma_start3A_152 = tpu.memref_slice %arg16[%run_scoped3A, %mul3A_0, %dma_start3A] : memref<10x10240x128xf32, #tpu.memory_space<hbm>> -> memref<1x640x128xf32, #tpu.memory_space<hbm>>
        %dma_start3A_153 = tpu.memref_squeeze %dma_start3A_152 : memref<1x640x128xf32, #tpu.memory_space<hbm>> -> memref<640x128xf32, #tpu.memory_space<hbm>>
        %dma_start3A_154 = arith.constant 0 : i32
        %dma_start3A_155 = tpu.memref_slice %arg20[%mul3A_0, %dma_start3A_154] : memref<10240x128xf32, #tpu.memory_space<vmem_shared>> -> memref<640x128xf32, #tpu.memory_space<vmem_shared>>
        tpu.enqueue_dma source(%dma_start3A_155 : memref<640x128xf32, #tpu.memory_space<vmem_shared>>) target(%dma_start3A_153 : memref<640x128xf32, #tpu.memory_space<hbm>>) target_semaphore(%run_scoped3A_151 : memref<!tpu.dma_semaphore, #tpu.memory_space<semaphore_mem>>)
        %dma_wait3A = arith.constant 0 : i32
        %dma_wait3A_156 = tpu.memref_slice %arg16[%run_scoped3A, %mul3A_0, %dma_wait3A] : memref<10x10240x128xf32, #tpu.memory_space<hbm>> -> memref<1x640x128xf32, #tpu.memory_space<hbm>>
        %dma_wait3A_157 = tpu.memref_squeeze %dma_wait3A_156 : memref<1x640x128xf32, #tpu.memory_space<hbm>> -> memref<640x128xf32, #tpu.memory_space<hbm>>
        %dma_wait3A_158 = arith.constant 0 : i32
        %dma_wait3A_159 = tpu.memref_slice %arg20[%mul3A_0, %dma_wait3A_158] : memref<10240x128xf32, #tpu.memory_space<vmem_shared>> -> memref<640x128xf32, #tpu.memory_space<vmem_shared>>
        tpu.wait_dma2 semaphore(%run_scoped3A_151 : memref<!tpu.dma_semaphore, #tpu.memory_space<semaphore_mem>>) src(%dma_wait3A_159 : memref<640x128xf32, #tpu.memory_space<vmem_shared>>) dst(%dma_wait3A_157 : memref<640x128xf32, #tpu.memory_space<hbm>>)
        tpu.yield
      }) : () -> ()
    } else {
    }
    %eq3A_124 = arith.constant 1 : i32
    %eq3A_125 = arith.cmpi eq, %arg0, %eq3A_124 : i32
    %convert_element_type3A_126 = arith.extui %eq3A_125 : i1 to i32
    %cond3A_127 = arith.constant 0 : i32
    %cond3A_128 = arith.cmpi ne, %convert_element_type3A_126, %cond3A_127 : i32
    scf.if %cond3A_128 {
      %run_scoped3A = arith.constant 7 : i32
      "tpu.region"() ({
        %run_scoped3A_151 = tpu.sem_alloc : memref<!tpu.dma_semaphore, #tpu.memory_space<semaphore_mem>>
        %dma_start3A = arith.constant 0 : i32
        %dma_start3A_152 = tpu.memref_slice %arg16[%run_scoped3A, %mul3A_0, %dma_start3A] : memref<10x10240x128xf32, #tpu.memory_space<hbm>> -> memref<1x640x128xf32, #tpu.memory_space<hbm>>
        %dma_start3A_153 = tpu.memref_squeeze %dma_start3A_152 : memref<1x640x128xf32, #tpu.memory_space<hbm>> -> memref<640x128xf32, #tpu.memory_space<hbm>>
        %dma_start3A_154 = arith.constant 0 : i32
        %dma_start3A_155 = tpu.memref_slice %arg20[%mul3A_0, %dma_start3A_154] : memref<10240x128xf32, #tpu.memory_space<vmem_shared>> -> memref<640x128xf32, #tpu.memory_space<vmem_shared>>
        tpu.enqueue_dma source(%dma_start3A_155 : memref<640x128xf32, #tpu.memory_space<vmem_shared>>) target(%dma_start3A_153 : memref<640x128xf32, #tpu.memory_space<hbm>>) target_semaphore(%run_scoped3A_151 : memref<!tpu.dma_semaphore, #tpu.memory_space<semaphore_mem>>)
        %dma_wait3A = arith.constant 0 : i32
        %dma_wait3A_156 = tpu.memref_slice %arg16[%run_scoped3A, %mul3A_0, %dma_wait3A] : memref<10x10240x128xf32, #tpu.memory_space<hbm>> -> memref<1x640x128xf32, #tpu.memory_space<hbm>>
        %dma_wait3A_157 = tpu.memref_squeeze %dma_wait3A_156 : memref<1x640x128xf32, #tpu.memory_space<hbm>> -> memref<640x128xf32, #tpu.memory_space<hbm>>
        %dma_wait3A_158 = arith.constant 0 : i32
        %dma_wait3A_159 = tpu.memref_slice %arg20[%mul3A_0, %dma_wait3A_158] : memref<10240x128xf32, #tpu.memory_space<vmem_shared>> -> memref<640x128xf32, #tpu.memory_space<vmem_shared>>
        tpu.wait_dma2 semaphore(%run_scoped3A_151 : memref<!tpu.dma_semaphore, #tpu.memory_space<semaphore_mem>>) src(%dma_wait3A_159 : memref<640x128xf32, #tpu.memory_space<vmem_shared>>) dst(%dma_wait3A_157 : memref<640x128xf32, #tpu.memory_space<hbm>>)
        tpu.yield
      }) : () -> ()
    } else {
    }
    "tpu.region"() ({
      %run_scoped3A = tpu.sem_alloc : memref<!tpu.dma_semaphore, #tpu.memory_space<semaphore_mem>>
      %dma_start3A = arith.constant 0 : i32
      %dma_start3A_151 = tpu.memref_slice %arg20[%mul3A_0, %dma_start3A] : memref<10240x128xf32, #tpu.memory_space<vmem_shared>> -> memref<640x128xf32, #tpu.memory_space<vmem_shared>>
      tpu.enqueue_dma source(%arg12 : memref<640x128xf32, #tpu.memory_space<hbm>>) target(%dma_start3A_151 : memref<640x128xf32, #tpu.memory_space<vmem_shared>>) target_semaphore(%run_scoped3A : memref<!tpu.dma_semaphore, #tpu.memory_space<semaphore_mem>>)
      %dma_wait3A = arith.constant 0 : i32
      %dma_wait3A_152 = tpu.memref_slice %arg20[%mul3A_0, %dma_wait3A] : memref<10240x128xf32, #tpu.memory_space<vmem_shared>> -> memref<640x128xf32, #tpu.memory_space<vmem_shared>>
      tpu.wait_dma2 semaphore(%run_scoped3A : memref<!tpu.dma_semaphore, #tpu.memory_space<semaphore_mem>>) src(%arg12 : memref<640x128xf32, #tpu.memory_space<hbm>>) dst(%dma_wait3A_152 : memref<640x128xf32, #tpu.memory_space<vmem_shared>>)
      tpu.yield
    }) : () -> ()
    %barrier3A_129 = arith.constant 0 : index
    tpu.barrier barrier_id(%barrier3A_129)
    %eq3A_130 = arith.constant 0 : i32
    %eq3A_131 = arith.cmpi eq, %arg0, %eq3A_130 : i32
    %convert_element_type3A_132 = arith.extui %eq3A_131 : i1 to i32
    %cond3A_133 = arith.constant 0 : i32
    %cond3A_134 = arith.cmpi ne, %convert_element_type3A_132, %cond3A_133 : i32
    scf.if %cond3A_134 {
      %scan3A = arith.constant 0 : i32
      %scan3A_151 = arith.constant 0 : i32
      %scan3A_152 = arith.constant 40 : i32
      %scan3A_153 = arith.addi %scan3A_151, %scan3A_152 : i32
      %scan3A_154 = arith.constant 1 : i32
      %scan3A_155 = scf.for %scan3A_157 = %scan3A_151 to %scan3A_153 step %scan3A_154 iter_args(%scan3A_158 = %scan3A) -> (i32)  : i32 {
        %mul3A_159 = arith.constant 16 : i32
        %mul3A_160 = arith.muli %scan3A_157, %mul3A_159 : i32
        %add3A = arith.addi %arg1, %mul3A_160 : i32
        %lt3A = arith.constant 625 : i32
        %lt3A_161 = arith.cmpi slt, %add3A, %lt3A : i32
        %convert_element_type3A_162 = arith.extui %lt3A_161 : i1 to i32
        %cond3A_163 = arith.constant 0 : i32
        %cond3A_164 = arith.cmpi ne, %convert_element_type3A_162, %cond3A_163 : i32
        scf.if %cond3A_164 {
          %add3A_166 = arith.constant 0 : i32
          %add3A_167 = arith.addi %add3A_166, %add3A : i32
          %mul3A_168 = arith.constant 128 : i32
          %mul3A_169 = arith.muli %add3A_167, %mul3A_168 : i32
          "tpu.region"() ({
            %run_scoped3A = tpu.sem_alloc : memref<!tpu.dma_semaphore, #tpu.memory_space<semaphore_mem>>
            %dma_start3A = tpu.memref_slice %arg11[%mul3A_169] : memref<160000xi32, #tpu.memory_space<hbm>> -> memref<128xi32, #tpu.memory_space<hbm>>
            %dma_start3A_170 = tpu.memref_slice %arg11[%mul3A_169] : memref<160000xi32, #tpu.memory_space<hbm>> -> memref<128xi32, #tpu.memory_space<hbm>>
            tpu.enqueue_dma source(%dma_start3A_170 : memref<128xi32, #tpu.memory_space<hbm>>) target(%arg18 : memref<128xi32, #tpu.memory_space<vmem>>) target_semaphore(%run_scoped3A : memref<!tpu.dma_semaphore, #tpu.memory_space<semaphore_mem>>)
            %dma_wait3A = tpu.memref_slice %arg11[%mul3A_169] : memref<160000xi32, #tpu.memory_space<hbm>> -> memref<128xi32, #tpu.memory_space<hbm>>
            %dma_wait3A_171 = tpu.memref_slice %arg11[%mul3A_169] : memref<160000xi32, #tpu.memory_space<hbm>> -> memref<128xi32, #tpu.memory_space<hbm>>
            tpu.wait_dma2 semaphore(%run_scoped3A : memref<!tpu.dma_semaphore, #tpu.memory_space<semaphore_mem>>) src(%dma_wait3A_171 : memref<128xi32, #tpu.memory_space<hbm>>) dst(%arg18 : memref<128xi32, #tpu.memory_space<vmem>>)
            tpu.yield
          }) : () -> ()
          "tpu.region"() ({
            %run_scoped3A = tpu.sem_alloc : memref<!tpu.dma_semaphore, #tpu.memory_space<semaphore_mem>>
            %dma_start3A = arith.constant 0 : i32
            %dma_start3A_170 = arith.constant 0 : i32
            %dma_start3A_171 = tpu.memref_slice %arg20[%dma_start3A, %dma_start3A_170] : memref<10240x128xf32, #tpu.memory_space<vmem_shared>> -> memref<10240x128xf32, #tpu.memory_space<vmem_shared>>
            tpu.enqueue_indirect_dma source(%arg22 : memref<128x128xf32, #tpu.memory_space<vmem>>) target(%dma_start3A_171 : memref<10240x128xf32, #tpu.memory_space<vmem_shared>>) offsets(%arg18 : memref<128xi32, #tpu.memory_space<vmem>>) semaphore(%run_scoped3A : memref<!tpu.dma_semaphore, #tpu.memory_space<semaphore_mem>>) {add = true}
            %dma_wait3A = arith.constant 0 : i32
            %dma_wait3A_172 = arith.constant 0 : i32
            %dma_wait3A_173 = tpu.memref_slice %arg20[%dma_wait3A, %dma_wait3A_172] : memref<10240x128xf32, #tpu.memory_space<vmem_shared>> -> memref<10240x128xf32, #tpu.memory_space<vmem_shared>>
            tpu.wait_indirect_dma semaphore(%run_scoped3A : memref<!tpu.dma_semaphore, #tpu.memory_space<semaphore_mem>>) src(%arg22 : memref<128x128xf32, #tpu.memory_space<vmem>>) dst(%dma_wait3A_173 : memref<10240x128xf32, #tpu.memory_space<vmem_shared>>)
            tpu.yield
          }) : () -> ()
        } else {
        }
        %scan3A_165 = arith.constant 0 : i32
        scf.yield %scan3A_165 : i32
      }
      %scan3A_156 = arith.constant 40 : i32
    } else {
    }
    %eq3A_135 = arith.constant 1 : i32
    %eq3A_136 = arith.cmpi eq, %arg0, %eq3A_135 : i32
    %convert_element_type3A_137 = arith.extui %eq3A_136 : i1 to i32
    %cond3A_138 = arith.constant 0 : i32
    %cond3A_139 = arith.cmpi ne, %convert_element_type3A_137, %cond3A_138 : i32
    scf.if %cond3A_139 {
      %scan3A = arith.constant 0 : i32
      %scan3A_151 = arith.constant 0 : i32
      %scan3A_152 = arith.constant 40 : i32
      %scan3A_153 = arith.addi %scan3A_151, %scan3A_152 : i32
      %scan3A_154 = arith.constant 1 : i32
      %scan3A_155 = scf.for %scan3A_157 = %scan3A_151 to %scan3A_153 step %scan3A_154 iter_args(%scan3A_158 = %scan3A) -> (i32)  : i32 {
        %mul3A_159 = arith.constant 16 : i32
        %mul3A_160 = arith.muli %scan3A_157, %mul3A_159 : i32
        %add3A = arith.addi %arg1, %mul3A_160 : i32
        %lt3A = arith.constant 625 : i32
        %lt3A_161 = arith.cmpi slt, %add3A, %lt3A : i32
        %convert_element_type3A_162 = arith.extui %lt3A_161 : i1 to i32
        %cond3A_163 = arith.constant 0 : i32
        %cond3A_164 = arith.cmpi ne, %convert_element_type3A_162, %cond3A_163 : i32
        scf.if %cond3A_164 {
          %add3A_166 = arith.constant 625 : i32
          %add3A_167 = arith.addi %add3A_166, %add3A : i32
          %mul3A_168 = arith.constant 128 : i32
          %mul3A_169 = arith.muli %add3A_167, %mul3A_168 : i32
          "tpu.region"() ({
            %run_scoped3A = tpu.sem_alloc : memref<!tpu.dma_semaphore, #tpu.memory_space<semaphore_mem>>
            %dma_start3A = tpu.memref_slice %arg11[%mul3A_169] : memref<160000xi32, #tpu.memory_space<hbm>> -> memref<128xi32, #tpu.memory_space<hbm>>
            %dma_start3A_170 = tpu.memref_slice %arg11[%mul3A_169] : memref<160000xi32, #tpu.memory_space<hbm>> -> memref<128xi32, #tpu.memory_space<hbm>>
            tpu.enqueue_dma source(%dma_start3A_170 : memref<128xi32, #tpu.memory_space<hbm>>) target(%arg18 : memref<128xi32, #tpu.memory_space<vmem>>) target_semaphore(%run_scoped3A : memref<!tpu.dma_semaphore, #tpu.memory_space<semaphore_mem>>)
            %dma_wait3A = tpu.memref_slice %arg11[%mul3A_169] : memref<160000xi32, #tpu.memory_space<hbm>> -> memref<128xi32, #tpu.memory_space<hbm>>
            %dma_wait3A_171 = tpu.memref_slice %arg11[%mul3A_169] : memref<160000xi32, #tpu.memory_space<hbm>> -> memref<128xi32, #tpu.memory_space<hbm>>
            tpu.wait_dma2 semaphore(%run_scoped3A : memref<!tpu.dma_semaphore, #tpu.memory_space<semaphore_mem>>) src(%dma_wait3A_171 : memref<128xi32, #tpu.memory_space<hbm>>) dst(%arg18 : memref<128xi32, #tpu.memory_space<vmem>>)
            tpu.yield
          }) : () -> ()
          "tpu.region"() ({
            %run_scoped3A = tpu.sem_alloc : memref<!tpu.dma_semaphore, #tpu.memory_space<semaphore_mem>>
            %dma_start3A = arith.constant 0 : i32
            %dma_start3A_170 = arith.constant 0 : i32
            %dma_start3A_171 = tpu.memref_slice %arg20[%dma_start3A, %dma_start3A_170] : memref<10240x128xf32, #tpu.memory_space<vmem_shared>> -> memref<10240x128xf32, #tpu.memory_space<vmem_shared>>
            tpu.enqueue_indirect_dma source(%arg22 : memref<128x128xf32, #tpu.memory_space<vmem>>) target(%dma_start3A_171 : memref<10240x128xf32, #tpu.memory_space<vmem_shared>>) offsets(%arg18 : memref<128xi32, #tpu.memory_space<vmem>>) semaphore(%run_scoped3A : memref<!tpu.dma_semaphore, #tpu.memory_space<semaphore_mem>>) {add = true}
            %dma_wait3A = arith.constant 0 : i32
            %dma_wait3A_172 = arith.constant 0 : i32
            %dma_wait3A_173 = tpu.memref_slice %arg20[%dma_wait3A, %dma_wait3A_172] : memref<10240x128xf32, #tpu.memory_space<vmem_shared>> -> memref<10240x128xf32, #tpu.memory_space<vmem_shared>>
            tpu.wait_indirect_dma semaphore(%run_scoped3A : memref<!tpu.dma_semaphore, #tpu.memory_space<semaphore_mem>>) src(%arg22 : memref<128x128xf32, #tpu.memory_space<vmem>>) dst(%dma_wait3A_173 : memref<10240x128xf32, #tpu.memory_space<vmem_shared>>)
            tpu.yield
          }) : () -> ()
        } else {
        }
        %scan3A_165 = arith.constant 0 : i32
        scf.yield %scan3A_165 : i32
      }
      %scan3A_156 = arith.constant 40 : i32
    } else {
    }
    %barrier3A_140 = arith.constant 0 : index
    tpu.barrier barrier_id(%barrier3A_140)
    %eq3A_141 = arith.constant 0 : i32
    %eq3A_142 = arith.cmpi eq, %arg0, %eq3A_141 : i32
    %convert_element_type3A_143 = arith.extui %eq3A_142 : i1 to i32
    %cond3A_144 = arith.constant 0 : i32
    %cond3A_145 = arith.cmpi ne, %convert_element_type3A_143, %cond3A_144 : i32
    scf.if %cond3A_145 {
      %run_scoped3A = arith.constant 8 : i32
      "tpu.region"() ({
        %run_scoped3A_151 = tpu.sem_alloc : memref<!tpu.dma_semaphore, #tpu.memory_space<semaphore_mem>>
        %dma_start3A = arith.constant 0 : i32
        %dma_start3A_152 = tpu.memref_slice %arg16[%run_scoped3A, %mul3A_0, %dma_start3A] : memref<10x10240x128xf32, #tpu.memory_space<hbm>> -> memref<1x640x128xf32, #tpu.memory_space<hbm>>
        %dma_start3A_153 = tpu.memref_squeeze %dma_start3A_152 : memref<1x640x128xf32, #tpu.memory_space<hbm>> -> memref<640x128xf32, #tpu.memory_space<hbm>>
        %dma_start3A_154 = arith.constant 0 : i32
        %dma_start3A_155 = tpu.memref_slice %arg20[%mul3A_0, %dma_start3A_154] : memref<10240x128xf32, #tpu.memory_space<vmem_shared>> -> memref<640x128xf32, #tpu.memory_space<vmem_shared>>
        tpu.enqueue_dma source(%dma_start3A_155 : memref<640x128xf32, #tpu.memory_space<vmem_shared>>) target(%dma_start3A_153 : memref<640x128xf32, #tpu.memory_space<hbm>>) target_semaphore(%run_scoped3A_151 : memref<!tpu.dma_semaphore, #tpu.memory_space<semaphore_mem>>)
        %dma_wait3A = arith.constant 0 : i32
        %dma_wait3A_156 = tpu.memref_slice %arg16[%run_scoped3A, %mul3A_0, %dma_wait3A] : memref<10x10240x128xf32, #tpu.memory_space<hbm>> -> memref<1x640x128xf32, #tpu.memory_space<hbm>>
        %dma_wait3A_157 = tpu.memref_squeeze %dma_wait3A_156 : memref<1x640x128xf32, #tpu.memory_space<hbm>> -> memref<640x128xf32, #tpu.memory_space<hbm>>
        %dma_wait3A_158 = arith.constant 0 : i32
        %dma_wait3A_159 = tpu.memref_slice %arg20[%mul3A_0, %dma_wait3A_158] : memref<10240x128xf32, #tpu.memory_space<vmem_shared>> -> memref<640x128xf32, #tpu.memory_space<vmem_shared>>
        tpu.wait_dma2 semaphore(%run_scoped3A_151 : memref<!tpu.dma_semaphore, #tpu.memory_space<semaphore_mem>>) src(%dma_wait3A_159 : memref<640x128xf32, #tpu.memory_space<vmem_shared>>) dst(%dma_wait3A_157 : memref<640x128xf32, #tpu.memory_space<hbm>>)
        tpu.yield
      }) : () -> ()
    } else {
    }
    %eq3A_146 = arith.constant 1 : i32
    %eq3A_147 = arith.cmpi eq, %arg0, %eq3A_146 : i32
    %convert_element_type3A_148 = arith.extui %eq3A_147 : i1 to i32
    %cond3A_149 = arith.constant 0 : i32
    %cond3A_150 = arith.cmpi ne, %convert_element_type3A_148, %cond3A_149 : i32
    scf.if %cond3A_150 {
      %run_scoped3A = arith.constant 9 : i32
      "tpu.region"() ({
        %run_scoped3A_151 = tpu.sem_alloc : memref<!tpu.dma_semaphore, #tpu.memory_space<semaphore_mem>>
        %dma_start3A = arith.constant 0 : i32
        %dma_start3A_152 = tpu.memref_slice %arg16[%run_scoped3A, %mul3A_0, %dma_start3A] : memref<10x10240x128xf32, #tpu.memory_space<hbm>> -> memref<1x640x128xf32, #tpu.memory_space<hbm>>
        %dma_start3A_153 = tpu.memref_squeeze %dma_start3A_152 : memref<1x640x128xf32, #tpu.memory_space<hbm>> -> memref<640x128xf32, #tpu.memory_space<hbm>>
        %dma_start3A_154 = arith.constant 0 : i32
        %dma_start3A_155 = tpu.memref_slice %arg20[%mul3A_0, %dma_start3A_154] : memref<10240x128xf32, #tpu.memory_space<vmem_shared>> -> memref<640x128xf32, #tpu.memory_space<vmem_shared>>
        tpu.enqueue_dma source(%dma_start3A_155 : memref<640x128xf32, #tpu.memory_space<vmem_shared>>) target(%dma_start3A_153 : memref<640x128xf32, #tpu.memory_space<hbm>>) target_semaphore(%run_scoped3A_151 : memref<!tpu.dma_semaphore, #tpu.memory_space<semaphore_mem>>)
        %dma_wait3A = arith.constant 0 : i32
        %dma_wait3A_156 = tpu.memref_slice %arg16[%run_scoped3A, %mul3A_0, %dma_wait3A] : memref<10x10240x128xf32, #tpu.memory_space<hbm>> -> memref<1x640x128xf32, #tpu.memory_space<hbm>>
        %dma_wait3A_157 = tpu.memref_squeeze %dma_wait3A_156 : memref<1x640x128xf32, #tpu.memory_space<hbm>> -> memref<640x128xf32, #tpu.memory_space<hbm>>
        %dma_wait3A_158 = arith.constant 0 : i32
        %dma_wait3A_159 = tpu.memref_slice %arg20[%mul3A_0, %dma_wait3A_158] : memref<10240x128xf32, #tpu.memory_space<vmem_shared>> -> memref<640x128xf32, #tpu.memory_space<vmem_shared>>
        tpu.wait_dma2 semaphore(%run_scoped3A_151 : memref<!tpu.dma_semaphore, #tpu.memory_space<semaphore_mem>>) src(%dma_wait3A_159 : memref<640x128xf32, #tpu.memory_space<vmem_shared>>) dst(%dma_wait3A_157 : memref<640x128xf32, #tpu.memory_space<hbm>>)
        tpu.yield
      }) : () -> ()
    } else {
    }
    return
  }
}

#map = affine_map<(d0, d1) -> (0, 0)>
#map1 = affine_map<(d0, d1) -> (0)>
#map2 = affine_map<(d0, d1) -> (0, 0, 0)>
module attributes {stable_mosaic.version = 14 : i64} {
  func.func @body(%arg0: i32, %arg1: i32, %arg2: memref<40000x128xf32, #tpu.memory_space<hbm>>, %arg3: memref<160000xi32, #tpu.memory_space<hbm>>, %arg4: memref<160000xi32, #tpu.memory_space<hbm>>, %arg5: memref<160000xi32, #tpu.memory_space<hbm>>, %arg6: memref<160000xi32, #tpu.memory_space<hbm>>, %arg7: memref<160000xi32, #tpu.memory_space<hbm>>, %arg8: memref<640x128xf32, #tpu.memory_space<hbm>>, %arg9: memref<4x10240x128xf32, #tpu.memory_space<hbm>>, %arg10: memref<128xi32, #tpu.memory_space<vmem>>, %arg11: memref<128xi32, #tpu.memory_space<vmem>>, %arg12: memref<128x128xf32, #tpu.memory_space<vmem>>, %arg13: memref<10240x128xf32, #tpu.memory_space<vmem_shared>>, %arg14: memref<!tpu.dma_semaphore, #tpu.memory_space<semaphore_mem>>) attributes {dimension_semantics = [#tpu.dimension_semantics<core_parallel>, #tpu.dimension_semantics<subcore_parallel>], iteration_bounds = array<i64: 2, 16>, scalar_prefetch = 0 : i64, scratch_operands = 5 : i64, tpu.core_type = #tpu.core_type<sc_vector_subcore>, window_params = [{transform_indices = #map}, {transform_indices = #map1}, {transform_indices = #map1}, {transform_indices = #map1}, {transform_indices = #map1}, {transform_indices = #map1}, {transform_indices = #map}, {transform_indices = #map2}]} {
    %mul3A = arith.constant 640 : i32
    %mul3A_0 = arith.muli %arg1, %mul3A : i32
    "tpu.region"() ({
      %run_scoped3A = tpu.sem_alloc : memref<!tpu.dma_semaphore, #tpu.memory_space<semaphore_mem>>
      %dma_start3A = arith.constant 0 : i32
      %dma_start3A_41 = tpu.memref_slice %arg13[%mul3A_0, %dma_start3A] : memref<10240x128xf32, #tpu.memory_space<vmem_shared>> -> memref<640x128xf32, #tpu.memory_space<vmem_shared>>
      tpu.enqueue_dma source(%arg8 : memref<640x128xf32, #tpu.memory_space<hbm>>) target(%dma_start3A_41 : memref<640x128xf32, #tpu.memory_space<vmem_shared>>) target_semaphore(%run_scoped3A : memref<!tpu.dma_semaphore, #tpu.memory_space<semaphore_mem>>)
      %dma_wait3A = arith.constant 0 : i32
      %dma_wait3A_42 = tpu.memref_slice %arg13[%mul3A_0, %dma_wait3A] : memref<10240x128xf32, #tpu.memory_space<vmem_shared>> -> memref<640x128xf32, #tpu.memory_space<vmem_shared>>
      tpu.wait_dma2 semaphore(%run_scoped3A : memref<!tpu.dma_semaphore, #tpu.memory_space<semaphore_mem>>) src(%arg8 : memref<640x128xf32, #tpu.memory_space<hbm>>) dst(%dma_wait3A_42 : memref<640x128xf32, #tpu.memory_space<vmem_shared>>)
      tpu.yield
    }) : () -> ()
    %barrier3A = arith.constant 0 : index
    tpu.barrier barrier_id(%barrier3A)
    %eq3A = arith.constant 0 : i32
    %eq3A_1 = arith.cmpi eq, %arg0, %eq3A : i32
    %convert_element_type3A = arith.extui %eq3A_1 : i1 to i32
    %cond3A = arith.constant 0 : i32
    %cond3A_2 = arith.cmpi ne, %convert_element_type3A, %cond3A : i32
    scf.if %cond3A_2 {
      %scan3A = arith.constant 0 : i32
      %scan3A_41 = arith.constant 0 : i32
      %scan3A_42 = arith.constant 79 : i32
      %scan3A_43 = arith.addi %scan3A_41, %scan3A_42 : i32
      %scan3A_44 = arith.constant 1 : i32
      %scan3A_45 = scf.for %scan3A_47 = %scan3A_41 to %scan3A_43 step %scan3A_44 iter_args(%scan3A_48 = %scan3A) -> (i32)  : i32 {
        %mul3A_49 = arith.constant 16 : i32
        %mul3A_50 = arith.muli %scan3A_47, %mul3A_49 : i32
        %add3A = arith.addi %arg1, %mul3A_50 : i32
        %lt3A = arith.constant 1250 : i32
        %lt3A_51 = arith.cmpi slt, %add3A, %lt3A : i32
        %convert_element_type3A_52 = arith.extui %lt3A_51 : i1 to i32
        %cond3A_53 = arith.constant 0 : i32
        %cond3A_54 = arith.cmpi ne, %convert_element_type3A_52, %cond3A_53 : i32
        scf.if %cond3A_54 {
          %add3A_56 = arith.constant 0 : i32
          %add3A_57 = arith.addi %add3A_56, %add3A : i32
          %mul3A_58 = arith.constant 128 : i32
          %mul3A_59 = arith.muli %add3A_57, %mul3A_58 : i32
          %dma_start3A = tpu.memref_slice %arg3[%mul3A_59] : memref<160000xi32, #tpu.memory_space<hbm>> -> memref<128xi32, #tpu.memory_space<hbm>>
          %dma_start3A_60 = tpu.memref_slice %arg3[%mul3A_59] : memref<160000xi32, #tpu.memory_space<hbm>> -> memref<128xi32, #tpu.memory_space<hbm>>
          tpu.enqueue_dma source(%dma_start3A_60 : memref<128xi32, #tpu.memory_space<hbm>>) target(%arg10 : memref<128xi32, #tpu.memory_space<vmem>>) target_semaphore(%arg14 : memref<!tpu.dma_semaphore, #tpu.memory_space<semaphore_mem>>)
          %dma_start3A_61 = tpu.memref_slice %arg7[%mul3A_59] : memref<160000xi32, #tpu.memory_space<hbm>> -> memref<128xi32, #tpu.memory_space<hbm>>
          %dma_start3A_62 = tpu.memref_slice %arg7[%mul3A_59] : memref<160000xi32, #tpu.memory_space<hbm>> -> memref<128xi32, #tpu.memory_space<hbm>>
          tpu.enqueue_dma source(%dma_start3A_62 : memref<128xi32, #tpu.memory_space<hbm>>) target(%arg11 : memref<128xi32, #tpu.memory_space<vmem>>) target_semaphore(%arg14 : memref<!tpu.dma_semaphore, #tpu.memory_space<semaphore_mem>>)
          %dma_wait3A = tpu.memref_slice %arg3[%mul3A_59] : memref<160000xi32, #tpu.memory_space<hbm>> -> memref<128xi32, #tpu.memory_space<hbm>>
          %dma_wait3A_63 = tpu.memref_slice %arg3[%mul3A_59] : memref<160000xi32, #tpu.memory_space<hbm>> -> memref<128xi32, #tpu.memory_space<hbm>>
          tpu.wait_dma2 semaphore(%arg14 : memref<!tpu.dma_semaphore, #tpu.memory_space<semaphore_mem>>) src(%dma_wait3A_63 : memref<128xi32, #tpu.memory_space<hbm>>) dst(%arg10 : memref<128xi32, #tpu.memory_space<vmem>>)
          %dma_wait3A_64 = tpu.memref_slice %arg7[%mul3A_59] : memref<160000xi32, #tpu.memory_space<hbm>> -> memref<128xi32, #tpu.memory_space<hbm>>
          %dma_wait3A_65 = tpu.memref_slice %arg7[%mul3A_59] : memref<160000xi32, #tpu.memory_space<hbm>> -> memref<128xi32, #tpu.memory_space<hbm>>
          tpu.wait_dma2 semaphore(%arg14 : memref<!tpu.dma_semaphore, #tpu.memory_space<semaphore_mem>>) src(%dma_wait3A_65 : memref<128xi32, #tpu.memory_space<hbm>>) dst(%arg11 : memref<128xi32, #tpu.memory_space<vmem>>)
          %dma_start3A_66 = arith.constant 0 : i32
          %dma_start3A_67 = arith.constant 0 : i32
          %dma_start3A_68 = tpu.memref_slice %arg2[%dma_start3A_66, %dma_start3A_67] : memref<40000x128xf32, #tpu.memory_space<hbm>> -> memref<40000x128xf32, #tpu.memory_space<hbm>>
          tpu.enqueue_indirect_dma source(%dma_start3A_68 : memref<40000x128xf32, #tpu.memory_space<hbm>>) target(%arg12 : memref<128x128xf32, #tpu.memory_space<vmem>>) offsets(%arg10 : memref<128xi32, #tpu.memory_space<vmem>>) semaphore(%arg14 : memref<!tpu.dma_semaphore, #tpu.memory_space<semaphore_mem>>)
          %dma_wait3A_69 = arith.constant 0 : i32
          %dma_wait3A_70 = arith.constant 0 : i32
          %dma_wait3A_71 = tpu.memref_slice %arg2[%dma_wait3A_69, %dma_wait3A_70] : memref<40000x128xf32, #tpu.memory_space<hbm>> -> memref<40000x128xf32, #tpu.memory_space<hbm>>
          tpu.wait_indirect_dma semaphore(%arg14 : memref<!tpu.dma_semaphore, #tpu.memory_space<semaphore_mem>>) src(%dma_wait3A_71 : memref<40000x128xf32, #tpu.memory_space<hbm>>) dst(%arg12 : memref<128x128xf32, #tpu.memory_space<vmem>>)
          "tpu.region"() ({
            %run_scoped3A = tpu.sem_alloc : memref<!tpu.dma_semaphore, #tpu.memory_space<semaphore_mem>>
            %dma_start3A_72 = arith.constant 0 : i32
            %dma_start3A_73 = arith.constant 0 : i32
            %dma_start3A_74 = tpu.memref_slice %arg13[%dma_start3A_72, %dma_start3A_73] : memref<10240x128xf32, #tpu.memory_space<vmem_shared>> -> memref<10240x128xf32, #tpu.memory_space<vmem_shared>>
            tpu.enqueue_indirect_dma source(%arg12 : memref<128x128xf32, #tpu.memory_space<vmem>>) target(%dma_start3A_74 : memref<10240x128xf32, #tpu.memory_space<vmem_shared>>) offsets(%arg11 : memref<128xi32, #tpu.memory_space<vmem>>) semaphore(%run_scoped3A : memref<!tpu.dma_semaphore, #tpu.memory_space<semaphore_mem>>) {add = true}
            %dma_wait3A_75 = arith.constant 0 : i32
            %dma_wait3A_76 = arith.constant 0 : i32
            %dma_wait3A_77 = tpu.memref_slice %arg13[%dma_wait3A_75, %dma_wait3A_76] : memref<10240x128xf32, #tpu.memory_space<vmem_shared>> -> memref<10240x128xf32, #tpu.memory_space<vmem_shared>>
            tpu.wait_indirect_dma semaphore(%run_scoped3A : memref<!tpu.dma_semaphore, #tpu.memory_space<semaphore_mem>>) src(%arg12 : memref<128x128xf32, #tpu.memory_space<vmem>>) dst(%dma_wait3A_77 : memref<10240x128xf32, #tpu.memory_space<vmem_shared>>)
            tpu.yield
          }) : () -> ()
        } else {
        }
        %scan3A_55 = arith.constant 0 : i32
        scf.yield %scan3A_55 : i32
      }
      %scan3A_46 = arith.constant 79 : i32
    } else {
    }
    %eq3A_3 = arith.constant 1 : i32
    %eq3A_4 = arith.cmpi eq, %arg0, %eq3A_3 : i32
    %convert_element_type3A_5 = arith.extui %eq3A_4 : i1 to i32
    %cond3A_6 = arith.constant 0 : i32
    %cond3A_7 = arith.cmpi ne, %convert_element_type3A_5, %cond3A_6 : i32
    scf.if %cond3A_7 {
      %scan3A = arith.constant 0 : i32
      %scan3A_41 = arith.constant 0 : i32
      %scan3A_42 = arith.constant 79 : i32
      %scan3A_43 = arith.addi %scan3A_41, %scan3A_42 : i32
      %scan3A_44 = arith.constant 1 : i32
      %scan3A_45 = scf.for %scan3A_47 = %scan3A_41 to %scan3A_43 step %scan3A_44 iter_args(%scan3A_48 = %scan3A) -> (i32)  : i32 {
        %mul3A_49 = arith.constant 16 : i32
        %mul3A_50 = arith.muli %scan3A_47, %mul3A_49 : i32
        %add3A = arith.addi %arg1, %mul3A_50 : i32
        %lt3A = arith.constant 1250 : i32
        %lt3A_51 = arith.cmpi slt, %add3A, %lt3A : i32
        %convert_element_type3A_52 = arith.extui %lt3A_51 : i1 to i32
        %cond3A_53 = arith.constant 0 : i32
        %cond3A_54 = arith.cmpi ne, %convert_element_type3A_52, %cond3A_53 : i32
        scf.if %cond3A_54 {
          %add3A_56 = arith.constant 0 : i32
          %add3A_57 = arith.addi %add3A_56, %add3A : i32
          %mul3A_58 = arith.constant 128 : i32
          %mul3A_59 = arith.muli %add3A_57, %mul3A_58 : i32
          %dma_start3A = tpu.memref_slice %arg5[%mul3A_59] : memref<160000xi32, #tpu.memory_space<hbm>> -> memref<128xi32, #tpu.memory_space<hbm>>
          %dma_start3A_60 = tpu.memref_slice %arg5[%mul3A_59] : memref<160000xi32, #tpu.memory_space<hbm>> -> memref<128xi32, #tpu.memory_space<hbm>>
          tpu.enqueue_dma source(%dma_start3A_60 : memref<128xi32, #tpu.memory_space<hbm>>) target(%arg10 : memref<128xi32, #tpu.memory_space<vmem>>) target_semaphore(%arg14 : memref<!tpu.dma_semaphore, #tpu.memory_space<semaphore_mem>>)
          %dma_start3A_61 = tpu.memref_slice %arg7[%mul3A_59] : memref<160000xi32, #tpu.memory_space<hbm>> -> memref<128xi32, #tpu.memory_space<hbm>>
          %dma_start3A_62 = tpu.memref_slice %arg7[%mul3A_59] : memref<160000xi32, #tpu.memory_space<hbm>> -> memref<128xi32, #tpu.memory_space<hbm>>
          tpu.enqueue_dma source(%dma_start3A_62 : memref<128xi32, #tpu.memory_space<hbm>>) target(%arg11 : memref<128xi32, #tpu.memory_space<vmem>>) target_semaphore(%arg14 : memref<!tpu.dma_semaphore, #tpu.memory_space<semaphore_mem>>)
          %dma_wait3A = tpu.memref_slice %arg5[%mul3A_59] : memref<160000xi32, #tpu.memory_space<hbm>> -> memref<128xi32, #tpu.memory_space<hbm>>
          %dma_wait3A_63 = tpu.memref_slice %arg5[%mul3A_59] : memref<160000xi32, #tpu.memory_space<hbm>> -> memref<128xi32, #tpu.memory_space<hbm>>
          tpu.wait_dma2 semaphore(%arg14 : memref<!tpu.dma_semaphore, #tpu.memory_space<semaphore_mem>>) src(%dma_wait3A_63 : memref<128xi32, #tpu.memory_space<hbm>>) dst(%arg10 : memref<128xi32, #tpu.memory_space<vmem>>)
          %dma_wait3A_64 = tpu.memref_slice %arg7[%mul3A_59] : memref<160000xi32, #tpu.memory_space<hbm>> -> memref<128xi32, #tpu.memory_space<hbm>>
          %dma_wait3A_65 = tpu.memref_slice %arg7[%mul3A_59] : memref<160000xi32, #tpu.memory_space<hbm>> -> memref<128xi32, #tpu.memory_space<hbm>>
          tpu.wait_dma2 semaphore(%arg14 : memref<!tpu.dma_semaphore, #tpu.memory_space<semaphore_mem>>) src(%dma_wait3A_65 : memref<128xi32, #tpu.memory_space<hbm>>) dst(%arg11 : memref<128xi32, #tpu.memory_space<vmem>>)
          %dma_start3A_66 = arith.constant 0 : i32
          %dma_start3A_67 = arith.constant 0 : i32
          %dma_start3A_68 = tpu.memref_slice %arg2[%dma_start3A_66, %dma_start3A_67] : memref<40000x128xf32, #tpu.memory_space<hbm>> -> memref<40000x128xf32, #tpu.memory_space<hbm>>
          tpu.enqueue_indirect_dma source(%dma_start3A_68 : memref<40000x128xf32, #tpu.memory_space<hbm>>) target(%arg12 : memref<128x128xf32, #tpu.memory_space<vmem>>) offsets(%arg10 : memref<128xi32, #tpu.memory_space<vmem>>) semaphore(%arg14 : memref<!tpu.dma_semaphore, #tpu.memory_space<semaphore_mem>>)
          %dma_wait3A_69 = arith.constant 0 : i32
          %dma_wait3A_70 = arith.constant 0 : i32
          %dma_wait3A_71 = tpu.memref_slice %arg2[%dma_wait3A_69, %dma_wait3A_70] : memref<40000x128xf32, #tpu.memory_space<hbm>> -> memref<40000x128xf32, #tpu.memory_space<hbm>>
          tpu.wait_indirect_dma semaphore(%arg14 : memref<!tpu.dma_semaphore, #tpu.memory_space<semaphore_mem>>) src(%dma_wait3A_71 : memref<40000x128xf32, #tpu.memory_space<hbm>>) dst(%arg12 : memref<128x128xf32, #tpu.memory_space<vmem>>)
          "tpu.region"() ({
            %run_scoped3A = tpu.sem_alloc : memref<!tpu.dma_semaphore, #tpu.memory_space<semaphore_mem>>
            %dma_start3A_72 = arith.constant 0 : i32
            %dma_start3A_73 = arith.constant 0 : i32
            %dma_start3A_74 = tpu.memref_slice %arg13[%dma_start3A_72, %dma_start3A_73] : memref<10240x128xf32, #tpu.memory_space<vmem_shared>> -> memref<10240x128xf32, #tpu.memory_space<vmem_shared>>
            tpu.enqueue_indirect_dma source(%arg12 : memref<128x128xf32, #tpu.memory_space<vmem>>) target(%dma_start3A_74 : memref<10240x128xf32, #tpu.memory_space<vmem_shared>>) offsets(%arg11 : memref<128xi32, #tpu.memory_space<vmem>>) semaphore(%run_scoped3A : memref<!tpu.dma_semaphore, #tpu.memory_space<semaphore_mem>>) {add = true}
            %dma_wait3A_75 = arith.constant 0 : i32
            %dma_wait3A_76 = arith.constant 0 : i32
            %dma_wait3A_77 = tpu.memref_slice %arg13[%dma_wait3A_75, %dma_wait3A_76] : memref<10240x128xf32, #tpu.memory_space<vmem_shared>> -> memref<10240x128xf32, #tpu.memory_space<vmem_shared>>
            tpu.wait_indirect_dma semaphore(%run_scoped3A : memref<!tpu.dma_semaphore, #tpu.memory_space<semaphore_mem>>) src(%arg12 : memref<128x128xf32, #tpu.memory_space<vmem>>) dst(%dma_wait3A_77 : memref<10240x128xf32, #tpu.memory_space<vmem_shared>>)
            tpu.yield
          }) : () -> ()
        } else {
        }
        %scan3A_55 = arith.constant 0 : i32
        scf.yield %scan3A_55 : i32
      }
      %scan3A_46 = arith.constant 79 : i32
    } else {
    }
    %barrier3A_8 = arith.constant 0 : index
    tpu.barrier barrier_id(%barrier3A_8)
    %eq3A_9 = arith.constant 0 : i32
    %eq3A_10 = arith.cmpi eq, %arg0, %eq3A_9 : i32
    %convert_element_type3A_11 = arith.extui %eq3A_10 : i1 to i32
    %cond3A_12 = arith.constant 0 : i32
    %cond3A_13 = arith.cmpi ne, %convert_element_type3A_11, %cond3A_12 : i32
    scf.if %cond3A_13 {
      %run_scoped3A = arith.constant 0 : i32
      "tpu.region"() ({
        %run_scoped3A_41 = tpu.sem_alloc : memref<!tpu.dma_semaphore, #tpu.memory_space<semaphore_mem>>
        %dma_start3A = arith.constant 0 : i32
        %dma_start3A_42 = tpu.memref_slice %arg9[%run_scoped3A, %mul3A_0, %dma_start3A] : memref<4x10240x128xf32, #tpu.memory_space<hbm>> -> memref<1x640x128xf32, #tpu.memory_space<hbm>>
        %dma_start3A_43 = tpu.memref_squeeze %dma_start3A_42 : memref<1x640x128xf32, #tpu.memory_space<hbm>> -> memref<640x128xf32, #tpu.memory_space<hbm>>
        %dma_start3A_44 = arith.constant 0 : i32
        %dma_start3A_45 = tpu.memref_slice %arg13[%mul3A_0, %dma_start3A_44] : memref<10240x128xf32, #tpu.memory_space<vmem_shared>> -> memref<640x128xf32, #tpu.memory_space<vmem_shared>>
        tpu.enqueue_dma source(%dma_start3A_45 : memref<640x128xf32, #tpu.memory_space<vmem_shared>>) target(%dma_start3A_43 : memref<640x128xf32, #tpu.memory_space<hbm>>) target_semaphore(%run_scoped3A_41 : memref<!tpu.dma_semaphore, #tpu.memory_space<semaphore_mem>>)
        %dma_wait3A = arith.constant 0 : i32
        %dma_wait3A_46 = tpu.memref_slice %arg9[%run_scoped3A, %mul3A_0, %dma_wait3A] : memref<4x10240x128xf32, #tpu.memory_space<hbm>> -> memref<1x640x128xf32, #tpu.memory_space<hbm>>
        %dma_wait3A_47 = tpu.memref_squeeze %dma_wait3A_46 : memref<1x640x128xf32, #tpu.memory_space<hbm>> -> memref<640x128xf32, #tpu.memory_space<hbm>>
        %dma_wait3A_48 = arith.constant 0 : i32
        %dma_wait3A_49 = tpu.memref_slice %arg13[%mul3A_0, %dma_wait3A_48] : memref<10240x128xf32, #tpu.memory_space<vmem_shared>> -> memref<640x128xf32, #tpu.memory_space<vmem_shared>>
        tpu.wait_dma2 semaphore(%run_scoped3A_41 : memref<!tpu.dma_semaphore, #tpu.memory_space<semaphore_mem>>) src(%dma_wait3A_49 : memref<640x128xf32, #tpu.memory_space<vmem_shared>>) dst(%dma_wait3A_47 : memref<640x128xf32, #tpu.memory_space<hbm>>)
        tpu.yield
      }) : () -> ()
    } else {
    }
    %eq3A_14 = arith.constant 1 : i32
    %eq3A_15 = arith.cmpi eq, %arg0, %eq3A_14 : i32
    %convert_element_type3A_16 = arith.extui %eq3A_15 : i1 to i32
    %cond3A_17 = arith.constant 0 : i32
    %cond3A_18 = arith.cmpi ne, %convert_element_type3A_16, %cond3A_17 : i32
    scf.if %cond3A_18 {
      %run_scoped3A = arith.constant 2 : i32
      "tpu.region"() ({
        %run_scoped3A_41 = tpu.sem_alloc : memref<!tpu.dma_semaphore, #tpu.memory_space<semaphore_mem>>
        %dma_start3A = arith.constant 0 : i32
        %dma_start3A_42 = tpu.memref_slice %arg9[%run_scoped3A, %mul3A_0, %dma_start3A] : memref<4x10240x128xf32, #tpu.memory_space<hbm>> -> memref<1x640x128xf32, #tpu.memory_space<hbm>>
        %dma_start3A_43 = tpu.memref_squeeze %dma_start3A_42 : memref<1x640x128xf32, #tpu.memory_space<hbm>> -> memref<640x128xf32, #tpu.memory_space<hbm>>
        %dma_start3A_44 = arith.constant 0 : i32
        %dma_start3A_45 = tpu.memref_slice %arg13[%mul3A_0, %dma_start3A_44] : memref<10240x128xf32, #tpu.memory_space<vmem_shared>> -> memref<640x128xf32, #tpu.memory_space<vmem_shared>>
        tpu.enqueue_dma source(%dma_start3A_45 : memref<640x128xf32, #tpu.memory_space<vmem_shared>>) target(%dma_start3A_43 : memref<640x128xf32, #tpu.memory_space<hbm>>) target_semaphore(%run_scoped3A_41 : memref<!tpu.dma_semaphore, #tpu.memory_space<semaphore_mem>>)
        %dma_wait3A = arith.constant 0 : i32
        %dma_wait3A_46 = tpu.memref_slice %arg9[%run_scoped3A, %mul3A_0, %dma_wait3A] : memref<4x10240x128xf32, #tpu.memory_space<hbm>> -> memref<1x640x128xf32, #tpu.memory_space<hbm>>
        %dma_wait3A_47 = tpu.memref_squeeze %dma_wait3A_46 : memref<1x640x128xf32, #tpu.memory_space<hbm>> -> memref<640x128xf32, #tpu.memory_space<hbm>>
        %dma_wait3A_48 = arith.constant 0 : i32
        %dma_wait3A_49 = tpu.memref_slice %arg13[%mul3A_0, %dma_wait3A_48] : memref<10240x128xf32, #tpu.memory_space<vmem_shared>> -> memref<640x128xf32, #tpu.memory_space<vmem_shared>>
        tpu.wait_dma2 semaphore(%run_scoped3A_41 : memref<!tpu.dma_semaphore, #tpu.memory_space<semaphore_mem>>) src(%dma_wait3A_49 : memref<640x128xf32, #tpu.memory_space<vmem_shared>>) dst(%dma_wait3A_47 : memref<640x128xf32, #tpu.memory_space<hbm>>)
        tpu.yield
      }) : () -> ()
    } else {
    }
    "tpu.region"() ({
      %run_scoped3A = tpu.sem_alloc : memref<!tpu.dma_semaphore, #tpu.memory_space<semaphore_mem>>
      %dma_start3A = arith.constant 0 : i32
      %dma_start3A_41 = tpu.memref_slice %arg13[%mul3A_0, %dma_start3A] : memref<10240x128xf32, #tpu.memory_space<vmem_shared>> -> memref<640x128xf32, #tpu.memory_space<vmem_shared>>
      tpu.enqueue_dma source(%arg8 : memref<640x128xf32, #tpu.memory_space<hbm>>) target(%dma_start3A_41 : memref<640x128xf32, #tpu.memory_space<vmem_shared>>) target_semaphore(%run_scoped3A : memref<!tpu.dma_semaphore, #tpu.memory_space<semaphore_mem>>)
      %dma_wait3A = arith.constant 0 : i32
      %dma_wait3A_42 = tpu.memref_slice %arg13[%mul3A_0, %dma_wait3A] : memref<10240x128xf32, #tpu.memory_space<vmem_shared>> -> memref<640x128xf32, #tpu.memory_space<vmem_shared>>
      tpu.wait_dma2 semaphore(%run_scoped3A : memref<!tpu.dma_semaphore, #tpu.memory_space<semaphore_mem>>) src(%arg8 : memref<640x128xf32, #tpu.memory_space<hbm>>) dst(%dma_wait3A_42 : memref<640x128xf32, #tpu.memory_space<vmem_shared>>)
      tpu.yield
    }) : () -> ()
    %barrier3A_19 = arith.constant 0 : index
    tpu.barrier barrier_id(%barrier3A_19)
    %eq3A_20 = arith.constant 0 : i32
    %eq3A_21 = arith.cmpi eq, %arg0, %eq3A_20 : i32
    %convert_element_type3A_22 = arith.extui %eq3A_21 : i1 to i32
    %cond3A_23 = arith.constant 0 : i32
    %cond3A_24 = arith.cmpi ne, %convert_element_type3A_22, %cond3A_23 : i32
    scf.if %cond3A_24 {
      %scan3A = arith.constant 0 : i32
      %scan3A_41 = arith.constant 0 : i32
      %scan3A_42 = arith.constant 79 : i32
      %scan3A_43 = arith.addi %scan3A_41, %scan3A_42 : i32
      %scan3A_44 = arith.constant 1 : i32
      %scan3A_45 = scf.for %scan3A_47 = %scan3A_41 to %scan3A_43 step %scan3A_44 iter_args(%scan3A_48 = %scan3A) -> (i32)  : i32 {
        %mul3A_49 = arith.constant 16 : i32
        %mul3A_50 = arith.muli %scan3A_47, %mul3A_49 : i32
        %add3A = arith.addi %arg1, %mul3A_50 : i32
        %lt3A = arith.constant 1250 : i32
        %lt3A_51 = arith.cmpi slt, %add3A, %lt3A : i32
        %convert_element_type3A_52 = arith.extui %lt3A_51 : i1 to i32
        %cond3A_53 = arith.constant 0 : i32
        %cond3A_54 = arith.cmpi ne, %convert_element_type3A_52, %cond3A_53 : i32
        scf.if %cond3A_54 {
          %add3A_56 = arith.constant 0 : i32
          %add3A_57 = arith.addi %add3A_56, %add3A : i32
          %mul3A_58 = arith.constant 128 : i32
          %mul3A_59 = arith.muli %add3A_57, %mul3A_58 : i32
          %dma_start3A = tpu.memref_slice %arg4[%mul3A_59] : memref<160000xi32, #tpu.memory_space<hbm>> -> memref<128xi32, #tpu.memory_space<hbm>>
          %dma_start3A_60 = tpu.memref_slice %arg4[%mul3A_59] : memref<160000xi32, #tpu.memory_space<hbm>> -> memref<128xi32, #tpu.memory_space<hbm>>
          tpu.enqueue_dma source(%dma_start3A_60 : memref<128xi32, #tpu.memory_space<hbm>>) target(%arg10 : memref<128xi32, #tpu.memory_space<vmem>>) target_semaphore(%arg14 : memref<!tpu.dma_semaphore, #tpu.memory_space<semaphore_mem>>)
          %dma_start3A_61 = tpu.memref_slice %arg7[%mul3A_59] : memref<160000xi32, #tpu.memory_space<hbm>> -> memref<128xi32, #tpu.memory_space<hbm>>
          %dma_start3A_62 = tpu.memref_slice %arg7[%mul3A_59] : memref<160000xi32, #tpu.memory_space<hbm>> -> memref<128xi32, #tpu.memory_space<hbm>>
          tpu.enqueue_dma source(%dma_start3A_62 : memref<128xi32, #tpu.memory_space<hbm>>) target(%arg11 : memref<128xi32, #tpu.memory_space<vmem>>) target_semaphore(%arg14 : memref<!tpu.dma_semaphore, #tpu.memory_space<semaphore_mem>>)
          %dma_wait3A = tpu.memref_slice %arg4[%mul3A_59] : memref<160000xi32, #tpu.memory_space<hbm>> -> memref<128xi32, #tpu.memory_space<hbm>>
          %dma_wait3A_63 = tpu.memref_slice %arg4[%mul3A_59] : memref<160000xi32, #tpu.memory_space<hbm>> -> memref<128xi32, #tpu.memory_space<hbm>>
          tpu.wait_dma2 semaphore(%arg14 : memref<!tpu.dma_semaphore, #tpu.memory_space<semaphore_mem>>) src(%dma_wait3A_63 : memref<128xi32, #tpu.memory_space<hbm>>) dst(%arg10 : memref<128xi32, #tpu.memory_space<vmem>>)
          %dma_wait3A_64 = tpu.memref_slice %arg7[%mul3A_59] : memref<160000xi32, #tpu.memory_space<hbm>> -> memref<128xi32, #tpu.memory_space<hbm>>
          %dma_wait3A_65 = tpu.memref_slice %arg7[%mul3A_59] : memref<160000xi32, #tpu.memory_space<hbm>> -> memref<128xi32, #tpu.memory_space<hbm>>
          tpu.wait_dma2 semaphore(%arg14 : memref<!tpu.dma_semaphore, #tpu.memory_space<semaphore_mem>>) src(%dma_wait3A_65 : memref<128xi32, #tpu.memory_space<hbm>>) dst(%arg11 : memref<128xi32, #tpu.memory_space<vmem>>)
          %dma_start3A_66 = arith.constant 0 : i32
          %dma_start3A_67 = arith.constant 0 : i32
          %dma_start3A_68 = tpu.memref_slice %arg2[%dma_start3A_66, %dma_start3A_67] : memref<40000x128xf32, #tpu.memory_space<hbm>> -> memref<40000x128xf32, #tpu.memory_space<hbm>>
          tpu.enqueue_indirect_dma source(%dma_start3A_68 : memref<40000x128xf32, #tpu.memory_space<hbm>>) target(%arg12 : memref<128x128xf32, #tpu.memory_space<vmem>>) offsets(%arg10 : memref<128xi32, #tpu.memory_space<vmem>>) semaphore(%arg14 : memref<!tpu.dma_semaphore, #tpu.memory_space<semaphore_mem>>)
          %dma_wait3A_69 = arith.constant 0 : i32
          %dma_wait3A_70 = arith.constant 0 : i32
          %dma_wait3A_71 = tpu.memref_slice %arg2[%dma_wait3A_69, %dma_wait3A_70] : memref<40000x128xf32, #tpu.memory_space<hbm>> -> memref<40000x128xf32, #tpu.memory_space<hbm>>
          tpu.wait_indirect_dma semaphore(%arg14 : memref<!tpu.dma_semaphore, #tpu.memory_space<semaphore_mem>>) src(%dma_wait3A_71 : memref<40000x128xf32, #tpu.memory_space<hbm>>) dst(%arg12 : memref<128x128xf32, #tpu.memory_space<vmem>>)
          "tpu.region"() ({
            %run_scoped3A = tpu.sem_alloc : memref<!tpu.dma_semaphore, #tpu.memory_space<semaphore_mem>>
            %dma_start3A_72 = arith.constant 0 : i32
            %dma_start3A_73 = arith.constant 0 : i32
            %dma_start3A_74 = tpu.memref_slice %arg13[%dma_start3A_72, %dma_start3A_73] : memref<10240x128xf32, #tpu.memory_space<vmem_shared>> -> memref<10240x128xf32, #tpu.memory_space<vmem_shared>>
            tpu.enqueue_indirect_dma source(%arg12 : memref<128x128xf32, #tpu.memory_space<vmem>>) target(%dma_start3A_74 : memref<10240x128xf32, #tpu.memory_space<vmem_shared>>) offsets(%arg11 : memref<128xi32, #tpu.memory_space<vmem>>) semaphore(%run_scoped3A : memref<!tpu.dma_semaphore, #tpu.memory_space<semaphore_mem>>) {add = true}
            %dma_wait3A_75 = arith.constant 0 : i32
            %dma_wait3A_76 = arith.constant 0 : i32
            %dma_wait3A_77 = tpu.memref_slice %arg13[%dma_wait3A_75, %dma_wait3A_76] : memref<10240x128xf32, #tpu.memory_space<vmem_shared>> -> memref<10240x128xf32, #tpu.memory_space<vmem_shared>>
            tpu.wait_indirect_dma semaphore(%run_scoped3A : memref<!tpu.dma_semaphore, #tpu.memory_space<semaphore_mem>>) src(%arg12 : memref<128x128xf32, #tpu.memory_space<vmem>>) dst(%dma_wait3A_77 : memref<10240x128xf32, #tpu.memory_space<vmem_shared>>)
            tpu.yield
          }) : () -> ()
        } else {
        }
        %scan3A_55 = arith.constant 0 : i32
        scf.yield %scan3A_55 : i32
      }
      %scan3A_46 = arith.constant 79 : i32
    } else {
    }
    %eq3A_25 = arith.constant 1 : i32
    %eq3A_26 = arith.cmpi eq, %arg0, %eq3A_25 : i32
    %convert_element_type3A_27 = arith.extui %eq3A_26 : i1 to i32
    %cond3A_28 = arith.constant 0 : i32
    %cond3A_29 = arith.cmpi ne, %convert_element_type3A_27, %cond3A_28 : i32
    scf.if %cond3A_29 {
      %scan3A = arith.constant 0 : i32
      %scan3A_41 = arith.constant 0 : i32
      %scan3A_42 = arith.constant 79 : i32
      %scan3A_43 = arith.addi %scan3A_41, %scan3A_42 : i32
      %scan3A_44 = arith.constant 1 : i32
      %scan3A_45 = scf.for %scan3A_47 = %scan3A_41 to %scan3A_43 step %scan3A_44 iter_args(%scan3A_48 = %scan3A) -> (i32)  : i32 {
        %mul3A_49 = arith.constant 16 : i32
        %mul3A_50 = arith.muli %scan3A_47, %mul3A_49 : i32
        %add3A = arith.addi %arg1, %mul3A_50 : i32
        %lt3A = arith.constant 1250 : i32
        %lt3A_51 = arith.cmpi slt, %add3A, %lt3A : i32
        %convert_element_type3A_52 = arith.extui %lt3A_51 : i1 to i32
        %cond3A_53 = arith.constant 0 : i32
        %cond3A_54 = arith.cmpi ne, %convert_element_type3A_52, %cond3A_53 : i32
        scf.if %cond3A_54 {
          %add3A_56 = arith.constant 0 : i32
          %add3A_57 = arith.addi %add3A_56, %add3A : i32
          %mul3A_58 = arith.constant 128 : i32
          %mul3A_59 = arith.muli %add3A_57, %mul3A_58 : i32
          %dma_start3A = tpu.memref_slice %arg6[%mul3A_59] : memref<160000xi32, #tpu.memory_space<hbm>> -> memref<128xi32, #tpu.memory_space<hbm>>
          %dma_start3A_60 = tpu.memref_slice %arg6[%mul3A_59] : memref<160000xi32, #tpu.memory_space<hbm>> -> memref<128xi32, #tpu.memory_space<hbm>>
          tpu.enqueue_dma source(%dma_start3A_60 : memref<128xi32, #tpu.memory_space<hbm>>) target(%arg10 : memref<128xi32, #tpu.memory_space<vmem>>) target_semaphore(%arg14 : memref<!tpu.dma_semaphore, #tpu.memory_space<semaphore_mem>>)
          %dma_start3A_61 = tpu.memref_slice %arg7[%mul3A_59] : memref<160000xi32, #tpu.memory_space<hbm>> -> memref<128xi32, #tpu.memory_space<hbm>>
          %dma_start3A_62 = tpu.memref_slice %arg7[%mul3A_59] : memref<160000xi32, #tpu.memory_space<hbm>> -> memref<128xi32, #tpu.memory_space<hbm>>
          tpu.enqueue_dma source(%dma_start3A_62 : memref<128xi32, #tpu.memory_space<hbm>>) target(%arg11 : memref<128xi32, #tpu.memory_space<vmem>>) target_semaphore(%arg14 : memref<!tpu.dma_semaphore, #tpu.memory_space<semaphore_mem>>)
          %dma_wait3A = tpu.memref_slice %arg6[%mul3A_59] : memref<160000xi32, #tpu.memory_space<hbm>> -> memref<128xi32, #tpu.memory_space<hbm>>
          %dma_wait3A_63 = tpu.memref_slice %arg6[%mul3A_59] : memref<160000xi32, #tpu.memory_space<hbm>> -> memref<128xi32, #tpu.memory_space<hbm>>
          tpu.wait_dma2 semaphore(%arg14 : memref<!tpu.dma_semaphore, #tpu.memory_space<semaphore_mem>>) src(%dma_wait3A_63 : memref<128xi32, #tpu.memory_space<hbm>>) dst(%arg10 : memref<128xi32, #tpu.memory_space<vmem>>)
          %dma_wait3A_64 = tpu.memref_slice %arg7[%mul3A_59] : memref<160000xi32, #tpu.memory_space<hbm>> -> memref<128xi32, #tpu.memory_space<hbm>>
          %dma_wait3A_65 = tpu.memref_slice %arg7[%mul3A_59] : memref<160000xi32, #tpu.memory_space<hbm>> -> memref<128xi32, #tpu.memory_space<hbm>>
          tpu.wait_dma2 semaphore(%arg14 : memref<!tpu.dma_semaphore, #tpu.memory_space<semaphore_mem>>) src(%dma_wait3A_65 : memref<128xi32, #tpu.memory_space<hbm>>) dst(%arg11 : memref<128xi32, #tpu.memory_space<vmem>>)
          %dma_start3A_66 = arith.constant 0 : i32
          %dma_start3A_67 = arith.constant 0 : i32
          %dma_start3A_68 = tpu.memref_slice %arg2[%dma_start3A_66, %dma_start3A_67] : memref<40000x128xf32, #tpu.memory_space<hbm>> -> memref<40000x128xf32, #tpu.memory_space<hbm>>
          tpu.enqueue_indirect_dma source(%dma_start3A_68 : memref<40000x128xf32, #tpu.memory_space<hbm>>) target(%arg12 : memref<128x128xf32, #tpu.memory_space<vmem>>) offsets(%arg10 : memref<128xi32, #tpu.memory_space<vmem>>) semaphore(%arg14 : memref<!tpu.dma_semaphore, #tpu.memory_space<semaphore_mem>>)
          %dma_wait3A_69 = arith.constant 0 : i32
          %dma_wait3A_70 = arith.constant 0 : i32
          %dma_wait3A_71 = tpu.memref_slice %arg2[%dma_wait3A_69, %dma_wait3A_70] : memref<40000x128xf32, #tpu.memory_space<hbm>> -> memref<40000x128xf32, #tpu.memory_space<hbm>>
          tpu.wait_indirect_dma semaphore(%arg14 : memref<!tpu.dma_semaphore, #tpu.memory_space<semaphore_mem>>) src(%dma_wait3A_71 : memref<40000x128xf32, #tpu.memory_space<hbm>>) dst(%arg12 : memref<128x128xf32, #tpu.memory_space<vmem>>)
          "tpu.region"() ({
            %run_scoped3A = tpu.sem_alloc : memref<!tpu.dma_semaphore, #tpu.memory_space<semaphore_mem>>
            %dma_start3A_72 = arith.constant 0 : i32
            %dma_start3A_73 = arith.constant 0 : i32
            %dma_start3A_74 = tpu.memref_slice %arg13[%dma_start3A_72, %dma_start3A_73] : memref<10240x128xf32, #tpu.memory_space<vmem_shared>> -> memref<10240x128xf32, #tpu.memory_space<vmem_shared>>
            tpu.enqueue_indirect_dma source(%arg12 : memref<128x128xf32, #tpu.memory_space<vmem>>) target(%dma_start3A_74 : memref<10240x128xf32, #tpu.memory_space<vmem_shared>>) offsets(%arg11 : memref<128xi32, #tpu.memory_space<vmem>>) semaphore(%run_scoped3A : memref<!tpu.dma_semaphore, #tpu.memory_space<semaphore_mem>>) {add = true}
            %dma_wait3A_75 = arith.constant 0 : i32
            %dma_wait3A_76 = arith.constant 0 : i32
            %dma_wait3A_77 = tpu.memref_slice %arg13[%dma_wait3A_75, %dma_wait3A_76] : memref<10240x128xf32, #tpu.memory_space<vmem_shared>> -> memref<10240x128xf32, #tpu.memory_space<vmem_shared>>
            tpu.wait_indirect_dma semaphore(%run_scoped3A : memref<!tpu.dma_semaphore, #tpu.memory_space<semaphore_mem>>) src(%arg12 : memref<128x128xf32, #tpu.memory_space<vmem>>) dst(%dma_wait3A_77 : memref<10240x128xf32, #tpu.memory_space<vmem_shared>>)
            tpu.yield
          }) : () -> ()
        } else {
        }
        %scan3A_55 = arith.constant 0 : i32
        scf.yield %scan3A_55 : i32
      }
      %scan3A_46 = arith.constant 79 : i32
    } else {
    }
    %barrier3A_30 = arith.constant 0 : index
    tpu.barrier barrier_id(%barrier3A_30)
    %eq3A_31 = arith.constant 0 : i32
    %eq3A_32 = arith.cmpi eq, %arg0, %eq3A_31 : i32
    %convert_element_type3A_33 = arith.extui %eq3A_32 : i1 to i32
    %cond3A_34 = arith.constant 0 : i32
    %cond3A_35 = arith.cmpi ne, %convert_element_type3A_33, %cond3A_34 : i32
    scf.if %cond3A_35 {
      %run_scoped3A = arith.constant 1 : i32
      "tpu.region"() ({
        %run_scoped3A_41 = tpu.sem_alloc : memref<!tpu.dma_semaphore, #tpu.memory_space<semaphore_mem>>
        %dma_start3A = arith.constant 0 : i32
        %dma_start3A_42 = tpu.memref_slice %arg9[%run_scoped3A, %mul3A_0, %dma_start3A] : memref<4x10240x128xf32, #tpu.memory_space<hbm>> -> memref<1x640x128xf32, #tpu.memory_space<hbm>>
        %dma_start3A_43 = tpu.memref_squeeze %dma_start3A_42 : memref<1x640x128xf32, #tpu.memory_space<hbm>> -> memref<640x128xf32, #tpu.memory_space<hbm>>
        %dma_start3A_44 = arith.constant 0 : i32
        %dma_start3A_45 = tpu.memref_slice %arg13[%mul3A_0, %dma_start3A_44] : memref<10240x128xf32, #tpu.memory_space<vmem_shared>> -> memref<640x128xf32, #tpu.memory_space<vmem_shared>>
        tpu.enqueue_dma source(%dma_start3A_45 : memref<640x128xf32, #tpu.memory_space<vmem_shared>>) target(%dma_start3A_43 : memref<640x128xf32, #tpu.memory_space<hbm>>) target_semaphore(%run_scoped3A_41 : memref<!tpu.dma_semaphore, #tpu.memory_space<semaphore_mem>>)
        %dma_wait3A = arith.constant 0 : i32
        %dma_wait3A_46 = tpu.memref_slice %arg9[%run_scoped3A, %mul3A_0, %dma_wait3A] : memref<4x10240x128xf32, #tpu.memory_space<hbm>> -> memref<1x640x128xf32, #tpu.memory_space<hbm>>
        %dma_wait3A_47 = tpu.memref_squeeze %dma_wait3A_46 : memref<1x640x128xf32, #tpu.memory_space<hbm>> -> memref<640x128xf32, #tpu.memory_space<hbm>>
        %dma_wait3A_48 = arith.constant 0 : i32
        %dma_wait3A_49 = tpu.memref_slice %arg13[%mul3A_0, %dma_wait3A_48] : memref<10240x128xf32, #tpu.memory_space<vmem_shared>> -> memref<640x128xf32, #tpu.memory_space<vmem_shared>>
        tpu.wait_dma2 semaphore(%run_scoped3A_41 : memref<!tpu.dma_semaphore, #tpu.memory_space<semaphore_mem>>) src(%dma_wait3A_49 : memref<640x128xf32, #tpu.memory_space<vmem_shared>>) dst(%dma_wait3A_47 : memref<640x128xf32, #tpu.memory_space<hbm>>)
        tpu.yield
      }) : () -> ()
    } else {
    }
    %eq3A_36 = arith.constant 1 : i32
    %eq3A_37 = arith.cmpi eq, %arg0, %eq3A_36 : i32
    %convert_element_type3A_38 = arith.extui %eq3A_37 : i1 to i32
    %cond3A_39 = arith.constant 0 : i32
    %cond3A_40 = arith.cmpi ne, %convert_element_type3A_38, %cond3A_39 : i32
    scf.if %cond3A_40 {
      %run_scoped3A = arith.constant 3 : i32
      "tpu.region"() ({
        %run_scoped3A_41 = tpu.sem_alloc : memref<!tpu.dma_semaphore, #tpu.memory_space<semaphore_mem>>
        %dma_start3A = arith.constant 0 : i32
        %dma_start3A_42 = tpu.memref_slice %arg9[%run_scoped3A, %mul3A_0, %dma_start3A] : memref<4x10240x128xf32, #tpu.memory_space<hbm>> -> memref<1x640x128xf32, #tpu.memory_space<hbm>>
        %dma_start3A_43 = tpu.memref_squeeze %dma_start3A_42 : memref<1x640x128xf32, #tpu.memory_space<hbm>> -> memref<640x128xf32, #tpu.memory_space<hbm>>
        %dma_start3A_44 = arith.constant 0 : i32
        %dma_start3A_45 = tpu.memref_slice %arg13[%mul3A_0, %dma_start3A_44] : memref<10240x128xf32, #tpu.memory_space<vmem_shared>> -> memref<640x128xf32, #tpu.memory_space<vmem_shared>>
        tpu.enqueue_dma source(%dma_start3A_45 : memref<640x128xf32, #tpu.memory_space<vmem_shared>>) target(%dma_start3A_43 : memref<640x128xf32, #tpu.memory_space<hbm>>) target_semaphore(%run_scoped3A_41 : memref<!tpu.dma_semaphore, #tpu.memory_space<semaphore_mem>>)
        %dma_wait3A = arith.constant 0 : i32
        %dma_wait3A_46 = tpu.memref_slice %arg9[%run_scoped3A, %mul3A_0, %dma_wait3A] : memref<4x10240x128xf32, #tpu.memory_space<hbm>> -> memref<1x640x128xf32, #tpu.memory_space<hbm>>
        %dma_wait3A_47 = tpu.memref_squeeze %dma_wait3A_46 : memref<1x640x128xf32, #tpu.memory_space<hbm>> -> memref<640x128xf32, #tpu.memory_space<hbm>>
        %dma_wait3A_48 = arith.constant 0 : i32
        %dma_wait3A_49 = tpu.memref_slice %arg13[%mul3A_0, %dma_wait3A_48] : memref<10240x128xf32, #tpu.memory_space<vmem_shared>> -> memref<640x128xf32, #tpu.memory_space<vmem_shared>>
        tpu.wait_dma2 semaphore(%run_scoped3A_41 : memref<!tpu.dma_semaphore, #tpu.memory_space<semaphore_mem>>) src(%dma_wait3A_49 : memref<640x128xf32, #tpu.memory_space<vmem_shared>>) dst(%dma_wait3A_47 : memref<640x128xf32, #tpu.memory_space<hbm>>)
        tpu.yield
      }) : () -> ()
    } else {
    }
    return
  }
}

#map = affine_map<(d0, d1) -> (0, 0)>
#map1 = affine_map<(d0, d1) -> (0)>
#map2 = affine_map<(d0, d1) -> (0, 0, 0)>
module attributes {stable_mosaic.version = 14 : i64} {
  func.func @body(%arg0: i32, %arg1: i32, %arg2: memref<40000x128xf32, #tpu.memory_space<hbm>>, %arg3: memref<40000x128xf32, #tpu.memory_space<hbm>>, %arg4: memref<40000x128xf32, #tpu.memory_space<hbm>>, %arg5: memref<160000xi32, #tpu.memory_space<hbm>>, %arg6: memref<160000xi32, #tpu.memory_space<hbm>>, %arg7: memref<160000xi32, #tpu.memory_space<hbm>>, %arg8: memref<160000xi32, #tpu.memory_space<hbm>>, %arg9: memref<160000xi32, #tpu.memory_space<hbm>>, %arg10: memref<160000xi32, #tpu.memory_space<hbm>>, %arg11: memref<160000xi32, #tpu.memory_space<hbm>>, %arg12: memref<160000xi32, #tpu.memory_space<hbm>>, %arg13: memref<160000xi32, #tpu.memory_space<hbm>>, %arg14: memref<160000xi32, #tpu.memory_space<hbm>>, %arg15: memref<160000xi32, #tpu.memory_space<hbm>>, %arg16: memref<160000xi32, #tpu.memory_space<hbm>>, %arg17: memref<160000xi32, #tpu.memory_space<hbm>>, %arg18: memref<160000xi32, #tpu.memory_space<hbm>>, %arg19: memref<160000xi32, #tpu.memory_space<hbm>>, %arg20: memref<640x128xf32, #tpu.memory_space<hbm>>, %arg21: memref<4x10240x128xf32, #tpu.memory_space<hbm>>, %arg22: memref<4x10240x128xf32, #tpu.memory_space<hbm>>, %arg23: memref<4x10240x128xf32, #tpu.memory_space<hbm>>, %arg24: memref<128xi32, #tpu.memory_space<vmem>>, %arg25: memref<128xi32, #tpu.memory_space<vmem>>, %arg26: memref<128x128xf32, #tpu.memory_space<vmem>>, %arg27: memref<10240x128xf32, #tpu.memory_space<vmem_shared>>, %arg28: memref<!tpu.dma_semaphore, #tpu.memory_space<semaphore_mem>>) attributes {dimension_semantics = [#tpu.dimension_semantics<core_parallel>, #tpu.dimension_semantics<subcore_parallel>], iteration_bounds = array<i64: 2, 16>, scalar_prefetch = 0 : i64, scratch_operands = 5 : i64, tpu.core_type = #tpu.core_type<sc_vector_subcore>, window_params = [{transform_indices = #map}, {transform_indices = #map}, {transform_indices = #map}, {transform_indices = #map1}, {transform_indices = #map1}, {transform_indices = #map1}, {transform_indices = #map1}, {transform_indices = #map1}, {transform_indices = #map1}, {transform_indices = #map1}, {transform_indices = #map1}, {transform_indices = #map1}, {transform_indices = #map1}, {transform_indices = #map1}, {transform_indices = #map1}, {transform_indices = #map1}, {transform_indices = #map1}, {transform_indices = #map1}, {transform_indices = #map}, {transform_indices = #map2}, {transform_indices = #map2}, {transform_indices = #map2}]} {
    %mul3A = arith.constant 640 : i32
    %mul3A_0 = arith.muli %arg1, %mul3A : i32
    "tpu.region"() ({
      %run_scoped3A = tpu.sem_alloc : memref<!tpu.dma_semaphore, #tpu.memory_space<semaphore_mem>>
      %dma_start3A = arith.constant 0 : i32
      %dma_start3A_129 = tpu.memref_slice %arg27[%mul3A_0, %dma_start3A] : memref<10240x128xf32, #tpu.memory_space<vmem_shared>> -> memref<640x128xf32, #tpu.memory_space<vmem_shared>>
      tpu.enqueue_dma source(%arg20 : memref<640x128xf32, #tpu.memory_space<hbm>>) target(%dma_start3A_129 : memref<640x128xf32, #tpu.memory_space<vmem_shared>>) target_semaphore(%run_scoped3A : memref<!tpu.dma_semaphore, #tpu.memory_space<semaphore_mem>>)
      %dma_wait3A = arith.constant 0 : i32
      %dma_wait3A_130 = tpu.memref_slice %arg27[%mul3A_0, %dma_wait3A] : memref<10240x128xf32, #tpu.memory_space<vmem_shared>> -> memref<640x128xf32, #tpu.memory_space<vmem_shared>>
      tpu.wait_dma2 semaphore(%run_scoped3A : memref<!tpu.dma_semaphore, #tpu.memory_space<semaphore_mem>>) src(%arg20 : memref<640x128xf32, #tpu.memory_space<hbm>>) dst(%dma_wait3A_130 : memref<640x128xf32, #tpu.memory_space<vmem_shared>>)
      tpu.yield
    }) : () -> ()
    %barrier3A = arith.constant 0 : index
    tpu.barrier barrier_id(%barrier3A)
    %eq3A = arith.constant 0 : i32
    %eq3A_1 = arith.cmpi eq, %arg0, %eq3A : i32
    %convert_element_type3A = arith.extui %eq3A_1 : i1 to i32
    %cond3A = arith.constant 0 : i32
    %cond3A_2 = arith.cmpi ne, %convert_element_type3A, %cond3A : i32
    scf.if %cond3A_2 {
      %scan3A = arith.constant 0 : i32
      %scan3A_129 = arith.constant 0 : i32
      %scan3A_130 = arith.constant 79 : i32
      %scan3A_131 = arith.addi %scan3A_129, %scan3A_130 : i32
      %scan3A_132 = arith.constant 1 : i32
      %scan3A_133 = scf.for %scan3A_135 = %scan3A_129 to %scan3A_131 step %scan3A_132 iter_args(%scan3A_136 = %scan3A) -> (i32)  : i32 {
        %mul3A_137 = arith.constant 16 : i32
        %mul3A_138 = arith.muli %scan3A_135, %mul3A_137 : i32
        %add3A = arith.addi %arg1, %mul3A_138 : i32
        %lt3A = arith.constant 1250 : i32
        %lt3A_139 = arith.cmpi slt, %add3A, %lt3A : i32
        %convert_element_type3A_140 = arith.extui %lt3A_139 : i1 to i32
        %cond3A_141 = arith.constant 0 : i32
        %cond3A_142 = arith.cmpi ne, %convert_element_type3A_140, %cond3A_141 : i32
        scf.if %cond3A_142 {
          %add3A_144 = arith.constant 0 : i32
          %add3A_145 = arith.addi %add3A_144, %add3A : i32
          %mul3A_146 = arith.constant 128 : i32
          %mul3A_147 = arith.muli %add3A_145, %mul3A_146 : i32
          %dma_start3A = tpu.memref_slice %arg5[%mul3A_147] : memref<160000xi32, #tpu.memory_space<hbm>> -> memref<128xi32, #tpu.memory_space<hbm>>
          %dma_start3A_148 = tpu.memref_slice %arg5[%mul3A_147] : memref<160000xi32, #tpu.memory_space<hbm>> -> memref<128xi32, #tpu.memory_space<hbm>>
          tpu.enqueue_dma source(%dma_start3A_148 : memref<128xi32, #tpu.memory_space<hbm>>) target(%arg24 : memref<128xi32, #tpu.memory_space<vmem>>) target_semaphore(%arg28 : memref<!tpu.dma_semaphore, #tpu.memory_space<semaphore_mem>>)
          %dma_start3A_149 = tpu.memref_slice %arg17[%mul3A_147] : memref<160000xi32, #tpu.memory_space<hbm>> -> memref<128xi32, #tpu.memory_space<hbm>>
          %dma_start3A_150 = tpu.memref_slice %arg17[%mul3A_147] : memref<160000xi32, #tpu.memory_space<hbm>> -> memref<128xi32, #tpu.memory_space<hbm>>
          tpu.enqueue_dma source(%dma_start3A_150 : memref<128xi32, #tpu.memory_space<hbm>>) target(%arg25 : memref<128xi32, #tpu.memory_space<vmem>>) target_semaphore(%arg28 : memref<!tpu.dma_semaphore, #tpu.memory_space<semaphore_mem>>)
          %dma_wait3A = tpu.memref_slice %arg5[%mul3A_147] : memref<160000xi32, #tpu.memory_space<hbm>> -> memref<128xi32, #tpu.memory_space<hbm>>
          %dma_wait3A_151 = tpu.memref_slice %arg5[%mul3A_147] : memref<160000xi32, #tpu.memory_space<hbm>> -> memref<128xi32, #tpu.memory_space<hbm>>
          tpu.wait_dma2 semaphore(%arg28 : memref<!tpu.dma_semaphore, #tpu.memory_space<semaphore_mem>>) src(%dma_wait3A_151 : memref<128xi32, #tpu.memory_space<hbm>>) dst(%arg24 : memref<128xi32, #tpu.memory_space<vmem>>)
          %dma_wait3A_152 = tpu.memref_slice %arg17[%mul3A_147] : memref<160000xi32, #tpu.memory_space<hbm>> -> memref<128xi32, #tpu.memory_space<hbm>>
          %dma_wait3A_153 = tpu.memref_slice %arg17[%mul3A_147] : memref<160000xi32, #tpu.memory_space<hbm>> -> memref<128xi32, #tpu.memory_space<hbm>>
          tpu.wait_dma2 semaphore(%arg28 : memref<!tpu.dma_semaphore, #tpu.memory_space<semaphore_mem>>) src(%dma_wait3A_153 : memref<128xi32, #tpu.memory_space<hbm>>) dst(%arg25 : memref<128xi32, #tpu.memory_space<vmem>>)
          %dma_start3A_154 = arith.constant 0 : i32
          %dma_start3A_155 = arith.constant 0 : i32
          %dma_start3A_156 = tpu.memref_slice %arg2[%dma_start3A_154, %dma_start3A_155] : memref<40000x128xf32, #tpu.memory_space<hbm>> -> memref<40000x128xf32, #tpu.memory_space<hbm>>
          tpu.enqueue_indirect_dma source(%dma_start3A_156 : memref<40000x128xf32, #tpu.memory_space<hbm>>) target(%arg26 : memref<128x128xf32, #tpu.memory_space<vmem>>) offsets(%arg24 : memref<128xi32, #tpu.memory_space<vmem>>) semaphore(%arg28 : memref<!tpu.dma_semaphore, #tpu.memory_space<semaphore_mem>>)
          %dma_wait3A_157 = arith.constant 0 : i32
          %dma_wait3A_158 = arith.constant 0 : i32
          %dma_wait3A_159 = tpu.memref_slice %arg2[%dma_wait3A_157, %dma_wait3A_158] : memref<40000x128xf32, #tpu.memory_space<hbm>> -> memref<40000x128xf32, #tpu.memory_space<hbm>>
          tpu.wait_indirect_dma semaphore(%arg28 : memref<!tpu.dma_semaphore, #tpu.memory_space<semaphore_mem>>) src(%dma_wait3A_159 : memref<40000x128xf32, #tpu.memory_space<hbm>>) dst(%arg26 : memref<128x128xf32, #tpu.memory_space<vmem>>)
          "tpu.region"() ({
            %run_scoped3A = tpu.sem_alloc : memref<!tpu.dma_semaphore, #tpu.memory_space<semaphore_mem>>
            %dma_start3A_160 = arith.constant 0 : i32
            %dma_start3A_161 = arith.constant 0 : i32
            %dma_start3A_162 = tpu.memref_slice %arg27[%dma_start3A_160, %dma_start3A_161] : memref<10240x128xf32, #tpu.memory_space<vmem_shared>> -> memref<10240x128xf32, #tpu.memory_space<vmem_shared>>
            tpu.enqueue_indirect_dma source(%arg26 : memref<128x128xf32, #tpu.memory_space<vmem>>) target(%dma_start3A_162 : memref<10240x128xf32, #tpu.memory_space<vmem_shared>>) offsets(%arg25 : memref<128xi32, #tpu.memory_space<vmem>>) semaphore(%run_scoped3A : memref<!tpu.dma_semaphore, #tpu.memory_space<semaphore_mem>>) {add = true}
            %dma_wait3A_163 = arith.constant 0 : i32
            %dma_wait3A_164 = arith.constant 0 : i32
            %dma_wait3A_165 = tpu.memref_slice %arg27[%dma_wait3A_163, %dma_wait3A_164] : memref<10240x128xf32, #tpu.memory_space<vmem_shared>> -> memref<10240x128xf32, #tpu.memory_space<vmem_shared>>
            tpu.wait_indirect_dma semaphore(%run_scoped3A : memref<!tpu.dma_semaphore, #tpu.memory_space<semaphore_mem>>) src(%arg26 : memref<128x128xf32, #tpu.memory_space<vmem>>) dst(%dma_wait3A_165 : memref<10240x128xf32, #tpu.memory_space<vmem_shared>>)
            tpu.yield
          }) : () -> ()
        } else {
        }
        %scan3A_143 = arith.constant 0 : i32
        scf.yield %scan3A_143 : i32
      }
      %scan3A_134 = arith.constant 79 : i32
    } else {
    }
    %eq3A_3 = arith.constant 1 : i32
    %eq3A_4 = arith.cmpi eq, %arg0, %eq3A_3 : i32
    %convert_element_type3A_5 = arith.extui %eq3A_4 : i1 to i32
    %cond3A_6 = arith.constant 0 : i32
    %cond3A_7 = arith.cmpi ne, %convert_element_type3A_5, %cond3A_6 : i32
    scf.if %cond3A_7 {
      %scan3A = arith.constant 0 : i32
      %scan3A_129 = arith.constant 0 : i32
      %scan3A_130 = arith.constant 79 : i32
      %scan3A_131 = arith.addi %scan3A_129, %scan3A_130 : i32
      %scan3A_132 = arith.constant 1 : i32
      %scan3A_133 = scf.for %scan3A_135 = %scan3A_129 to %scan3A_131 step %scan3A_132 iter_args(%scan3A_136 = %scan3A) -> (i32)  : i32 {
        %mul3A_137 = arith.constant 16 : i32
        %mul3A_138 = arith.muli %scan3A_135, %mul3A_137 : i32
        %add3A = arith.addi %arg1, %mul3A_138 : i32
        %lt3A = arith.constant 1250 : i32
        %lt3A_139 = arith.cmpi slt, %add3A, %lt3A : i32
        %convert_element_type3A_140 = arith.extui %lt3A_139 : i1 to i32
        %cond3A_141 = arith.constant 0 : i32
        %cond3A_142 = arith.cmpi ne, %convert_element_type3A_140, %cond3A_141 : i32
        scf.if %cond3A_142 {
          %add3A_144 = arith.constant 0 : i32
          %add3A_145 = arith.addi %add3A_144, %add3A : i32
          %mul3A_146 = arith.constant 128 : i32
          %mul3A_147 = arith.muli %add3A_145, %mul3A_146 : i32
          %dma_start3A = tpu.memref_slice %arg7[%mul3A_147] : memref<160000xi32, #tpu.memory_space<hbm>> -> memref<128xi32, #tpu.memory_space<hbm>>
          %dma_start3A_148 = tpu.memref_slice %arg7[%mul3A_147] : memref<160000xi32, #tpu.memory_space<hbm>> -> memref<128xi32, #tpu.memory_space<hbm>>
          tpu.enqueue_dma source(%dma_start3A_148 : memref<128xi32, #tpu.memory_space<hbm>>) target(%arg24 : memref<128xi32, #tpu.memory_space<vmem>>) target_semaphore(%arg28 : memref<!tpu.dma_semaphore, #tpu.memory_space<semaphore_mem>>)
          %dma_start3A_149 = tpu.memref_slice %arg17[%mul3A_147] : memref<160000xi32, #tpu.memory_space<hbm>> -> memref<128xi32, #tpu.memory_space<hbm>>
          %dma_start3A_150 = tpu.memref_slice %arg17[%mul3A_147] : memref<160000xi32, #tpu.memory_space<hbm>> -> memref<128xi32, #tpu.memory_space<hbm>>
          tpu.enqueue_dma source(%dma_start3A_150 : memref<128xi32, #tpu.memory_space<hbm>>) target(%arg25 : memref<128xi32, #tpu.memory_space<vmem>>) target_semaphore(%arg28 : memref<!tpu.dma_semaphore, #tpu.memory_space<semaphore_mem>>)
          %dma_wait3A = tpu.memref_slice %arg7[%mul3A_147] : memref<160000xi32, #tpu.memory_space<hbm>> -> memref<128xi32, #tpu.memory_space<hbm>>
          %dma_wait3A_151 = tpu.memref_slice %arg7[%mul3A_147] : memref<160000xi32, #tpu.memory_space<hbm>> -> memref<128xi32, #tpu.memory_space<hbm>>
          tpu.wait_dma2 semaphore(%arg28 : memref<!tpu.dma_semaphore, #tpu.memory_space<semaphore_mem>>) src(%dma_wait3A_151 : memref<128xi32, #tpu.memory_space<hbm>>) dst(%arg24 : memref<128xi32, #tpu.memory_space<vmem>>)
          %dma_wait3A_152 = tpu.memref_slice %arg17[%mul3A_147] : memref<160000xi32, #tpu.memory_space<hbm>> -> memref<128xi32, #tpu.memory_space<hbm>>
          %dma_wait3A_153 = tpu.memref_slice %arg17[%mul3A_147] : memref<160000xi32, #tpu.memory_space<hbm>> -> memref<128xi32, #tpu.memory_space<hbm>>
          tpu.wait_dma2 semaphore(%arg28 : memref<!tpu.dma_semaphore, #tpu.memory_space<semaphore_mem>>) src(%dma_wait3A_153 : memref<128xi32, #tpu.memory_space<hbm>>) dst(%arg25 : memref<128xi32, #tpu.memory_space<vmem>>)
          %dma_start3A_154 = arith.constant 0 : i32
          %dma_start3A_155 = arith.constant 0 : i32
          %dma_start3A_156 = tpu.memref_slice %arg2[%dma_start3A_154, %dma_start3A_155] : memref<40000x128xf32, #tpu.memory_space<hbm>> -> memref<40000x128xf32, #tpu.memory_space<hbm>>
          tpu.enqueue_indirect_dma source(%dma_start3A_156 : memref<40000x128xf32, #tpu.memory_space<hbm>>) target(%arg26 : memref<128x128xf32, #tpu.memory_space<vmem>>) offsets(%arg24 : memref<128xi32, #tpu.memory_space<vmem>>) semaphore(%arg28 : memref<!tpu.dma_semaphore, #tpu.memory_space<semaphore_mem>>)
          %dma_wait3A_157 = arith.constant 0 : i32
          %dma_wait3A_158 = arith.constant 0 : i32
          %dma_wait3A_159 = tpu.memref_slice %arg2[%dma_wait3A_157, %dma_wait3A_158] : memref<40000x128xf32, #tpu.memory_space<hbm>> -> memref<40000x128xf32, #tpu.memory_space<hbm>>
          tpu.wait_indirect_dma semaphore(%arg28 : memref<!tpu.dma_semaphore, #tpu.memory_space<semaphore_mem>>) src(%dma_wait3A_159 : memref<40000x128xf32, #tpu.memory_space<hbm>>) dst(%arg26 : memref<128x128xf32, #tpu.memory_space<vmem>>)
          "tpu.region"() ({
            %run_scoped3A = tpu.sem_alloc : memref<!tpu.dma_semaphore, #tpu.memory_space<semaphore_mem>>
            %dma_start3A_160 = arith.constant 0 : i32
            %dma_start3A_161 = arith.constant 0 : i32
            %dma_start3A_162 = tpu.memref_slice %arg27[%dma_start3A_160, %dma_start3A_161] : memref<10240x128xf32, #tpu.memory_space<vmem_shared>> -> memref<10240x128xf32, #tpu.memory_space<vmem_shared>>
            tpu.enqueue_indirect_dma source(%arg26 : memref<128x128xf32, #tpu.memory_space<vmem>>) target(%dma_start3A_162 : memref<10240x128xf32, #tpu.memory_space<vmem_shared>>) offsets(%arg25 : memref<128xi32, #tpu.memory_space<vmem>>) semaphore(%run_scoped3A : memref<!tpu.dma_semaphore, #tpu.memory_space<semaphore_mem>>) {add = true}
            %dma_wait3A_163 = arith.constant 0 : i32
            %dma_wait3A_164 = arith.constant 0 : i32
            %dma_wait3A_165 = tpu.memref_slice %arg27[%dma_wait3A_163, %dma_wait3A_164] : memref<10240x128xf32, #tpu.memory_space<vmem_shared>> -> memref<10240x128xf32, #tpu.memory_space<vmem_shared>>
            tpu.wait_indirect_dma semaphore(%run_scoped3A : memref<!tpu.dma_semaphore, #tpu.memory_space<semaphore_mem>>) src(%arg26 : memref<128x128xf32, #tpu.memory_space<vmem>>) dst(%dma_wait3A_165 : memref<10240x128xf32, #tpu.memory_space<vmem_shared>>)
            tpu.yield
          }) : () -> ()
        } else {
        }
        %scan3A_143 = arith.constant 0 : i32
        scf.yield %scan3A_143 : i32
      }
      %scan3A_134 = arith.constant 79 : i32
    } else {
    }
    %barrier3A_8 = arith.constant 0 : index
    tpu.barrier barrier_id(%barrier3A_8)
    %eq3A_9 = arith.constant 0 : i32
    %eq3A_10 = arith.cmpi eq, %arg0, %eq3A_9 : i32
    %convert_element_type3A_11 = arith.extui %eq3A_10 : i1 to i32
    %cond3A_12 = arith.constant 0 : i32
    %cond3A_13 = arith.cmpi ne, %convert_element_type3A_11, %cond3A_12 : i32
    scf.if %cond3A_13 {
      %run_scoped3A = arith.constant 0 : i32
      "tpu.region"() ({
        %run_scoped3A_129 = tpu.sem_alloc : memref<!tpu.dma_semaphore, #tpu.memory_space<semaphore_mem>>
        %dma_start3A = arith.constant 0 : i32
        %dma_start3A_130 = tpu.memref_slice %arg21[%run_scoped3A, %mul3A_0, %dma_start3A] : memref<4x10240x128xf32, #tpu.memory_space<hbm>> -> memref<1x640x128xf32, #tpu.memory_space<hbm>>
        %dma_start3A_131 = tpu.memref_squeeze %dma_start3A_130 : memref<1x640x128xf32, #tpu.memory_space<hbm>> -> memref<640x128xf32, #tpu.memory_space<hbm>>
        %dma_start3A_132 = arith.constant 0 : i32
        %dma_start3A_133 = tpu.memref_slice %arg27[%mul3A_0, %dma_start3A_132] : memref<10240x128xf32, #tpu.memory_space<vmem_shared>> -> memref<640x128xf32, #tpu.memory_space<vmem_shared>>
        tpu.enqueue_dma source(%dma_start3A_133 : memref<640x128xf32, #tpu.memory_space<vmem_shared>>) target(%dma_start3A_131 : memref<640x128xf32, #tpu.memory_space<hbm>>) target_semaphore(%run_scoped3A_129 : memref<!tpu.dma_semaphore, #tpu.memory_space<semaphore_mem>>)
        %dma_wait3A = arith.constant 0 : i32
        %dma_wait3A_134 = tpu.memref_slice %arg21[%run_scoped3A, %mul3A_0, %dma_wait3A] : memref<4x10240x128xf32, #tpu.memory_space<hbm>> -> memref<1x640x128xf32, #tpu.memory_space<hbm>>
        %dma_wait3A_135 = tpu.memref_squeeze %dma_wait3A_134 : memref<1x640x128xf32, #tpu.memory_space<hbm>> -> memref<640x128xf32, #tpu.memory_space<hbm>>
        %dma_wait3A_136 = arith.constant 0 : i32
        %dma_wait3A_137 = tpu.memref_slice %arg27[%mul3A_0, %dma_wait3A_136] : memref<10240x128xf32, #tpu.memory_space<vmem_shared>> -> memref<640x128xf32, #tpu.memory_space<vmem_shared>>
        tpu.wait_dma2 semaphore(%run_scoped3A_129 : memref<!tpu.dma_semaphore, #tpu.memory_space<semaphore_mem>>) src(%dma_wait3A_137 : memref<640x128xf32, #tpu.memory_space<vmem_shared>>) dst(%dma_wait3A_135 : memref<640x128xf32, #tpu.memory_space<hbm>>)
        tpu.yield
      }) : () -> ()
    } else {
    }
    %eq3A_14 = arith.constant 1 : i32
    %eq3A_15 = arith.cmpi eq, %arg0, %eq3A_14 : i32
    %convert_element_type3A_16 = arith.extui %eq3A_15 : i1 to i32
    %cond3A_17 = arith.constant 0 : i32
    %cond3A_18 = arith.cmpi ne, %convert_element_type3A_16, %cond3A_17 : i32
    scf.if %cond3A_18 {
      %run_scoped3A = arith.constant 2 : i32
      "tpu.region"() ({
        %run_scoped3A_129 = tpu.sem_alloc : memref<!tpu.dma_semaphore, #tpu.memory_space<semaphore_mem>>
        %dma_start3A = arith.constant 0 : i32
        %dma_start3A_130 = tpu.memref_slice %arg21[%run_scoped3A, %mul3A_0, %dma_start3A] : memref<4x10240x128xf32, #tpu.memory_space<hbm>> -> memref<1x640x128xf32, #tpu.memory_space<hbm>>
        %dma_start3A_131 = tpu.memref_squeeze %dma_start3A_130 : memref<1x640x128xf32, #tpu.memory_space<hbm>> -> memref<640x128xf32, #tpu.memory_space<hbm>>
        %dma_start3A_132 = arith.constant 0 : i32
        %dma_start3A_133 = tpu.memref_slice %arg27[%mul3A_0, %dma_start3A_132] : memref<10240x128xf32, #tpu.memory_space<vmem_shared>> -> memref<640x128xf32, #tpu.memory_space<vmem_shared>>
        tpu.enqueue_dma source(%dma_start3A_133 : memref<640x128xf32, #tpu.memory_space<vmem_shared>>) target(%dma_start3A_131 : memref<640x128xf32, #tpu.memory_space<hbm>>) target_semaphore(%run_scoped3A_129 : memref<!tpu.dma_semaphore, #tpu.memory_space<semaphore_mem>>)
        %dma_wait3A = arith.constant 0 : i32
        %dma_wait3A_134 = tpu.memref_slice %arg21[%run_scoped3A, %mul3A_0, %dma_wait3A] : memref<4x10240x128xf32, #tpu.memory_space<hbm>> -> memref<1x640x128xf32, #tpu.memory_space<hbm>>
        %dma_wait3A_135 = tpu.memref_squeeze %dma_wait3A_134 : memref<1x640x128xf32, #tpu.memory_space<hbm>> -> memref<640x128xf32, #tpu.memory_space<hbm>>
        %dma_wait3A_136 = arith.constant 0 : i32
        %dma_wait3A_137 = tpu.memref_slice %arg27[%mul3A_0, %dma_wait3A_136] : memref<10240x128xf32, #tpu.memory_space<vmem_shared>> -> memref<640x128xf32, #tpu.memory_space<vmem_shared>>
        tpu.wait_dma2 semaphore(%run_scoped3A_129 : memref<!tpu.dma_semaphore, #tpu.memory_space<semaphore_mem>>) src(%dma_wait3A_137 : memref<640x128xf32, #tpu.memory_space<vmem_shared>>) dst(%dma_wait3A_135 : memref<640x128xf32, #tpu.memory_space<hbm>>)
        tpu.yield
      }) : () -> ()
    } else {
    }
    "tpu.region"() ({
      %run_scoped3A = tpu.sem_alloc : memref<!tpu.dma_semaphore, #tpu.memory_space<semaphore_mem>>
      %dma_start3A = arith.constant 0 : i32
      %dma_start3A_129 = tpu.memref_slice %arg27[%mul3A_0, %dma_start3A] : memref<10240x128xf32, #tpu.memory_space<vmem_shared>> -> memref<640x128xf32, #tpu.memory_space<vmem_shared>>
      tpu.enqueue_dma source(%arg20 : memref<640x128xf32, #tpu.memory_space<hbm>>) target(%dma_start3A_129 : memref<640x128xf32, #tpu.memory_space<vmem_shared>>) target_semaphore(%run_scoped3A : memref<!tpu.dma_semaphore, #tpu.memory_space<semaphore_mem>>)
      %dma_wait3A = arith.constant 0 : i32
      %dma_wait3A_130 = tpu.memref_slice %arg27[%mul3A_0, %dma_wait3A] : memref<10240x128xf32, #tpu.memory_space<vmem_shared>> -> memref<640x128xf32, #tpu.memory_space<vmem_shared>>
      tpu.wait_dma2 semaphore(%run_scoped3A : memref<!tpu.dma_semaphore, #tpu.memory_space<semaphore_mem>>) src(%arg20 : memref<640x128xf32, #tpu.memory_space<hbm>>) dst(%dma_wait3A_130 : memref<640x128xf32, #tpu.memory_space<vmem_shared>>)
      tpu.yield
    }) : () -> ()
    %barrier3A_19 = arith.constant 0 : index
    tpu.barrier barrier_id(%barrier3A_19)
    %eq3A_20 = arith.constant 0 : i32
    %eq3A_21 = arith.cmpi eq, %arg0, %eq3A_20 : i32
    %convert_element_type3A_22 = arith.extui %eq3A_21 : i1 to i32
    %cond3A_23 = arith.constant 0 : i32
    %cond3A_24 = arith.cmpi ne, %convert_element_type3A_22, %cond3A_23 : i32
    scf.if %cond3A_24 {
      %scan3A = arith.constant 0 : i32
      %scan3A_129 = arith.constant 0 : i32
      %scan3A_130 = arith.constant 79 : i32
      %scan3A_131 = arith.addi %scan3A_129, %scan3A_130 : i32
      %scan3A_132 = arith.constant 1 : i32
      %scan3A_133 = scf.for %scan3A_135 = %scan3A_129 to %scan3A_131 step %scan3A_132 iter_args(%scan3A_136 = %scan3A) -> (i32)  : i32 {
        %mul3A_137 = arith.constant 16 : i32
        %mul3A_138 = arith.muli %scan3A_135, %mul3A_137 : i32
        %add3A = arith.addi %arg1, %mul3A_138 : i32
        %lt3A = arith.constant 1250 : i32
        %lt3A_139 = arith.cmpi slt, %add3A, %lt3A : i32
        %convert_element_type3A_140 = arith.extui %lt3A_139 : i1 to i32
        %cond3A_141 = arith.constant 0 : i32
        %cond3A_142 = arith.cmpi ne, %convert_element_type3A_140, %cond3A_141 : i32
        scf.if %cond3A_142 {
          %add3A_144 = arith.constant 0 : i32
          %add3A_145 = arith.addi %add3A_144, %add3A : i32
          %mul3A_146 = arith.constant 128 : i32
          %mul3A_147 = arith.muli %add3A_145, %mul3A_146 : i32
          %dma_start3A = tpu.memref_slice %arg6[%mul3A_147] : memref<160000xi32, #tpu.memory_space<hbm>> -> memref<128xi32, #tpu.memory_space<hbm>>
          %dma_start3A_148 = tpu.memref_slice %arg6[%mul3A_147] : memref<160000xi32, #tpu.memory_space<hbm>> -> memref<128xi32, #tpu.memory_space<hbm>>
          tpu.enqueue_dma source(%dma_start3A_148 : memref<128xi32, #tpu.memory_space<hbm>>) target(%arg24 : memref<128xi32, #tpu.memory_space<vmem>>) target_semaphore(%arg28 : memref<!tpu.dma_semaphore, #tpu.memory_space<semaphore_mem>>)
          %dma_start3A_149 = tpu.memref_slice %arg17[%mul3A_147] : memref<160000xi32, #tpu.memory_space<hbm>> -> memref<128xi32, #tpu.memory_space<hbm>>
          %dma_start3A_150 = tpu.memref_slice %arg17[%mul3A_147] : memref<160000xi32, #tpu.memory_space<hbm>> -> memref<128xi32, #tpu.memory_space<hbm>>
          tpu.enqueue_dma source(%dma_start3A_150 : memref<128xi32, #tpu.memory_space<hbm>>) target(%arg25 : memref<128xi32, #tpu.memory_space<vmem>>) target_semaphore(%arg28 : memref<!tpu.dma_semaphore, #tpu.memory_space<semaphore_mem>>)
          %dma_wait3A = tpu.memref_slice %arg6[%mul3A_147] : memref<160000xi32, #tpu.memory_space<hbm>> -> memref<128xi32, #tpu.memory_space<hbm>>
          %dma_wait3A_151 = tpu.memref_slice %arg6[%mul3A_147] : memref<160000xi32, #tpu.memory_space<hbm>> -> memref<128xi32, #tpu.memory_space<hbm>>
          tpu.wait_dma2 semaphore(%arg28 : memref<!tpu.dma_semaphore, #tpu.memory_space<semaphore_mem>>) src(%dma_wait3A_151 : memref<128xi32, #tpu.memory_space<hbm>>) dst(%arg24 : memref<128xi32, #tpu.memory_space<vmem>>)
          %dma_wait3A_152 = tpu.memref_slice %arg17[%mul3A_147] : memref<160000xi32, #tpu.memory_space<hbm>> -> memref<128xi32, #tpu.memory_space<hbm>>
          %dma_wait3A_153 = tpu.memref_slice %arg17[%mul3A_147] : memref<160000xi32, #tpu.memory_space<hbm>> -> memref<128xi32, #tpu.memory_space<hbm>>
          tpu.wait_dma2 semaphore(%arg28 : memref<!tpu.dma_semaphore, #tpu.memory_space<semaphore_mem>>) src(%dma_wait3A_153 : memref<128xi32, #tpu.memory_space<hbm>>) dst(%arg25 : memref<128xi32, #tpu.memory_space<vmem>>)
          %dma_start3A_154 = arith.constant 0 : i32
          %dma_start3A_155 = arith.constant 0 : i32
          %dma_start3A_156 = tpu.memref_slice %arg2[%dma_start3A_154, %dma_start3A_155] : memref<40000x128xf32, #tpu.memory_space<hbm>> -> memref<40000x128xf32, #tpu.memory_space<hbm>>
          tpu.enqueue_indirect_dma source(%dma_start3A_156 : memref<40000x128xf32, #tpu.memory_space<hbm>>) target(%arg26 : memref<128x128xf32, #tpu.memory_space<vmem>>) offsets(%arg24 : memref<128xi32, #tpu.memory_space<vmem>>) semaphore(%arg28 : memref<!tpu.dma_semaphore, #tpu.memory_space<semaphore_mem>>)
          %dma_wait3A_157 = arith.constant 0 : i32
          %dma_wait3A_158 = arith.constant 0 : i32
          %dma_wait3A_159 = tpu.memref_slice %arg2[%dma_wait3A_157, %dma_wait3A_158] : memref<40000x128xf32, #tpu.memory_space<hbm>> -> memref<40000x128xf32, #tpu.memory_space<hbm>>
          tpu.wait_indirect_dma semaphore(%arg28 : memref<!tpu.dma_semaphore, #tpu.memory_space<semaphore_mem>>) src(%dma_wait3A_159 : memref<40000x128xf32, #tpu.memory_space<hbm>>) dst(%arg26 : memref<128x128xf32, #tpu.memory_space<vmem>>)
          "tpu.region"() ({
            %run_scoped3A = tpu.sem_alloc : memref<!tpu.dma_semaphore, #tpu.memory_space<semaphore_mem>>
            %dma_start3A_160 = arith.constant 0 : i32
            %dma_start3A_161 = arith.constant 0 : i32
            %dma_start3A_162 = tpu.memref_slice %arg27[%dma_start3A_160, %dma_start3A_161] : memref<10240x128xf32, #tpu.memory_space<vmem_shared>> -> memref<10240x128xf32, #tpu.memory_space<vmem_shared>>
            tpu.enqueue_indirect_dma source(%arg26 : memref<128x128xf32, #tpu.memory_space<vmem>>) target(%dma_start3A_162 : memref<10240x128xf32, #tpu.memory_space<vmem_shared>>) offsets(%arg25 : memref<128xi32, #tpu.memory_space<vmem>>) semaphore(%run_scoped3A : memref<!tpu.dma_semaphore, #tpu.memory_space<semaphore_mem>>) {add = true}
            %dma_wait3A_163 = arith.constant 0 : i32
            %dma_wait3A_164 = arith.constant 0 : i32
            %dma_wait3A_165 = tpu.memref_slice %arg27[%dma_wait3A_163, %dma_wait3A_164] : memref<10240x128xf32, #tpu.memory_space<vmem_shared>> -> memref<10240x128xf32, #tpu.memory_space<vmem_shared>>
            tpu.wait_indirect_dma semaphore(%run_scoped3A : memref<!tpu.dma_semaphore, #tpu.memory_space<semaphore_mem>>) src(%arg26 : memref<128x128xf32, #tpu.memory_space<vmem>>) dst(%dma_wait3A_165 : memref<10240x128xf32, #tpu.memory_space<vmem_shared>>)
            tpu.yield
          }) : () -> ()
        } else {
        }
        %scan3A_143 = arith.constant 0 : i32
        scf.yield %scan3A_143 : i32
      }
      %scan3A_134 = arith.constant 79 : i32
    } else {
    }
    %eq3A_25 = arith.constant 1 : i32
    %eq3A_26 = arith.cmpi eq, %arg0, %eq3A_25 : i32
    %convert_element_type3A_27 = arith.extui %eq3A_26 : i1 to i32
    %cond3A_28 = arith.constant 0 : i32
    %cond3A_29 = arith.cmpi ne, %convert_element_type3A_27, %cond3A_28 : i32
    scf.if %cond3A_29 {
      %scan3A = arith.constant 0 : i32
      %scan3A_129 = arith.constant 0 : i32
      %scan3A_130 = arith.constant 79 : i32
      %scan3A_131 = arith.addi %scan3A_129, %scan3A_130 : i32
      %scan3A_132 = arith.constant 1 : i32
      %scan3A_133 = scf.for %scan3A_135 = %scan3A_129 to %scan3A_131 step %scan3A_132 iter_args(%scan3A_136 = %scan3A) -> (i32)  : i32 {
        %mul3A_137 = arith.constant 16 : i32
        %mul3A_138 = arith.muli %scan3A_135, %mul3A_137 : i32
        %add3A = arith.addi %arg1, %mul3A_138 : i32
        %lt3A = arith.constant 1250 : i32
        %lt3A_139 = arith.cmpi slt, %add3A, %lt3A : i32
        %convert_element_type3A_140 = arith.extui %lt3A_139 : i1 to i32
        %cond3A_141 = arith.constant 0 : i32
        %cond3A_142 = arith.cmpi ne, %convert_element_type3A_140, %cond3A_141 : i32
        scf.if %cond3A_142 {
          %add3A_144 = arith.constant 0 : i32
          %add3A_145 = arith.addi %add3A_144, %add3A : i32
          %mul3A_146 = arith.constant 128 : i32
          %mul3A_147 = arith.muli %add3A_145, %mul3A_146 : i32
          %dma_start3A = tpu.memref_slice %arg8[%mul3A_147] : memref<160000xi32, #tpu.memory_space<hbm>> -> memref<128xi32, #tpu.memory_space<hbm>>
          %dma_start3A_148 = tpu.memref_slice %arg8[%mul3A_147] : memref<160000xi32, #tpu.memory_space<hbm>> -> memref<128xi32, #tpu.memory_space<hbm>>
          tpu.enqueue_dma source(%dma_start3A_148 : memref<128xi32, #tpu.memory_space<hbm>>) target(%arg24 : memref<128xi32, #tpu.memory_space<vmem>>) target_semaphore(%arg28 : memref<!tpu.dma_semaphore, #tpu.memory_space<semaphore_mem>>)
          %dma_start3A_149 = tpu.memref_slice %arg17[%mul3A_147] : memref<160000xi32, #tpu.memory_space<hbm>> -> memref<128xi32, #tpu.memory_space<hbm>>
          %dma_start3A_150 = tpu.memref_slice %arg17[%mul3A_147] : memref<160000xi32, #tpu.memory_space<hbm>> -> memref<128xi32, #tpu.memory_space<hbm>>
          tpu.enqueue_dma source(%dma_start3A_150 : memref<128xi32, #tpu.memory_space<hbm>>) target(%arg25 : memref<128xi32, #tpu.memory_space<vmem>>) target_semaphore(%arg28 : memref<!tpu.dma_semaphore, #tpu.memory_space<semaphore_mem>>)
          %dma_wait3A = tpu.memref_slice %arg8[%mul3A_147] : memref<160000xi32, #tpu.memory_space<hbm>> -> memref<128xi32, #tpu.memory_space<hbm>>
          %dma_wait3A_151 = tpu.memref_slice %arg8[%mul3A_147] : memref<160000xi32, #tpu.memory_space<hbm>> -> memref<128xi32, #tpu.memory_space<hbm>>
          tpu.wait_dma2 semaphore(%arg28 : memref<!tpu.dma_semaphore, #tpu.memory_space<semaphore_mem>>) src(%dma_wait3A_151 : memref<128xi32, #tpu.memory_space<hbm>>) dst(%arg24 : memref<128xi32, #tpu.memory_space<vmem>>)
          %dma_wait3A_152 = tpu.memref_slice %arg17[%mul3A_147] : memref<160000xi32, #tpu.memory_space<hbm>> -> memref<128xi32, #tpu.memory_space<hbm>>
          %dma_wait3A_153 = tpu.memref_slice %arg17[%mul3A_147] : memref<160000xi32, #tpu.memory_space<hbm>> -> memref<128xi32, #tpu.memory_space<hbm>>
          tpu.wait_dma2 semaphore(%arg28 : memref<!tpu.dma_semaphore, #tpu.memory_space<semaphore_mem>>) src(%dma_wait3A_153 : memref<128xi32, #tpu.memory_space<hbm>>) dst(%arg25 : memref<128xi32, #tpu.memory_space<vmem>>)
          %dma_start3A_154 = arith.constant 0 : i32
          %dma_start3A_155 = arith.constant 0 : i32
          %dma_start3A_156 = tpu.memref_slice %arg2[%dma_start3A_154, %dma_start3A_155] : memref<40000x128xf32, #tpu.memory_space<hbm>> -> memref<40000x128xf32, #tpu.memory_space<hbm>>
          tpu.enqueue_indirect_dma source(%dma_start3A_156 : memref<40000x128xf32, #tpu.memory_space<hbm>>) target(%arg26 : memref<128x128xf32, #tpu.memory_space<vmem>>) offsets(%arg24 : memref<128xi32, #tpu.memory_space<vmem>>) semaphore(%arg28 : memref<!tpu.dma_semaphore, #tpu.memory_space<semaphore_mem>>)
          %dma_wait3A_157 = arith.constant 0 : i32
          %dma_wait3A_158 = arith.constant 0 : i32
          %dma_wait3A_159 = tpu.memref_slice %arg2[%dma_wait3A_157, %dma_wait3A_158] : memref<40000x128xf32, #tpu.memory_space<hbm>> -> memref<40000x128xf32, #tpu.memory_space<hbm>>
          tpu.wait_indirect_dma semaphore(%arg28 : memref<!tpu.dma_semaphore, #tpu.memory_space<semaphore_mem>>) src(%dma_wait3A_159 : memref<40000x128xf32, #tpu.memory_space<hbm>>) dst(%arg26 : memref<128x128xf32, #tpu.memory_space<vmem>>)
          "tpu.region"() ({
            %run_scoped3A = tpu.sem_alloc : memref<!tpu.dma_semaphore, #tpu.memory_space<semaphore_mem>>
            %dma_start3A_160 = arith.constant 0 : i32
            %dma_start3A_161 = arith.constant 0 : i32
            %dma_start3A_162 = tpu.memref_slice %arg27[%dma_start3A_160, %dma_start3A_161] : memref<10240x128xf32, #tpu.memory_space<vmem_shared>> -> memref<10240x128xf32, #tpu.memory_space<vmem_shared>>
            tpu.enqueue_indirect_dma source(%arg26 : memref<128x128xf32, #tpu.memory_space<vmem>>) target(%dma_start3A_162 : memref<10240x128xf32, #tpu.memory_space<vmem_shared>>) offsets(%arg25 : memref<128xi32, #tpu.memory_space<vmem>>) semaphore(%run_scoped3A : memref<!tpu.dma_semaphore, #tpu.memory_space<semaphore_mem>>) {add = true}
            %dma_wait3A_163 = arith.constant 0 : i32
            %dma_wait3A_164 = arith.constant 0 : i32
            %dma_wait3A_165 = tpu.memref_slice %arg27[%dma_wait3A_163, %dma_wait3A_164] : memref<10240x128xf32, #tpu.memory_space<vmem_shared>> -> memref<10240x128xf32, #tpu.memory_space<vmem_shared>>
            tpu.wait_indirect_dma semaphore(%run_scoped3A : memref<!tpu.dma_semaphore, #tpu.memory_space<semaphore_mem>>) src(%arg26 : memref<128x128xf32, #tpu.memory_space<vmem>>) dst(%dma_wait3A_165 : memref<10240x128xf32, #tpu.memory_space<vmem_shared>>)
            tpu.yield
          }) : () -> ()
        } else {
        }
        %scan3A_143 = arith.constant 0 : i32
        scf.yield %scan3A_143 : i32
      }
      %scan3A_134 = arith.constant 79 : i32
    } else {
    }
    %barrier3A_30 = arith.constant 0 : index
    tpu.barrier barrier_id(%barrier3A_30)
    %eq3A_31 = arith.constant 0 : i32
    %eq3A_32 = arith.cmpi eq, %arg0, %eq3A_31 : i32
    %convert_element_type3A_33 = arith.extui %eq3A_32 : i1 to i32
    %cond3A_34 = arith.constant 0 : i32
    %cond3A_35 = arith.cmpi ne, %convert_element_type3A_33, %cond3A_34 : i32
    scf.if %cond3A_35 {
      %run_scoped3A = arith.constant 1 : i32
      "tpu.region"() ({
        %run_scoped3A_129 = tpu.sem_alloc : memref<!tpu.dma_semaphore, #tpu.memory_space<semaphore_mem>>
        %dma_start3A = arith.constant 0 : i32
        %dma_start3A_130 = tpu.memref_slice %arg21[%run_scoped3A, %mul3A_0, %dma_start3A] : memref<4x10240x128xf32, #tpu.memory_space<hbm>> -> memref<1x640x128xf32, #tpu.memory_space<hbm>>
        %dma_start3A_131 = tpu.memref_squeeze %dma_start3A_130 : memref<1x640x128xf32, #tpu.memory_space<hbm>> -> memref<640x128xf32, #tpu.memory_space<hbm>>
        %dma_start3A_132 = arith.constant 0 : i32
        %dma_start3A_133 = tpu.memref_slice %arg27[%mul3A_0, %dma_start3A_132] : memref<10240x128xf32, #tpu.memory_space<vmem_shared>> -> memref<640x128xf32, #tpu.memory_space<vmem_shared>>
        tpu.enqueue_dma source(%dma_start3A_133 : memref<640x128xf32, #tpu.memory_space<vmem_shared>>) target(%dma_start3A_131 : memref<640x128xf32, #tpu.memory_space<hbm>>) target_semaphore(%run_scoped3A_129 : memref<!tpu.dma_semaphore, #tpu.memory_space<semaphore_mem>>)
        %dma_wait3A = arith.constant 0 : i32
        %dma_wait3A_134 = tpu.memref_slice %arg21[%run_scoped3A, %mul3A_0, %dma_wait3A] : memref<4x10240x128xf32, #tpu.memory_space<hbm>> -> memref<1x640x128xf32, #tpu.memory_space<hbm>>
        %dma_wait3A_135 = tpu.memref_squeeze %dma_wait3A_134 : memref<1x640x128xf32, #tpu.memory_space<hbm>> -> memref<640x128xf32, #tpu.memory_space<hbm>>
        %dma_wait3A_136 = arith.constant 0 : i32
        %dma_wait3A_137 = tpu.memref_slice %arg27[%mul3A_0, %dma_wait3A_136] : memref<10240x128xf32, #tpu.memory_space<vmem_shared>> -> memref<640x128xf32, #tpu.memory_space<vmem_shared>>
        tpu.wait_dma2 semaphore(%run_scoped3A_129 : memref<!tpu.dma_semaphore, #tpu.memory_space<semaphore_mem>>) src(%dma_wait3A_137 : memref<640x128xf32, #tpu.memory_space<vmem_shared>>) dst(%dma_wait3A_135 : memref<640x128xf32, #tpu.memory_space<hbm>>)
        tpu.yield
      }) : () -> ()
    } else {
    }
    %eq3A_36 = arith.constant 1 : i32
    %eq3A_37 = arith.cmpi eq, %arg0, %eq3A_36 : i32
    %convert_element_type3A_38 = arith.extui %eq3A_37 : i1 to i32
    %cond3A_39 = arith.constant 0 : i32
    %cond3A_40 = arith.cmpi ne, %convert_element_type3A_38, %cond3A_39 : i32
    scf.if %cond3A_40 {
      %run_scoped3A = arith.constant 3 : i32
      "tpu.region"() ({
        %run_scoped3A_129 = tpu.sem_alloc : memref<!tpu.dma_semaphore, #tpu.memory_space<semaphore_mem>>
        %dma_start3A = arith.constant 0 : i32
        %dma_start3A_130 = tpu.memref_slice %arg21[%run_scoped3A, %mul3A_0, %dma_start3A] : memref<4x10240x128xf32, #tpu.memory_space<hbm>> -> memref<1x640x128xf32, #tpu.memory_space<hbm>>
        %dma_start3A_131 = tpu.memref_squeeze %dma_start3A_130 : memref<1x640x128xf32, #tpu.memory_space<hbm>> -> memref<640x128xf32, #tpu.memory_space<hbm>>
        %dma_start3A_132 = arith.constant 0 : i32
        %dma_start3A_133 = tpu.memref_slice %arg27[%mul3A_0, %dma_start3A_132] : memref<10240x128xf32, #tpu.memory_space<vmem_shared>> -> memref<640x128xf32, #tpu.memory_space<vmem_shared>>
        tpu.enqueue_dma source(%dma_start3A_133 : memref<640x128xf32, #tpu.memory_space<vmem_shared>>) target(%dma_start3A_131 : memref<640x128xf32, #tpu.memory_space<hbm>>) target_semaphore(%run_scoped3A_129 : memref<!tpu.dma_semaphore, #tpu.memory_space<semaphore_mem>>)
        %dma_wait3A = arith.constant 0 : i32
        %dma_wait3A_134 = tpu.memref_slice %arg21[%run_scoped3A, %mul3A_0, %dma_wait3A] : memref<4x10240x128xf32, #tpu.memory_space<hbm>> -> memref<1x640x128xf32, #tpu.memory_space<hbm>>
        %dma_wait3A_135 = tpu.memref_squeeze %dma_wait3A_134 : memref<1x640x128xf32, #tpu.memory_space<hbm>> -> memref<640x128xf32, #tpu.memory_space<hbm>>
        %dma_wait3A_136 = arith.constant 0 : i32
        %dma_wait3A_137 = tpu.memref_slice %arg27[%mul3A_0, %dma_wait3A_136] : memref<10240x128xf32, #tpu.memory_space<vmem_shared>> -> memref<640x128xf32, #tpu.memory_space<vmem_shared>>
        tpu.wait_dma2 semaphore(%run_scoped3A_129 : memref<!tpu.dma_semaphore, #tpu.memory_space<semaphore_mem>>) src(%dma_wait3A_137 : memref<640x128xf32, #tpu.memory_space<vmem_shared>>) dst(%dma_wait3A_135 : memref<640x128xf32, #tpu.memory_space<hbm>>)
        tpu.yield
      }) : () -> ()
    } else {
    }
    "tpu.region"() ({
      %run_scoped3A = tpu.sem_alloc : memref<!tpu.dma_semaphore, #tpu.memory_space<semaphore_mem>>
      %dma_start3A = arith.constant 0 : i32
      %dma_start3A_129 = tpu.memref_slice %arg27[%mul3A_0, %dma_start3A] : memref<10240x128xf32, #tpu.memory_space<vmem_shared>> -> memref<640x128xf32, #tpu.memory_space<vmem_shared>>
      tpu.enqueue_dma source(%arg20 : memref<640x128xf32, #tpu.memory_space<hbm>>) target(%dma_start3A_129 : memref<640x128xf32, #tpu.memory_space<vmem_shared>>) target_semaphore(%run_scoped3A : memref<!tpu.dma_semaphore, #tpu.memory_space<semaphore_mem>>)
      %dma_wait3A = arith.constant 0 : i32
      %dma_wait3A_130 = tpu.memref_slice %arg27[%mul3A_0, %dma_wait3A] : memref<10240x128xf32, #tpu.memory_space<vmem_shared>> -> memref<640x128xf32, #tpu.memory_space<vmem_shared>>
      tpu.wait_dma2 semaphore(%run_scoped3A : memref<!tpu.dma_semaphore, #tpu.memory_space<semaphore_mem>>) src(%arg20 : memref<640x128xf32, #tpu.memory_space<hbm>>) dst(%dma_wait3A_130 : memref<640x128xf32, #tpu.memory_space<vmem_shared>>)
      tpu.yield
    }) : () -> ()
    %barrier3A_41 = arith.constant 0 : index
    tpu.barrier barrier_id(%barrier3A_41)
    %eq3A_42 = arith.constant 0 : i32
    %eq3A_43 = arith.cmpi eq, %arg0, %eq3A_42 : i32
    %convert_element_type3A_44 = arith.extui %eq3A_43 : i1 to i32
    %cond3A_45 = arith.constant 0 : i32
    %cond3A_46 = arith.cmpi ne, %convert_element_type3A_44, %cond3A_45 : i32
    scf.if %cond3A_46 {
      %scan3A = arith.constant 0 : i32
      %scan3A_129 = arith.constant 0 : i32
      %scan3A_130 = arith.constant 79 : i32
      %scan3A_131 = arith.addi %scan3A_129, %scan3A_130 : i32
      %scan3A_132 = arith.constant 1 : i32
      %scan3A_133 = scf.for %scan3A_135 = %scan3A_129 to %scan3A_131 step %scan3A_132 iter_args(%scan3A_136 = %scan3A) -> (i32)  : i32 {
        %mul3A_137 = arith.constant 16 : i32
        %mul3A_138 = arith.muli %scan3A_135, %mul3A_137 : i32
        %add3A = arith.addi %arg1, %mul3A_138 : i32
        %lt3A = arith.constant 1250 : i32
        %lt3A_139 = arith.cmpi slt, %add3A, %lt3A : i32
        %convert_element_type3A_140 = arith.extui %lt3A_139 : i1 to i32
        %cond3A_141 = arith.constant 0 : i32
        %cond3A_142 = arith.cmpi ne, %convert_element_type3A_140, %cond3A_141 : i32
        scf.if %cond3A_142 {
          %add3A_144 = arith.constant 0 : i32
          %add3A_145 = arith.addi %add3A_144, %add3A : i32
          %mul3A_146 = arith.constant 128 : i32
          %mul3A_147 = arith.muli %add3A_145, %mul3A_146 : i32
          %dma_start3A = tpu.memref_slice %arg9[%mul3A_147] : memref<160000xi32, #tpu.memory_space<hbm>> -> memref<128xi32, #tpu.memory_space<hbm>>
          %dma_start3A_148 = tpu.memref_slice %arg9[%mul3A_147] : memref<160000xi32, #tpu.memory_space<hbm>> -> memref<128xi32, #tpu.memory_space<hbm>>
          tpu.enqueue_dma source(%dma_start3A_148 : memref<128xi32, #tpu.memory_space<hbm>>) target(%arg24 : memref<128xi32, #tpu.memory_space<vmem>>) target_semaphore(%arg28 : memref<!tpu.dma_semaphore, #tpu.memory_space<semaphore_mem>>)
          %dma_start3A_149 = tpu.memref_slice %arg18[%mul3A_147] : memref<160000xi32, #tpu.memory_space<hbm>> -> memref<128xi32, #tpu.memory_space<hbm>>
          %dma_start3A_150 = tpu.memref_slice %arg18[%mul3A_147] : memref<160000xi32, #tpu.memory_space<hbm>> -> memref<128xi32, #tpu.memory_space<hbm>>
          tpu.enqueue_dma source(%dma_start3A_150 : memref<128xi32, #tpu.memory_space<hbm>>) target(%arg25 : memref<128xi32, #tpu.memory_space<vmem>>) target_semaphore(%arg28 : memref<!tpu.dma_semaphore, #tpu.memory_space<semaphore_mem>>)
          %dma_wait3A = tpu.memref_slice %arg9[%mul3A_147] : memref<160000xi32, #tpu.memory_space<hbm>> -> memref<128xi32, #tpu.memory_space<hbm>>
          %dma_wait3A_151 = tpu.memref_slice %arg9[%mul3A_147] : memref<160000xi32, #tpu.memory_space<hbm>> -> memref<128xi32, #tpu.memory_space<hbm>>
          tpu.wait_dma2 semaphore(%arg28 : memref<!tpu.dma_semaphore, #tpu.memory_space<semaphore_mem>>) src(%dma_wait3A_151 : memref<128xi32, #tpu.memory_space<hbm>>) dst(%arg24 : memref<128xi32, #tpu.memory_space<vmem>>)
          %dma_wait3A_152 = tpu.memref_slice %arg18[%mul3A_147] : memref<160000xi32, #tpu.memory_space<hbm>> -> memref<128xi32, #tpu.memory_space<hbm>>
          %dma_wait3A_153 = tpu.memref_slice %arg18[%mul3A_147] : memref<160000xi32, #tpu.memory_space<hbm>> -> memref<128xi32, #tpu.memory_space<hbm>>
          tpu.wait_dma2 semaphore(%arg28 : memref<!tpu.dma_semaphore, #tpu.memory_space<semaphore_mem>>) src(%dma_wait3A_153 : memref<128xi32, #tpu.memory_space<hbm>>) dst(%arg25 : memref<128xi32, #tpu.memory_space<vmem>>)
          %dma_start3A_154 = arith.constant 0 : i32
          %dma_start3A_155 = arith.constant 0 : i32
          %dma_start3A_156 = tpu.memref_slice %arg3[%dma_start3A_154, %dma_start3A_155] : memref<40000x128xf32, #tpu.memory_space<hbm>> -> memref<40000x128xf32, #tpu.memory_space<hbm>>
          tpu.enqueue_indirect_dma source(%dma_start3A_156 : memref<40000x128xf32, #tpu.memory_space<hbm>>) target(%arg26 : memref<128x128xf32, #tpu.memory_space<vmem>>) offsets(%arg24 : memref<128xi32, #tpu.memory_space<vmem>>) semaphore(%arg28 : memref<!tpu.dma_semaphore, #tpu.memory_space<semaphore_mem>>)
          %dma_wait3A_157 = arith.constant 0 : i32
          %dma_wait3A_158 = arith.constant 0 : i32
          %dma_wait3A_159 = tpu.memref_slice %arg3[%dma_wait3A_157, %dma_wait3A_158] : memref<40000x128xf32, #tpu.memory_space<hbm>> -> memref<40000x128xf32, #tpu.memory_space<hbm>>
          tpu.wait_indirect_dma semaphore(%arg28 : memref<!tpu.dma_semaphore, #tpu.memory_space<semaphore_mem>>) src(%dma_wait3A_159 : memref<40000x128xf32, #tpu.memory_space<hbm>>) dst(%arg26 : memref<128x128xf32, #tpu.memory_space<vmem>>)
          "tpu.region"() ({
            %run_scoped3A = tpu.sem_alloc : memref<!tpu.dma_semaphore, #tpu.memory_space<semaphore_mem>>
            %dma_start3A_160 = arith.constant 0 : i32
            %dma_start3A_161 = arith.constant 0 : i32
            %dma_start3A_162 = tpu.memref_slice %arg27[%dma_start3A_160, %dma_start3A_161] : memref<10240x128xf32, #tpu.memory_space<vmem_shared>> -> memref<10240x128xf32, #tpu.memory_space<vmem_shared>>
            tpu.enqueue_indirect_dma source(%arg26 : memref<128x128xf32, #tpu.memory_space<vmem>>) target(%dma_start3A_162 : memref<10240x128xf32, #tpu.memory_space<vmem_shared>>) offsets(%arg25 : memref<128xi32, #tpu.memory_space<vmem>>) semaphore(%run_scoped3A : memref<!tpu.dma_semaphore, #tpu.memory_space<semaphore_mem>>) {add = true}
            %dma_wait3A_163 = arith.constant 0 : i32
            %dma_wait3A_164 = arith.constant 0 : i32
            %dma_wait3A_165 = tpu.memref_slice %arg27[%dma_wait3A_163, %dma_wait3A_164] : memref<10240x128xf32, #tpu.memory_space<vmem_shared>> -> memref<10240x128xf32, #tpu.memory_space<vmem_shared>>
            tpu.wait_indirect_dma semaphore(%run_scoped3A : memref<!tpu.dma_semaphore, #tpu.memory_space<semaphore_mem>>) src(%arg26 : memref<128x128xf32, #tpu.memory_space<vmem>>) dst(%dma_wait3A_165 : memref<10240x128xf32, #tpu.memory_space<vmem_shared>>)
            tpu.yield
          }) : () -> ()
        } else {
        }
        %scan3A_143 = arith.constant 0 : i32
        scf.yield %scan3A_143 : i32
      }
      %scan3A_134 = arith.constant 79 : i32
    } else {
    }
    %eq3A_47 = arith.constant 1 : i32
    %eq3A_48 = arith.cmpi eq, %arg0, %eq3A_47 : i32
    %convert_element_type3A_49 = arith.extui %eq3A_48 : i1 to i32
    %cond3A_50 = arith.constant 0 : i32
    %cond3A_51 = arith.cmpi ne, %convert_element_type3A_49, %cond3A_50 : i32
    scf.if %cond3A_51 {
      %scan3A = arith.constant 0 : i32
      %scan3A_129 = arith.constant 0 : i32
      %scan3A_130 = arith.constant 79 : i32
      %scan3A_131 = arith.addi %scan3A_129, %scan3A_130 : i32
      %scan3A_132 = arith.constant 1 : i32
      %scan3A_133 = scf.for %scan3A_135 = %scan3A_129 to %scan3A_131 step %scan3A_132 iter_args(%scan3A_136 = %scan3A) -> (i32)  : i32 {
        %mul3A_137 = arith.constant 16 : i32
        %mul3A_138 = arith.muli %scan3A_135, %mul3A_137 : i32
        %add3A = arith.addi %arg1, %mul3A_138 : i32
        %lt3A = arith.constant 1250 : i32
        %lt3A_139 = arith.cmpi slt, %add3A, %lt3A : i32
        %convert_element_type3A_140 = arith.extui %lt3A_139 : i1 to i32
        %cond3A_141 = arith.constant 0 : i32
        %cond3A_142 = arith.cmpi ne, %convert_element_type3A_140, %cond3A_141 : i32
        scf.if %cond3A_142 {
          %add3A_144 = arith.constant 0 : i32
          %add3A_145 = arith.addi %add3A_144, %add3A : i32
          %mul3A_146 = arith.constant 128 : i32
          %mul3A_147 = arith.muli %add3A_145, %mul3A_146 : i32
          %dma_start3A = tpu.memref_slice %arg11[%mul3A_147] : memref<160000xi32, #tpu.memory_space<hbm>> -> memref<128xi32, #tpu.memory_space<hbm>>
          %dma_start3A_148 = tpu.memref_slice %arg11[%mul3A_147] : memref<160000xi32, #tpu.memory_space<hbm>> -> memref<128xi32, #tpu.memory_space<hbm>>
          tpu.enqueue_dma source(%dma_start3A_148 : memref<128xi32, #tpu.memory_space<hbm>>) target(%arg24 : memref<128xi32, #tpu.memory_space<vmem>>) target_semaphore(%arg28 : memref<!tpu.dma_semaphore, #tpu.memory_space<semaphore_mem>>)
          %dma_start3A_149 = tpu.memref_slice %arg18[%mul3A_147] : memref<160000xi32, #tpu.memory_space<hbm>> -> memref<128xi32, #tpu.memory_space<hbm>>
          %dma_start3A_150 = tpu.memref_slice %arg18[%mul3A_147] : memref<160000xi32, #tpu.memory_space<hbm>> -> memref<128xi32, #tpu.memory_space<hbm>>
          tpu.enqueue_dma source(%dma_start3A_150 : memref<128xi32, #tpu.memory_space<hbm>>) target(%arg25 : memref<128xi32, #tpu.memory_space<vmem>>) target_semaphore(%arg28 : memref<!tpu.dma_semaphore, #tpu.memory_space<semaphore_mem>>)
          %dma_wait3A = tpu.memref_slice %arg11[%mul3A_147] : memref<160000xi32, #tpu.memory_space<hbm>> -> memref<128xi32, #tpu.memory_space<hbm>>
          %dma_wait3A_151 = tpu.memref_slice %arg11[%mul3A_147] : memref<160000xi32, #tpu.memory_space<hbm>> -> memref<128xi32, #tpu.memory_space<hbm>>
          tpu.wait_dma2 semaphore(%arg28 : memref<!tpu.dma_semaphore, #tpu.memory_space<semaphore_mem>>) src(%dma_wait3A_151 : memref<128xi32, #tpu.memory_space<hbm>>) dst(%arg24 : memref<128xi32, #tpu.memory_space<vmem>>)
          %dma_wait3A_152 = tpu.memref_slice %arg18[%mul3A_147] : memref<160000xi32, #tpu.memory_space<hbm>> -> memref<128xi32, #tpu.memory_space<hbm>>
          %dma_wait3A_153 = tpu.memref_slice %arg18[%mul3A_147] : memref<160000xi32, #tpu.memory_space<hbm>> -> memref<128xi32, #tpu.memory_space<hbm>>
          tpu.wait_dma2 semaphore(%arg28 : memref<!tpu.dma_semaphore, #tpu.memory_space<semaphore_mem>>) src(%dma_wait3A_153 : memref<128xi32, #tpu.memory_space<hbm>>) dst(%arg25 : memref<128xi32, #tpu.memory_space<vmem>>)
          %dma_start3A_154 = arith.constant 0 : i32
          %dma_start3A_155 = arith.constant 0 : i32
          %dma_start3A_156 = tpu.memref_slice %arg3[%dma_start3A_154, %dma_start3A_155] : memref<40000x128xf32, #tpu.memory_space<hbm>> -> memref<40000x128xf32, #tpu.memory_space<hbm>>
          tpu.enqueue_indirect_dma source(%dma_start3A_156 : memref<40000x128xf32, #tpu.memory_space<hbm>>) target(%arg26 : memref<128x128xf32, #tpu.memory_space<vmem>>) offsets(%arg24 : memref<128xi32, #tpu.memory_space<vmem>>) semaphore(%arg28 : memref<!tpu.dma_semaphore, #tpu.memory_space<semaphore_mem>>)
          %dma_wait3A_157 = arith.constant 0 : i32
          %dma_wait3A_158 = arith.constant 0 : i32
          %dma_wait3A_159 = tpu.memref_slice %arg3[%dma_wait3A_157, %dma_wait3A_158] : memref<40000x128xf32, #tpu.memory_space<hbm>> -> memref<40000x128xf32, #tpu.memory_space<hbm>>
          tpu.wait_indirect_dma semaphore(%arg28 : memref<!tpu.dma_semaphore, #tpu.memory_space<semaphore_mem>>) src(%dma_wait3A_159 : memref<40000x128xf32, #tpu.memory_space<hbm>>) dst(%arg26 : memref<128x128xf32, #tpu.memory_space<vmem>>)
          "tpu.region"() ({
            %run_scoped3A = tpu.sem_alloc : memref<!tpu.dma_semaphore, #tpu.memory_space<semaphore_mem>>
            %dma_start3A_160 = arith.constant 0 : i32
            %dma_start3A_161 = arith.constant 0 : i32
            %dma_start3A_162 = tpu.memref_slice %arg27[%dma_start3A_160, %dma_start3A_161] : memref<10240x128xf32, #tpu.memory_space<vmem_shared>> -> memref<10240x128xf32, #tpu.memory_space<vmem_shared>>
            tpu.enqueue_indirect_dma source(%arg26 : memref<128x128xf32, #tpu.memory_space<vmem>>) target(%dma_start3A_162 : memref<10240x128xf32, #tpu.memory_space<vmem_shared>>) offsets(%arg25 : memref<128xi32, #tpu.memory_space<vmem>>) semaphore(%run_scoped3A : memref<!tpu.dma_semaphore, #tpu.memory_space<semaphore_mem>>) {add = true}
            %dma_wait3A_163 = arith.constant 0 : i32
            %dma_wait3A_164 = arith.constant 0 : i32
            %dma_wait3A_165 = tpu.memref_slice %arg27[%dma_wait3A_163, %dma_wait3A_164] : memref<10240x128xf32, #tpu.memory_space<vmem_shared>> -> memref<10240x128xf32, #tpu.memory_space<vmem_shared>>
            tpu.wait_indirect_dma semaphore(%run_scoped3A : memref<!tpu.dma_semaphore, #tpu.memory_space<semaphore_mem>>) src(%arg26 : memref<128x128xf32, #tpu.memory_space<vmem>>) dst(%dma_wait3A_165 : memref<10240x128xf32, #tpu.memory_space<vmem_shared>>)
            tpu.yield
          }) : () -> ()
        } else {
        }
        %scan3A_143 = arith.constant 0 : i32
        scf.yield %scan3A_143 : i32
      }
      %scan3A_134 = arith.constant 79 : i32
    } else {
    }
    %barrier3A_52 = arith.constant 0 : index
    tpu.barrier barrier_id(%barrier3A_52)
    %eq3A_53 = arith.constant 0 : i32
    %eq3A_54 = arith.cmpi eq, %arg0, %eq3A_53 : i32
    %convert_element_type3A_55 = arith.extui %eq3A_54 : i1 to i32
    %cond3A_56 = arith.constant 0 : i32
    %cond3A_57 = arith.cmpi ne, %convert_element_type3A_55, %cond3A_56 : i32
    scf.if %cond3A_57 {
      %run_scoped3A = arith.constant 0 : i32
      "tpu.region"() ({
        %run_scoped3A_129 = tpu.sem_alloc : memref<!tpu.dma_semaphore, #tpu.memory_space<semaphore_mem>>
        %dma_start3A = arith.constant 0 : i32
        %dma_start3A_130 = tpu.memref_slice %arg22[%run_scoped3A, %mul3A_0, %dma_start3A] : memref<4x10240x128xf32, #tpu.memory_space<hbm>> -> memref<1x640x128xf32, #tpu.memory_space<hbm>>
        %dma_start3A_131 = tpu.memref_squeeze %dma_start3A_130 : memref<1x640x128xf32, #tpu.memory_space<hbm>> -> memref<640x128xf32, #tpu.memory_space<hbm>>
        %dma_start3A_132 = arith.constant 0 : i32
        %dma_start3A_133 = tpu.memref_slice %arg27[%mul3A_0, %dma_start3A_132] : memref<10240x128xf32, #tpu.memory_space<vmem_shared>> -> memref<640x128xf32, #tpu.memory_space<vmem_shared>>
        tpu.enqueue_dma source(%dma_start3A_133 : memref<640x128xf32, #tpu.memory_space<vmem_shared>>) target(%dma_start3A_131 : memref<640x128xf32, #tpu.memory_space<hbm>>) target_semaphore(%run_scoped3A_129 : memref<!tpu.dma_semaphore, #tpu.memory_space<semaphore_mem>>)
        %dma_wait3A = arith.constant 0 : i32
        %dma_wait3A_134 = tpu.memref_slice %arg22[%run_scoped3A, %mul3A_0, %dma_wait3A] : memref<4x10240x128xf32, #tpu.memory_space<hbm>> -> memref<1x640x128xf32, #tpu.memory_space<hbm>>
        %dma_wait3A_135 = tpu.memref_squeeze %dma_wait3A_134 : memref<1x640x128xf32, #tpu.memory_space<hbm>> -> memref<640x128xf32, #tpu.memory_space<hbm>>
        %dma_wait3A_136 = arith.constant 0 : i32
        %dma_wait3A_137 = tpu.memref_slice %arg27[%mul3A_0, %dma_wait3A_136] : memref<10240x128xf32, #tpu.memory_space<vmem_shared>> -> memref<640x128xf32, #tpu.memory_space<vmem_shared>>
        tpu.wait_dma2 semaphore(%run_scoped3A_129 : memref<!tpu.dma_semaphore, #tpu.memory_space<semaphore_mem>>) src(%dma_wait3A_137 : memref<640x128xf32, #tpu.memory_space<vmem_shared>>) dst(%dma_wait3A_135 : memref<640x128xf32, #tpu.memory_space<hbm>>)
        tpu.yield
      }) : () -> ()
    } else {
    }
    %eq3A_58 = arith.constant 1 : i32
    %eq3A_59 = arith.cmpi eq, %arg0, %eq3A_58 : i32
    %convert_element_type3A_60 = arith.extui %eq3A_59 : i1 to i32
    %cond3A_61 = arith.constant 0 : i32
    %cond3A_62 = arith.cmpi ne, %convert_element_type3A_60, %cond3A_61 : i32
    scf.if %cond3A_62 {
      %run_scoped3A = arith.constant 2 : i32
      "tpu.region"() ({
        %run_scoped3A_129 = tpu.sem_alloc : memref<!tpu.dma_semaphore, #tpu.memory_space<semaphore_mem>>
        %dma_start3A = arith.constant 0 : i32
        %dma_start3A_130 = tpu.memref_slice %arg22[%run_scoped3A, %mul3A_0, %dma_start3A] : memref<4x10240x128xf32, #tpu.memory_space<hbm>> -> memref<1x640x128xf32, #tpu.memory_space<hbm>>
        %dma_start3A_131 = tpu.memref_squeeze %dma_start3A_130 : memref<1x640x128xf32, #tpu.memory_space<hbm>> -> memref<640x128xf32, #tpu.memory_space<hbm>>
        %dma_start3A_132 = arith.constant 0 : i32
        %dma_start3A_133 = tpu.memref_slice %arg27[%mul3A_0, %dma_start3A_132] : memref<10240x128xf32, #tpu.memory_space<vmem_shared>> -> memref<640x128xf32, #tpu.memory_space<vmem_shared>>
        tpu.enqueue_dma source(%dma_start3A_133 : memref<640x128xf32, #tpu.memory_space<vmem_shared>>) target(%dma_start3A_131 : memref<640x128xf32, #tpu.memory_space<hbm>>) target_semaphore(%run_scoped3A_129 : memref<!tpu.dma_semaphore, #tpu.memory_space<semaphore_mem>>)
        %dma_wait3A = arith.constant 0 : i32
        %dma_wait3A_134 = tpu.memref_slice %arg22[%run_scoped3A, %mul3A_0, %dma_wait3A] : memref<4x10240x128xf32, #tpu.memory_space<hbm>> -> memref<1x640x128xf32, #tpu.memory_space<hbm>>
        %dma_wait3A_135 = tpu.memref_squeeze %dma_wait3A_134 : memref<1x640x128xf32, #tpu.memory_space<hbm>> -> memref<640x128xf32, #tpu.memory_space<hbm>>
        %dma_wait3A_136 = arith.constant 0 : i32
        %dma_wait3A_137 = tpu.memref_slice %arg27[%mul3A_0, %dma_wait3A_136] : memref<10240x128xf32, #tpu.memory_space<vmem_shared>> -> memref<640x128xf32, #tpu.memory_space<vmem_shared>>
        tpu.wait_dma2 semaphore(%run_scoped3A_129 : memref<!tpu.dma_semaphore, #tpu.memory_space<semaphore_mem>>) src(%dma_wait3A_137 : memref<640x128xf32, #tpu.memory_space<vmem_shared>>) dst(%dma_wait3A_135 : memref<640x128xf32, #tpu.memory_space<hbm>>)
        tpu.yield
      }) : () -> ()
    } else {
    }
    "tpu.region"() ({
      %run_scoped3A = tpu.sem_alloc : memref<!tpu.dma_semaphore, #tpu.memory_space<semaphore_mem>>
      %dma_start3A = arith.constant 0 : i32
      %dma_start3A_129 = tpu.memref_slice %arg27[%mul3A_0, %dma_start3A] : memref<10240x128xf32, #tpu.memory_space<vmem_shared>> -> memref<640x128xf32, #tpu.memory_space<vmem_shared>>
      tpu.enqueue_dma source(%arg20 : memref<640x128xf32, #tpu.memory_space<hbm>>) target(%dma_start3A_129 : memref<640x128xf32, #tpu.memory_space<vmem_shared>>) target_semaphore(%run_scoped3A : memref<!tpu.dma_semaphore, #tpu.memory_space<semaphore_mem>>)
      %dma_wait3A = arith.constant 0 : i32
      %dma_wait3A_130 = tpu.memref_slice %arg27[%mul3A_0, %dma_wait3A] : memref<10240x128xf32, #tpu.memory_space<vmem_shared>> -> memref<640x128xf32, #tpu.memory_space<vmem_shared>>
      tpu.wait_dma2 semaphore(%run_scoped3A : memref<!tpu.dma_semaphore, #tpu.memory_space<semaphore_mem>>) src(%arg20 : memref<640x128xf32, #tpu.memory_space<hbm>>) dst(%dma_wait3A_130 : memref<640x128xf32, #tpu.memory_space<vmem_shared>>)
      tpu.yield
    }) : () -> ()
    %barrier3A_63 = arith.constant 0 : index
    tpu.barrier barrier_id(%barrier3A_63)
    %eq3A_64 = arith.constant 0 : i32
    %eq3A_65 = arith.cmpi eq, %arg0, %eq3A_64 : i32
    %convert_element_type3A_66 = arith.extui %eq3A_65 : i1 to i32
    %cond3A_67 = arith.constant 0 : i32
    %cond3A_68 = arith.cmpi ne, %convert_element_type3A_66, %cond3A_67 : i32
    scf.if %cond3A_68 {
      %scan3A = arith.constant 0 : i32
      %scan3A_129 = arith.constant 0 : i32
      %scan3A_130 = arith.constant 79 : i32
      %scan3A_131 = arith.addi %scan3A_129, %scan3A_130 : i32
      %scan3A_132 = arith.constant 1 : i32
      %scan3A_133 = scf.for %scan3A_135 = %scan3A_129 to %scan3A_131 step %scan3A_132 iter_args(%scan3A_136 = %scan3A) -> (i32)  : i32 {
        %mul3A_137 = arith.constant 16 : i32
        %mul3A_138 = arith.muli %scan3A_135, %mul3A_137 : i32
        %add3A = arith.addi %arg1, %mul3A_138 : i32
        %lt3A = arith.constant 1250 : i32
        %lt3A_139 = arith.cmpi slt, %add3A, %lt3A : i32
        %convert_element_type3A_140 = arith.extui %lt3A_139 : i1 to i32
        %cond3A_141 = arith.constant 0 : i32
        %cond3A_142 = arith.cmpi ne, %convert_element_type3A_140, %cond3A_141 : i32
        scf.if %cond3A_142 {
          %add3A_144 = arith.constant 0 : i32
          %add3A_145 = arith.addi %add3A_144, %add3A : i32
          %mul3A_146 = arith.constant 128 : i32
          %mul3A_147 = arith.muli %add3A_145, %mul3A_146 : i32
          %dma_start3A = tpu.memref_slice %arg10[%mul3A_147] : memref<160000xi32, #tpu.memory_space<hbm>> -> memref<128xi32, #tpu.memory_space<hbm>>
          %dma_start3A_148 = tpu.memref_slice %arg10[%mul3A_147] : memref<160000xi32, #tpu.memory_space<hbm>> -> memref<128xi32, #tpu.memory_space<hbm>>
          tpu.enqueue_dma source(%dma_start3A_148 : memref<128xi32, #tpu.memory_space<hbm>>) target(%arg24 : memref<128xi32, #tpu.memory_space<vmem>>) target_semaphore(%arg28 : memref<!tpu.dma_semaphore, #tpu.memory_space<semaphore_mem>>)
          %dma_start3A_149 = tpu.memref_slice %arg18[%mul3A_147] : memref<160000xi32, #tpu.memory_space<hbm>> -> memref<128xi32, #tpu.memory_space<hbm>>
          %dma_start3A_150 = tpu.memref_slice %arg18[%mul3A_147] : memref<160000xi32, #tpu.memory_space<hbm>> -> memref<128xi32, #tpu.memory_space<hbm>>
          tpu.enqueue_dma source(%dma_start3A_150 : memref<128xi32, #tpu.memory_space<hbm>>) target(%arg25 : memref<128xi32, #tpu.memory_space<vmem>>) target_semaphore(%arg28 : memref<!tpu.dma_semaphore, #tpu.memory_space<semaphore_mem>>)
          %dma_wait3A = tpu.memref_slice %arg10[%mul3A_147] : memref<160000xi32, #tpu.memory_space<hbm>> -> memref<128xi32, #tpu.memory_space<hbm>>
          %dma_wait3A_151 = tpu.memref_slice %arg10[%mul3A_147] : memref<160000xi32, #tpu.memory_space<hbm>> -> memref<128xi32, #tpu.memory_space<hbm>>
          tpu.wait_dma2 semaphore(%arg28 : memref<!tpu.dma_semaphore, #tpu.memory_space<semaphore_mem>>) src(%dma_wait3A_151 : memref<128xi32, #tpu.memory_space<hbm>>) dst(%arg24 : memref<128xi32, #tpu.memory_space<vmem>>)
          %dma_wait3A_152 = tpu.memref_slice %arg18[%mul3A_147] : memref<160000xi32, #tpu.memory_space<hbm>> -> memref<128xi32, #tpu.memory_space<hbm>>
          %dma_wait3A_153 = tpu.memref_slice %arg18[%mul3A_147] : memref<160000xi32, #tpu.memory_space<hbm>> -> memref<128xi32, #tpu.memory_space<hbm>>
          tpu.wait_dma2 semaphore(%arg28 : memref<!tpu.dma_semaphore, #tpu.memory_space<semaphore_mem>>) src(%dma_wait3A_153 : memref<128xi32, #tpu.memory_space<hbm>>) dst(%arg25 : memref<128xi32, #tpu.memory_space<vmem>>)
          %dma_start3A_154 = arith.constant 0 : i32
          %dma_start3A_155 = arith.constant 0 : i32
          %dma_start3A_156 = tpu.memref_slice %arg3[%dma_start3A_154, %dma_start3A_155] : memref<40000x128xf32, #tpu.memory_space<hbm>> -> memref<40000x128xf32, #tpu.memory_space<hbm>>
          tpu.enqueue_indirect_dma source(%dma_start3A_156 : memref<40000x128xf32, #tpu.memory_space<hbm>>) target(%arg26 : memref<128x128xf32, #tpu.memory_space<vmem>>) offsets(%arg24 : memref<128xi32, #tpu.memory_space<vmem>>) semaphore(%arg28 : memref<!tpu.dma_semaphore, #tpu.memory_space<semaphore_mem>>)
          %dma_wait3A_157 = arith.constant 0 : i32
          %dma_wait3A_158 = arith.constant 0 : i32
          %dma_wait3A_159 = tpu.memref_slice %arg3[%dma_wait3A_157, %dma_wait3A_158] : memref<40000x128xf32, #tpu.memory_space<hbm>> -> memref<40000x128xf32, #tpu.memory_space<hbm>>
          tpu.wait_indirect_dma semaphore(%arg28 : memref<!tpu.dma_semaphore, #tpu.memory_space<semaphore_mem>>) src(%dma_wait3A_159 : memref<40000x128xf32, #tpu.memory_space<hbm>>) dst(%arg26 : memref<128x128xf32, #tpu.memory_space<vmem>>)
          "tpu.region"() ({
            %run_scoped3A = tpu.sem_alloc : memref<!tpu.dma_semaphore, #tpu.memory_space<semaphore_mem>>
            %dma_start3A_160 = arith.constant 0 : i32
            %dma_start3A_161 = arith.constant 0 : i32
            %dma_start3A_162 = tpu.memref_slice %arg27[%dma_start3A_160, %dma_start3A_161] : memref<10240x128xf32, #tpu.memory_space<vmem_shared>> -> memref<10240x128xf32, #tpu.memory_space<vmem_shared>>
            tpu.enqueue_indirect_dma source(%arg26 : memref<128x128xf32, #tpu.memory_space<vmem>>) target(%dma_start3A_162 : memref<10240x128xf32, #tpu.memory_space<vmem_shared>>) offsets(%arg25 : memref<128xi32, #tpu.memory_space<vmem>>) semaphore(%run_scoped3A : memref<!tpu.dma_semaphore, #tpu.memory_space<semaphore_mem>>) {add = true}
            %dma_wait3A_163 = arith.constant 0 : i32
            %dma_wait3A_164 = arith.constant 0 : i32
            %dma_wait3A_165 = tpu.memref_slice %arg27[%dma_wait3A_163, %dma_wait3A_164] : memref<10240x128xf32, #tpu.memory_space<vmem_shared>> -> memref<10240x128xf32, #tpu.memory_space<vmem_shared>>
            tpu.wait_indirect_dma semaphore(%run_scoped3A : memref<!tpu.dma_semaphore, #tpu.memory_space<semaphore_mem>>) src(%arg26 : memref<128x128xf32, #tpu.memory_space<vmem>>) dst(%dma_wait3A_165 : memref<10240x128xf32, #tpu.memory_space<vmem_shared>>)
            tpu.yield
          }) : () -> ()
        } else {
        }
        %scan3A_143 = arith.constant 0 : i32
        scf.yield %scan3A_143 : i32
      }
      %scan3A_134 = arith.constant 79 : i32
    } else {
    }
    %eq3A_69 = arith.constant 1 : i32
    %eq3A_70 = arith.cmpi eq, %arg0, %eq3A_69 : i32
    %convert_element_type3A_71 = arith.extui %eq3A_70 : i1 to i32
    %cond3A_72 = arith.constant 0 : i32
    %cond3A_73 = arith.cmpi ne, %convert_element_type3A_71, %cond3A_72 : i32
    scf.if %cond3A_73 {
      %scan3A = arith.constant 0 : i32
      %scan3A_129 = arith.constant 0 : i32
      %scan3A_130 = arith.constant 79 : i32
      %scan3A_131 = arith.addi %scan3A_129, %scan3A_130 : i32
      %scan3A_132 = arith.constant 1 : i32
      %scan3A_133 = scf.for %scan3A_135 = %scan3A_129 to %scan3A_131 step %scan3A_132 iter_args(%scan3A_136 = %scan3A) -> (i32)  : i32 {
        %mul3A_137 = arith.constant 16 : i32
        %mul3A_138 = arith.muli %scan3A_135, %mul3A_137 : i32
        %add3A = arith.addi %arg1, %mul3A_138 : i32
        %lt3A = arith.constant 1250 : i32
        %lt3A_139 = arith.cmpi slt, %add3A, %lt3A : i32
        %convert_element_type3A_140 = arith.extui %lt3A_139 : i1 to i32
        %cond3A_141 = arith.constant 0 : i32
        %cond3A_142 = arith.cmpi ne, %convert_element_type3A_140, %cond3A_141 : i32
        scf.if %cond3A_142 {
          %add3A_144 = arith.constant 0 : i32
          %add3A_145 = arith.addi %add3A_144, %add3A : i32
          %mul3A_146 = arith.constant 128 : i32
          %mul3A_147 = arith.muli %add3A_145, %mul3A_146 : i32
          %dma_start3A = tpu.memref_slice %arg12[%mul3A_147] : memref<160000xi32, #tpu.memory_space<hbm>> -> memref<128xi32, #tpu.memory_space<hbm>>
          %dma_start3A_148 = tpu.memref_slice %arg12[%mul3A_147] : memref<160000xi32, #tpu.memory_space<hbm>> -> memref<128xi32, #tpu.memory_space<hbm>>
          tpu.enqueue_dma source(%dma_start3A_148 : memref<128xi32, #tpu.memory_space<hbm>>) target(%arg24 : memref<128xi32, #tpu.memory_space<vmem>>) target_semaphore(%arg28 : memref<!tpu.dma_semaphore, #tpu.memory_space<semaphore_mem>>)
          %dma_start3A_149 = tpu.memref_slice %arg18[%mul3A_147] : memref<160000xi32, #tpu.memory_space<hbm>> -> memref<128xi32, #tpu.memory_space<hbm>>
          %dma_start3A_150 = tpu.memref_slice %arg18[%mul3A_147] : memref<160000xi32, #tpu.memory_space<hbm>> -> memref<128xi32, #tpu.memory_space<hbm>>
          tpu.enqueue_dma source(%dma_start3A_150 : memref<128xi32, #tpu.memory_space<hbm>>) target(%arg25 : memref<128xi32, #tpu.memory_space<vmem>>) target_semaphore(%arg28 : memref<!tpu.dma_semaphore, #tpu.memory_space<semaphore_mem>>)
          %dma_wait3A = tpu.memref_slice %arg12[%mul3A_147] : memref<160000xi32, #tpu.memory_space<hbm>> -> memref<128xi32, #tpu.memory_space<hbm>>
          %dma_wait3A_151 = tpu.memref_slice %arg12[%mul3A_147] : memref<160000xi32, #tpu.memory_space<hbm>> -> memref<128xi32, #tpu.memory_space<hbm>>
          tpu.wait_dma2 semaphore(%arg28 : memref<!tpu.dma_semaphore, #tpu.memory_space<semaphore_mem>>) src(%dma_wait3A_151 : memref<128xi32, #tpu.memory_space<hbm>>) dst(%arg24 : memref<128xi32, #tpu.memory_space<vmem>>)
          %dma_wait3A_152 = tpu.memref_slice %arg18[%mul3A_147] : memref<160000xi32, #tpu.memory_space<hbm>> -> memref<128xi32, #tpu.memory_space<hbm>>
          %dma_wait3A_153 = tpu.memref_slice %arg18[%mul3A_147] : memref<160000xi32, #tpu.memory_space<hbm>> -> memref<128xi32, #tpu.memory_space<hbm>>
          tpu.wait_dma2 semaphore(%arg28 : memref<!tpu.dma_semaphore, #tpu.memory_space<semaphore_mem>>) src(%dma_wait3A_153 : memref<128xi32, #tpu.memory_space<hbm>>) dst(%arg25 : memref<128xi32, #tpu.memory_space<vmem>>)
          %dma_start3A_154 = arith.constant 0 : i32
          %dma_start3A_155 = arith.constant 0 : i32
          %dma_start3A_156 = tpu.memref_slice %arg3[%dma_start3A_154, %dma_start3A_155] : memref<40000x128xf32, #tpu.memory_space<hbm>> -> memref<40000x128xf32, #tpu.memory_space<hbm>>
          tpu.enqueue_indirect_dma source(%dma_start3A_156 : memref<40000x128xf32, #tpu.memory_space<hbm>>) target(%arg26 : memref<128x128xf32, #tpu.memory_space<vmem>>) offsets(%arg24 : memref<128xi32, #tpu.memory_space<vmem>>) semaphore(%arg28 : memref<!tpu.dma_semaphore, #tpu.memory_space<semaphore_mem>>)
          %dma_wait3A_157 = arith.constant 0 : i32
          %dma_wait3A_158 = arith.constant 0 : i32
          %dma_wait3A_159 = tpu.memref_slice %arg3[%dma_wait3A_157, %dma_wait3A_158] : memref<40000x128xf32, #tpu.memory_space<hbm>> -> memref<40000x128xf32, #tpu.memory_space<hbm>>
          tpu.wait_indirect_dma semaphore(%arg28 : memref<!tpu.dma_semaphore, #tpu.memory_space<semaphore_mem>>) src(%dma_wait3A_159 : memref<40000x128xf32, #tpu.memory_space<hbm>>) dst(%arg26 : memref<128x128xf32, #tpu.memory_space<vmem>>)
          "tpu.region"() ({
            %run_scoped3A = tpu.sem_alloc : memref<!tpu.dma_semaphore, #tpu.memory_space<semaphore_mem>>
            %dma_start3A_160 = arith.constant 0 : i32
            %dma_start3A_161 = arith.constant 0 : i32
            %dma_start3A_162 = tpu.memref_slice %arg27[%dma_start3A_160, %dma_start3A_161] : memref<10240x128xf32, #tpu.memory_space<vmem_shared>> -> memref<10240x128xf32, #tpu.memory_space<vmem_shared>>
            tpu.enqueue_indirect_dma source(%arg26 : memref<128x128xf32, #tpu.memory_space<vmem>>) target(%dma_start3A_162 : memref<10240x128xf32, #tpu.memory_space<vmem_shared>>) offsets(%arg25 : memref<128xi32, #tpu.memory_space<vmem>>) semaphore(%run_scoped3A : memref<!tpu.dma_semaphore, #tpu.memory_space<semaphore_mem>>) {add = true}
            %dma_wait3A_163 = arith.constant 0 : i32
            %dma_wait3A_164 = arith.constant 0 : i32
            %dma_wait3A_165 = tpu.memref_slice %arg27[%dma_wait3A_163, %dma_wait3A_164] : memref<10240x128xf32, #tpu.memory_space<vmem_shared>> -> memref<10240x128xf32, #tpu.memory_space<vmem_shared>>
            tpu.wait_indirect_dma semaphore(%run_scoped3A : memref<!tpu.dma_semaphore, #tpu.memory_space<semaphore_mem>>) src(%arg26 : memref<128x128xf32, #tpu.memory_space<vmem>>) dst(%dma_wait3A_165 : memref<10240x128xf32, #tpu.memory_space<vmem_shared>>)
            tpu.yield
          }) : () -> ()
        } else {
        }
        %scan3A_143 = arith.constant 0 : i32
        scf.yield %scan3A_143 : i32
      }
      %scan3A_134 = arith.constant 79 : i32
    } else {
    }
    %barrier3A_74 = arith.constant 0 : index
    tpu.barrier barrier_id(%barrier3A_74)
    %eq3A_75 = arith.constant 0 : i32
    %eq3A_76 = arith.cmpi eq, %arg0, %eq3A_75 : i32
    %convert_element_type3A_77 = arith.extui %eq3A_76 : i1 to i32
    %cond3A_78 = arith.constant 0 : i32
    %cond3A_79 = arith.cmpi ne, %convert_element_type3A_77, %cond3A_78 : i32
    scf.if %cond3A_79 {
      %run_scoped3A = arith.constant 1 : i32
      "tpu.region"() ({
        %run_scoped3A_129 = tpu.sem_alloc : memref<!tpu.dma_semaphore, #tpu.memory_space<semaphore_mem>>
        %dma_start3A = arith.constant 0 : i32
        %dma_start3A_130 = tpu.memref_slice %arg22[%run_scoped3A, %mul3A_0, %dma_start3A] : memref<4x10240x128xf32, #tpu.memory_space<hbm>> -> memref<1x640x128xf32, #tpu.memory_space<hbm>>
        %dma_start3A_131 = tpu.memref_squeeze %dma_start3A_130 : memref<1x640x128xf32, #tpu.memory_space<hbm>> -> memref<640x128xf32, #tpu.memory_space<hbm>>
        %dma_start3A_132 = arith.constant 0 : i32
        %dma_start3A_133 = tpu.memref_slice %arg27[%mul3A_0, %dma_start3A_132] : memref<10240x128xf32, #tpu.memory_space<vmem_shared>> -> memref<640x128xf32, #tpu.memory_space<vmem_shared>>
        tpu.enqueue_dma source(%dma_start3A_133 : memref<640x128xf32, #tpu.memory_space<vmem_shared>>) target(%dma_start3A_131 : memref<640x128xf32, #tpu.memory_space<hbm>>) target_semaphore(%run_scoped3A_129 : memref<!tpu.dma_semaphore, #tpu.memory_space<semaphore_mem>>)
        %dma_wait3A = arith.constant 0 : i32
        %dma_wait3A_134 = tpu.memref_slice %arg22[%run_scoped3A, %mul3A_0, %dma_wait3A] : memref<4x10240x128xf32, #tpu.memory_space<hbm>> -> memref<1x640x128xf32, #tpu.memory_space<hbm>>
        %dma_wait3A_135 = tpu.memref_squeeze %dma_wait3A_134 : memref<1x640x128xf32, #tpu.memory_space<hbm>> -> memref<640x128xf32, #tpu.memory_space<hbm>>
        %dma_wait3A_136 = arith.constant 0 : i32
        %dma_wait3A_137 = tpu.memref_slice %arg27[%mul3A_0, %dma_wait3A_136] : memref<10240x128xf32, #tpu.memory_space<vmem_shared>> -> memref<640x128xf32, #tpu.memory_space<vmem_shared>>
        tpu.wait_dma2 semaphore(%run_scoped3A_129 : memref<!tpu.dma_semaphore, #tpu.memory_space<semaphore_mem>>) src(%dma_wait3A_137 : memref<640x128xf32, #tpu.memory_space<vmem_shared>>) dst(%dma_wait3A_135 : memref<640x128xf32, #tpu.memory_space<hbm>>)
        tpu.yield
      }) : () -> ()
    } else {
    }
    %eq3A_80 = arith.constant 1 : i32
    %eq3A_81 = arith.cmpi eq, %arg0, %eq3A_80 : i32
    %convert_element_type3A_82 = arith.extui %eq3A_81 : i1 to i32
    %cond3A_83 = arith.constant 0 : i32
    %cond3A_84 = arith.cmpi ne, %convert_element_type3A_82, %cond3A_83 : i32
    scf.if %cond3A_84 {
      %run_scoped3A = arith.constant 3 : i32
      "tpu.region"() ({
        %run_scoped3A_129 = tpu.sem_alloc : memref<!tpu.dma_semaphore, #tpu.memory_space<semaphore_mem>>
        %dma_start3A = arith.constant 0 : i32
        %dma_start3A_130 = tpu.memref_slice %arg22[%run_scoped3A, %mul3A_0, %dma_start3A] : memref<4x10240x128xf32, #tpu.memory_space<hbm>> -> memref<1x640x128xf32, #tpu.memory_space<hbm>>
        %dma_start3A_131 = tpu.memref_squeeze %dma_start3A_130 : memref<1x640x128xf32, #tpu.memory_space<hbm>> -> memref<640x128xf32, #tpu.memory_space<hbm>>
        %dma_start3A_132 = arith.constant 0 : i32
        %dma_start3A_133 = tpu.memref_slice %arg27[%mul3A_0, %dma_start3A_132] : memref<10240x128xf32, #tpu.memory_space<vmem_shared>> -> memref<640x128xf32, #tpu.memory_space<vmem_shared>>
        tpu.enqueue_dma source(%dma_start3A_133 : memref<640x128xf32, #tpu.memory_space<vmem_shared>>) target(%dma_start3A_131 : memref<640x128xf32, #tpu.memory_space<hbm>>) target_semaphore(%run_scoped3A_129 : memref<!tpu.dma_semaphore, #tpu.memory_space<semaphore_mem>>)
        %dma_wait3A = arith.constant 0 : i32
        %dma_wait3A_134 = tpu.memref_slice %arg22[%run_scoped3A, %mul3A_0, %dma_wait3A] : memref<4x10240x128xf32, #tpu.memory_space<hbm>> -> memref<1x640x128xf32, #tpu.memory_space<hbm>>
        %dma_wait3A_135 = tpu.memref_squeeze %dma_wait3A_134 : memref<1x640x128xf32, #tpu.memory_space<hbm>> -> memref<640x128xf32, #tpu.memory_space<hbm>>
        %dma_wait3A_136 = arith.constant 0 : i32
        %dma_wait3A_137 = tpu.memref_slice %arg27[%mul3A_0, %dma_wait3A_136] : memref<10240x128xf32, #tpu.memory_space<vmem_shared>> -> memref<640x128xf32, #tpu.memory_space<vmem_shared>>
        tpu.wait_dma2 semaphore(%run_scoped3A_129 : memref<!tpu.dma_semaphore, #tpu.memory_space<semaphore_mem>>) src(%dma_wait3A_137 : memref<640x128xf32, #tpu.memory_space<vmem_shared>>) dst(%dma_wait3A_135 : memref<640x128xf32, #tpu.memory_space<hbm>>)
        tpu.yield
      }) : () -> ()
    } else {
    }
    "tpu.region"() ({
      %run_scoped3A = tpu.sem_alloc : memref<!tpu.dma_semaphore, #tpu.memory_space<semaphore_mem>>
      %dma_start3A = arith.constant 0 : i32
      %dma_start3A_129 = tpu.memref_slice %arg27[%mul3A_0, %dma_start3A] : memref<10240x128xf32, #tpu.memory_space<vmem_shared>> -> memref<640x128xf32, #tpu.memory_space<vmem_shared>>
      tpu.enqueue_dma source(%arg20 : memref<640x128xf32, #tpu.memory_space<hbm>>) target(%dma_start3A_129 : memref<640x128xf32, #tpu.memory_space<vmem_shared>>) target_semaphore(%run_scoped3A : memref<!tpu.dma_semaphore, #tpu.memory_space<semaphore_mem>>)
      %dma_wait3A = arith.constant 0 : i32
      %dma_wait3A_130 = tpu.memref_slice %arg27[%mul3A_0, %dma_wait3A] : memref<10240x128xf32, #tpu.memory_space<vmem_shared>> -> memref<640x128xf32, #tpu.memory_space<vmem_shared>>
      tpu.wait_dma2 semaphore(%run_scoped3A : memref<!tpu.dma_semaphore, #tpu.memory_space<semaphore_mem>>) src(%arg20 : memref<640x128xf32, #tpu.memory_space<hbm>>) dst(%dma_wait3A_130 : memref<640x128xf32, #tpu.memory_space<vmem_shared>>)
      tpu.yield
    }) : () -> ()
    %barrier3A_85 = arith.constant 0 : index
    tpu.barrier barrier_id(%barrier3A_85)
    %eq3A_86 = arith.constant 0 : i32
    %eq3A_87 = arith.cmpi eq, %arg0, %eq3A_86 : i32
    %convert_element_type3A_88 = arith.extui %eq3A_87 : i1 to i32
    %cond3A_89 = arith.constant 0 : i32
    %cond3A_90 = arith.cmpi ne, %convert_element_type3A_88, %cond3A_89 : i32
    scf.if %cond3A_90 {
      %scan3A = arith.constant 0 : i32
      %scan3A_129 = arith.constant 0 : i32
      %scan3A_130 = arith.constant 79 : i32
      %scan3A_131 = arith.addi %scan3A_129, %scan3A_130 : i32
      %scan3A_132 = arith.constant 1 : i32
      %scan3A_133 = scf.for %scan3A_135 = %scan3A_129 to %scan3A_131 step %scan3A_132 iter_args(%scan3A_136 = %scan3A) -> (i32)  : i32 {
        %mul3A_137 = arith.constant 16 : i32
        %mul3A_138 = arith.muli %scan3A_135, %mul3A_137 : i32
        %add3A = arith.addi %arg1, %mul3A_138 : i32
        %lt3A = arith.constant 1250 : i32
        %lt3A_139 = arith.cmpi slt, %add3A, %lt3A : i32
        %convert_element_type3A_140 = arith.extui %lt3A_139 : i1 to i32
        %cond3A_141 = arith.constant 0 : i32
        %cond3A_142 = arith.cmpi ne, %convert_element_type3A_140, %cond3A_141 : i32
        scf.if %cond3A_142 {
          %add3A_144 = arith.constant 0 : i32
          %add3A_145 = arith.addi %add3A_144, %add3A : i32
          %mul3A_146 = arith.constant 128 : i32
          %mul3A_147 = arith.muli %add3A_145, %mul3A_146 : i32
          %dma_start3A = tpu.memref_slice %arg13[%mul3A_147] : memref<160000xi32, #tpu.memory_space<hbm>> -> memref<128xi32, #tpu.memory_space<hbm>>
          %dma_start3A_148 = tpu.memref_slice %arg13[%mul3A_147] : memref<160000xi32, #tpu.memory_space<hbm>> -> memref<128xi32, #tpu.memory_space<hbm>>
          tpu.enqueue_dma source(%dma_start3A_148 : memref<128xi32, #tpu.memory_space<hbm>>) target(%arg24 : memref<128xi32, #tpu.memory_space<vmem>>) target_semaphore(%arg28 : memref<!tpu.dma_semaphore, #tpu.memory_space<semaphore_mem>>)
          %dma_start3A_149 = tpu.memref_slice %arg19[%mul3A_147] : memref<160000xi32, #tpu.memory_space<hbm>> -> memref<128xi32, #tpu.memory_space<hbm>>
          %dma_start3A_150 = tpu.memref_slice %arg19[%mul3A_147] : memref<160000xi32, #tpu.memory_space<hbm>> -> memref<128xi32, #tpu.memory_space<hbm>>
          tpu.enqueue_dma source(%dma_start3A_150 : memref<128xi32, #tpu.memory_space<hbm>>) target(%arg25 : memref<128xi32, #tpu.memory_space<vmem>>) target_semaphore(%arg28 : memref<!tpu.dma_semaphore, #tpu.memory_space<semaphore_mem>>)
          %dma_wait3A = tpu.memref_slice %arg13[%mul3A_147] : memref<160000xi32, #tpu.memory_space<hbm>> -> memref<128xi32, #tpu.memory_space<hbm>>
          %dma_wait3A_151 = tpu.memref_slice %arg13[%mul3A_147] : memref<160000xi32, #tpu.memory_space<hbm>> -> memref<128xi32, #tpu.memory_space<hbm>>
          tpu.wait_dma2 semaphore(%arg28 : memref<!tpu.dma_semaphore, #tpu.memory_space<semaphore_mem>>) src(%dma_wait3A_151 : memref<128xi32, #tpu.memory_space<hbm>>) dst(%arg24 : memref<128xi32, #tpu.memory_space<vmem>>)
          %dma_wait3A_152 = tpu.memref_slice %arg19[%mul3A_147] : memref<160000xi32, #tpu.memory_space<hbm>> -> memref<128xi32, #tpu.memory_space<hbm>>
          %dma_wait3A_153 = tpu.memref_slice %arg19[%mul3A_147] : memref<160000xi32, #tpu.memory_space<hbm>> -> memref<128xi32, #tpu.memory_space<hbm>>
          tpu.wait_dma2 semaphore(%arg28 : memref<!tpu.dma_semaphore, #tpu.memory_space<semaphore_mem>>) src(%dma_wait3A_153 : memref<128xi32, #tpu.memory_space<hbm>>) dst(%arg25 : memref<128xi32, #tpu.memory_space<vmem>>)
          %dma_start3A_154 = arith.constant 0 : i32
          %dma_start3A_155 = arith.constant 0 : i32
          %dma_start3A_156 = tpu.memref_slice %arg4[%dma_start3A_154, %dma_start3A_155] : memref<40000x128xf32, #tpu.memory_space<hbm>> -> memref<40000x128xf32, #tpu.memory_space<hbm>>
          tpu.enqueue_indirect_dma source(%dma_start3A_156 : memref<40000x128xf32, #tpu.memory_space<hbm>>) target(%arg26 : memref<128x128xf32, #tpu.memory_space<vmem>>) offsets(%arg24 : memref<128xi32, #tpu.memory_space<vmem>>) semaphore(%arg28 : memref<!tpu.dma_semaphore, #tpu.memory_space<semaphore_mem>>)
          %dma_wait3A_157 = arith.constant 0 : i32
          %dma_wait3A_158 = arith.constant 0 : i32
          %dma_wait3A_159 = tpu.memref_slice %arg4[%dma_wait3A_157, %dma_wait3A_158] : memref<40000x128xf32, #tpu.memory_space<hbm>> -> memref<40000x128xf32, #tpu.memory_space<hbm>>
          tpu.wait_indirect_dma semaphore(%arg28 : memref<!tpu.dma_semaphore, #tpu.memory_space<semaphore_mem>>) src(%dma_wait3A_159 : memref<40000x128xf32, #tpu.memory_space<hbm>>) dst(%arg26 : memref<128x128xf32, #tpu.memory_space<vmem>>)
          "tpu.region"() ({
            %run_scoped3A = tpu.sem_alloc : memref<!tpu.dma_semaphore, #tpu.memory_space<semaphore_mem>>
            %dma_start3A_160 = arith.constant 0 : i32
            %dma_start3A_161 = arith.constant 0 : i32
            %dma_start3A_162 = tpu.memref_slice %arg27[%dma_start3A_160, %dma_start3A_161] : memref<10240x128xf32, #tpu.memory_space<vmem_shared>> -> memref<10240x128xf32, #tpu.memory_space<vmem_shared>>
            tpu.enqueue_indirect_dma source(%arg26 : memref<128x128xf32, #tpu.memory_space<vmem>>) target(%dma_start3A_162 : memref<10240x128xf32, #tpu.memory_space<vmem_shared>>) offsets(%arg25 : memref<128xi32, #tpu.memory_space<vmem>>) semaphore(%run_scoped3A : memref<!tpu.dma_semaphore, #tpu.memory_space<semaphore_mem>>) {add = true}
            %dma_wait3A_163 = arith.constant 0 : i32
            %dma_wait3A_164 = arith.constant 0 : i32
            %dma_wait3A_165 = tpu.memref_slice %arg27[%dma_wait3A_163, %dma_wait3A_164] : memref<10240x128xf32, #tpu.memory_space<vmem_shared>> -> memref<10240x128xf32, #tpu.memory_space<vmem_shared>>
            tpu.wait_indirect_dma semaphore(%run_scoped3A : memref<!tpu.dma_semaphore, #tpu.memory_space<semaphore_mem>>) src(%arg26 : memref<128x128xf32, #tpu.memory_space<vmem>>) dst(%dma_wait3A_165 : memref<10240x128xf32, #tpu.memory_space<vmem_shared>>)
            tpu.yield
          }) : () -> ()
        } else {
        }
        %scan3A_143 = arith.constant 0 : i32
        scf.yield %scan3A_143 : i32
      }
      %scan3A_134 = arith.constant 79 : i32
    } else {
    }
    %eq3A_91 = arith.constant 1 : i32
    %eq3A_92 = arith.cmpi eq, %arg0, %eq3A_91 : i32
    %convert_element_type3A_93 = arith.extui %eq3A_92 : i1 to i32
    %cond3A_94 = arith.constant 0 : i32
    %cond3A_95 = arith.cmpi ne, %convert_element_type3A_93, %cond3A_94 : i32
    scf.if %cond3A_95 {
      %scan3A = arith.constant 0 : i32
      %scan3A_129 = arith.constant 0 : i32
      %scan3A_130 = arith.constant 79 : i32
      %scan3A_131 = arith.addi %scan3A_129, %scan3A_130 : i32
      %scan3A_132 = arith.constant 1 : i32
      %scan3A_133 = scf.for %scan3A_135 = %scan3A_129 to %scan3A_131 step %scan3A_132 iter_args(%scan3A_136 = %scan3A) -> (i32)  : i32 {
        %mul3A_137 = arith.constant 16 : i32
        %mul3A_138 = arith.muli %scan3A_135, %mul3A_137 : i32
        %add3A = arith.addi %arg1, %mul3A_138 : i32
        %lt3A = arith.constant 1250 : i32
        %lt3A_139 = arith.cmpi slt, %add3A, %lt3A : i32
        %convert_element_type3A_140 = arith.extui %lt3A_139 : i1 to i32
        %cond3A_141 = arith.constant 0 : i32
        %cond3A_142 = arith.cmpi ne, %convert_element_type3A_140, %cond3A_141 : i32
        scf.if %cond3A_142 {
          %add3A_144 = arith.constant 0 : i32
          %add3A_145 = arith.addi %add3A_144, %add3A : i32
          %mul3A_146 = arith.constant 128 : i32
          %mul3A_147 = arith.muli %add3A_145, %mul3A_146 : i32
          %dma_start3A = tpu.memref_slice %arg15[%mul3A_147] : memref<160000xi32, #tpu.memory_space<hbm>> -> memref<128xi32, #tpu.memory_space<hbm>>
          %dma_start3A_148 = tpu.memref_slice %arg15[%mul3A_147] : memref<160000xi32, #tpu.memory_space<hbm>> -> memref<128xi32, #tpu.memory_space<hbm>>
          tpu.enqueue_dma source(%dma_start3A_148 : memref<128xi32, #tpu.memory_space<hbm>>) target(%arg24 : memref<128xi32, #tpu.memory_space<vmem>>) target_semaphore(%arg28 : memref<!tpu.dma_semaphore, #tpu.memory_space<semaphore_mem>>)
          %dma_start3A_149 = tpu.memref_slice %arg19[%mul3A_147] : memref<160000xi32, #tpu.memory_space<hbm>> -> memref<128xi32, #tpu.memory_space<hbm>>
          %dma_start3A_150 = tpu.memref_slice %arg19[%mul3A_147] : memref<160000xi32, #tpu.memory_space<hbm>> -> memref<128xi32, #tpu.memory_space<hbm>>
          tpu.enqueue_dma source(%dma_start3A_150 : memref<128xi32, #tpu.memory_space<hbm>>) target(%arg25 : memref<128xi32, #tpu.memory_space<vmem>>) target_semaphore(%arg28 : memref<!tpu.dma_semaphore, #tpu.memory_space<semaphore_mem>>)
          %dma_wait3A = tpu.memref_slice %arg15[%mul3A_147] : memref<160000xi32, #tpu.memory_space<hbm>> -> memref<128xi32, #tpu.memory_space<hbm>>
          %dma_wait3A_151 = tpu.memref_slice %arg15[%mul3A_147] : memref<160000xi32, #tpu.memory_space<hbm>> -> memref<128xi32, #tpu.memory_space<hbm>>
          tpu.wait_dma2 semaphore(%arg28 : memref<!tpu.dma_semaphore, #tpu.memory_space<semaphore_mem>>) src(%dma_wait3A_151 : memref<128xi32, #tpu.memory_space<hbm>>) dst(%arg24 : memref<128xi32, #tpu.memory_space<vmem>>)
          %dma_wait3A_152 = tpu.memref_slice %arg19[%mul3A_147] : memref<160000xi32, #tpu.memory_space<hbm>> -> memref<128xi32, #tpu.memory_space<hbm>>
          %dma_wait3A_153 = tpu.memref_slice %arg19[%mul3A_147] : memref<160000xi32, #tpu.memory_space<hbm>> -> memref<128xi32, #tpu.memory_space<hbm>>
          tpu.wait_dma2 semaphore(%arg28 : memref<!tpu.dma_semaphore, #tpu.memory_space<semaphore_mem>>) src(%dma_wait3A_153 : memref<128xi32, #tpu.memory_space<hbm>>) dst(%arg25 : memref<128xi32, #tpu.memory_space<vmem>>)
          %dma_start3A_154 = arith.constant 0 : i32
          %dma_start3A_155 = arith.constant 0 : i32
          %dma_start3A_156 = tpu.memref_slice %arg4[%dma_start3A_154, %dma_start3A_155] : memref<40000x128xf32, #tpu.memory_space<hbm>> -> memref<40000x128xf32, #tpu.memory_space<hbm>>
          tpu.enqueue_indirect_dma source(%dma_start3A_156 : memref<40000x128xf32, #tpu.memory_space<hbm>>) target(%arg26 : memref<128x128xf32, #tpu.memory_space<vmem>>) offsets(%arg24 : memref<128xi32, #tpu.memory_space<vmem>>) semaphore(%arg28 : memref<!tpu.dma_semaphore, #tpu.memory_space<semaphore_mem>>)
          %dma_wait3A_157 = arith.constant 0 : i32
          %dma_wait3A_158 = arith.constant 0 : i32
          %dma_wait3A_159 = tpu.memref_slice %arg4[%dma_wait3A_157, %dma_wait3A_158] : memref<40000x128xf32, #tpu.memory_space<hbm>> -> memref<40000x128xf32, #tpu.memory_space<hbm>>
          tpu.wait_indirect_dma semaphore(%arg28 : memref<!tpu.dma_semaphore, #tpu.memory_space<semaphore_mem>>) src(%dma_wait3A_159 : memref<40000x128xf32, #tpu.memory_space<hbm>>) dst(%arg26 : memref<128x128xf32, #tpu.memory_space<vmem>>)
          "tpu.region"() ({
            %run_scoped3A = tpu.sem_alloc : memref<!tpu.dma_semaphore, #tpu.memory_space<semaphore_mem>>
            %dma_start3A_160 = arith.constant 0 : i32
            %dma_start3A_161 = arith.constant 0 : i32
            %dma_start3A_162 = tpu.memref_slice %arg27[%dma_start3A_160, %dma_start3A_161] : memref<10240x128xf32, #tpu.memory_space<vmem_shared>> -> memref<10240x128xf32, #tpu.memory_space<vmem_shared>>
            tpu.enqueue_indirect_dma source(%arg26 : memref<128x128xf32, #tpu.memory_space<vmem>>) target(%dma_start3A_162 : memref<10240x128xf32, #tpu.memory_space<vmem_shared>>) offsets(%arg25 : memref<128xi32, #tpu.memory_space<vmem>>) semaphore(%run_scoped3A : memref<!tpu.dma_semaphore, #tpu.memory_space<semaphore_mem>>) {add = true}
            %dma_wait3A_163 = arith.constant 0 : i32
            %dma_wait3A_164 = arith.constant 0 : i32
            %dma_wait3A_165 = tpu.memref_slice %arg27[%dma_wait3A_163, %dma_wait3A_164] : memref<10240x128xf32, #tpu.memory_space<vmem_shared>> -> memref<10240x128xf32, #tpu.memory_space<vmem_shared>>
            tpu.wait_indirect_dma semaphore(%run_scoped3A : memref<!tpu.dma_semaphore, #tpu.memory_space<semaphore_mem>>) src(%arg26 : memref<128x128xf32, #tpu.memory_space<vmem>>) dst(%dma_wait3A_165 : memref<10240x128xf32, #tpu.memory_space<vmem_shared>>)
            tpu.yield
          }) : () -> ()
        } else {
        }
        %scan3A_143 = arith.constant 0 : i32
        scf.yield %scan3A_143 : i32
      }
      %scan3A_134 = arith.constant 79 : i32
    } else {
    }
    %barrier3A_96 = arith.constant 0 : index
    tpu.barrier barrier_id(%barrier3A_96)
    %eq3A_97 = arith.constant 0 : i32
    %eq3A_98 = arith.cmpi eq, %arg0, %eq3A_97 : i32
    %convert_element_type3A_99 = arith.extui %eq3A_98 : i1 to i32
    %cond3A_100 = arith.constant 0 : i32
    %cond3A_101 = arith.cmpi ne, %convert_element_type3A_99, %cond3A_100 : i32
    scf.if %cond3A_101 {
      %run_scoped3A = arith.constant 0 : i32
      "tpu.region"() ({
        %run_scoped3A_129 = tpu.sem_alloc : memref<!tpu.dma_semaphore, #tpu.memory_space<semaphore_mem>>
        %dma_start3A = arith.constant 0 : i32
        %dma_start3A_130 = tpu.memref_slice %arg23[%run_scoped3A, %mul3A_0, %dma_start3A] : memref<4x10240x128xf32, #tpu.memory_space<hbm>> -> memref<1x640x128xf32, #tpu.memory_space<hbm>>
        %dma_start3A_131 = tpu.memref_squeeze %dma_start3A_130 : memref<1x640x128xf32, #tpu.memory_space<hbm>> -> memref<640x128xf32, #tpu.memory_space<hbm>>
        %dma_start3A_132 = arith.constant 0 : i32
        %dma_start3A_133 = tpu.memref_slice %arg27[%mul3A_0, %dma_start3A_132] : memref<10240x128xf32, #tpu.memory_space<vmem_shared>> -> memref<640x128xf32, #tpu.memory_space<vmem_shared>>
        tpu.enqueue_dma source(%dma_start3A_133 : memref<640x128xf32, #tpu.memory_space<vmem_shared>>) target(%dma_start3A_131 : memref<640x128xf32, #tpu.memory_space<hbm>>) target_semaphore(%run_scoped3A_129 : memref<!tpu.dma_semaphore, #tpu.memory_space<semaphore_mem>>)
        %dma_wait3A = arith.constant 0 : i32
        %dma_wait3A_134 = tpu.memref_slice %arg23[%run_scoped3A, %mul3A_0, %dma_wait3A] : memref<4x10240x128xf32, #tpu.memory_space<hbm>> -> memref<1x640x128xf32, #tpu.memory_space<hbm>>
        %dma_wait3A_135 = tpu.memref_squeeze %dma_wait3A_134 : memref<1x640x128xf32, #tpu.memory_space<hbm>> -> memref<640x128xf32, #tpu.memory_space<hbm>>
        %dma_wait3A_136 = arith.constant 0 : i32
        %dma_wait3A_137 = tpu.memref_slice %arg27[%mul3A_0, %dma_wait3A_136] : memref<10240x128xf32, #tpu.memory_space<vmem_shared>> -> memref<640x128xf32, #tpu.memory_space<vmem_shared>>
        tpu.wait_dma2 semaphore(%run_scoped3A_129 : memref<!tpu.dma_semaphore, #tpu.memory_space<semaphore_mem>>) src(%dma_wait3A_137 : memref<640x128xf32, #tpu.memory_space<vmem_shared>>) dst(%dma_wait3A_135 : memref<640x128xf32, #tpu.memory_space<hbm>>)
        tpu.yield
      }) : () -> ()
    } else {
    }
    %eq3A_102 = arith.constant 1 : i32
    %eq3A_103 = arith.cmpi eq, %arg0, %eq3A_102 : i32
    %convert_element_type3A_104 = arith.extui %eq3A_103 : i1 to i32
    %cond3A_105 = arith.constant 0 : i32
    %cond3A_106 = arith.cmpi ne, %convert_element_type3A_104, %cond3A_105 : i32
    scf.if %cond3A_106 {
      %run_scoped3A = arith.constant 2 : i32
      "tpu.region"() ({
        %run_scoped3A_129 = tpu.sem_alloc : memref<!tpu.dma_semaphore, #tpu.memory_space<semaphore_mem>>
        %dma_start3A = arith.constant 0 : i32
        %dma_start3A_130 = tpu.memref_slice %arg23[%run_scoped3A, %mul3A_0, %dma_start3A] : memref<4x10240x128xf32, #tpu.memory_space<hbm>> -> memref<1x640x128xf32, #tpu.memory_space<hbm>>
        %dma_start3A_131 = tpu.memref_squeeze %dma_start3A_130 : memref<1x640x128xf32, #tpu.memory_space<hbm>> -> memref<640x128xf32, #tpu.memory_space<hbm>>
        %dma_start3A_132 = arith.constant 0 : i32
        %dma_start3A_133 = tpu.memref_slice %arg27[%mul3A_0, %dma_start3A_132] : memref<10240x128xf32, #tpu.memory_space<vmem_shared>> -> memref<640x128xf32, #tpu.memory_space<vmem_shared>>
        tpu.enqueue_dma source(%dma_start3A_133 : memref<640x128xf32, #tpu.memory_space<vmem_shared>>) target(%dma_start3A_131 : memref<640x128xf32, #tpu.memory_space<hbm>>) target_semaphore(%run_scoped3A_129 : memref<!tpu.dma_semaphore, #tpu.memory_space<semaphore_mem>>)
        %dma_wait3A = arith.constant 0 : i32
        %dma_wait3A_134 = tpu.memref_slice %arg23[%run_scoped3A, %mul3A_0, %dma_wait3A] : memref<4x10240x128xf32, #tpu.memory_space<hbm>> -> memref<1x640x128xf32, #tpu.memory_space<hbm>>
        %dma_wait3A_135 = tpu.memref_squeeze %dma_wait3A_134 : memref<1x640x128xf32, #tpu.memory_space<hbm>> -> memref<640x128xf32, #tpu.memory_space<hbm>>
        %dma_wait3A_136 = arith.constant 0 : i32
        %dma_wait3A_137 = tpu.memref_slice %arg27[%mul3A_0, %dma_wait3A_136] : memref<10240x128xf32, #tpu.memory_space<vmem_shared>> -> memref<640x128xf32, #tpu.memory_space<vmem_shared>>
        tpu.wait_dma2 semaphore(%run_scoped3A_129 : memref<!tpu.dma_semaphore, #tpu.memory_space<semaphore_mem>>) src(%dma_wait3A_137 : memref<640x128xf32, #tpu.memory_space<vmem_shared>>) dst(%dma_wait3A_135 : memref<640x128xf32, #tpu.memory_space<hbm>>)
        tpu.yield
      }) : () -> ()
    } else {
    }
    "tpu.region"() ({
      %run_scoped3A = tpu.sem_alloc : memref<!tpu.dma_semaphore, #tpu.memory_space<semaphore_mem>>
      %dma_start3A = arith.constant 0 : i32
      %dma_start3A_129 = tpu.memref_slice %arg27[%mul3A_0, %dma_start3A] : memref<10240x128xf32, #tpu.memory_space<vmem_shared>> -> memref<640x128xf32, #tpu.memory_space<vmem_shared>>
      tpu.enqueue_dma source(%arg20 : memref<640x128xf32, #tpu.memory_space<hbm>>) target(%dma_start3A_129 : memref<640x128xf32, #tpu.memory_space<vmem_shared>>) target_semaphore(%run_scoped3A : memref<!tpu.dma_semaphore, #tpu.memory_space<semaphore_mem>>)
      %dma_wait3A = arith.constant 0 : i32
      %dma_wait3A_130 = tpu.memref_slice %arg27[%mul3A_0, %dma_wait3A] : memref<10240x128xf32, #tpu.memory_space<vmem_shared>> -> memref<640x128xf32, #tpu.memory_space<vmem_shared>>
      tpu.wait_dma2 semaphore(%run_scoped3A : memref<!tpu.dma_semaphore, #tpu.memory_space<semaphore_mem>>) src(%arg20 : memref<640x128xf32, #tpu.memory_space<hbm>>) dst(%dma_wait3A_130 : memref<640x128xf32, #tpu.memory_space<vmem_shared>>)
      tpu.yield
    }) : () -> ()
    %barrier3A_107 = arith.constant 0 : index
    tpu.barrier barrier_id(%barrier3A_107)
    %eq3A_108 = arith.constant 0 : i32
    %eq3A_109 = arith.cmpi eq, %arg0, %eq3A_108 : i32
    %convert_element_type3A_110 = arith.extui %eq3A_109 : i1 to i32
    %cond3A_111 = arith.constant 0 : i32
    %cond3A_112 = arith.cmpi ne, %convert_element_type3A_110, %cond3A_111 : i32
    scf.if %cond3A_112 {
      %scan3A = arith.constant 0 : i32
      %scan3A_129 = arith.constant 0 : i32
      %scan3A_130 = arith.constant 79 : i32
      %scan3A_131 = arith.addi %scan3A_129, %scan3A_130 : i32
      %scan3A_132 = arith.constant 1 : i32
      %scan3A_133 = scf.for %scan3A_135 = %scan3A_129 to %scan3A_131 step %scan3A_132 iter_args(%scan3A_136 = %scan3A) -> (i32)  : i32 {
        %mul3A_137 = arith.constant 16 : i32
        %mul3A_138 = arith.muli %scan3A_135, %mul3A_137 : i32
        %add3A = arith.addi %arg1, %mul3A_138 : i32
        %lt3A = arith.constant 1250 : i32
        %lt3A_139 = arith.cmpi slt, %add3A, %lt3A : i32
        %convert_element_type3A_140 = arith.extui %lt3A_139 : i1 to i32
        %cond3A_141 = arith.constant 0 : i32
        %cond3A_142 = arith.cmpi ne, %convert_element_type3A_140, %cond3A_141 : i32
        scf.if %cond3A_142 {
          %add3A_144 = arith.constant 0 : i32
          %add3A_145 = arith.addi %add3A_144, %add3A : i32
          %mul3A_146 = arith.constant 128 : i32
          %mul3A_147 = arith.muli %add3A_145, %mul3A_146 : i32
          %dma_start3A = tpu.memref_slice %arg14[%mul3A_147] : memref<160000xi32, #tpu.memory_space<hbm>> -> memref<128xi32, #tpu.memory_space<hbm>>
          %dma_start3A_148 = tpu.memref_slice %arg14[%mul3A_147] : memref<160000xi32, #tpu.memory_space<hbm>> -> memref<128xi32, #tpu.memory_space<hbm>>
          tpu.enqueue_dma source(%dma_start3A_148 : memref<128xi32, #tpu.memory_space<hbm>>) target(%arg24 : memref<128xi32, #tpu.memory_space<vmem>>) target_semaphore(%arg28 : memref<!tpu.dma_semaphore, #tpu.memory_space<semaphore_mem>>)
          %dma_start3A_149 = tpu.memref_slice %arg19[%mul3A_147] : memref<160000xi32, #tpu.memory_space<hbm>> -> memref<128xi32, #tpu.memory_space<hbm>>
          %dma_start3A_150 = tpu.memref_slice %arg19[%mul3A_147] : memref<160000xi32, #tpu.memory_space<hbm>> -> memref<128xi32, #tpu.memory_space<hbm>>
          tpu.enqueue_dma source(%dma_start3A_150 : memref<128xi32, #tpu.memory_space<hbm>>) target(%arg25 : memref<128xi32, #tpu.memory_space<vmem>>) target_semaphore(%arg28 : memref<!tpu.dma_semaphore, #tpu.memory_space<semaphore_mem>>)
          %dma_wait3A = tpu.memref_slice %arg14[%mul3A_147] : memref<160000xi32, #tpu.memory_space<hbm>> -> memref<128xi32, #tpu.memory_space<hbm>>
          %dma_wait3A_151 = tpu.memref_slice %arg14[%mul3A_147] : memref<160000xi32, #tpu.memory_space<hbm>> -> memref<128xi32, #tpu.memory_space<hbm>>
          tpu.wait_dma2 semaphore(%arg28 : memref<!tpu.dma_semaphore, #tpu.memory_space<semaphore_mem>>) src(%dma_wait3A_151 : memref<128xi32, #tpu.memory_space<hbm>>) dst(%arg24 : memref<128xi32, #tpu.memory_space<vmem>>)
          %dma_wait3A_152 = tpu.memref_slice %arg19[%mul3A_147] : memref<160000xi32, #tpu.memory_space<hbm>> -> memref<128xi32, #tpu.memory_space<hbm>>
          %dma_wait3A_153 = tpu.memref_slice %arg19[%mul3A_147] : memref<160000xi32, #tpu.memory_space<hbm>> -> memref<128xi32, #tpu.memory_space<hbm>>
          tpu.wait_dma2 semaphore(%arg28 : memref<!tpu.dma_semaphore, #tpu.memory_space<semaphore_mem>>) src(%dma_wait3A_153 : memref<128xi32, #tpu.memory_space<hbm>>) dst(%arg25 : memref<128xi32, #tpu.memory_space<vmem>>)
          %dma_start3A_154 = arith.constant 0 : i32
          %dma_start3A_155 = arith.constant 0 : i32
          %dma_start3A_156 = tpu.memref_slice %arg4[%dma_start3A_154, %dma_start3A_155] : memref<40000x128xf32, #tpu.memory_space<hbm>> -> memref<40000x128xf32, #tpu.memory_space<hbm>>
          tpu.enqueue_indirect_dma source(%dma_start3A_156 : memref<40000x128xf32, #tpu.memory_space<hbm>>) target(%arg26 : memref<128x128xf32, #tpu.memory_space<vmem>>) offsets(%arg24 : memref<128xi32, #tpu.memory_space<vmem>>) semaphore(%arg28 : memref<!tpu.dma_semaphore, #tpu.memory_space<semaphore_mem>>)
          %dma_wait3A_157 = arith.constant 0 : i32
          %dma_wait3A_158 = arith.constant 0 : i32
          %dma_wait3A_159 = tpu.memref_slice %arg4[%dma_wait3A_157, %dma_wait3A_158] : memref<40000x128xf32, #tpu.memory_space<hbm>> -> memref<40000x128xf32, #tpu.memory_space<hbm>>
          tpu.wait_indirect_dma semaphore(%arg28 : memref<!tpu.dma_semaphore, #tpu.memory_space<semaphore_mem>>) src(%dma_wait3A_159 : memref<40000x128xf32, #tpu.memory_space<hbm>>) dst(%arg26 : memref<128x128xf32, #tpu.memory_space<vmem>>)
          "tpu.region"() ({
            %run_scoped3A = tpu.sem_alloc : memref<!tpu.dma_semaphore, #tpu.memory_space<semaphore_mem>>
            %dma_start3A_160 = arith.constant 0 : i32
            %dma_start3A_161 = arith.constant 0 : i32
            %dma_start3A_162 = tpu.memref_slice %arg27[%dma_start3A_160, %dma_start3A_161] : memref<10240x128xf32, #tpu.memory_space<vmem_shared>> -> memref<10240x128xf32, #tpu.memory_space<vmem_shared>>
            tpu.enqueue_indirect_dma source(%arg26 : memref<128x128xf32, #tpu.memory_space<vmem>>) target(%dma_start3A_162 : memref<10240x128xf32, #tpu.memory_space<vmem_shared>>) offsets(%arg25 : memref<128xi32, #tpu.memory_space<vmem>>) semaphore(%run_scoped3A : memref<!tpu.dma_semaphore, #tpu.memory_space<semaphore_mem>>) {add = true}
            %dma_wait3A_163 = arith.constant 0 : i32
            %dma_wait3A_164 = arith.constant 0 : i32
            %dma_wait3A_165 = tpu.memref_slice %arg27[%dma_wait3A_163, %dma_wait3A_164] : memref<10240x128xf32, #tpu.memory_space<vmem_shared>> -> memref<10240x128xf32, #tpu.memory_space<vmem_shared>>
            tpu.wait_indirect_dma semaphore(%run_scoped3A : memref<!tpu.dma_semaphore, #tpu.memory_space<semaphore_mem>>) src(%arg26 : memref<128x128xf32, #tpu.memory_space<vmem>>) dst(%dma_wait3A_165 : memref<10240x128xf32, #tpu.memory_space<vmem_shared>>)
            tpu.yield
          }) : () -> ()
        } else {
        }
        %scan3A_143 = arith.constant 0 : i32
        scf.yield %scan3A_143 : i32
      }
      %scan3A_134 = arith.constant 79 : i32
    } else {
    }
    %eq3A_113 = arith.constant 1 : i32
    %eq3A_114 = arith.cmpi eq, %arg0, %eq3A_113 : i32
    %convert_element_type3A_115 = arith.extui %eq3A_114 : i1 to i32
    %cond3A_116 = arith.constant 0 : i32
    %cond3A_117 = arith.cmpi ne, %convert_element_type3A_115, %cond3A_116 : i32
    scf.if %cond3A_117 {
      %scan3A = arith.constant 0 : i32
      %scan3A_129 = arith.constant 0 : i32
      %scan3A_130 = arith.constant 79 : i32
      %scan3A_131 = arith.addi %scan3A_129, %scan3A_130 : i32
      %scan3A_132 = arith.constant 1 : i32
      %scan3A_133 = scf.for %scan3A_135 = %scan3A_129 to %scan3A_131 step %scan3A_132 iter_args(%scan3A_136 = %scan3A) -> (i32)  : i32 {
        %mul3A_137 = arith.constant 16 : i32
        %mul3A_138 = arith.muli %scan3A_135, %mul3A_137 : i32
        %add3A = arith.addi %arg1, %mul3A_138 : i32
        %lt3A = arith.constant 1250 : i32
        %lt3A_139 = arith.cmpi slt, %add3A, %lt3A : i32
        %convert_element_type3A_140 = arith.extui %lt3A_139 : i1 to i32
        %cond3A_141 = arith.constant 0 : i32
        %cond3A_142 = arith.cmpi ne, %convert_element_type3A_140, %cond3A_141 : i32
        scf.if %cond3A_142 {
          %add3A_144 = arith.constant 0 : i32
          %add3A_145 = arith.addi %add3A_144, %add3A : i32
          %mul3A_146 = arith.constant 128 : i32
          %mul3A_147 = arith.muli %add3A_145, %mul3A_146 : i32
          %dma_start3A = tpu.memref_slice %arg16[%mul3A_147] : memref<160000xi32, #tpu.memory_space<hbm>> -> memref<128xi32, #tpu.memory_space<hbm>>
          %dma_start3A_148 = tpu.memref_slice %arg16[%mul3A_147] : memref<160000xi32, #tpu.memory_space<hbm>> -> memref<128xi32, #tpu.memory_space<hbm>>
          tpu.enqueue_dma source(%dma_start3A_148 : memref<128xi32, #tpu.memory_space<hbm>>) target(%arg24 : memref<128xi32, #tpu.memory_space<vmem>>) target_semaphore(%arg28 : memref<!tpu.dma_semaphore, #tpu.memory_space<semaphore_mem>>)
          %dma_start3A_149 = tpu.memref_slice %arg19[%mul3A_147] : memref<160000xi32, #tpu.memory_space<hbm>> -> memref<128xi32, #tpu.memory_space<hbm>>
          %dma_start3A_150 = tpu.memref_slice %arg19[%mul3A_147] : memref<160000xi32, #tpu.memory_space<hbm>> -> memref<128xi32, #tpu.memory_space<hbm>>
          tpu.enqueue_dma source(%dma_start3A_150 : memref<128xi32, #tpu.memory_space<hbm>>) target(%arg25 : memref<128xi32, #tpu.memory_space<vmem>>) target_semaphore(%arg28 : memref<!tpu.dma_semaphore, #tpu.memory_space<semaphore_mem>>)
          %dma_wait3A = tpu.memref_slice %arg16[%mul3A_147] : memref<160000xi32, #tpu.memory_space<hbm>> -> memref<128xi32, #tpu.memory_space<hbm>>
          %dma_wait3A_151 = tpu.memref_slice %arg16[%mul3A_147] : memref<160000xi32, #tpu.memory_space<hbm>> -> memref<128xi32, #tpu.memory_space<hbm>>
          tpu.wait_dma2 semaphore(%arg28 : memref<!tpu.dma_semaphore, #tpu.memory_space<semaphore_mem>>) src(%dma_wait3A_151 : memref<128xi32, #tpu.memory_space<hbm>>) dst(%arg24 : memref<128xi32, #tpu.memory_space<vmem>>)
          %dma_wait3A_152 = tpu.memref_slice %arg19[%mul3A_147] : memref<160000xi32, #tpu.memory_space<hbm>> -> memref<128xi32, #tpu.memory_space<hbm>>
          %dma_wait3A_153 = tpu.memref_slice %arg19[%mul3A_147] : memref<160000xi32, #tpu.memory_space<hbm>> -> memref<128xi32, #tpu.memory_space<hbm>>
          tpu.wait_dma2 semaphore(%arg28 : memref<!tpu.dma_semaphore, #tpu.memory_space<semaphore_mem>>) src(%dma_wait3A_153 : memref<128xi32, #tpu.memory_space<hbm>>) dst(%arg25 : memref<128xi32, #tpu.memory_space<vmem>>)
          %dma_start3A_154 = arith.constant 0 : i32
          %dma_start3A_155 = arith.constant 0 : i32
          %dma_start3A_156 = tpu.memref_slice %arg4[%dma_start3A_154, %dma_start3A_155] : memref<40000x128xf32, #tpu.memory_space<hbm>> -> memref<40000x128xf32, #tpu.memory_space<hbm>>
          tpu.enqueue_indirect_dma source(%dma_start3A_156 : memref<40000x128xf32, #tpu.memory_space<hbm>>) target(%arg26 : memref<128x128xf32, #tpu.memory_space<vmem>>) offsets(%arg24 : memref<128xi32, #tpu.memory_space<vmem>>) semaphore(%arg28 : memref<!tpu.dma_semaphore, #tpu.memory_space<semaphore_mem>>)
          %dma_wait3A_157 = arith.constant 0 : i32
          %dma_wait3A_158 = arith.constant 0 : i32
          %dma_wait3A_159 = tpu.memref_slice %arg4[%dma_wait3A_157, %dma_wait3A_158] : memref<40000x128xf32, #tpu.memory_space<hbm>> -> memref<40000x128xf32, #tpu.memory_space<hbm>>
          tpu.wait_indirect_dma semaphore(%arg28 : memref<!tpu.dma_semaphore, #tpu.memory_space<semaphore_mem>>) src(%dma_wait3A_159 : memref<40000x128xf32, #tpu.memory_space<hbm>>) dst(%arg26 : memref<128x128xf32, #tpu.memory_space<vmem>>)
          "tpu.region"() ({
            %run_scoped3A = tpu.sem_alloc : memref<!tpu.dma_semaphore, #tpu.memory_space<semaphore_mem>>
            %dma_start3A_160 = arith.constant 0 : i32
            %dma_start3A_161 = arith.constant 0 : i32
            %dma_start3A_162 = tpu.memref_slice %arg27[%dma_start3A_160, %dma_start3A_161] : memref<10240x128xf32, #tpu.memory_space<vmem_shared>> -> memref<10240x128xf32, #tpu.memory_space<vmem_shared>>
            tpu.enqueue_indirect_dma source(%arg26 : memref<128x128xf32, #tpu.memory_space<vmem>>) target(%dma_start3A_162 : memref<10240x128xf32, #tpu.memory_space<vmem_shared>>) offsets(%arg25 : memref<128xi32, #tpu.memory_space<vmem>>) semaphore(%run_scoped3A : memref<!tpu.dma_semaphore, #tpu.memory_space<semaphore_mem>>) {add = true}
            %dma_wait3A_163 = arith.constant 0 : i32
            %dma_wait3A_164 = arith.constant 0 : i32
            %dma_wait3A_165 = tpu.memref_slice %arg27[%dma_wait3A_163, %dma_wait3A_164] : memref<10240x128xf32, #tpu.memory_space<vmem_shared>> -> memref<10240x128xf32, #tpu.memory_space<vmem_shared>>
            tpu.wait_indirect_dma semaphore(%run_scoped3A : memref<!tpu.dma_semaphore, #tpu.memory_space<semaphore_mem>>) src(%arg26 : memref<128x128xf32, #tpu.memory_space<vmem>>) dst(%dma_wait3A_165 : memref<10240x128xf32, #tpu.memory_space<vmem_shared>>)
            tpu.yield
          }) : () -> ()
        } else {
        }
        %scan3A_143 = arith.constant 0 : i32
        scf.yield %scan3A_143 : i32
      }
      %scan3A_134 = arith.constant 79 : i32
    } else {
    }
    %barrier3A_118 = arith.constant 0 : index
    tpu.barrier barrier_id(%barrier3A_118)
    %eq3A_119 = arith.constant 0 : i32
    %eq3A_120 = arith.cmpi eq, %arg0, %eq3A_119 : i32
    %convert_element_type3A_121 = arith.extui %eq3A_120 : i1 to i32
    %cond3A_122 = arith.constant 0 : i32
    %cond3A_123 = arith.cmpi ne, %convert_element_type3A_121, %cond3A_122 : i32
    scf.if %cond3A_123 {
      %run_scoped3A = arith.constant 1 : i32
      "tpu.region"() ({
        %run_scoped3A_129 = tpu.sem_alloc : memref<!tpu.dma_semaphore, #tpu.memory_space<semaphore_mem>>
        %dma_start3A = arith.constant 0 : i32
        %dma_start3A_130 = tpu.memref_slice %arg23[%run_scoped3A, %mul3A_0, %dma_start3A] : memref<4x10240x128xf32, #tpu.memory_space<hbm>> -> memref<1x640x128xf32, #tpu.memory_space<hbm>>
        %dma_start3A_131 = tpu.memref_squeeze %dma_start3A_130 : memref<1x640x128xf32, #tpu.memory_space<hbm>> -> memref<640x128xf32, #tpu.memory_space<hbm>>
        %dma_start3A_132 = arith.constant 0 : i32
        %dma_start3A_133 = tpu.memref_slice %arg27[%mul3A_0, %dma_start3A_132] : memref<10240x128xf32, #tpu.memory_space<vmem_shared>> -> memref<640x128xf32, #tpu.memory_space<vmem_shared>>
        tpu.enqueue_dma source(%dma_start3A_133 : memref<640x128xf32, #tpu.memory_space<vmem_shared>>) target(%dma_start3A_131 : memref<640x128xf32, #tpu.memory_space<hbm>>) target_semaphore(%run_scoped3A_129 : memref<!tpu.dma_semaphore, #tpu.memory_space<semaphore_mem>>)
        %dma_wait3A = arith.constant 0 : i32
        %dma_wait3A_134 = tpu.memref_slice %arg23[%run_scoped3A, %mul3A_0, %dma_wait3A] : memref<4x10240x128xf32, #tpu.memory_space<hbm>> -> memref<1x640x128xf32, #tpu.memory_space<hbm>>
        %dma_wait3A_135 = tpu.memref_squeeze %dma_wait3A_134 : memref<1x640x128xf32, #tpu.memory_space<hbm>> -> memref<640x128xf32, #tpu.memory_space<hbm>>
        %dma_wait3A_136 = arith.constant 0 : i32
        %dma_wait3A_137 = tpu.memref_slice %arg27[%mul3A_0, %dma_wait3A_136] : memref<10240x128xf32, #tpu.memory_space<vmem_shared>> -> memref<640x128xf32, #tpu.memory_space<vmem_shared>>
        tpu.wait_dma2 semaphore(%run_scoped3A_129 : memref<!tpu.dma_semaphore, #tpu.memory_space<semaphore_mem>>) src(%dma_wait3A_137 : memref<640x128xf32, #tpu.memory_space<vmem_shared>>) dst(%dma_wait3A_135 : memref<640x128xf32, #tpu.memory_space<hbm>>)
        tpu.yield
      }) : () -> ()
    } else {
    }
    %eq3A_124 = arith.constant 1 : i32
    %eq3A_125 = arith.cmpi eq, %arg0, %eq3A_124 : i32
    %convert_element_type3A_126 = arith.extui %eq3A_125 : i1 to i32
    %cond3A_127 = arith.constant 0 : i32
    %cond3A_128 = arith.cmpi ne, %convert_element_type3A_126, %cond3A_127 : i32
    scf.if %cond3A_128 {
      %run_scoped3A = arith.constant 3 : i32
      "tpu.region"() ({
        %run_scoped3A_129 = tpu.sem_alloc : memref<!tpu.dma_semaphore, #tpu.memory_space<semaphore_mem>>
        %dma_start3A = arith.constant 0 : i32
        %dma_start3A_130 = tpu.memref_slice %arg23[%run_scoped3A, %mul3A_0, %dma_start3A] : memref<4x10240x128xf32, #tpu.memory_space<hbm>> -> memref<1x640x128xf32, #tpu.memory_space<hbm>>
        %dma_start3A_131 = tpu.memref_squeeze %dma_start3A_130 : memref<1x640x128xf32, #tpu.memory_space<hbm>> -> memref<640x128xf32, #tpu.memory_space<hbm>>
        %dma_start3A_132 = arith.constant 0 : i32
        %dma_start3A_133 = tpu.memref_slice %arg27[%mul3A_0, %dma_start3A_132] : memref<10240x128xf32, #tpu.memory_space<vmem_shared>> -> memref<640x128xf32, #tpu.memory_space<vmem_shared>>
        tpu.enqueue_dma source(%dma_start3A_133 : memref<640x128xf32, #tpu.memory_space<vmem_shared>>) target(%dma_start3A_131 : memref<640x128xf32, #tpu.memory_space<hbm>>) target_semaphore(%run_scoped3A_129 : memref<!tpu.dma_semaphore, #tpu.memory_space<semaphore_mem>>)
        %dma_wait3A = arith.constant 0 : i32
        %dma_wait3A_134 = tpu.memref_slice %arg23[%run_scoped3A, %mul3A_0, %dma_wait3A] : memref<4x10240x128xf32, #tpu.memory_space<hbm>> -> memref<1x640x128xf32, #tpu.memory_space<hbm>>
        %dma_wait3A_135 = tpu.memref_squeeze %dma_wait3A_134 : memref<1x640x128xf32, #tpu.memory_space<hbm>> -> memref<640x128xf32, #tpu.memory_space<hbm>>
        %dma_wait3A_136 = arith.constant 0 : i32
        %dma_wait3A_137 = tpu.memref_slice %arg27[%mul3A_0, %dma_wait3A_136] : memref<10240x128xf32, #tpu.memory_space<vmem_shared>> -> memref<640x128xf32, #tpu.memory_space<vmem_shared>>
        tpu.wait_dma2 semaphore(%run_scoped3A_129 : memref<!tpu.dma_semaphore, #tpu.memory_space<semaphore_mem>>) src(%dma_wait3A_137 : memref<640x128xf32, #tpu.memory_space<vmem_shared>>) dst(%dma_wait3A_135 : memref<640x128xf32, #tpu.memory_space<hbm>>)
        tpu.yield
      }) : () -> ()
    } else {
    }
    return
  }
}

module attributes {stable_mosaic.version = 14 : i64} {
  func.func @body(%arg0: i32, %arg1: memref<1000x512xf32, #tpu.memory_space<vmem>>, %arg2: memref<512x512xf32, #tpu.memory_space<vmem>>, %arg3: memref<1x512xf32, #tpu.memory_space<vmem>>, %arg4: memref<1000x512xf32, #tpu.memory_space<vmem>>) attributes {dimension_semantics = [#tpu.dimension_semantics<arbitrary>], iteration_bounds = array<i64: 10>, scalar_prefetch = 0 : i64, scratch_operands = 0 : i64, tpu.core_type = #tpu.core_type<tc>, window_params = [{transform_indices = @transform_0, window_bounds = array<i64: 1000, 512>}, {pipeline_mode = #tpu.pipeline_mode<synchronous>, transform_indices = @transform_1, window_bounds = array<i64: 512, 512>}, {pipeline_mode = #tpu.pipeline_mode<synchronous>, transform_indices = @transform_2, window_bounds = array<i64: 1, 512>}, {transform_indices = @transform_3, window_bounds = array<i64: 1000, 512>}]} {
    %get3A = arith.constant 0 : index
    %get3A_0 = arith.constant 0 : index
    %get3A_1 = vector.load %arg1[%get3A, %get3A_0] : memref<1000x512xf32, #tpu.memory_space<vmem>>, vector<1000x512xf32>
    %get3A_2 = arith.constant 0 : index
    %get3A_3 = arith.constant 0 : index
    %get3A_4 = vector.load %arg2[%get3A_2, %get3A_3] : memref<512x512xf32, #tpu.memory_space<vmem>>, vector<512x512xf32>
    %dot_general3A = arith.constant dense<0.000000e+00> : vector<1000x512xf32>
    %dot_general3A_5 = tpu.matmul %get3A_1, %get3A_4, %dot_general3A {dimension_numbers = #tpu.dot_dimension_numbers<[1], [1], [0], [0], [0, 0, 1, 0], [], []>, transpose_lhs_hint = false} : vector<1000x512xf32>, vector<512x512xf32>, vector<1000x512xf32> -> vector<1000x512xf32>
    %get3A_6 = arith.constant 0 : index
    %get3A_7 = arith.constant 0 : index
    %get3A_8 = vector.load %arg3[%get3A_6, %get3A_7] : memref<1x512xf32, #tpu.memory_space<vmem>>, vector<1x512xf32>
    %add3A = vector.broadcast %get3A_8 : vector<1x512xf32> to vector<1000x512xf32>
    %add3A_9 = arith.addf %dot_general3A_5, %add3A : vector<1000x512xf32>
    %max3A = arith.constant 0.000000e+00 : f32
    %max3A_10 = vector.broadcast %max3A : f32 to vector<1000x512xf32>
    %max3A_11 = arith.maximumf %add3A_9, %max3A_10 : vector<1000x512xf32>
    %swap3A = arith.constant 0 : index
    %swap3A_12 = arith.constant 0 : index
    %swap3A_13 = vector.load %arg4[%swap3A, %swap3A_12] : memref<1000x512xf32, #tpu.memory_space<vmem>>, vector<1000x512xf32>
    tpu.vector_store %arg4[%swap3A, %swap3A_12], %max3A_11 {strides = array<i32>} : memref<1000x512xf32, #tpu.memory_space<vmem>>, vector<1000x512xf32>,
    return
  }
  func.func @transform_0(%arg0: i32) -> (i32, i32) {
    %c0_i32 = arith.constant 0 : i32
    %c0_i32_0 = arith.constant 0 : i32
    return %arg0, %c0_i32 : i32, i32
  }
  func.func @transform_1(%arg0: i32) -> (i32, i32) {
    %c0_i32 = arith.constant 0 : i32
    %c0_i32_0 = arith.constant 0 : i32
    %c0_i32_1 = arith.constant 0 : i32
    return %c0_i32, %c0_i32_0 : i32, i32
  }
  func.func @transform_2(%arg0: i32) -> (i32, i32) {
    %c0_i32 = arith.constant 0 : i32
    %c0_i32_0 = arith.constant 0 : i32
    %c0_i32_1 = arith.constant 0 : i32
    return %c0_i32, %c0_i32_0 : i32, i32
  }
  func.func @transform_3(%arg0: i32) -> (i32, i32) {
    %c0_i32 = arith.constant 0 : i32
    %c0_i32_0 = arith.constant 0 : i32
    return %arg0, %c0_i32 : i32, i32
  }
}

module attributes {stable_mosaic.version = 14 : i64} {
  func.func @body(%arg0: i32, %arg1: memref<2x1000x128xf32, #tpu.memory_space<vmem>>, %arg2: memref<2x1000x128xf32, #tpu.memory_space<vmem>>, %arg3: memref<1000x128xf32, #tpu.memory_space<vmem>>, %arg4: memref<2x1000x128xf32, #tpu.memory_space<vmem>>, %arg5: memref<2x1000x128xf32, #tpu.memory_space<vmem>>, %arg6: memref<1000x256xf32, #tpu.memory_space<vmem>>, %arg7: memref<512x128xf32, #tpu.memory_space<vmem>>, %arg8: memref<512x128xf32, #tpu.memory_space<vmem>>, %arg9: memref<1x512xf32, #tpu.memory_space<vmem>>, %arg10: memref<512x256xf32, #tpu.memory_space<vmem>>, %arg11: memref<512x256xf32, #tpu.memory_space<vmem>>, %arg12: memref<1x512xf32, #tpu.memory_space<vmem>>, %arg13: memref<1000x512xf32, #tpu.memory_space<vmem>>, %arg14: memref<1000x512xf32, #tpu.memory_space<vmem>>) attributes {dimension_semantics = [#tpu.dimension_semantics<arbitrary>], iteration_bounds = array<i64: 10>, scalar_prefetch = 0 : i64, scratch_operands = 0 : i64, tpu.core_type = #tpu.core_type<tc>, window_params = [{transform_indices = @transform_0, window_bounds = array<i64: 2, 1000, 128>}, {transform_indices = @transform_1, window_bounds = array<i64: 2, 1000, 128>}, {transform_indices = @transform_2, window_bounds = array<i64: 1000, 128>}, {transform_indices = @transform_3, window_bounds = array<i64: 2, 1000, 128>}, {transform_indices = @transform_4, window_bounds = array<i64: 2, 1000, 128>}, {transform_indices = @transform_5, window_bounds = array<i64: 1000, 256>}, {pipeline_mode = #tpu.pipeline_mode<synchronous>, transform_indices = @transform_6, window_bounds = array<i64: 512, 128>}, {pipeline_mode = #tpu.pipeline_mode<synchronous>, transform_indices = @transform_7, window_bounds = array<i64: 512, 128>}, {pipeline_mode = #tpu.pipeline_mode<synchronous>, transform_indices = @transform_8, window_bounds = array<i64: 1, 512>}, {pipeline_mode = #tpu.pipeline_mode<synchronous>, transform_indices = @transform_9, window_bounds = array<i64: 512, 256>}, {pipeline_mode = #tpu.pipeline_mode<synchronous>, transform_indices = @transform_10, window_bounds = array<i64: 512, 256>}, {pipeline_mode = #tpu.pipeline_mode<synchronous>, transform_indices = @transform_11, window_bounds = array<i64: 1, 512>}, {transform_indices = @transform_12, window_bounds = array<i64: 1000, 512>}, {transform_indices = @transform_13, window_bounds = array<i64: 1000, 512>}]} {
    %get3A = arith.constant 0 : index
    %get3A_0 = arith.constant 0 : index
    %get3A_1 = arith.constant 0 : index
    %get3A_2 = vector.load %arg2[%get3A, %get3A_0, %get3A_1] : memref<2x1000x128xf32, #tpu.memory_space<vmem>>, vector<1x1000x1xf32>
    %get3A_3 = vector.shape_cast %get3A_2 : vector<1x1000x1xf32> to vector<1000x1xf32>
    %get3A_4 = arith.constant 1 : index
    %get3A_5 = arith.constant 0 : index
    %get3A_6 = arith.constant 0 : index
    %get3A_7 = vector.load %arg2[%get3A_4, %get3A_5, %get3A_6] : memref<2x1000x128xf32, #tpu.memory_space<vmem>>, vector<1x1000x1xf32>
    %get3A_8 = vector.shape_cast %get3A_7 : vector<1x1000x1xf32> to vector<1000x1xf32>
    %add3A = arith.addf %get3A_3, %get3A_8 : vector<1000x1xf32>
    %max3A = arith.constant 1.000000e+00 : f32
    %max3A_9 = vector.broadcast %max3A : f32 to vector<1000x1xf32>
    %max3A_10 = arith.maximumf %add3A, %max3A_9 : vector<1000x1xf32>
    %div3A = arith.constant 1.000000e+00 : f32
    %div3A_11 = vector.broadcast %div3A : f32 to vector<1000x1xf32>
    %div3A_12 = arith.divf %div3A_11, %max3A_10 : vector<1000x1xf32>
    %get3A_13 = arith.constant 0 : index
    %get3A_14 = arith.constant 0 : index
    %get3A_15 = arith.constant 0 : index
    %get3A_16 = vector.load %arg1[%get3A_13, %get3A_14, %get3A_15] : memref<2x1000x128xf32, #tpu.memory_space<vmem>>, vector<1x1000x128xf32>
    %get3A_17 = vector.shape_cast %get3A_16 : vector<1x1000x128xf32> to vector<1000x128xf32>
    %get3A_18 = arith.constant 1 : index
    %get3A_19 = arith.constant 0 : index
    %get3A_20 = arith.constant 0 : index
    %get3A_21 = vector.load %arg1[%get3A_18, %get3A_19, %get3A_20] : memref<2x1000x128xf32, #tpu.memory_space<vmem>>, vector<1x1000x128xf32>
    %get3A_22 = vector.shape_cast %get3A_21 : vector<1x1000x128xf32> to vector<1000x128xf32>
    %add3A_23 = arith.addf %get3A_17, %get3A_22 : vector<1000x128xf32>
    %mul3A = vector.broadcast %div3A_12 : vector<1000x1xf32> to vector<1000x128xf32>
    %mul3A_24 = arith.mulf %add3A_23, %mul3A : vector<1000x128xf32>
    %get3A_25 = arith.constant 0 : index
    %get3A_26 = arith.constant 0 : index
    %get3A_27 = vector.load %arg7[%get3A_25, %get3A_26] : memref<512x128xf32, #tpu.memory_space<vmem>>, vector<512x128xf32>
    %dot_general3A = arith.constant dense<0.000000e+00> : vector<1000x512xf32>
    %dot_general3A_28 = tpu.matmul %mul3A_24, %get3A_27, %dot_general3A {dimension_numbers = #tpu.dot_dimension_numbers<[1], [1], [0], [0], [0, 0, 1, 0], [], []>, transpose_lhs_hint = false} : vector<1000x128xf32>, vector<512x128xf32>, vector<1000x512xf32> -> vector<1000x512xf32>
    %get3A_29 = arith.constant 0 : index
    %get3A_30 = arith.constant 0 : index
    %get3A_31 = vector.load %arg3[%get3A_29, %get3A_30] : memref<1000x128xf32, #tpu.memory_space<vmem>>, vector<1000x128xf32>
    %get3A_32 = arith.constant 0 : index
    %get3A_33 = arith.constant 0 : index
    %get3A_34 = vector.load %arg8[%get3A_32, %get3A_33] : memref<512x128xf32, #tpu.memory_space<vmem>>, vector<512x128xf32>
    %dot_general3A_35 = arith.constant dense<0.000000e+00> : vector<1000x512xf32>
    %dot_general3A_36 = tpu.matmul %get3A_31, %get3A_34, %dot_general3A_35 {dimension_numbers = #tpu.dot_dimension_numbers<[1], [1], [0], [0], [0, 0, 1, 0], [], []>, transpose_lhs_hint = false} : vector<1000x128xf32>, vector<512x128xf32>, vector<1000x512xf32> -> vector<1000x512xf32>
    %add3A_37 = arith.addf %dot_general3A_28, %dot_general3A_36 : vector<1000x512xf32>
    %get3A_38 = arith.constant 0 : index
    %get3A_39 = arith.constant 0 : index
    %get3A_40 = vector.load %arg9[%get3A_38, %get3A_39] : memref<1x512xf32, #tpu.memory_space<vmem>>, vector<1x512xf32>
    %add3A_41 = vector.broadcast %get3A_40 : vector<1x512xf32> to vector<1000x512xf32>
    %add3A_42 = arith.addf %add3A_37, %add3A_41 : vector<1000x512xf32>
    %max3A_43 = arith.constant 0.000000e+00 : f32
    %max3A_44 = vector.broadcast %max3A_43 : f32 to vector<1000x512xf32>
    %max3A_45 = arith.maximumf %add3A_42, %max3A_44 : vector<1000x512xf32>
    %swap3A = arith.constant 0 : index
    %swap3A_46 = arith.constant 0 : index
    %swap3A_47 = vector.load %arg13[%swap3A, %swap3A_46] : memref<1000x512xf32, #tpu.memory_space<vmem>>, vector<1000x512xf32>
    tpu.vector_store %arg13[%swap3A, %swap3A_46], %max3A_45 {strides = array<i32>} : memref<1000x512xf32, #tpu.memory_space<vmem>>, vector<1000x512xf32>,
    %get3A_48 = arith.constant 0 : index
    %get3A_49 = arith.constant 0 : index
    %get3A_50 = arith.constant 0 : index
    %get3A_51 = vector.load %arg5[%get3A_48, %get3A_49, %get3A_50] : memref<2x1000x128xf32, #tpu.memory_space<vmem>>, vector<1x1000x1xf32>
    %get3A_52 = vector.shape_cast %get3A_51 : vector<1x1000x1xf32> to vector<1000x1xf32>
    %get3A_53 = arith.constant 1 : index
    %get3A_54 = arith.constant 0 : index
    %get3A_55 = arith.constant 0 : index
    %get3A_56 = vector.load %arg5[%get3A_53, %get3A_54, %get3A_55] : memref<2x1000x128xf32, #tpu.memory_space<vmem>>, vector<1x1000x1xf32>
    %get3A_57 = vector.shape_cast %get3A_56 : vector<1x1000x1xf32> to vector<1000x1xf32>
    %add3A_58 = arith.addf %get3A_52, %get3A_57 : vector<1000x1xf32>
    %max3A_59 = arith.constant 1.000000e+00 : f32
    %max3A_60 = vector.broadcast %max3A_59 : f32 to vector<1000x1xf32>
    %max3A_61 = arith.maximumf %add3A_58, %max3A_60 : vector<1000x1xf32>
    %div3A_62 = arith.constant 1.000000e+00 : f32
    %div3A_63 = vector.broadcast %div3A_62 : f32 to vector<1000x1xf32>
    %div3A_64 = arith.divf %div3A_63, %max3A_61 : vector<1000x1xf32>
    %get3A_65 = arith.constant 0 : index
    %get3A_66 = arith.constant 0 : index
    %get3A_67 = arith.constant 0 : index
    %get3A_68 = vector.load %arg4[%get3A_65, %get3A_66, %get3A_67] : memref<2x1000x128xf32, #tpu.memory_space<vmem>>, vector<1x1000x128xf32>
    %get3A_69 = vector.shape_cast %get3A_68 : vector<1x1000x128xf32> to vector<1000x128xf32>
    %mul3A_70 = vector.broadcast %div3A_64 : vector<1000x1xf32> to vector<1000x128xf32>
    %mul3A_71 = arith.mulf %get3A_69, %mul3A_70 : vector<1000x128xf32>
    %get3A_72 = arith.constant 0 : index
    %get3A_73 = arith.constant 0 : index
    %get3A_74 = vector.load %arg10[%get3A_72, %get3A_73] : memref<512x256xf32, #tpu.memory_space<vmem>>, vector<512x128xf32>
    %dot_general3A_75 = arith.constant dense<0.000000e+00> : vector<1000x512xf32>
    %dot_general3A_76 = tpu.matmul %mul3A_71, %get3A_74, %dot_general3A_75 {dimension_numbers = #tpu.dot_dimension_numbers<[1], [1], [0], [0], [0, 0, 1, 0], [], []>, transpose_lhs_hint = false} : vector<1000x128xf32>, vector<512x128xf32>, vector<1000x512xf32> -> vector<1000x512xf32>
    %get3A_77 = arith.constant 1 : index
    %get3A_78 = arith.constant 0 : index
    %get3A_79 = arith.constant 0 : index
    %get3A_80 = vector.load %arg4[%get3A_77, %get3A_78, %get3A_79] : memref<2x1000x128xf32, #tpu.memory_space<vmem>>, vector<1x1000x128xf32>
    %get3A_81 = vector.shape_cast %get3A_80 : vector<1x1000x128xf32> to vector<1000x128xf32>
    %mul3A_82 = vector.broadcast %div3A_64 : vector<1000x1xf32> to vector<1000x128xf32>
    %mul3A_83 = arith.mulf %get3A_81, %mul3A_82 : vector<1000x128xf32>
    %get3A_84 = arith.constant 0 : index
    %get3A_85 = arith.constant 128 : index
    %get3A_86 = vector.load %arg10[%get3A_84, %get3A_85] : memref<512x256xf32, #tpu.memory_space<vmem>>, vector<512x128xf32>
    %dot_general3A_87 = arith.constant dense<0.000000e+00> : vector<1000x512xf32>
    %dot_general3A_88 = tpu.matmul %mul3A_83, %get3A_86, %dot_general3A_87 {dimension_numbers = #tpu.dot_dimension_numbers<[1], [1], [0], [0], [0, 0, 1, 0], [], []>, transpose_lhs_hint = false} : vector<1000x128xf32>, vector<512x128xf32>, vector<1000x512xf32> -> vector<1000x512xf32>
    %add3A_89 = arith.addf %dot_general3A_76, %dot_general3A_88 : vector<1000x512xf32>
    %get3A_90 = arith.constant 0 : index
    %get3A_91 = arith.constant 0 : index
    %get3A_92 = vector.load %arg6[%get3A_90, %get3A_91] : memref<1000x256xf32, #tpu.memory_space<vmem>>, vector<1000x256xf32>
    %get3A_93 = arith.constant 0 : index
    %get3A_94 = arith.constant 0 : index
    %get3A_95 = vector.load %arg11[%get3A_93, %get3A_94] : memref<512x256xf32, #tpu.memory_space<vmem>>, vector<512x256xf32>
    %dot_general3A_96 = arith.constant dense<0.000000e+00> : vector<1000x512xf32>
    %dot_general3A_97 = tpu.matmul %get3A_92, %get3A_95, %dot_general3A_96 {dimension_numbers = #tpu.dot_dimension_numbers<[1], [1], [0], [0], [0, 0, 1, 0], [], []>, transpose_lhs_hint = false} : vector<1000x256xf32>, vector<512x256xf32>, vector<1000x512xf32> -> vector<1000x512xf32>
    %add3A_98 = arith.addf %add3A_89, %dot_general3A_97 : vector<1000x512xf32>
    %get3A_99 = arith.constant 0 : index
    %get3A_100 = arith.constant 0 : index
    %get3A_101 = vector.load %arg12[%get3A_99, %get3A_100] : memref<1x512xf32, #tpu.memory_space<vmem>>, vector<1x512xf32>
    %add3A_102 = vector.broadcast %get3A_101 : vector<1x512xf32> to vector<1000x512xf32>
    %add3A_103 = arith.addf %add3A_98, %add3A_102 : vector<1000x512xf32>
    %max3A_104 = arith.constant 0.000000e+00 : f32
    %max3A_105 = vector.broadcast %max3A_104 : f32 to vector<1000x512xf32>
    %max3A_106 = arith.maximumf %add3A_103, %max3A_105 : vector<1000x512xf32>
    %swap3A_107 = arith.constant 0 : index
    %swap3A_108 = arith.constant 0 : index
    %swap3A_109 = vector.load %arg14[%swap3A_107, %swap3A_108] : memref<1000x512xf32, #tpu.memory_space<vmem>>, vector<1000x512xf32>
    tpu.vector_store %arg14[%swap3A_107, %swap3A_108], %max3A_106 {strides = array<i32>} : memref<1000x512xf32, #tpu.memory_space<vmem>>, vector<1000x512xf32>,
    return
  }
  func.func @transform_0(%arg0: i32) -> (i32, i32, i32) {
    %c0_i32 = arith.constant 0 : i32
    %c0_i32_0 = arith.constant 0 : i32
    %c0_i32_1 = arith.constant 0 : i32
    return %c0_i32, %arg0, %c0_i32_0 : i32, i32, i32
  }
  func.func @transform_1(%arg0: i32) -> (i32, i32, i32) {
    %c0_i32 = arith.constant 0 : i32
    %c0_i32_0 = arith.constant 0 : i32
    %c0_i32_1 = arith.constant 0 : i32
    return %c0_i32, %arg0, %c0_i32_0 : i32, i32, i32
  }
  func.func @transform_2(%arg0: i32) -> (i32, i32) {
    %c0_i32 = arith.constant 0 : i32
    %c0_i32_0 = arith.constant 0 : i32
    return %arg0, %c0_i32 : i32, i32
  }
  func.func @transform_3(%arg0: i32) -> (i32, i32, i32) {
    %c0_i32 = arith.constant 0 : i32
    %c0_i32_0 = arith.constant 0 : i32
    %c0_i32_1 = arith.constant 0 : i32
    return %c0_i32, %arg0, %c0_i32_0 : i32, i32, i32
  }
  func.func @transform_4(%arg0: i32) -> (i32, i32, i32) {
    %c0_i32 = arith.constant 0 : i32
    %c0_i32_0 = arith.constant 0 : i32
    %c0_i32_1 = arith.constant 0 : i32
    return %c0_i32, %arg0, %c0_i32_0 : i32, i32, i32
  }
  func.func @transform_5(%arg0: i32) -> (i32, i32) {
    %c0_i32 = arith.constant 0 : i32
    %c0_i32_0 = arith.constant 0 : i32
    return %arg0, %c0_i32 : i32, i32
  }
  func.func @transform_6(%arg0: i32) -> (i32, i32) {
    %c0_i32 = arith.constant 0 : i32
    %c0_i32_0 = arith.constant 0 : i32
    %c0_i32_1 = arith.constant 0 : i32
    return %c0_i32, %c0_i32_0 : i32, i32
  }
  func.func @transform_7(%arg0: i32) -> (i32, i32) {
    %c0_i32 = arith.constant 0 : i32
    %c0_i32_0 = arith.constant 0 : i32
    %c0_i32_1 = arith.constant 0 : i32
    return %c0_i32, %c0_i32_0 : i32, i32
  }
  func.func @transform_8(%arg0: i32) -> (i32, i32) {
    %c0_i32 = arith.constant 0 : i32
    %c0_i32_0 = arith.constant 0 : i32
    %c0_i32_1 = arith.constant 0 : i32
    return %c0_i32, %c0_i32_0 : i32, i32
  }
  func.func @transform_9(%arg0: i32) -> (i32, i32) {
    %c0_i32 = arith.constant 0 : i32
    %c0_i32_0 = arith.constant 0 : i32
    %c0_i32_1 = arith.constant 0 : i32
    return %c0_i32, %c0_i32_0 : i32, i32
  }
  func.func @transform_10(%arg0: i32) -> (i32, i32) {
    %c0_i32 = arith.constant 0 : i32
    %c0_i32_0 = arith.constant 0 : i32
    %c0_i32_1 = arith.constant 0 : i32
    return %c0_i32, %c0_i32_0 : i32, i32
  }
  func.func @transform_11(%arg0: i32) -> (i32, i32) {
    %c0_i32 = arith.constant 0 : i32
    %c0_i32_0 = arith.constant 0 : i32
    %c0_i32_1 = arith.constant 0 : i32
    return %c0_i32, %c0_i32_0 : i32, i32
  }
  func.func @transform_12(%arg0: i32) -> (i32, i32) {
    %c0_i32 = arith.constant 0 : i32
    %c0_i32_0 = arith.constant 0 : i32
    return %arg0, %c0_i32 : i32, i32
  }
  func.func @transform_13(%arg0: i32) -> (i32, i32) {
    %c0_i32 = arith.constant 0 : i32
    %c0_i32_0 = arith.constant 0 : i32
    return %arg0, %c0_i32 : i32, i32
  }
}

module attributes {stable_mosaic.version = 14 : i64} {
  func.func @body(%arg0: i32, %arg1: memref<4x1000x128xf32, #tpu.memory_space<vmem>>, %arg2: memref<2x1000x128xf32, #tpu.memory_space<vmem>>, %arg3: memref<1000x512xf32, #tpu.memory_space<vmem>>, %arg4: memref<512x512xf32, #tpu.memory_space<vmem>>, %arg5: memref<512x512xf32, #tpu.memory_space<vmem>>, %arg6: memref<1x512xf32, #tpu.memory_space<vmem>>, %arg7: memref<1000x512xf32, #tpu.memory_space<vmem>>) attributes {dimension_semantics = [#tpu.dimension_semantics<arbitrary>], iteration_bounds = array<i64: 10>, scalar_prefetch = 0 : i64, scratch_operands = 0 : i64, tpu.core_type = #tpu.core_type<tc>, window_params = [{transform_indices = @transform_0, window_bounds = array<i64: 4, 1000, 128>}, {transform_indices = @transform_1, window_bounds = array<i64: 2, 1000, 128>}, {transform_indices = @transform_2, window_bounds = array<i64: 1000, 512>}, {pipeline_mode = #tpu.pipeline_mode<synchronous>, transform_indices = @transform_3, window_bounds = array<i64: 512, 512>}, {pipeline_mode = #tpu.pipeline_mode<synchronous>, transform_indices = @transform_4, window_bounds = array<i64: 512, 512>}, {pipeline_mode = #tpu.pipeline_mode<synchronous>, transform_indices = @transform_5, window_bounds = array<i64: 1, 512>}, {transform_indices = @transform_6, window_bounds = array<i64: 1000, 512>}]} {
    %get3A = arith.constant 0 : index
    %get3A_0 = arith.constant 0 : index
    %get3A_1 = arith.constant 0 : index
    %get3A_2 = vector.load %arg2[%get3A, %get3A_0, %get3A_1] : memref<2x1000x128xf32, #tpu.memory_space<vmem>>, vector<1x1000x1xf32>
    %get3A_3 = vector.shape_cast %get3A_2 : vector<1x1000x1xf32> to vector<1000x1xf32>
    %get3A_4 = arith.constant 1 : index
    %get3A_5 = arith.constant 0 : index
    %get3A_6 = arith.constant 0 : index
    %get3A_7 = vector.load %arg2[%get3A_4, %get3A_5, %get3A_6] : memref<2x1000x128xf32, #tpu.memory_space<vmem>>, vector<1x1000x1xf32>
    %get3A_8 = vector.shape_cast %get3A_7 : vector<1x1000x1xf32> to vector<1000x1xf32>
    %add3A = arith.addf %get3A_3, %get3A_8 : vector<1000x1xf32>
    %max3A = arith.constant 1.000000e+00 : f32
    %max3A_9 = vector.broadcast %max3A : f32 to vector<1000x1xf32>
    %max3A_10 = arith.maximumf %add3A, %max3A_9 : vector<1000x1xf32>
    %div3A = arith.constant 1.000000e+00 : f32
    %div3A_11 = vector.broadcast %div3A : f32 to vector<1000x1xf32>
    %div3A_12 = arith.divf %div3A_11, %max3A_10 : vector<1000x1xf32>
    %get3A_13 = arith.constant 0 : index
    %get3A_14 = arith.constant 0 : index
    %get3A_15 = arith.constant 0 : index
    %get3A_16 = vector.load %arg1[%get3A_13, %get3A_14, %get3A_15] : memref<4x1000x128xf32, #tpu.memory_space<vmem>>, vector<1x1000x128xf32>
    %get3A_17 = vector.shape_cast %get3A_16 : vector<1x1000x128xf32> to vector<1000x128xf32>
    %mul3A = vector.broadcast %div3A_12 : vector<1000x1xf32> to vector<1000x128xf32>
    %mul3A_18 = arith.mulf %get3A_17, %mul3A : vector<1000x128xf32>
    %get3A_19 = arith.constant 0 : index
    %get3A_20 = arith.constant 0 : index
    %get3A_21 = vector.load %arg4[%get3A_19, %get3A_20] : memref<512x512xf32, #tpu.memory_space<vmem>>, vector<512x128xf32>
    %dot_general3A = arith.constant dense<0.000000e+00> : vector<1000x512xf32>
    %dot_general3A_22 = tpu.matmul %mul3A_18, %get3A_21, %dot_general3A {dimension_numbers = #tpu.dot_dimension_numbers<[1], [1], [0], [0], [0, 0, 1, 0], [], []>, transpose_lhs_hint = false} : vector<1000x128xf32>, vector<512x128xf32>, vector<1000x512xf32> -> vector<1000x512xf32>
    %get3A_23 = arith.constant 1 : index
    %get3A_24 = arith.constant 0 : index
    %get3A_25 = arith.constant 0 : index
    %get3A_26 = vector.load %arg1[%get3A_23, %get3A_24, %get3A_25] : memref<4x1000x128xf32, #tpu.memory_space<vmem>>, vector<1x1000x128xf32>
    %get3A_27 = vector.shape_cast %get3A_26 : vector<1x1000x128xf32> to vector<1000x128xf32>
    %mul3A_28 = vector.broadcast %div3A_12 : vector<1000x1xf32> to vector<1000x128xf32>
    %mul3A_29 = arith.mulf %get3A_27, %mul3A_28 : vector<1000x128xf32>
    %get3A_30 = arith.constant 0 : index
    %get3A_31 = arith.constant 128 : index
    %get3A_32 = vector.load %arg4[%get3A_30, %get3A_31] : memref<512x512xf32, #tpu.memory_space<vmem>>, vector<512x128xf32>
    %dot_general3A_33 = arith.constant dense<0.000000e+00> : vector<1000x512xf32>
    %dot_general3A_34 = tpu.matmul %mul3A_29, %get3A_32, %dot_general3A_33 {dimension_numbers = #tpu.dot_dimension_numbers<[1], [1], [0], [0], [0, 0, 1, 0], [], []>, transpose_lhs_hint = false} : vector<1000x128xf32>, vector<512x128xf32>, vector<1000x512xf32> -> vector<1000x512xf32>
    %add3A_35 = arith.addf %dot_general3A_22, %dot_general3A_34 : vector<1000x512xf32>
    %get3A_36 = arith.constant 2 : index
    %get3A_37 = arith.constant 0 : index
    %get3A_38 = arith.constant 0 : index
    %get3A_39 = vector.load %arg1[%get3A_36, %get3A_37, %get3A_38] : memref<4x1000x128xf32, #tpu.memory_space<vmem>>, vector<1x1000x128xf32>
    %get3A_40 = vector.shape_cast %get3A_39 : vector<1x1000x128xf32> to vector<1000x128xf32>
    %mul3A_41 = vector.broadcast %div3A_12 : vector<1000x1xf32> to vector<1000x128xf32>
    %mul3A_42 = arith.mulf %get3A_40, %mul3A_41 : vector<1000x128xf32>
    %get3A_43 = arith.constant 0 : index
    %get3A_44 = arith.constant 256 : index
    %get3A_45 = vector.load %arg4[%get3A_43, %get3A_44] : memref<512x512xf32, #tpu.memory_space<vmem>>, vector<512x128xf32>
    %dot_general3A_46 = arith.constant dense<0.000000e+00> : vector<1000x512xf32>
    %dot_general3A_47 = tpu.matmul %mul3A_42, %get3A_45, %dot_general3A_46 {dimension_numbers = #tpu.dot_dimension_numbers<[1], [1], [0], [0], [0, 0, 1, 0], [], []>, transpose_lhs_hint = false} : vector<1000x128xf32>, vector<512x128xf32>, vector<1000x512xf32> -> vector<1000x512xf32>
    %add3A_48 = arith.addf %add3A_35, %dot_general3A_47 : vector<1000x512xf32>
    %get3A_49 = arith.constant 3 : index
    %get3A_50 = arith.constant 0 : index
    %get3A_51 = arith.constant 0 : index
    %get3A_52 = vector.load %arg1[%get3A_49, %get3A_50, %get3A_51] : memref<4x1000x128xf32, #tpu.memory_space<vmem>>, vector<1x1000x128xf32>
    %get3A_53 = vector.shape_cast %get3A_52 : vector<1x1000x128xf32> to vector<1000x128xf32>
    %mul3A_54 = vector.broadcast %div3A_12 : vector<1000x1xf32> to vector<1000x128xf32>
    %mul3A_55 = arith.mulf %get3A_53, %mul3A_54 : vector<1000x128xf32>
    %get3A_56 = arith.constant 0 : index
    %get3A_57 = arith.constant 384 : index
    %get3A_58 = vector.load %arg4[%get3A_56, %get3A_57] : memref<512x512xf32, #tpu.memory_space<vmem>>, vector<512x128xf32>
    %dot_general3A_59 = arith.constant dense<0.000000e+00> : vector<1000x512xf32>
    %dot_general3A_60 = tpu.matmul %mul3A_55, %get3A_58, %dot_general3A_59 {dimension_numbers = #tpu.dot_dimension_numbers<[1], [1], [0], [0], [0, 0, 1, 0], [], []>, transpose_lhs_hint = false} : vector<1000x128xf32>, vector<512x128xf32>, vector<1000x512xf32> -> vector<1000x512xf32>
    %add3A_61 = arith.addf %add3A_48, %dot_general3A_60 : vector<1000x512xf32>
    %get3A_62 = arith.constant 0 : index
    %get3A_63 = arith.constant 0 : index
    %get3A_64 = vector.load %arg3[%get3A_62, %get3A_63] : memref<1000x512xf32, #tpu.memory_space<vmem>>, vector<1000x512xf32>
    %get3A_65 = arith.constant 0 : index
    %get3A_66 = arith.constant 0 : index
    %get3A_67 = vector.load %arg5[%get3A_65, %get3A_66] : memref<512x512xf32, #tpu.memory_space<vmem>>, vector<512x512xf32>
    %dot_general3A_68 = arith.constant dense<0.000000e+00> : vector<1000x512xf32>
    %dot_general3A_69 = tpu.matmul %get3A_64, %get3A_67, %dot_general3A_68 {dimension_numbers = #tpu.dot_dimension_numbers<[1], [1], [0], [0], [0, 0, 1, 0], [], []>, transpose_lhs_hint = false} : vector<1000x512xf32>, vector<512x512xf32>, vector<1000x512xf32> -> vector<1000x512xf32>
    %add3A_70 = arith.addf %add3A_61, %dot_general3A_69 : vector<1000x512xf32>
    %get3A_71 = arith.constant 0 : index
    %get3A_72 = arith.constant 0 : index
    %get3A_73 = vector.load %arg6[%get3A_71, %get3A_72] : memref<1x512xf32, #tpu.memory_space<vmem>>, vector<1x512xf32>
    %add3A_74 = vector.broadcast %get3A_73 : vector<1x512xf32> to vector<1000x512xf32>
    %add3A_75 = arith.addf %add3A_70, %add3A_74 : vector<1000x512xf32>
    %max3A_76 = arith.constant 0.000000e+00 : f32
    %max3A_77 = vector.broadcast %max3A_76 : f32 to vector<1000x512xf32>
    %max3A_78 = arith.maximumf %add3A_75, %max3A_77 : vector<1000x512xf32>
    %swap3A = arith.constant 0 : index
    %swap3A_79 = arith.constant 0 : index
    %swap3A_80 = vector.load %arg7[%swap3A, %swap3A_79] : memref<1000x512xf32, #tpu.memory_space<vmem>>, vector<1000x512xf32>
    tpu.vector_store %arg7[%swap3A, %swap3A_79], %max3A_78 {strides = array<i32>} : memref<1000x512xf32, #tpu.memory_space<vmem>>, vector<1000x512xf32>,
    return
  }
  func.func @transform_0(%arg0: i32) -> (i32, i32, i32) {
    %c0_i32 = arith.constant 0 : i32
    %c0_i32_0 = arith.constant 0 : i32
    %c0_i32_1 = arith.constant 0 : i32
    return %c0_i32, %arg0, %c0_i32_0 : i32, i32, i32
  }
  func.func @transform_1(%arg0: i32) -> (i32, i32, i32) {
    %c0_i32 = arith.constant 0 : i32
    %c0_i32_0 = arith.constant 0 : i32
    %c0_i32_1 = arith.constant 0 : i32
    return %c0_i32, %arg0, %c0_i32_0 : i32, i32, i32
  }
  func.func @transform_2(%arg0: i32) -> (i32, i32) {
    %c0_i32 = arith.constant 0 : i32
    %c0_i32_0 = arith.constant 0 : i32
    return %arg0, %c0_i32 : i32, i32
  }
  func.func @transform_3(%arg0: i32) -> (i32, i32) {
    %c0_i32 = arith.constant 0 : i32
    %c0_i32_0 = arith.constant 0 : i32
    %c0_i32_1 = arith.constant 0 : i32
    return %c0_i32, %c0_i32_0 : i32, i32
  }
  func.func @transform_4(%arg0: i32) -> (i32, i32) {
    %c0_i32 = arith.constant 0 : i32
    %c0_i32_0 = arith.constant 0 : i32
    %c0_i32_1 = arith.constant 0 : i32
    return %c0_i32, %c0_i32_0 : i32, i32
  }
  func.func @transform_5(%arg0: i32) -> (i32, i32) {
    %c0_i32 = arith.constant 0 : i32
    %c0_i32_0 = arith.constant 0 : i32
    %c0_i32_1 = arith.constant 0 : i32
    return %c0_i32, %c0_i32_0 : i32, i32
  }
  func.func @transform_6(%arg0: i32) -> (i32, i32) {
    %c0_i32 = arith.constant 0 : i32
    %c0_i32_0 = arith.constant 0 : i32
    return %arg0, %c0_i32 : i32, i32
  }
}

module attributes {stable_mosaic.version = 14 : i64} {
  func.func @body(%arg0: i32, %arg1: memref<4x1000x128xf32, #tpu.memory_space<vmem>>, %arg2: memref<2x1000x128xf32, #tpu.memory_space<vmem>>, %arg3: memref<4x1000x128xf32, #tpu.memory_space<vmem>>, %arg4: memref<2x1000x128xf32, #tpu.memory_space<vmem>>, %arg5: memref<4x1000x128xf32, #tpu.memory_space<vmem>>, %arg6: memref<2x1000x128xf32, #tpu.memory_space<vmem>>, %arg7: memref<1000x512xf32, #tpu.memory_space<vmem>>, %arg8: memref<512x512xf32, #tpu.memory_space<vmem>>, %arg9: memref<512x512xf32, #tpu.memory_space<vmem>>, %arg10: memref<512x512xf32, #tpu.memory_space<vmem>>, %arg11: memref<512x512xf32, #tpu.memory_space<vmem>>, %arg12: memref<1x512xf32, #tpu.memory_space<vmem>>, %arg13: memref<128x512xf32, #tpu.memory_space<vmem>>, %arg14: memref<1x128xf32, #tpu.memory_space<vmem>>, %arg15: memref<1000x128xf32, #tpu.memory_space<vmem>>) attributes {dimension_semantics = [#tpu.dimension_semantics<arbitrary>], iteration_bounds = array<i64: 10>, scalar_prefetch = 0 : i64, scratch_operands = 0 : i64, tpu.core_type = #tpu.core_type<tc>, window_params = [{transform_indices = @transform_0, window_bounds = array<i64: 4, 1000, 128>}, {transform_indices = @transform_1, window_bounds = array<i64: 2, 1000, 128>}, {transform_indices = @transform_2, window_bounds = array<i64: 4, 1000, 128>}, {transform_indices = @transform_3, window_bounds = array<i64: 2, 1000, 128>}, {transform_indices = @transform_4, window_bounds = array<i64: 4, 1000, 128>}, {transform_indices = @transform_5, window_bounds = array<i64: 2, 1000, 128>}, {transform_indices = @transform_6, window_bounds = array<i64: 1000, 512>}, {pipeline_mode = #tpu.pipeline_mode<synchronous>, transform_indices = @transform_7, window_bounds = array<i64: 512, 512>}, {pipeline_mode = #tpu.pipeline_mode<synchronous>, transform_indices = @transform_8, window_bounds = array<i64: 512, 512>}, {pipeline_mode = #tpu.pipeline_mode<synchronous>, transform_indices = @transform_9, window_bounds = array<i64: 512, 512>}, {pipeline_mode = #tpu.pipeline_mode<synchronous>, transform_indices = @transform_10, window_bounds = array<i64: 512, 512>}, {pipeline_mode = #tpu.pipeline_mode<synchronous>, transform_indices = @transform_11, window_bounds = array<i64: 1, 512>}, {pipeline_mode = #tpu.pipeline_mode<synchronous>, transform_indices = @transform_12, window_bounds = array<i64: 128, 512>}, {pipeline_mode = #tpu.pipeline_mode<synchronous>, transform_indices = @transform_13, window_bounds = array<i64: 1, 128>}, {transform_indices = @transform_14, window_bounds = array<i64: 1000, 128>}]} {
    %get3A = arith.constant 0 : index
    %get3A_0 = arith.constant 0 : index
    %get3A_1 = vector.load %arg7[%get3A, %get3A_0] : memref<1000x512xf32, #tpu.memory_space<vmem>>, vector<1000x512xf32>
    %get3A_2 = arith.constant 0 : index
    %get3A_3 = arith.constant 0 : index
    %get3A_4 = vector.load %arg11[%get3A_2, %get3A_3] : memref<512x512xf32, #tpu.memory_space<vmem>>, vector<512x512xf32>
    %dot_general3A = arith.constant dense<0.000000e+00> : vector<1000x512xf32>
    %dot_general3A_5 = tpu.matmul %get3A_1, %get3A_4, %dot_general3A {dimension_numbers = #tpu.dot_dimension_numbers<[1], [1], [0], [0], [0, 0, 1, 0], [], []>, transpose_lhs_hint = false} : vector<1000x512xf32>, vector<512x512xf32>, vector<1000x512xf32> -> vector<1000x512xf32>
    %get3A_6 = arith.constant 0 : index
    %get3A_7 = arith.constant 0 : index
    %get3A_8 = vector.load %arg12[%get3A_6, %get3A_7] : memref<1x512xf32, #tpu.memory_space<vmem>>, vector<1x512xf32>
    %add3A = vector.broadcast %get3A_8 : vector<1x512xf32> to vector<1000x512xf32>
    %add3A_9 = arith.addf %dot_general3A_5, %add3A : vector<1000x512xf32>
    %get3A_10 = arith.constant 0 : index
    %get3A_11 = arith.constant 0 : index
    %get3A_12 = arith.constant 0 : index
    %get3A_13 = vector.load %arg2[%get3A_10, %get3A_11, %get3A_12] : memref<2x1000x128xf32, #tpu.memory_space<vmem>>, vector<1x1000x1xf32>
    %get3A_14 = vector.shape_cast %get3A_13 : vector<1x1000x1xf32> to vector<1000x1xf32>
    %get3A_15 = arith.constant 1 : index
    %get3A_16 = arith.constant 0 : index
    %get3A_17 = arith.constant 0 : index
    %get3A_18 = vector.load %arg2[%get3A_15, %get3A_16, %get3A_17] : memref<2x1000x128xf32, #tpu.memory_space<vmem>>, vector<1x1000x1xf32>
    %get3A_19 = vector.shape_cast %get3A_18 : vector<1x1000x1xf32> to vector<1000x1xf32>
    %add3A_20 = arith.addf %get3A_14, %get3A_19 : vector<1000x1xf32>
    %max3A = arith.constant 1.000000e+00 : f32
    %max3A_21 = vector.broadcast %max3A : f32 to vector<1000x1xf32>
    %max3A_22 = arith.maximumf %add3A_20, %max3A_21 : vector<1000x1xf32>
    %div3A = arith.constant 1.000000e+00 : f32
    %div3A_23 = vector.broadcast %div3A : f32 to vector<1000x1xf32>
    %div3A_24 = arith.divf %div3A_23, %max3A_22 : vector<1000x1xf32>
    %get3A_25 = arith.constant 0 : index
    %get3A_26 = arith.constant 0 : index
    %get3A_27 = arith.constant 0 : index
    %get3A_28 = vector.load %arg1[%get3A_25, %get3A_26, %get3A_27] : memref<4x1000x128xf32, #tpu.memory_space<vmem>>, vector<1x1000x128xf32>
    %get3A_29 = vector.shape_cast %get3A_28 : vector<1x1000x128xf32> to vector<1000x128xf32>
    %mul3A = vector.broadcast %div3A_24 : vector<1000x1xf32> to vector<1000x128xf32>
    %mul3A_30 = arith.mulf %get3A_29, %mul3A : vector<1000x128xf32>
    %get3A_31 = arith.constant 0 : index
    %get3A_32 = arith.constant 0 : index
    %get3A_33 = vector.load %arg8[%get3A_31, %get3A_32] : memref<512x512xf32, #tpu.memory_space<vmem>>, vector<512x128xf32>
    %dot_general3A_34 = arith.constant dense<0.000000e+00> : vector<1000x512xf32>
    %dot_general3A_35 = tpu.matmul %mul3A_30, %get3A_33, %dot_general3A_34 {dimension_numbers = #tpu.dot_dimension_numbers<[1], [1], [0], [0], [0, 0, 1, 0], [], []>, transpose_lhs_hint = false} : vector<1000x128xf32>, vector<512x128xf32>, vector<1000x512xf32> -> vector<1000x512xf32>
    %get3A_36 = arith.constant 1 : index
    %get3A_37 = arith.constant 0 : index
    %get3A_38 = arith.constant 0 : index
    %get3A_39 = vector.load %arg1[%get3A_36, %get3A_37, %get3A_38] : memref<4x1000x128xf32, #tpu.memory_space<vmem>>, vector<1x1000x128xf32>
    %get3A_40 = vector.shape_cast %get3A_39 : vector<1x1000x128xf32> to vector<1000x128xf32>
    %mul3A_41 = vector.broadcast %div3A_24 : vector<1000x1xf32> to vector<1000x128xf32>
    %mul3A_42 = arith.mulf %get3A_40, %mul3A_41 : vector<1000x128xf32>
    %get3A_43 = arith.constant 0 : index
    %get3A_44 = arith.constant 128 : index
    %get3A_45 = vector.load %arg8[%get3A_43, %get3A_44] : memref<512x512xf32, #tpu.memory_space<vmem>>, vector<512x128xf32>
    %dot_general3A_46 = arith.constant dense<0.000000e+00> : vector<1000x512xf32>
    %dot_general3A_47 = tpu.matmul %mul3A_42, %get3A_45, %dot_general3A_46 {dimension_numbers = #tpu.dot_dimension_numbers<[1], [1], [0], [0], [0, 0, 1, 0], [], []>, transpose_lhs_hint = false} : vector<1000x128xf32>, vector<512x128xf32>, vector<1000x512xf32> -> vector<1000x512xf32>
    %add3A_48 = arith.addf %dot_general3A_35, %dot_general3A_47 : vector<1000x512xf32>
    %get3A_49 = arith.constant 2 : index
    %get3A_50 = arith.constant 0 : index
    %get3A_51 = arith.constant 0 : index
    %get3A_52 = vector.load %arg1[%get3A_49, %get3A_50, %get3A_51] : memref<4x1000x128xf32, #tpu.memory_space<vmem>>, vector<1x1000x128xf32>
    %get3A_53 = vector.shape_cast %get3A_52 : vector<1x1000x128xf32> to vector<1000x128xf32>
    %mul3A_54 = vector.broadcast %div3A_24 : vector<1000x1xf32> to vector<1000x128xf32>
    %mul3A_55 = arith.mulf %get3A_53, %mul3A_54 : vector<1000x128xf32>
    %get3A_56 = arith.constant 0 : index
    %get3A_57 = arith.constant 256 : index
    %get3A_58 = vector.load %arg8[%get3A_56, %get3A_57] : memref<512x512xf32, #tpu.memory_space<vmem>>, vector<512x128xf32>
    %dot_general3A_59 = arith.constant dense<0.000000e+00> : vector<1000x512xf32>
    %dot_general3A_60 = tpu.matmul %mul3A_55, %get3A_58, %dot_general3A_59 {dimension_numbers = #tpu.dot_dimension_numbers<[1], [1], [0], [0], [0, 0, 1, 0], [], []>, transpose_lhs_hint = false} : vector<1000x128xf32>, vector<512x128xf32>, vector<1000x512xf32> -> vector<1000x512xf32>
    %add3A_61 = arith.addf %add3A_48, %dot_general3A_60 : vector<1000x512xf32>
    %get3A_62 = arith.constant 3 : index
    %get3A_63 = arith.constant 0 : index
    %get3A_64 = arith.constant 0 : index
    %get3A_65 = vector.load %arg1[%get3A_62, %get3A_63, %get3A_64] : memref<4x1000x128xf32, #tpu.memory_space<vmem>>, vector<1x1000x128xf32>
    %get3A_66 = vector.shape_cast %get3A_65 : vector<1x1000x128xf32> to vector<1000x128xf32>
    %mul3A_67 = vector.broadcast %div3A_24 : vector<1000x1xf32> to vector<1000x128xf32>
    %mul3A_68 = arith.mulf %get3A_66, %mul3A_67 : vector<1000x128xf32>
    %get3A_69 = arith.constant 0 : index
    %get3A_70 = arith.constant 384 : index
    %get3A_71 = vector.load %arg8[%get3A_69, %get3A_70] : memref<512x512xf32, #tpu.memory_space<vmem>>, vector<512x128xf32>
    %dot_general3A_72 = arith.constant dense<0.000000e+00> : vector<1000x512xf32>
    %dot_general3A_73 = tpu.matmul %mul3A_68, %get3A_71, %dot_general3A_72 {dimension_numbers = #tpu.dot_dimension_numbers<[1], [1], [0], [0], [0, 0, 1, 0], [], []>, transpose_lhs_hint = false} : vector<1000x128xf32>, vector<512x128xf32>, vector<1000x512xf32> -> vector<1000x512xf32>
    %add3A_74 = arith.addf %add3A_61, %dot_general3A_73 : vector<1000x512xf32>
    %add3A_75 = arith.addf %add3A_9, %add3A_74 : vector<1000x512xf32>
    %get3A_76 = arith.constant 0 : index
    %get3A_77 = arith.constant 0 : index
    %get3A_78 = arith.constant 0 : index
    %get3A_79 = vector.load %arg4[%get3A_76, %get3A_77, %get3A_78] : memref<2x1000x128xf32, #tpu.memory_space<vmem>>, vector<1x1000x1xf32>
    %get3A_80 = vector.shape_cast %get3A_79 : vector<1x1000x1xf32> to vector<1000x1xf32>
    %get3A_81 = arith.constant 1 : index
    %get3A_82 = arith.constant 0 : index
    %get3A_83 = arith.constant 0 : index
    %get3A_84 = vector.load %arg4[%get3A_81, %get3A_82, %get3A_83] : memref<2x1000x128xf32, #tpu.memory_space<vmem>>, vector<1x1000x1xf32>
    %get3A_85 = vector.shape_cast %get3A_84 : vector<1x1000x1xf32> to vector<1000x1xf32>
    %add3A_86 = arith.addf %get3A_80, %get3A_85 : vector<1000x1xf32>
    %max3A_87 = arith.constant 1.000000e+00 : f32
    %max3A_88 = vector.broadcast %max3A_87 : f32 to vector<1000x1xf32>
    %max3A_89 = arith.maximumf %add3A_86, %max3A_88 : vector<1000x1xf32>
    %div3A_90 = arith.constant 1.000000e+00 : f32
    %div3A_91 = vector.broadcast %div3A_90 : f32 to vector<1000x1xf32>
    %div3A_92 = arith.divf %div3A_91, %max3A_89 : vector<1000x1xf32>
    %get3A_93 = arith.constant 0 : index
    %get3A_94 = arith.constant 0 : index
    %get3A_95 = arith.constant 0 : index
    %get3A_96 = vector.load %arg3[%get3A_93, %get3A_94, %get3A_95] : memref<4x1000x128xf32, #tpu.memory_space<vmem>>, vector<1x1000x128xf32>
    %get3A_97 = vector.shape_cast %get3A_96 : vector<1x1000x128xf32> to vector<1000x128xf32>
    %mul3A_98 = vector.broadcast %div3A_92 : vector<1000x1xf32> to vector<1000x128xf32>
    %mul3A_99 = arith.mulf %get3A_97, %mul3A_98 : vector<1000x128xf32>
    %get3A_100 = arith.constant 0 : index
    %get3A_101 = arith.constant 0 : index
    %get3A_102 = vector.load %arg9[%get3A_100, %get3A_101] : memref<512x512xf32, #tpu.memory_space<vmem>>, vector<512x128xf32>
    %dot_general3A_103 = arith.constant dense<0.000000e+00> : vector<1000x512xf32>
    %dot_general3A_104 = tpu.matmul %mul3A_99, %get3A_102, %dot_general3A_103 {dimension_numbers = #tpu.dot_dimension_numbers<[1], [1], [0], [0], [0, 0, 1, 0], [], []>, transpose_lhs_hint = false} : vector<1000x128xf32>, vector<512x128xf32>, vector<1000x512xf32> -> vector<1000x512xf32>
    %get3A_105 = arith.constant 1 : index
    %get3A_106 = arith.constant 0 : index
    %get3A_107 = arith.constant 0 : index
    %get3A_108 = vector.load %arg3[%get3A_105, %get3A_106, %get3A_107] : memref<4x1000x128xf32, #tpu.memory_space<vmem>>, vector<1x1000x128xf32>
    %get3A_109 = vector.shape_cast %get3A_108 : vector<1x1000x128xf32> to vector<1000x128xf32>
    %mul3A_110 = vector.broadcast %div3A_92 : vector<1000x1xf32> to vector<1000x128xf32>
    %mul3A_111 = arith.mulf %get3A_109, %mul3A_110 : vector<1000x128xf32>
    %get3A_112 = arith.constant 0 : index
    %get3A_113 = arith.constant 128 : index
    %get3A_114 = vector.load %arg9[%get3A_112, %get3A_113] : memref<512x512xf32, #tpu.memory_space<vmem>>, vector<512x128xf32>
    %dot_general3A_115 = arith.constant dense<0.000000e+00> : vector<1000x512xf32>
    %dot_general3A_116 = tpu.matmul %mul3A_111, %get3A_114, %dot_general3A_115 {dimension_numbers = #tpu.dot_dimension_numbers<[1], [1], [0], [0], [0, 0, 1, 0], [], []>, transpose_lhs_hint = false} : vector<1000x128xf32>, vector<512x128xf32>, vector<1000x512xf32> -> vector<1000x512xf32>
    %add3A_117 = arith.addf %dot_general3A_104, %dot_general3A_116 : vector<1000x512xf32>
    %get3A_118 = arith.constant 2 : index
    %get3A_119 = arith.constant 0 : index
    %get3A_120 = arith.constant 0 : index
    %get3A_121 = vector.load %arg3[%get3A_118, %get3A_119, %get3A_120] : memref<4x1000x128xf32, #tpu.memory_space<vmem>>, vector<1x1000x128xf32>
    %get3A_122 = vector.shape_cast %get3A_121 : vector<1x1000x128xf32> to vector<1000x128xf32>
    %mul3A_123 = vector.broadcast %div3A_92 : vector<1000x1xf32> to vector<1000x128xf32>
    %mul3A_124 = arith.mulf %get3A_122, %mul3A_123 : vector<1000x128xf32>
    %get3A_125 = arith.constant 0 : index
    %get3A_126 = arith.constant 256 : index
    %get3A_127 = vector.load %arg9[%get3A_125, %get3A_126] : memref<512x512xf32, #tpu.memory_space<vmem>>, vector<512x128xf32>
    %dot_general3A_128 = arith.constant dense<0.000000e+00> : vector<1000x512xf32>
    %dot_general3A_129 = tpu.matmul %mul3A_124, %get3A_127, %dot_general3A_128 {dimension_numbers = #tpu.dot_dimension_numbers<[1], [1], [0], [0], [0, 0, 1, 0], [], []>, transpose_lhs_hint = false} : vector<1000x128xf32>, vector<512x128xf32>, vector<1000x512xf32> -> vector<1000x512xf32>
    %add3A_130 = arith.addf %add3A_117, %dot_general3A_129 : vector<1000x512xf32>
    %get3A_131 = arith.constant 3 : index
    %get3A_132 = arith.constant 0 : index
    %get3A_133 = arith.constant 0 : index
    %get3A_134 = vector.load %arg3[%get3A_131, %get3A_132, %get3A_133] : memref<4x1000x128xf32, #tpu.memory_space<vmem>>, vector<1x1000x128xf32>
    %get3A_135 = vector.shape_cast %get3A_134 : vector<1x1000x128xf32> to vector<1000x128xf32>
    %mul3A_136 = vector.broadcast %div3A_92 : vector<1000x1xf32> to vector<1000x128xf32>
    %mul3A_137 = arith.mulf %get3A_135, %mul3A_136 : vector<1000x128xf32>
    %get3A_138 = arith.constant 0 : index
    %get3A_139 = arith.constant 384 : index
    %get3A_140 = vector.load %arg9[%get3A_138, %get3A_139] : memref<512x512xf32, #tpu.memory_space<vmem>>, vector<512x128xf32>
    %dot_general3A_141 = arith.constant dense<0.000000e+00> : vector<1000x512xf32>
    %dot_general3A_142 = tpu.matmul %mul3A_137, %get3A_140, %dot_general3A_141 {dimension_numbers = #tpu.dot_dimension_numbers<[1], [1], [0], [0], [0, 0, 1, 0], [], []>, transpose_lhs_hint = false} : vector<1000x128xf32>, vector<512x128xf32>, vector<1000x512xf32> -> vector<1000x512xf32>
    %add3A_143 = arith.addf %add3A_130, %dot_general3A_142 : vector<1000x512xf32>
    %add3A_144 = arith.addf %add3A_75, %add3A_143 : vector<1000x512xf32>
    %get3A_145 = arith.constant 0 : index
    %get3A_146 = arith.constant 0 : index
    %get3A_147 = arith.constant 0 : index
    %get3A_148 = vector.load %arg6[%get3A_145, %get3A_146, %get3A_147] : memref<2x1000x128xf32, #tpu.memory_space<vmem>>, vector<1x1000x1xf32>
    %get3A_149 = vector.shape_cast %get3A_148 : vector<1x1000x1xf32> to vector<1000x1xf32>
    %get3A_150 = arith.constant 1 : index
    %get3A_151 = arith.constant 0 : index
    %get3A_152 = arith.constant 0 : index
    %get3A_153 = vector.load %arg6[%get3A_150, %get3A_151, %get3A_152] : memref<2x1000x128xf32, #tpu.memory_space<vmem>>, vector<1x1000x1xf32>
    %get3A_154 = vector.shape_cast %get3A_153 : vector<1x1000x1xf32> to vector<1000x1xf32>
    %add3A_155 = arith.addf %get3A_149, %get3A_154 : vector<1000x1xf32>
    %max3A_156 = arith.constant 1.000000e+00 : f32
    %max3A_157 = vector.broadcast %max3A_156 : f32 to vector<1000x1xf32>
    %max3A_158 = arith.maximumf %add3A_155, %max3A_157 : vector<1000x1xf32>
    %div3A_159 = arith.constant 1.000000e+00 : f32
    %div3A_160 = vector.broadcast %div3A_159 : f32 to vector<1000x1xf32>
    %div3A_161 = arith.divf %div3A_160, %max3A_158 : vector<1000x1xf32>
    %get3A_162 = arith.constant 0 : index
    %get3A_163 = arith.constant 0 : index
    %get3A_164 = arith.constant 0 : index
    %get3A_165 = vector.load %arg5[%get3A_162, %get3A_163, %get3A_164] : memref<4x1000x128xf32, #tpu.memory_space<vmem>>, vector<1x1000x128xf32>
    %get3A_166 = vector.shape_cast %get3A_165 : vector<1x1000x128xf32> to vector<1000x128xf32>
    %mul3A_167 = vector.broadcast %div3A_161 : vector<1000x1xf32> to vector<1000x128xf32>
    %mul3A_168 = arith.mulf %get3A_166, %mul3A_167 : vector<1000x128xf32>
    %get3A_169 = arith.constant 0 : index
    %get3A_170 = arith.constant 0 : index
    %get3A_171 = vector.load %arg10[%get3A_169, %get3A_170] : memref<512x512xf32, #tpu.memory_space<vmem>>, vector<512x128xf32>
    %dot_general3A_172 = arith.constant dense<0.000000e+00> : vector<1000x512xf32>
    %dot_general3A_173 = tpu.matmul %mul3A_168, %get3A_171, %dot_general3A_172 {dimension_numbers = #tpu.dot_dimension_numbers<[1], [1], [0], [0], [0, 0, 1, 0], [], []>, transpose_lhs_hint = false} : vector<1000x128xf32>, vector<512x128xf32>, vector<1000x512xf32> -> vector<1000x512xf32>
    %get3A_174 = arith.constant 1 : index
    %get3A_175 = arith.constant 0 : index
    %get3A_176 = arith.constant 0 : index
    %get3A_177 = vector.load %arg5[%get3A_174, %get3A_175, %get3A_176] : memref<4x1000x128xf32, #tpu.memory_space<vmem>>, vector<1x1000x128xf32>
    %get3A_178 = vector.shape_cast %get3A_177 : vector<1x1000x128xf32> to vector<1000x128xf32>
    %mul3A_179 = vector.broadcast %div3A_161 : vector<1000x1xf32> to vector<1000x128xf32>
    %mul3A_180 = arith.mulf %get3A_178, %mul3A_179 : vector<1000x128xf32>
    %get3A_181 = arith.constant 0 : index
    %get3A_182 = arith.constant 128 : index
    %get3A_183 = vector.load %arg10[%get3A_181, %get3A_182] : memref<512x512xf32, #tpu.memory_space<vmem>>, vector<512x128xf32>
    %dot_general3A_184 = arith.constant dense<0.000000e+00> : vector<1000x512xf32>
    %dot_general3A_185 = tpu.matmul %mul3A_180, %get3A_183, %dot_general3A_184 {dimension_numbers = #tpu.dot_dimension_numbers<[1], [1], [0], [0], [0, 0, 1, 0], [], []>, transpose_lhs_hint = false} : vector<1000x128xf32>, vector<512x128xf32>, vector<1000x512xf32> -> vector<1000x512xf32>
    %add3A_186 = arith.addf %dot_general3A_173, %dot_general3A_185 : vector<1000x512xf32>
    %get3A_187 = arith.constant 2 : index
    %get3A_188 = arith.constant 0 : index
    %get3A_189 = arith.constant 0 : index
    %get3A_190 = vector.load %arg5[%get3A_187, %get3A_188, %get3A_189] : memref<4x1000x128xf32, #tpu.memory_space<vmem>>, vector<1x1000x128xf32>
    %get3A_191 = vector.shape_cast %get3A_190 : vector<1x1000x128xf32> to vector<1000x128xf32>
    %mul3A_192 = vector.broadcast %div3A_161 : vector<1000x1xf32> to vector<1000x128xf32>
    %mul3A_193 = arith.mulf %get3A_191, %mul3A_192 : vector<1000x128xf32>
    %get3A_194 = arith.constant 0 : index
    %get3A_195 = arith.constant 256 : index
    %get3A_196 = vector.load %arg10[%get3A_194, %get3A_195] : memref<512x512xf32, #tpu.memory_space<vmem>>, vector<512x128xf32>
    %dot_general3A_197 = arith.constant dense<0.000000e+00> : vector<1000x512xf32>
    %dot_general3A_198 = tpu.matmul %mul3A_193, %get3A_196, %dot_general3A_197 {dimension_numbers = #tpu.dot_dimension_numbers<[1], [1], [0], [0], [0, 0, 1, 0], [], []>, transpose_lhs_hint = false} : vector<1000x128xf32>, vector<512x128xf32>, vector<1000x512xf32> -> vector<1000x512xf32>
    %add3A_199 = arith.addf %add3A_186, %dot_general3A_198 : vector<1000x512xf32>
    %get3A_200 = arith.constant 3 : index
    %get3A_201 = arith.constant 0 : index
    %get3A_202 = arith.constant 0 : index
    %get3A_203 = vector.load %arg5[%get3A_200, %get3A_201, %get3A_202] : memref<4x1000x128xf32, #tpu.memory_space<vmem>>, vector<1x1000x128xf32>
    %get3A_204 = vector.shape_cast %get3A_203 : vector<1x1000x128xf32> to vector<1000x128xf32>
    %mul3A_205 = vector.broadcast %div3A_161 : vector<1000x1xf32> to vector<1000x128xf32>
    %mul3A_206 = arith.mulf %get3A_204, %mul3A_205 : vector<1000x128xf32>
    %get3A_207 = arith.constant 0 : index
    %get3A_208 = arith.constant 384 : index
    %get3A_209 = vector.load %arg10[%get3A_207, %get3A_208] : memref<512x512xf32, #tpu.memory_space<vmem>>, vector<512x128xf32>
    %dot_general3A_210 = arith.constant dense<0.000000e+00> : vector<1000x512xf32>
    %dot_general3A_211 = tpu.matmul %mul3A_206, %get3A_209, %dot_general3A_210 {dimension_numbers = #tpu.dot_dimension_numbers<[1], [1], [0], [0], [0, 0, 1, 0], [], []>, transpose_lhs_hint = false} : vector<1000x128xf32>, vector<512x128xf32>, vector<1000x512xf32> -> vector<1000x512xf32>
    %add3A_212 = arith.addf %add3A_199, %dot_general3A_211 : vector<1000x512xf32>
    %add3A_213 = arith.addf %add3A_144, %add3A_212 : vector<1000x512xf32>
    %mul3A_214 = arith.constant 0.333333343 : f32
    %mul3A_215 = vector.broadcast %mul3A_214 : f32 to vector<1000x512xf32>
    %mul3A_216 = arith.mulf %add3A_213, %mul3A_215 : vector<1000x512xf32>
    %max3A_217 = arith.constant 0.000000e+00 : f32
    %max3A_218 = vector.broadcast %max3A_217 : f32 to vector<1000x512xf32>
    %max3A_219 = arith.maximumf %mul3A_216, %max3A_218 : vector<1000x512xf32>
    %get3A_220 = arith.constant 0 : index
    %get3A_221 = arith.constant 0 : index
    %get3A_222 = vector.load %arg13[%get3A_220, %get3A_221] : memref<128x512xf32, #tpu.memory_space<vmem>>, vector<128x512xf32>
    %dot_general3A_223 = arith.constant dense<0.000000e+00> : vector<1000x128xf32>
    %dot_general3A_224 = tpu.matmul %max3A_219, %get3A_222, %dot_general3A_223 {dimension_numbers = #tpu.dot_dimension_numbers<[1], [1], [0], [0], [0, 0, 1, 0], [], []>, transpose_lhs_hint = false} : vector<1000x512xf32>, vector<128x512xf32>, vector<1000x128xf32> -> vector<1000x128xf32>
    %get3A_225 = arith.constant 0 : index
    %get3A_226 = arith.constant 0 : index
    %get3A_227 = vector.load %arg14[%get3A_225, %get3A_226] : memref<1x128xf32, #tpu.memory_space<vmem>>, vector<1x128xf32>
    %add3A_228 = vector.broadcast %get3A_227 : vector<1x128xf32> to vector<1000x128xf32>
    %add3A_229 = arith.addf %dot_general3A_224, %add3A_228 : vector<1000x128xf32>
    %swap3A = arith.constant 0 : index
    %swap3A_230 = arith.constant 0 : index
    %swap3A_231 = vector.load %arg15[%swap3A, %swap3A_230] : memref<1000x128xf32, #tpu.memory_space<vmem>>, vector<1000x128xf32>
    tpu.vector_store %arg15[%swap3A, %swap3A_230], %add3A_229 {strides = array<i32>} : memref<1000x128xf32, #tpu.memory_space<vmem>>, vector<1000x128xf32>,
    return
  }
  func.func @transform_0(%arg0: i32) -> (i32, i32, i32) {
    %c0_i32 = arith.constant 0 : i32
    %c0_i32_0 = arith.constant 0 : i32
    %c0_i32_1 = arith.constant 0 : i32
    return %c0_i32, %arg0, %c0_i32_0 : i32, i32, i32
  }
  func.func @transform_1(%arg0: i32) -> (i32, i32, i32) {
    %c0_i32 = arith.constant 0 : i32
    %c0_i32_0 = arith.constant 0 : i32
    %c0_i32_1 = arith.constant 0 : i32
    return %c0_i32, %arg0, %c0_i32_0 : i32, i32, i32
  }
  func.func @transform_2(%arg0: i32) -> (i32, i32, i32) {
    %c0_i32 = arith.constant 0 : i32
    %c0_i32_0 = arith.constant 0 : i32
    %c0_i32_1 = arith.constant 0 : i32
    return %c0_i32, %arg0, %c0_i32_0 : i32, i32, i32
  }
  func.func @transform_3(%arg0: i32) -> (i32, i32, i32) {
    %c0_i32 = arith.constant 0 : i32
    %c0_i32_0 = arith.constant 0 : i32
    %c0_i32_1 = arith.constant 0 : i32
    return %c0_i32, %arg0, %c0_i32_0 : i32, i32, i32
  }
  func.func @transform_4(%arg0: i32) -> (i32, i32, i32) {
    %c0_i32 = arith.constant 0 : i32
    %c0_i32_0 = arith.constant 0 : i32
    %c0_i32_1 = arith.constant 0 : i32
    return %c0_i32, %arg0, %c0_i32_0 : i32, i32, i32
  }
  func.func @transform_5(%arg0: i32) -> (i32, i32, i32) {
    %c0_i32 = arith.constant 0 : i32
    %c0_i32_0 = arith.constant 0 : i32
    %c0_i32_1 = arith.constant 0 : i32
    return %c0_i32, %arg0, %c0_i32_0 : i32, i32, i32
  }
  func.func @transform_6(%arg0: i32) -> (i32, i32) {
    %c0_i32 = arith.constant 0 : i32
    %c0_i32_0 = arith.constant 0 : i32
    return %arg0, %c0_i32 : i32, i32
  }
  func.func @transform_7(%arg0: i32) -> (i32, i32) {
    %c0_i32 = arith.constant 0 : i32
    %c0_i32_0 = arith.constant 0 : i32
    %c0_i32_1 = arith.constant 0 : i32
    return %c0_i32, %c0_i32_0 : i32, i32
  }
  func.func @transform_8(%arg0: i32) -> (i32, i32) {
    %c0_i32 = arith.constant 0 : i32
    %c0_i32_0 = arith.constant 0 : i32
    %c0_i32_1 = arith.constant 0 : i32
    return %c0_i32, %c0_i32_0 : i32, i32
  }
  func.func @transform_9(%arg0: i32) -> (i32, i32) {
    %c0_i32 = arith.constant 0 : i32
    %c0_i32_0 = arith.constant 0 : i32
    %c0_i32_1 = arith.constant 0 : i32
    return %c0_i32, %c0_i32_0 : i32, i32
  }
  func.func @transform_10(%arg0: i32) -> (i32, i32) {
    %c0_i32 = arith.constant 0 : i32
    %c0_i32_0 = arith.constant 0 : i32
    %c0_i32_1 = arith.constant 0 : i32
    return %c0_i32, %c0_i32_0 : i32, i32
  }
  func.func @transform_11(%arg0: i32) -> (i32, i32) {
    %c0_i32 = arith.constant 0 : i32
    %c0_i32_0 = arith.constant 0 : i32
    %c0_i32_1 = arith.constant 0 : i32
    return %c0_i32, %c0_i32_0 : i32, i32
  }
  func.func @transform_12(%arg0: i32) -> (i32, i32) {
    %c0_i32 = arith.constant 0 : i32
    %c0_i32_0 = arith.constant 0 : i32
    %c0_i32_1 = arith.constant 0 : i32
    return %c0_i32, %c0_i32_0 : i32, i32
  }
  func.func @transform_13(%arg0: i32) -> (i32, i32) {
    %c0_i32 = arith.constant 0 : i32
    %c0_i32_0 = arith.constant 0 : i32
    %c0_i32_1 = arith.constant 0 : i32
    return %c0_i32, %c0_i32_0 : i32, i32
  }
  func.func @transform_14(%arg0: i32) -> (i32, i32) {
    %c0_i32 = arith.constant 0 : i32
    %c0_i32_0 = arith.constant 0 : i32
    return %arg0, %c0_i32 : i32, i32
  }
}

</mosaic_0001>

<sc_bundles>
// kernel: kernel.12.cloned.1.call-start
scs
__scs_entry_jumppad:
0x0: {  	(pc) =	sbr.rel $0x88, $3  }
0x1: {  	(tag) =	ssettag $0x0;
	lr =	simm.s32 $0x1  }
0x2: {  	[smem:$0x3F82] =	sst lr;
	_ =	strace $0xD0000000  }
0x3: {  	_ = 	snop  }
0x4: {  	_ = 	snop  }
0x5: {  	_ = 	snop  }
0x6: {  	_ = 	snop  }
0x7: {  	_ = 	snop  }
__scs_overlays_trampoline_lowered:
0x8: {  	[smem:$0x3F91] =	sst s0  }
0x9: {  	[smem:$0x3F92] =	sst s1  }
0xa: {  	[smem:$0x3F93] =	sst s2  }
0xb: {  	[smem:$0x3F94] =	sst s3  }
0xc: {  	[smem:$0x3F95] =	sst s4  }
0xd: {  	[smem:$0x3F96] =	sst s5  }
0xe: {  	[smem:$0x3F97] =	sst s6  }
0xf: {  	[smem:$0x3F98] =	sst s7  }
0x10: {  	[smem:$0x3F99] =	sst s8  }
0x11: {  	[smem:$0x3F9A] =	sst s9;
	s0 =	simm.s32 @!p0 $0x0  }
0x12: {  	s1 =	sld [smem:$0x3F80];
	s0 =	simm.s32 @p0 $0x1  }
0x13: {  	[smem:$0x3F9B] =	sst s0;
	s0 =	simm.s32 @!p1 $0x0  }
0x14: {  	s2 =	sld [smem:$0x3F7F];
	s0 =	simm.s32 @p1 $0x1  }
0x15: {  	[smem:$0x3F9C] =	sst s0;
	s0 =	simm.s32 @!p2 $0x0  }
0x16: {  	s3 =	sld [smem:$0x3FDB];
	s0 =	simm.s32 @p2 $0x1  }
0x17: {  	s4 =	simm.s32 $0x1BF5;
	[smem:$0x3F9E] =	sst s0  }
0x18: {  	s0 =	sld [smem:$0x3F81];
	_ =	swait.ge [sflag:s4], $0x0  }
0x19: {  	s7 =	sld [smem:$0x3F82]  }
0x1a: {  	s8 =	sadd.s32 $0xFFFFE003, lr  }
0x1b: {  	s9 =	sadd.s32 $0xFFFFFEF7, lr;
	s5 =	simm.s32 $0xFFFFFFFF;
	p2 =	slt.u32 s8, $0xFFFFF086  }
0x1c: {  	p1 =	slt.u32 s9, $0xF7A;
	s5 =	simm.s32 @!p2 $0x0  }
0x1d: {  	s5 =	simm.s32 @p1 $0x1;
	p0 =	seq.s32 s7, s2  }
0x1e: {  	s7 =	smul.u32 @!p0 $0xF7A, s2;
	p2 =	seq.s32 @!p0 s5, $0x0  }
0x1f: {  	s9 =	smul.u32 $0xF7A, s1;
	s8 =	simm.s32 @!p0 $0x1BF5;
	p2 =	por !p2, p0  }
0x20: {  	[sflag:s8] =	ssyncset.s32 @!p0 $0xFFFFF086;
	s6 =	sadd.s32 @!p0 s3, s7;
	s7 =	simm.s32 @!p0 $0x108  }
0x21: {  	s3 =	sadd.s32 s3, s9;
	s6 =	sadd.s32 @!p0 $0x88, s6;
	s7 =	simm.s32 @p2 $0x1082  }
0x22: {  	[simem:s7], [sflag:s8] =	dma.local @!p0 [hbm:s6], $0xF7A  }
0x23: {  	s9 =	sor.u32 $0xD0000000, s2;
	s6 =	simm.s32 $0x108;
	_ =	swait.ge @!p0 [sflag:s8], $0x0  }
0x24: {  	s3 =	sadd.s32 $0x88, s3;
	s6 =	simm.s32 @!p1 $0x1082;
	[sflag:s4] =	ssyncset.s32 $0xFFFFF086  }
0x25: {  	[simem:s6], [sflag:s4] =	dma.local [hbm:s3], $0xF7A  }
0x26: {  	[smem:$0x3F82] =	sst s1;
	(tag) =	ssettag s2;
	_ =	strace s9  }
0x27: {  	s1 =	sld [smem:$0x3F92]  }
0x28: {  	s2 =	sld [smem:$0x3F93]  }
0x29: {  	s4 =	sld [smem:$0x3F95]  }
0x2a: {  	p0 =	seq.s32 s5, $0x0;
	s5 =	sld [smem:$0x3F96]  }
0x2b: {  	s6 =	sld [smem:$0x3F97]  }
0x2c: {  	s7 =	sld [smem:$0x3F98]  }
0x2d: {  	s3 =	simm.s32 $0x108;
	s8 =	sld [smem:$0x3F99]  }
0x2e: {  	s3 =	simm.s32 @!p0 $0x1082;
	s9 =	sld [smem:$0x3F9A]  }
0x2f: {  	lr =	sadd.s32 s0, s3;
	s0 =	sld [smem:$0x3F91]  }
0x30: {  	s3 =	sld [smem:$0x3F94]  }
0x31: {  	[smem:$0x3F9D] =	sst s10  }
0x32: {  	s10 =	sld [smem:$0x3F9B];
	_ =	sdelay $0x3  }
0x33: {  	p0 =	seq.s32 s10, $0x1;
	s10 =	sld [smem:$0x3F9D];
	_ =	sdelay $0x3  }
0x34: {  	[smem:$0x3F9D] =	sst s10  }
0x35: {  	s10 =	sld [smem:$0x3F9C];
	_ =	sdelay $0x3  }
0x36: {  	p1 =	seq.s32 s10, $0x1;
	s10 =	sld [smem:$0x3F9D];
	_ =	sdelay $0x3  }
0x37: {  	[smem:$0x3F9D] =	sst s10  }
0x38: {  	s10 =	sld [smem:$0x3F9E]  }
0x39: {  	_ = 	snop;
	(pc) =	sbr.ind lr, $3  }
0x3a: {  	_ = 	snop  }
0x3b: {  	_ = 	snop  }
0x3c: {  	p2 =	seq.s32 s10, $0x1;
	s10 =	sld [smem:$0x3F9D]  }
0x3d: {  	_ =	shalt  }
0x3e: {  	_ =	shalt  }
0x3f: {  	_ =	shalt  }
0x40: {  	_ =	shalt  }
0x41: {  	_ =	shalt  }
0x42: {  	_ =	shalt  }
0x43: {  	_ =	shalt  }
0x44: {  	_ =	shalt  }
0x45: {  	_ =	shalt  }
0x46: {  	_ =	shalt  }
0x47: {  	_ =	shalt  }
0x48: {  	_ =	shalt  }
0x49: {  	_ =	shalt  }
0x4a: {  	_ =	shalt  }
0x4b: {  	_ =	shalt  }
0x4c: {  	_ =	shalt  }
0x4d: {  	_ =	shalt  }
0x4e: {  	_ =	shalt  }
0x4f: {  	_ =	shalt  }
0x50: {  	_ =	shalt  }
0x51: {  	_ =	shalt  }
0x52: {  	_ =	shalt  }
0x53: {  	_ =	shalt  }
0x54: {  	_ =	shalt  }
0x55: {  	_ =	shalt  }
0x56: {  	_ =	shalt  }
0x57: {  	_ =	shalt  }
0x58: {  	_ =	shalt  }
0x59: {  	_ =	shalt  }
0x5a: {  	_ =	shalt  }
0x5b: {  	_ =	shalt  }
0x5c: {  	_ =	shalt  }
0x5d: {  	_ =	shalt  }
0x5e: {  	_ =	shalt  }
0x5f: {  	_ =	shalt  }
0x60: {  	_ =	shalt  }
0x61: {  	_ =	shalt  }
0x62: {  	_ =	shalt  }
0x63: {  	_ =	shalt  }
0x64: {  	_ =	shalt  }
0x65: {  	_ =	shalt  }
0x66: {  	_ =	shalt  }
0x67: {  	_ =	shalt  }
0x68: {  	_ =	shalt  }
0x69: {  	_ =	shalt  }
0x6a: {  	_ =	shalt  }
0x6b: {  	_ =	shalt  }
0x6c: {  	_ =	shalt  }
0x6d: {  	_ =	shalt  }
0x6e: {  	_ =	shalt  }
0x6f: {  	_ =	shalt  }
0x70: {  	_ =	shalt  }
0x71: {  	_ =	shalt  }
0x72: {  	_ =	shalt  }
0x73: {  	_ =	shalt  }
0x74: {  	_ =	shalt  }
0x75: {  	_ =	shalt  }
0x76: {  	_ =	shalt  }
0x77: {  	_ =	shalt  }
0x78: {  	_ =	shalt  }
0x79: {  	_ =	shalt  }
0x7a: {  	_ =	shalt  }
0x7b: {  	_ =	shalt  }
0x7c: {  	_ =	shalt  }
0x7d: {  	_ =	shalt  }
0x7e: {  	_ =	shalt  }
0x7f: {  	_ =	shalt  }
0x80: {  	_ =	shalt  }
0x81: {  	_ =	shalt  }
0x82: {  	_ =	shalt  }
0x83: {  	_ =	shalt  }
0x84: {  	_ =	shalt  }
0x85: {  	_ =	shalt  }
0x86: {  	_ =	shalt  }
0x87: {  	_ =	shalt  }
.Lfunc_end0:
.L_simem_size_0:
called_computation.1_lowered:
.L_overlay_start_0:
0x88: {  	s2 =	sld [smem:$0x3FD9]  }
0x89: {  	s3 =	sld [smem:$0x3FFE];
	_ =	sdelay $0x1  }
0x8a: {  	s1 =	srdreg.scid  }
0x8b: {  	s0 =	sand.u32 $0x1, s1  }
0x8c: {  	s17 =	sshll.u32 s0, $0xA;
	s2 =	sadd.s32 s3, s2  }
0x8d: {  	s2 =	sadd.s32 s2, s17  }
0x8e: {  	[smem:$0x3FA9] =	sst s2  }
0x8f: {  	_ = 	snop  }
0x90: {  	(tm) =	ssettm $0x1  }
0x91: {  	s18 =	sld [smem:$0x3FFB];
	_ =	sdelay $0x3  }
0x92: {  	_ =	strace s18  }
0x93: {  	s2 =	sld [smem:$0x3FFC];
	_ =	sdelay $0x3  }
0x94: {  	_ =	strace s2  }
0x95: {  	s2 =	sld [smem:$0x3FFD];
	_ =	sdelay $0x3  }
0x96: {  	_ =	strace s2  }
0x97: {  	_ =	strace $0x8FFFFFFF  }
0x98: {  	s19 =	sld [smem:$0x3FDB];
	_ =	sdelay $0x1  }
0x99: {  	s20 =	simm.s32 $_scs_section_size  }
0x9a: {  	s4 =	simm.s32 $_size__tile_overlayer_lowered;
	s5 =	simm.s32 $_tile_overlayer_lowered  }
0x9b: {  	s6 =	simm.s32 $0x1BFF;
	s21 =	sshll.u32 s5, $0x1;
	s3 =	sadd.s32 s20, s19  }
0x9c: {  	s22 =	simm.s32 $0x0;
	s4 =	sshll.u32 s4, $0x1;
	s5 =	sadd.s32 s21, s3  }
0x9d: {  	[timem:s22], [sflag:s6] =	dma.local [hbm:s5], s4  }
0x9e: {  	_ =	swait.ge [sflag:s6], s4  }
0x9f: {  	s4 =	ssub.s32 $0x0, s4;
	[sflag:s6] =	ssyncset.done $0x0  }
0xa0: {  	[sflag:s6] =	ssyncadd.s32 s4;
	_ =	sdelay $0x1  }
0xa1: {  	s23 =	simm.s32 $0x1B8B  }
0xa2: {  	_ =	swait.ge [sflag:s23], $0x1  }
0xa3: {  	[sflag:s23] =	ssyncset.done $0x0  }
0xa4: {  	[sflag:s23] =	ssyncadd.s32 $0xFFFFFFFF  }
0xa5: {  	s4 =	sld [smem:$0x0]  }
0xa6: {  	s5 =	sand.u32 $0xFFFFFFFE, s1  }
0xa7: {  	p0 =	sne.s32 s1, s5  }
0xa8: {  	s5 =	sshll.u32 @p0 s5, $0xE  }
0xa9: {  	s5 =	sadd.s32 @p0 $0x11B8D, s5;
	s6 =	sshll.u32 @p0 s4, $0x11  }
0xaa: {  	s5 =	sor.u32 @p0 s6, s5  }
0xab: {  	[sflag:s5] =	ssyncadd.remote.s32 @p0 $0x1;
	_ =	sdelay $0x1  }
0xac: {  	s5 =	simm.s32 @p0 $0x1B8D  }
0xad: {  	_ =	swait.eq @p0 [sflag:s5], $0x1  }
0xae: {  	[sflag:s5] =	ssyncadd.s32 @p0 $0xFFFFFFFF  }
0xaf: {  	s6 =	sshll.u32 @!p0 s1, $0xE  }
0xb0: {  	s6 =	sor.u32 @!p0 $0x4000, s6;
	s5 =	simm.s32 @!p0 $0x1B8D  }
0xb1: {  	s4 =	sshll.u32 @!p0 s4, $0x11;
	s6 =	sadd.s32 @!p0 $0x11B8D, s6;
	_ =	swait.eq @!p0 [sflag:s5], $0x1  }
0xb2: {  	s4 =	sor.u32 @!p0 s4, s6;
	[sflag:s5] =	ssyncadd.s32 @!p0 $0xFFFFFFFF  }
0xb3: {  	s25 =	simm.s32 $0x1B8E;
	s24 =	sld [smem:$0x3FFE];
	[sflag:s4] =	ssyncadd.remote.s32 @!p0 $0x1  }
0xb4: {  	s26 =	simm.s32 $execute0_lowered;
	[smem:$0x3FD2] =	sst s25  }
0xb5: {  	s5 =	sshll.u32 s26, $0x1;
	_ =	strace $0x80000049;
	[dreg:$0x1] =	wrdreg $0xFFFFFFFF  }
0xb6: {  	s28 =	simm.s32 $_size_execute0_lowered;
	s3 =	sadd.s32 s3, s5;
	[dreg:$0x0] =	wrdreg $0x0  }
0xb7: {  	s5 =	sshll.u32 s28, $0x1;
	[dreg:$0x2] =	wrdreg s3  }
0xb8: {  	[dreg:$0x3] =	wrdreg s5  }
0xb9: {  	[dreg:$0x4] =	wrdreg $0xC0  }
0xba: {  	_ =	task [dreg:s22], $0x5FFFF  }
0xbb: {  	[dreg:$0x1] =	wrdreg $0xFFFFFFFF  }
0xbc: {  	[dreg:$0x0] =	wrdreg $0x60  }
0xbd: {  	[dreg:$0x2] =	wrdreg s24  }
0xbe: {  	[dreg:$0x3] =	wrdreg $0x41000  }
0xbf: {  	[dreg:$0x4] =	wrdreg $0xA  }
0xc0: {  	_ =	task.clear_ibuf [dreg:s22], $0x5FFFF;
	_ =	strace $0x90000049  }
0xc1: {  	s29 =	simm.s32 $0xA;
	_ =	strace $0x8000004B  }
0xc2: {  	_ =	swait.ge [sflag:s29], $0x1  }
0xc3: {  	[sflag:s29] =	ssyncadd.s32 $0xFFFFFFFF  }
0xc4: {  	_ =	strace $0x9000004B  }
0xc5: {  	_ =	sfence  }
0xc6: {  	s30 =	sld [smem:$0x0];
	_ =	sdelay $0x2  }
0xc7: {  	s31 =	sshll.u32 s1, $0xD;
	s1 =	sshrl.u32 s1, $0x2  }
0xc8: {  	s4 =	sand.u32 $0x4000, s31;
	s1 =	sadd.s32 s1, s30  }
0xc9: {  	s0 =	sor.u32 s4, s0;
	s1 =	sshll.u32 s1, $0x11  }
0xca: {  	s0 =	sor.u32 s1, s0  }
0xcb: {  	s0 =	sadd.s32 $0x8F2B, s0  }
0xcc: {  	[sflag:s0] =	ssyncadd.remote.s32 $0x1  }
0xcd: {  	_ =	sfence.sel $0xFFFF  }
0xce: {  	[dreg:$0x0] =	wrdreg $0xFFFFFFFF;
	(pc) =	sbr.abs _section_cstart, $3  }
0xcf: {  	[dreg:$0x1] =	wrdreg $0xFFFFFFFF  }
0xd0: {  	_ =	task.clear_ibuf [dreg:s22], $0x2FFFF;
	_ =	strace $0x9FFFFFFF  }
0xd1: {  	(tm) =	ssettm $0x7FFFFFFF  }
tec
execute0_lowered:
.L_overlay_start_1:
0x0: {  	(tag) =	ssettag $0x1  }
0x1: {  	s6 =	rddreg [dreg:$0x0]  }
0x2: {  	s1 =	rddreg [dreg:$0x1]  }
0x3: {  	s0 =	rddreg [dreg:$0x2];
	s2 =	simm.s32 $0x0;
	s5 =	srdreg.scid  }
0x4: {  	s3 =	stileid.u32;
	[smem:$0x7FF] =	sst s2;
	s4 =	sadd.s32 $0x355000, s6  }
0x5: {  	s18 =	sand.u32 $0x1, s5;
	s28 =	sshll.u32 s3, $0x4;
	s8 =	smul.u32 $0x50000, s3  }
0x6: {  	s11 =	smul.u32 $0x14000, s3;
	s5 =	sadd.s32 $0x85C00, s6;
	s30 =	sshll.u32 s3, $0x6  }
0x7: {  	_ =	strace $0x8000004A;
	s7 =	ssub.s32 $0x2, s18;
	s17 =	sadd.s32 s28, s6  }
0x8: {  	s6 =	sadd.s32 $0x400400, s6;
	p0 =	sne.s32 s18, $0x0;
	s9 =	sshrl.u32 s7, $0x1  }
0x9: {  	s29 =	sshrl.u32 s8, $0x2;
	s31 =	sshrl.u32 s11, $0x3;
	s10 =	sadd.s32 $0x3C0000, s11  }
.Ltmp0:
0xa: {  	s11 =	sadd.s32 $0x140000, s11;
	s13 =	sadd.s32 $0x3F6400, s17;
	(pc) =	sbr.rel .LBB2_1-.Ltmp0, $4  }
0xb: {  	s12 =	sadd.s32 $0xAA00, s17;
	s14 =	sadd.s32 $0x14A00, s17;
	s16 =	sadd.s32 $0x3F1400, s17  }
0xc: {  	s17 =	sadd.s32 $0x3FB400, s17;
	s15 =	ssub.s32 s7, s9;
	s19 =	sadd.s32 s29, s1  }
0xd: {  	s7 =	sor.u32 $0x1C02, s30;
	s8 =	sadd.s32 $0x50000, s31;
	s9 =	smul.u32 $0x2800, s3  }
0xe: {  	s15 =	smax.u32 s15, $0x1;
	s18 =	sshrl.u32 s19, $0x3;
	s19 =	simm.s32 $0x2  }
.LBB2_14:
0xf: {  	s21 =	sadd.s32 @!p2 s20, s16;
	s22 =	simm.s32 @!p2 $0x0;
	[sflag:s23] =	ssyncadd.s32 @!p1 $0xFFFFC000  }
0x10: {  	[tilespmem:s22], [sflag:$0x1] =	stream.linear.gather @!p2 [hbm4b:s21+s22], $0x80, $0x38;
	[tilespmem:$0x18100] =	vst v63  }
0x11: {  	s20 =	sadd.s32 @!p2 s20, s12;
	s23 =	simm.s32 @!p2 $0x1;
	s21 =	simm.s32 @!p2 $0x80  }
0x12: {  	[tilespmem:s21], [sflag:$0x1] =	stream.linear.gather @!p2 [hbm4b:s20+s22], $0x80, $0x38;
	[tilespmem:$0x18100] =	vst v63  }
0x13: {  	_ =	swait.ge @!p2 [sflag:s23], $0x80  }
0x14: {  	p1 =	por p2, p2;
	[sflag:s23] =	ssyncset.done @!p2 $0x0  }
0x15: {  	[sflag:s23] =	ssyncadd.s32 @!p1 $0xFFFFFF80  }
0x16: {  	_ =	swait.ge @!p1 [sflag:s23], $0x80  }
0x17: {  	[sflag:s23] =	ssyncset.done @!p1 $0x0  }
0x18: {  	s20 =	simm.s32 @!p1 $0x100;
	[sflag:s23] =	ssyncadd.s32 @!p1 $0xFFFFFF80  }
0x19: {  	[tilespmem:s20], [sflag:$0x1] =	stream.indirect.gather @!p1 [hbm4b:s4+s21], $0x80, s22, s21, $0xb8;
	[tilespmem:$0x18100] =	vst v63  }
0x1a: {  	_ =	swait.ge @!p1 [sflag:s23], $0x4000  }
0x1b: {  	[sflag:s23] =	ssyncset.done @!p1 $0x0  }
0x1c: {  	s22 =	simm.s32 @!p1 $0x2;
	[sflag:s23] =	ssyncadd.s32 @!p1 $0xFFFFC000  }
0x1d: {  	[spmem:s1] =	stream.indirect.scatter.add.f32 @!p1 [tilespmem:s20], [sflag:$0x2], $0x80, s21, s21, $0xb8;
	[tilespmem:$0x18100] =	vst v63  }
0x1e: {  	_ =	swait.ge @!p1 [sflag:s22], $0x4000  }
0x1f: {  	[sflag:s22] =	ssyncset.done @!p1 $0x0  }
0x20: {  	s20 =	smov.u32 s10;
	[sflag:s22] =	ssyncadd.s32 @!p1 $0xFFFFC000  }
.LBB2_15:
0x21: {  	s2 =	sadd.s32 $0x1, s2  }
0x22: {  	s20 =	sshrl.u32 s20, $0x3;
	p1 =	sne.s32 s2, s15  }
.Ltmp1:
0x23: {  	[bflag:$0x0] =	sbarrier.arrive $0xFFFF;
	s20 =	sadd.s32 s6, s20;
	(pc) =	sbr.rel @!p1 .LBB2_16-.Ltmp1, $4  }
0x24: {  	[hbm:s20], [sflag:s7] =	dma.local [spmem:s18], $0x2800  }
0x25: {  	_ =	swait.ge [sflag:s19], $0x2800  }
0x26: {  	[sflag:s19] =	ssyncset.done $0x0  }
0x27: {  	[sflag:s19] =	ssyncadd.s32 $0xFFFFD800  }
.LBB2_1:
0x28: {  	[spmem:s18], [sflag:s7] =	dma.local [hbm:s5], $0x2800  }
.Ltmp2:
0x29: {  	_ =	swait.ge [sflag:s19], $0x2800;
	(pc) =	sbr.rel @p0 .LBB2_5-.Ltmp2, $4  }
0x2a: {  	[sflag:s19] =	ssyncset.done $0x0  }
0x2b: {  	[sflag:s19] =	ssyncadd.s32 $0xFFFFD800  }
0x2c: {  	[bflag:$0x0] =	sbarrier.arrive $0xFFFF  }
0x2d: {  	p1 =	sgt.u32 s3, $0x4E1  }
0x2e: {  	s20 =	sadd.s32 @!p1 $0x0, s14;
	s21 =	simm.s32 @!p1 $0x0  }
0x2f: {  	[tilespmem:s21], [sflag:$0x1] =	stream.linear.gather @!p1 [hbm4b:s20+s21], $0x80, $0x38;
	[tilespmem:$0x18100] =	vst v63  }
0x30: {  	s22 =	simm.s32 @!p1 $0x80;
	s23 =	simm.s32 @!p1 $0x1;
	s20 =	sadd.s32 @!p1 $0x0, s12  }
0x31: {  	[tilespmem:s22], [sflag:$0x1] =	stream.linear.gather @!p1 [hbm4b:s20+s21], $0x80, $0x38;
	[tilespmem:$0x18100] =	vst v63  }
0x32: {  	_ =	swait.ge @!p1 [sflag:s23], $0x80  }
0x33: {  	[sflag:s23] =	ssyncset.done @!p1 $0x0;
	p1 =	por p1, p1  }
0x34: {  	[sflag:s23] =	ssyncadd.s32 @!p1 $0xFFFFFF80  }
0x35: {  	_ =	swait.ge @!p1 [sflag:s23], $0x80  }
0x36: {  	[sflag:s23] =	ssyncset.done @!p1 $0x0  }
0x37: {  	s20 =	simm.s32 @!p1 $0x100;
	[sflag:s23] =	ssyncadd.s32 @!p1 $0xFFFFFF80  }
0x38: {  	[tilespmem:s20], [sflag:$0x1] =	stream.indirect.gather @!p1 [hbm4b:s4+s22], $0x80, s21, s22, $0xb8;
	[tilespmem:$0x18100] =	vst v63  }
0x39: {  	_ =	swait.ge @!p1 [sflag:s23], $0x4000  }
0x3a: {  	[sflag:s23] =	ssyncset.done @!p1 $0x0  }
0x3b: {  	s21 =	sadd.s32 $0x10, s3;
	[sflag:s23] =	ssyncadd.s32 @!p1 $0xFFFFC000;
	s23 =	simm.s32 @!p1 $0x2  }
0x3c: {  	[spmem:s1] =	stream.indirect.scatter.add.f32 @!p1 [tilespmem:s20], [sflag:$0x2], $0x80, s22, s22, $0xb8;
	[tilespmem:$0x18100] =	vst v63  }
0x3d: {  	p2 =	sgt.u32 s21, $0x4E1;
	_ =	swait.ge @!p1 [sflag:s23], $0x4000  }
0x3e: {  	s20 =	simm.s32 $0x100;
	s22 =	simm.s32 $0x200;
	[sflag:s23] =	ssyncset.done @!p1 $0x0  }
.LBB2_3:
0x3f: {  	s24 =	sadd.s32 @!p2 s20, s14;
	s25 =	simm.s32 @!p2 $0x0;
	[sflag:s23] =	ssyncadd.s32 @!p1 $0xFFFFC000  }
0x40: {  	[tilespmem:s25], [sflag:$0x1] =	stream.linear.gather @!p2 [hbm4b:s24+s25], $0x80, $0x38;
	[tilespmem:$0x18100] =	vst v63  }
0x41: {  	s20 =	sadd.s32 @!p2 s20, s12;
	s23 =	simm.s32 @!p2 $0x1;
	s24 =	simm.s32 @!p2 $0x80  }
0x42: {  	[tilespmem:s24], [sflag:$0x1] =	stream.linear.gather @!p2 [hbm4b:s20+s25], $0x80, $0x38;
	[tilespmem:$0x18100] =	vst v63  }
0x43: {  	s20 =	smov.u32 s22;
	s22 =	sadd.s32 $0x100, s22;
	_ =	swait.ge @!p2 [sflag:s23], $0x80  }
0x44: {  	p1 =	por p2, p2;
	p3 =	seq.s32 s22, $0x4F00;
	[sflag:s23] =	ssyncset.done @!p2 $0x0  }
0x45: {  	[sflag:s23] =	ssyncadd.s32 @!p1 $0xFFFFFF80  }
0x46: {  	_ =	swait.ge @!p1 [sflag:s23], $0x80  }
0x47: {  	[sflag:s23] =	ssyncset.done @!p1 $0x0  }
0x48: {  	s26 =	simm.s32 @!p1 $0x100;
	[sflag:s23] =	ssyncadd.s32 @!p1 $0xFFFFFF80  }
0x49: {  	[tilespmem:s26], [sflag:$0x1] =	stream.indirect.gather @!p1 [hbm4b:s4+s24], $0x80, s25, s24, $0xb8;
	[tilespmem:$0x18100] =	vst v63  }
0x4a: {  	_ =	swait.ge @!p1 [sflag:s23], $0x4000  }
.Ltmp3:
0x4b: {  	[sflag:s23] =	ssyncset.done @!p1 $0x0;
	(pc) =	sbr.rel @!p3 .LBB2_3-.Ltmp3, $4  }
0x4c: {  	[sflag:s23] =	ssyncadd.s32 @!p1 $0xFFFFC000;
	s23 =	simm.s32 @!p1 $0x2  }
0x4d: {  	[spmem:s1] =	stream.indirect.scatter.add.f32 @!p1 [tilespmem:s26], [sflag:$0x2], $0x80, s24, s24, $0xb8;
	[tilespmem:$0x18100] =	vst v63  }
0x4e: {  	s21 =	sadd.s32 $0x10, s21;
	_ =	swait.ge @!p1 [sflag:s23], $0x4000  }
0x4f: {  	p2 =	sgt.u32 s21, $0x4E1;
	[sflag:s23] =	ssyncset.done @!p1 $0x0  }
0x50: {  	s21 =	sadd.s32 @!p2 s20, s14;
	s22 =	simm.s32 @!p2 $0x0;
	[sflag:s23] =	ssyncadd.s32 @!p1 $0xFFFFC000  }
0x51: {  	[tilespmem:s22], [sflag:$0x1] =	stream.linear.gather @!p2 [hbm4b:s21+s22], $0x80, $0x38;
	[tilespmem:$0x18100] =	vst v63  }
0x52: {  	s20 =	sadd.s32 @!p2 s20, s12;
	s23 =	simm.s32 @!p2 $0x1;
	s21 =	simm.s32 @!p2 $0x80  }
0x53: {  	[tilespmem:s21], [sflag:$0x1] =	stream.linear.gather @!p2 [hbm4b:s20+s22], $0x80, $0x38;
	[tilespmem:$0x18100] =	vst v63  }
0x54: {  	_ =	swait.ge @!p2 [sflag:s23], $0x80  }
0x55: {  	p1 =	por p2, p2;
	[sflag:s23] =	ssyncset.done @!p2 $0x0  }
0x56: {  	[sflag:s23] =	ssyncadd.s32 @!p1 $0xFFFFFF80  }
0x57: {  	_ =	swait.ge @!p1 [sflag:s23], $0x80  }
0x58: {  	[sflag:s23] =	ssyncset.done @!p1 $0x0  }
0x59: {  	s20 =	simm.s32 @!p1 $0x100;
	[sflag:s23] =	ssyncadd.s32 @!p1 $0xFFFFFF80  }
0x5a: {  	[tilespmem:s20], [sflag:$0x1] =	stream.indirect.gather @!p1 [hbm4b:s4+s21], $0x80, s22, s21, $0xb8;
	[tilespmem:$0x18100] =	vst v63  }
0x5b: {  	_ =	swait.ge @!p1 [sflag:s23], $0x4000  }
0x5c: {  	[sflag:s23] =	ssyncset.done @!p1 $0x0  }
.Ltmp4:
0x5d: {  	s22 =	simm.s32 @!p1 $0x2;
	[sflag:s23] =	ssyncadd.s32 @!p1 $0xFFFFC000;
	(pc) =	sbr.rel .LBB2_8-.Ltmp4, $4  }
0x5e: {  	[spmem:s1] =	stream.indirect.scatter.add.f32 @!p1 [tilespmem:s20], [sflag:$0x2], $0x80, s21, s21, $0xb8;
	[tilespmem:$0x18100] =	vst v63  }
0x5f: {  	_ =	swait.ge @!p1 [sflag:s22], $0x4000  }
0x60: {  	[sflag:s22] =	ssyncset.done @!p1 $0x0  }
0x61: {  	s20 =	smov.u32 s9;
	[sflag:s22] =	ssyncadd.s32 @!p1 $0xFFFFC000  }
.LBB2_5:
0x62: {  	s20 =	sadd.s32 @!p1 $0x0, s13;
	s21 =	simm.s32 @!p1 $0x0  }
0x63: {  	[tilespmem:s21], [sflag:$0x1] =	stream.linear.gather @!p1 [hbm4b:s20+s21], $0x80, $0x38;
	[tilespmem:$0x18100] =	vst v63  }
0x64: {  	s22 =	simm.s32 @!p1 $0x80;
	s23 =	simm.s32 @!p1 $0x1;
	s20 =	sadd.s32 @!p1 $0x0, s12  }
0x65: {  	[tilespmem:s22], [sflag:$0x1] =	stream.linear.gather @!p1 [hbm4b:s20+s21], $0x80, $0x38;
	[tilespmem:$0x18100] =	vst v63  }
0x66: {  	_ =	swait.ge @!p1 [sflag:s23], $0x80  }
0x67: {  	[sflag:s23] =	ssyncset.done @!p1 $0x0;
	p1 =	por p1, p1  }
0x68: {  	[sflag:s23] =	ssyncadd.s32 @!p1 $0xFFFFFF80  }
0x69: {  	_ =	swait.ge @!p1 [sflag:s23], $0x80  }
0x6a: {  	[sflag:s23] =	ssyncset.done @!p1 $0x0  }
0x6b: {  	s20 =	simm.s32 @!p1 $0x100;
	[sflag:s23] =	ssyncadd.s32 @!p1 $0xFFFFFF80  }
0x6c: {  	[tilespmem:s20], [sflag:$0x1] =	stream.indirect.gather @!p1 [hbm4b:s4+s22], $0x80, s21, s22, $0xb8;
	[tilespmem:$0x18100] =	vst v63  }
0x6d: {  	_ =	swait.ge @!p1 [sflag:s23], $0x4000  }
0x6e: {  	[sflag:s23] =	ssyncset.done @!p1 $0x0  }
0x6f: {  	s21 =	sadd.s32 $0x10, s3;
	[sflag:s23] =	ssyncadd.s32 @!p1 $0xFFFFC000;
	s23 =	simm.s32 @!p1 $0x2  }
0x70: {  	[spmem:s1] =	stream.indirect.scatter.add.f32 @!p1 [tilespmem:s20], [sflag:$0x2], $0x80, s22, s22, $0xb8;
	[tilespmem:$0x18100] =	vst v63  }
0x71: {  	p2 =	sgt.u32 s21, $0x4E1;
	_ =	swait.ge @!p1 [sflag:s23], $0x4000  }
0x72: {  	s20 =	simm.s32 $0x100;
	s22 =	simm.s32 $0x200;
	[sflag:s23] =	ssyncset.done @!p1 $0x0  }
.LBB2_6:
0x73: {  	s24 =	sadd.s32 @!p2 s20, s13;
	s25 =	simm.s32 @!p2 $0x0;
	[sflag:s23] =	ssyncadd.s32 @!p1 $0xFFFFC000  }
0x74: {  	[tilespmem:s25], [sflag:$0x1] =	stream.linear.gather @!p2 [hbm4b:s24+s25], $0x80, $0x38;
	[tilespmem:$0x18100] =	vst v63  }
0x75: {  	s20 =	sadd.s32 @!p2 s20, s12;
	s23 =	simm.s32 @!p2 $0x1;
	s24 =	simm.s32 @!p2 $0x80  }
0x76: {  	[tilespmem:s24], [sflag:$0x1] =	stream.linear.gather @!p2 [hbm4b:s20+s25], $0x80, $0x38;
	[tilespmem:$0x18100] =	vst v63  }
0x77: {  	s20 =	smov.u32 s22;
	s22 =	sadd.s32 $0x100, s22;
	_ =	swait.ge @!p2 [sflag:s23], $0x80  }
0x78: {  	p1 =	por p2, p2;
	p3 =	sne.s32 s22, $0x4F00;
	[sflag:s23] =	ssyncset.done @!p2 $0x0  }
0x79: {  	[sflag:s23] =	ssyncadd.s32 @!p1 $0xFFFFFF80  }
0x7a: {  	_ =	swait.ge @!p1 [sflag:s23], $0x80  }
0x7b: {  	[sflag:s23] =	ssyncset.done @!p1 $0x0  }
0x7c: {  	s26 =	simm.s32 @!p1 $0x100;
	[sflag:s23] =	ssyncadd.s32 @!p1 $0xFFFFFF80  }
0x7d: {  	[tilespmem:s26], [sflag:$0x1] =	stream.indirect.gather @!p1 [hbm4b:s4+s24], $0x80, s25, s24, $0xb8;
	[tilespmem:$0x18100] =	vst v63  }
0x7e: {  	_ =	swait.ge @!p1 [sflag:s23], $0x4000  }
.Ltmp5:
0x7f: {  	[sflag:s23] =	ssyncset.done @!p1 $0x0;
	(pc) =	sbr.rel @p3 .LBB2_6-.Ltmp5, $4  }
0x80: {  	[sflag:s23] =	ssyncadd.s32 @!p1 $0xFFFFC000;
	s23 =	simm.s32 @!p1 $0x2  }
0x81: {  	[spmem:s1] =	stream.indirect.scatter.add.f32 @!p1 [tilespmem:s26], [sflag:$0x2], $0x80, s24, s24, $0xb8;
	[tilespmem:$0x18100] =	vst v63  }
0x82: {  	s21 =	sadd.s32 $0x10, s21;
	_ =	swait.ge @!p1 [sflag:s23], $0x4000  }
0x83: {  	p2 =	sgt.u32 s21, $0x4E1;
	[sflag:s23] =	ssyncset.done @!p1 $0x0  }
0x84: {  	s21 =	sadd.s32 @!p2 s20, s13;
	s22 =	simm.s32 @!p2 $0x0;
	[sflag:s23] =	ssyncadd.s32 @!p1 $0xFFFFC000  }
0x85: {  	[tilespmem:s22], [sflag:$0x1] =	stream.linear.gather @!p2 [hbm4b:s21+s22], $0x80, $0x38;
	[tilespmem:$0x18100] =	vst v63  }
0x86: {  	s20 =	sadd.s32 @!p2 s20, s12;
	s23 =	simm.s32 @!p2 $0x1;
	s21 =	simm.s32 @!p2 $0x80  }
0x87: {  	[tilespmem:s21], [sflag:$0x1] =	stream.linear.gather @!p2 [hbm4b:s20+s22], $0x80, $0x38;
	[tilespmem:$0x18100] =	vst v63  }
0x88: {  	_ =	swait.ge @!p2 [sflag:s23], $0x80  }
0x89: {  	p1 =	por p2, p2;
	[sflag:s23] =	ssyncset.done @!p2 $0x0  }
0x8a: {  	[sflag:s23] =	ssyncadd.s32 @!p1 $0xFFFFFF80  }
0x8b: {  	_ =	swait.ge @!p1 [sflag:s23], $0x80  }
0x8c: {  	[sflag:s23] =	ssyncset.done @!p1 $0x0  }
0x8d: {  	s20 =	simm.s32 @!p1 $0x100;
	[sflag:s23] =	ssyncadd.s32 @!p1 $0xFFFFFF80  }
0x8e: {  	[tilespmem:s20], [sflag:$0x1] =	stream.indirect.gather @!p1 [hbm4b:s4+s21], $0x80, s22, s21, $0xb8;
	[tilespmem:$0x18100] =	vst v63  }
0x8f: {  	_ =	swait.ge @!p1 [sflag:s23], $0x4000  }
0x90: {  	[sflag:s23] =	ssyncset.done @!p1 $0x0  }
0x91: {  	s22 =	simm.s32 @!p1 $0x2;
	[sflag:s23] =	ssyncadd.s32 @!p1 $0xFFFFC000  }
0x92: {  	[spmem:s1] =	stream.indirect.scatter.add.f32 @!p1 [tilespmem:s20], [sflag:$0x2], $0x80, s21, s21, $0xb8;
	[tilespmem:$0x18100] =	vst v63  }
0x93: {  	_ =	swait.ge @!p1 [sflag:s22], $0x4000  }
0x94: {  	[sflag:s22] =	ssyncset.done @!p1 $0x0  }
0x95: {  	s20 =	smov.u32 s8;
	[sflag:s22] =	ssyncadd.s32 @!p1 $0xFFFFC000  }
.LBB2_8:
0x96: {  	s20 =	sadd.s32 s6, s20;
	[bflag:$0x0] =	sbarrier.arrive $0xFFFF  }
0x97: {  	[hbm:s20], [sflag:s7] =	dma.local [spmem:s18], $0x2800  }
0x98: {  	_ =	swait.ge [sflag:s19], $0x2800  }
0x99: {  	[sflag:s19] =	ssyncset.done $0x0  }
0x9a: {  	[sflag:s19] =	ssyncadd.s32 $0xFFFFD800  }
0x9b: {  	[spmem:s18], [sflag:s7] =	dma.local [hbm:s5], $0x2800  }
.Ltmp6:
0x9c: {  	_ =	swait.ge [sflag:s19], $0x2800;
	(pc) =	sbr.rel @p0 .LBB2_12-.Ltmp6, $4  }
0x9d: {  	[sflag:s19] =	ssyncset.done $0x0  }
0x9e: {  	[sflag:s19] =	ssyncadd.s32 $0xFFFFD800  }
0x9f: {  	[bflag:$0x0] =	sbarrier.arrive $0xFFFF  }
0xa0: {  	p1 =	sgt.u32 s3, $0x4E1  }
0xa1: {  	s20 =	sadd.s32 @!p1 $0x0, s17;
	s21 =	simm.s32 @!p1 $0x0  }
0xa2: {  	[tilespmem:s21], [sflag:$0x1] =	stream.linear.gather @!p1 [hbm4b:s20+s21], $0x80, $0x38;
	[tilespmem:$0x18100] =	vst v63  }
0xa3: {  	s22 =	simm.s32 @!p1 $0x80;
	s23 =	simm.s32 @!p1 $0x1;
	s20 =	sadd.s32 @!p1 $0x0, s12  }
0xa4: {  	[tilespmem:s22], [sflag:$0x1] =	stream.linear.gather @!p1 [hbm4b:s20+s21], $0x80, $0x38;
	[tilespmem:$0x18100] =	vst v63  }
0xa5: {  	_ =	swait.ge @!p1 [sflag:s23], $0x80  }
0xa6: {  	[sflag:s23] =	ssyncset.done @!p1 $0x0;
	p1 =	por p1, p1  }
0xa7: {  	[sflag:s23] =	ssyncadd.s32 @!p1 $0xFFFFFF80  }
0xa8: {  	_ =	swait.ge @!p1 [sflag:s23], $0x80  }
0xa9: {  	[sflag:s23] =	ssyncset.done @!p1 $0x0  }
0xaa: {  	s20 =	simm.s32 @!p1 $0x100;
	[sflag:s23] =	ssyncadd.s32 @!p1 $0xFFFFFF80  }
0xab: {  	[tilespmem:s20], [sflag:$0x1] =	stream.indirect.gather @!p1 [hbm4b:s4+s22], $0x80, s21, s22, $0xb8;
	[tilespmem:$0x18100] =	vst v63  }
0xac: {  	_ =	swait.ge @!p1 [sflag:s23], $0x4000  }
0xad: {  	[sflag:s23] =	ssyncset.done @!p1 $0x0  }
0xae: {  	s21 =	sadd.s32 $0x10, s3;
	[sflag:s23] =	ssyncadd.s32 @!p1 $0xFFFFC000;
	s23 =	simm.s32 @!p1 $0x2  }
0xaf: {  	[spmem:s1] =	stream.indirect.scatter.add.f32 @!p1 [tilespmem:s20], [sflag:$0x2], $0x80, s22, s22, $0xb8;
	[tilespmem:$0x18100] =	vst v63  }
0xb0: {  	p2 =	sgt.u32 s21, $0x4E1;
	_ =	swait.ge @!p1 [sflag:s23], $0x4000  }
0xb1: {  	s20 =	simm.s32 $0x100;
	s22 =	simm.s32 $0x200;
	[sflag:s23] =	ssyncset.done @!p1 $0x0  }
.LBB2_10:
0xb2: {  	s24 =	sadd.s32 @!p2 s20, s17;
	s25 =	simm.s32 @!p2 $0x0;
	[sflag:s23] =	ssyncadd.s32 @!p1 $0xFFFFC000  }
0xb3: {  	[tilespmem:s25], [sflag:$0x1] =	stream.linear.gather @!p2 [hbm4b:s24+s25], $0x80, $0x38;
	[tilespmem:$0x18100] =	vst v63  }
0xb4: {  	s20 =	sadd.s32 @!p2 s20, s12;
	s23 =	simm.s32 @!p2 $0x1;
	s24 =	simm.s32 @!p2 $0x80  }
0xb5: {  	[tilespmem:s24], [sflag:$0x1] =	stream.linear.gather @!p2 [hbm4b:s20+s25], $0x80, $0x38;
	[tilespmem:$0x18100] =	vst v63  }
0xb6: {  	s20 =	smov.u32 s22;
	s22 =	sadd.s32 $0x100, s22;
	_ =	swait.ge @!p2 [sflag:s23], $0x80  }
0xb7: {  	p1 =	por p2, p2;
	p3 =	seq.s32 s22, $0x4F00;
	[sflag:s23] =	ssyncset.done @!p2 $0x0  }
0xb8: {  	[sflag:s23] =	ssyncadd.s32 @!p1 $0xFFFFFF80  }
0xb9: {  	_ =	swait.ge @!p1 [sflag:s23], $0x80  }
0xba: {  	[sflag:s23] =	ssyncset.done @!p1 $0x0  }
0xbb: {  	s26 =	simm.s32 @!p1 $0x100;
	[sflag:s23] =	ssyncadd.s32 @!p1 $0xFFFFFF80  }
0xbc: {  	[tilespmem:s26], [sflag:$0x1] =	stream.indirect.gather @!p1 [hbm4b:s4+s24], $0x80, s25, s24, $0xb8;
	[tilespmem:$0x18100] =	vst v63  }
0xbd: {  	_ =	swait.ge @!p1 [sflag:s23], $0x4000  }
.Ltmp7:
0xbe: {  	[sflag:s23] =	ssyncset.done @!p1 $0x0;
	(pc) =	sbr.rel @!p3 .LBB2_10-.Ltmp7, $4  }
0xbf: {  	[sflag:s23] =	ssyncadd.s32 @!p1 $0xFFFFC000;
	s23 =	simm.s32 @!p1 $0x2  }
0xc0: {  	[spmem:s1] =	stream.indirect.scatter.add.f32 @!p1 [tilespmem:s26], [sflag:$0x2], $0x80, s24, s24, $0xb8;
	[tilespmem:$0x18100] =	vst v63  }
0xc1: {  	s21 =	sadd.s32 $0x10, s21;
	_ =	swait.ge @!p1 [sflag:s23], $0x4000  }
0xc2: {  	p2 =	sgt.u32 s21, $0x4E1;
	[sflag:s23] =	ssyncset.done @!p1 $0x0  }
0xc3: {  	s21 =	sadd.s32 @!p2 s20, s17;
	s22 =	simm.s32 @!p2 $0x0;
	[sflag:s23] =	ssyncadd.s32 @!p1 $0xFFFFC000  }
0xc4: {  	[tilespmem:s22], [sflag:$0x1] =	stream.linear.gather @!p2 [hbm4b:s21+s22], $0x80, $0x38;
	[tilespmem:$0x18100] =	vst v63  }
0xc5: {  	s20 =	sadd.s32 @!p2 s20, s12;
	s23 =	simm.s32 @!p2 $0x1;
	s21 =	simm.s32 @!p2 $0x80  }
0xc6: {  	[tilespmem:s21], [sflag:$0x1] =	stream.linear.gather @!p2 [hbm4b:s20+s22], $0x80, $0x38;
	[tilespmem:$0x18100] =	vst v63  }
0xc7: {  	_ =	swait.ge @!p2 [sflag:s23], $0x80  }
0xc8: {  	p1 =	por p2, p2;
	[sflag:s23] =	ssyncset.done @!p2 $0x0  }
0xc9: {  	[sflag:s23] =	ssyncadd.s32 @!p1 $0xFFFFFF80  }
0xca: {  	_ =	swait.ge @!p1 [sflag:s23], $0x80  }
0xcb: {  	[sflag:s23] =	ssyncset.done @!p1 $0x0  }
0xcc: {  	s20 =	simm.s32 @!p1 $0x100;
	[sflag:s23] =	ssyncadd.s32 @!p1 $0xFFFFFF80  }
0xcd: {  	[tilespmem:s20], [sflag:$0x1] =	stream.indirect.gather @!p1 [hbm4b:s4+s21], $0x80, s22, s21, $0xb8;
	[tilespmem:$0x18100] =	vst v63  }
0xce: {  	_ =	swait.ge @!p1 [sflag:s23], $0x4000  }
0xcf: {  	[sflag:s23] =	ssyncset.done @!p1 $0x0  }
.Ltmp8:
0xd0: {  	s22 =	simm.s32 @!p1 $0x2;
	[sflag:s23] =	ssyncadd.s32 @!p1 $0xFFFFC000;
	(pc) =	sbr.rel .LBB2_15-.Ltmp8, $4  }
0xd1: {  	[spmem:s1] =	stream.indirect.scatter.add.f32 @!p1 [tilespmem:s20], [sflag:$0x2], $0x80, s21, s21, $0xb8;
	[tilespmem:$0x18100] =	vst v63  }
0xd2: {  	_ =	swait.ge @!p1 [sflag:s22], $0x4000  }
0xd3: {  	[sflag:s22] =	ssyncset.done @!p1 $0x0  }
0xd4: {  	s20 =	smov.u32 s11;
	[sflag:s22] =	ssyncadd.s32 @!p1 $0xFFFFC000  }
.LBB2_12:
0xd5: {  	s20 =	sadd.s32 @!p1 $0x0, s16;
	s21 =	simm.s32 @!p1 $0x0  }
0xd6: {  	[tilespmem:s21], [sflag:$0x1] =	stream.linear.gather @!p1 [hbm4b:s20+s21], $0x80, $0x38;
	[tilespmem:$0x18100] =	vst v63  }
0xd7: {  	s22 =	simm.s32 @!p1 $0x80;
	s23 =	simm.s32 @!p1 $0x1;
	s20 =	sadd.s32 @!p1 $0x0, s12  }
0xd8: {  	[tilespmem:s22], [sflag:$0x1] =	stream.linear.gather @!p1 [hbm4b:s20+s21], $0x80, $0x38;
	[tilespmem:$0x18100] =	vst v63  }
0xd9: {  	_ =	swait.ge @!p1 [sflag:s23], $0x80  }
0xda: {  	[sflag:s23] =	ssyncset.done @!p1 $0x0;
	p1 =	por p1, p1  }
0xdb: {  	[sflag:s23] =	ssyncadd.s32 @!p1 $0xFFFFFF80  }
0xdc: {  	_ =	swait.ge @!p1 [sflag:s23], $0x80  }
0xdd: {  	[sflag:s23] =	ssyncset.done @!p1 $0x0  }
0xde: {  	s20 =	simm.s32 @!p1 $0x100;
	[sflag:s23] =	ssyncadd.s32 @!p1 $0xFFFFFF80  }
0xdf: {  	[tilespmem:s20], [sflag:$0x1] =	stream.indirect.gather @!p1 [hbm4b:s4+s22], $0x80, s21, s22, $0xb8;
	[tilespmem:$0x18100] =	vst v63  }
0xe0: {  	_ =	swait.ge @!p1 [sflag:s23], $0x4000  }
0xe1: {  	[sflag:s23] =	ssyncset.done @!p1 $0x0  }
0xe2: {  	s21 =	sadd.s32 $0x10, s3;
	[sflag:s23] =	ssyncadd.s32 @!p1 $0xFFFFC000;
	s23 =	simm.s32 @!p1 $0x2  }
0xe3: {  	[spmem:s1] =	stream.indirect.scatter.add.f32 @!p1 [tilespmem:s20], [sflag:$0x2], $0x80, s22, s22, $0xb8;
	[tilespmem:$0x18100] =	vst v63  }
0xe4: {  	p2 =	sgt.u32 s21, $0x4E1;
	_ =	swait.ge @!p1 [sflag:s23], $0x4000  }
0xe5: {  	s20 =	simm.s32 $0x100;
	s22 =	simm.s32 $0x200;
	[sflag:s23] =	ssyncset.done @!p1 $0x0  }
.LBB2_13:
0xe6: {  	s24 =	sadd.s32 @!p2 s20, s16;
	s25 =	simm.s32 @!p2 $0x0;
	[sflag:s23] =	ssyncadd.s32 @!p1 $0xFFFFC000  }
0xe7: {  	[tilespmem:s25], [sflag:$0x1] =	stream.linear.gather @!p2 [hbm4b:s24+s25], $0x80, $0x38;
	[tilespmem:$0x18100] =	vst v63  }
0xe8: {  	s20 =	sadd.s32 @!p2 s20, s12;
	s23 =	simm.s32 @!p2 $0x1;
	s24 =	simm.s32 @!p2 $0x80  }
0xe9: {  	[tilespmem:s24], [sflag:$0x1] =	stream.linear.gather @!p2 [hbm4b:s20+s25], $0x80, $0x38;
	[tilespmem:$0x18100] =	vst v63  }
0xea: {  	s20 =	smov.u32 s22;
	s22 =	sadd.s32 $0x100, s22;
	_ =	swait.ge @!p2 [sflag:s23], $0x80  }
0xeb: {  	p1 =	por p2, p2;
	p3 =	sne.s32 s22, $0x4F00;
	[sflag:s23] =	ssyncset.done @!p2 $0x0  }
0xec: {  	[sflag:s23] =	ssyncadd.s32 @!p1 $0xFFFFFF80  }
0xed: {  	_ =	swait.ge @!p1 [sflag:s23], $0x80  }
0xee: {  	[sflag:s23] =	ssyncset.done @!p1 $0x0  }
0xef: {  	s26 =	simm.s32 @!p1 $0x100;
	[sflag:s23] =	ssyncadd.s32 @!p1 $0xFFFFFF80  }
0xf0: {  	[tilespmem:s26], [sflag:$0x1] =	stream.indirect.gather @!p1 [hbm4b:s4+s24], $0x80, s25, s24, $0xb8;
	[tilespmem:$0x18100] =	vst v63  }
0xf1: {  	_ =	swait.ge @!p1 [sflag:s23], $0x4000  }
.Ltmp9:
0xf2: {  	[sflag:s23] =	ssyncset.done @!p1 $0x0;
	(pc) =	sbr.rel @p3 .LBB2_13-.Ltmp9, $4  }
0xf3: {  	[sflag:s23] =	ssyncadd.s32 @!p1 $0xFFFFC000;
	s23 =	simm.s32 @!p1 $0x2  }
0xf4: {  	[spmem:s1] =	stream.indirect.scatter.add.f32 @!p1 [tilespmem:s26], [sflag:$0x2], $0x80, s24, s24, $0xb8;
	[tilespmem:$0x18100] =	vst v63  }
0xf5: {  	s21 =	sadd.s32 $0x10, s21;
	_ =	swait.ge @!p1 [sflag:s23], $0x4000  }
0xf6: {  	p2 =	sgt.u32 s21, $0x4E1;
	[sflag:s23] =	ssyncset.done @!p1 $0x0  }
.Ltmp10:
0xf7: {  	_ = 	snop;
	(pc) =	sbr.rel .LBB2_14-.Ltmp10, $1  }
0xf8: {  	_ =	sdelay $0x3  }
.LBB2_16:
0xf9: {  	_ =	sfence.sel $0x180000  }
0xfa: {  	[bflag:$0x0] =	sbarrier.arrive $0xFFFF  }
0xfb: {  	p0 =	sne.s32 s3, $0x0;
	_ =	strace $0x9000004A  }
0xfc: {  	s0 =	sadd.s32 @!p0 $0x100000, s0;
	[bflag:$0x2] =	sbarrier.arrive $0xFFFF  }
0xfd: {  	[sflag:s0] =	ssyncadd.tile.s32 @!p0 $0x1;
	_ =	shalt  }
.Lfunc_end2:
_tile_overlayer_lowered:
.L_overlay_start_2:
0xfe: {  	(tag) =	ssettag $0x2  }
0xff: {  	s0 =	rddreg [dreg:$0x0];
	s2 =	stileid.u32  }
0x100: {  	s1 =	rddreg [dreg:$0x1];
	p0 =	sne.s32 s2, $0x0  }
0x101: {  	s3 =	rddreg [dreg:$0x2];
	[bflag:$0x3] =	sbarrier.arrive $0xFFFF;
	s2 =	simm.s32 @!p0 $0x1C02  }
0x102: {  	[timem:s3], [sflag:s2] =	dma.local @!p0 [hbm:s0], s1  }
0x103: {  	s0 =	simm.s32 @!p0 $0x2  }
0x104: {  	_ =	swait.ge @!p0 [sflag:s0], s1  }
0x105: {  	s1 =	ssub.s32 @!p0 $0x0, s1;
	[sflag:s0] =	ssyncset.done @!p0 $0x0  }
0x106: {  	[sflag:s0] =	ssyncadd.s32 @!p0 s1  }
0x107: {  	[bflag:$0x3] =	sbarrier.arrive $0xFFFF  }
0x108: {  	_ =	shalt  }

// kernel: kernel.15.cloned.1.call-start
scs
__scs_entry_jumppad:
0x0: {  	(pc) =	sbr.rel $0x88, $3  }
0x1: {  	(tag) =	ssettag $0x0;
	lr =	simm.s32 $0x1  }
0x2: {  	[smem:$0x3F82] =	sst lr;
	_ =	strace $0xD0000000  }
0x3: {  	_ = 	snop  }
0x4: {  	_ = 	snop  }
0x5: {  	_ = 	snop  }
0x6: {  	_ = 	snop  }
0x7: {  	_ = 	snop  }
__scs_overlays_trampoline_lowered:
0x8: {  	[smem:$0x3F91] =	sst s0  }
0x9: {  	[smem:$0x3F92] =	sst s1  }
0xa: {  	[smem:$0x3F93] =	sst s2  }
0xb: {  	[smem:$0x3F94] =	sst s3  }
0xc: {  	[smem:$0x3F95] =	sst s4  }
0xd: {  	[smem:$0x3F96] =	sst s5  }
0xe: {  	[smem:$0x3F97] =	sst s6  }
0xf: {  	[smem:$0x3F98] =	sst s7  }
0x10: {  	[smem:$0x3F99] =	sst s8  }
0x11: {  	[smem:$0x3F9A] =	sst s9;
	s0 =	simm.s32 @!p0 $0x0  }
0x12: {  	s1 =	sld [smem:$0x3F80];
	s0 =	simm.s32 @p0 $0x1  }
0x13: {  	[smem:$0x3F9B] =	sst s0;
	s0 =	simm.s32 @!p1 $0x0  }
0x14: {  	s2 =	sld [smem:$0x3F7F];
	s0 =	simm.s32 @p1 $0x1  }
0x15: {  	[smem:$0x3F9C] =	sst s0;
	s0 =	simm.s32 @!p2 $0x0  }
0x16: {  	s3 =	sld [smem:$0x3FDB];
	s0 =	simm.s32 @p2 $0x1  }
0x17: {  	s4 =	simm.s32 $0x1BF5;
	[smem:$0x3F9E] =	sst s0  }
0x18: {  	s0 =	sld [smem:$0x3F81];
	_ =	swait.ge [sflag:s4], $0x0  }
0x19: {  	s7 =	sld [smem:$0x3F82]  }
0x1a: {  	s8 =	sadd.s32 $0xFFFFE003, lr  }
0x1b: {  	s9 =	sadd.s32 $0xFFFFFEF7, lr;
	s5 =	simm.s32 $0xFFFFFFFF;
	p2 =	slt.u32 s8, $0xFFFFF086  }
0x1c: {  	p1 =	slt.u32 s9, $0xF7A;
	s5 =	simm.s32 @!p2 $0x0  }
0x1d: {  	s5 =	simm.s32 @p1 $0x1;
	p0 =	seq.s32 s7, s2  }
0x1e: {  	s7 =	smul.u32 @!p0 $0xF7A, s2;
	p2 =	seq.s32 @!p0 s5, $0x0  }
0x1f: {  	s9 =	smul.u32 $0xF7A, s1;
	s8 =	simm.s32 @!p0 $0x1BF5;
	p2 =	por !p2, p0  }
0x20: {  	[sflag:s8] =	ssyncset.s32 @!p0 $0xFFFFF086;
	s6 =	sadd.s32 @!p0 s3, s7;
	s7 =	simm.s32 @!p0 $0x108  }
0x21: {  	s3 =	sadd.s32 s3, s9;
	s6 =	sadd.s32 @!p0 $0x88, s6;
	s7 =	simm.s32 @p2 $0x1082  }
0x22: {  	[simem:s7], [sflag:s8] =	dma.local @!p0 [hbm:s6], $0xF7A  }
0x23: {  	s9 =	sor.u32 $0xD0000000, s2;
	s6 =	simm.s32 $0x108;
	_ =	swait.ge @!p0 [sflag:s8], $0x0  }
0x24: {  	s3 =	sadd.s32 $0x88, s3;
	s6 =	simm.s32 @!p1 $0x1082;
	[sflag:s4] =	ssyncset.s32 $0xFFFFF086  }
0x25: {  	[simem:s6], [sflag:s4] =	dma.local [hbm:s3], $0xF7A  }
0x26: {  	[smem:$0x3F82] =	sst s1;
	(tag) =	ssettag s2;
	_ =	strace s9  }
0x27: {  	s1 =	sld [smem:$0x3F92]  }
0x28: {  	s2 =	sld [smem:$0x3F93]  }
0x29: {  	s4 =	sld [smem:$0x3F95]  }
0x2a: {  	p0 =	seq.s32 s5, $0x0;
	s5 =	sld [smem:$0x3F96]  }
0x2b: {  	s6 =	sld [smem:$0x3F97]  }
0x2c: {  	s7 =	sld [smem:$0x3F98]  }
0x2d: {  	s3 =	simm.s32 $0x108;
	s8 =	sld [smem:$0x3F99]  }
0x2e: {  	s3 =	simm.s32 @!p0 $0x1082;
	s9 =	sld [smem:$0x3F9A]  }
0x2f: {  	lr =	sadd.s32 s0, s3;
	s0 =	sld [smem:$0x3F91]  }
0x30: {  	s3 =	sld [smem:$0x3F94]  }
0x31: {  	[smem:$0x3F9D] =	sst s10  }
0x32: {  	s10 =	sld [smem:$0x3F9B];
	_ =	sdelay $0x3  }
0x33: {  	p0 =	seq.s32 s10, $0x1;
	s10 =	sld [smem:$0x3F9D];
	_ =	sdelay $0x3  }
0x34: {  	[smem:$0x3F9D] =	sst s10  }
0x35: {  	s10 =	sld [smem:$0x3F9C];
	_ =	sdelay $0x3  }
0x36: {  	p1 =	seq.s32 s10, $0x1;
	s10 =	sld [smem:$0x3F9D];
	_ =	sdelay $0x3  }
0x37: {  	[smem:$0x3F9D] =	sst s10  }
0x38: {  	s10 =	sld [smem:$0x3F9E]  }
0x39: {  	_ = 	snop;
	(pc) =	sbr.ind lr, $3  }
0x3a: {  	_ = 	snop  }
0x3b: {  	_ = 	snop  }
0x3c: {  	p2 =	seq.s32 s10, $0x1;
	s10 =	sld [smem:$0x3F9D]  }
0x3d: {  	_ =	shalt  }
0x3e: {  	_ =	shalt  }
0x3f: {  	_ =	shalt  }
0x40: {  	_ =	shalt  }
0x41: {  	_ =	shalt  }
0x42: {  	_ =	shalt  }
0x43: {  	_ =	shalt  }
0x44: {  	_ =	shalt  }
0x45: {  	_ =	shalt  }
0x46: {  	_ =	shalt  }
0x47: {  	_ =	shalt  }
0x48: {  	_ =	shalt  }
0x49: {  	_ =	shalt  }
0x4a: {  	_ =	shalt  }
0x4b: {  	_ =	shalt  }
0x4c: {  	_ =	shalt  }
0x4d: {  	_ =	shalt  }
0x4e: {  	_ =	shalt  }
0x4f: {  	_ =	shalt  }
0x50: {  	_ =	shalt  }
0x51: {  	_ =	shalt  }
0x52: {  	_ =	shalt  }
0x53: {  	_ =	shalt  }
0x54: {  	_ =	shalt  }
0x55: {  	_ =	shalt  }
0x56: {  	_ =	shalt  }
0x57: {  	_ =	shalt  }
0x58: {  	_ =	shalt  }
0x59: {  	_ =	shalt  }
0x5a: {  	_ =	shalt  }
0x5b: {  	_ =	shalt  }
0x5c: {  	_ =	shalt  }
0x5d: {  	_ =	shalt  }
0x5e: {  	_ =	shalt  }
0x5f: {  	_ =	shalt  }
0x60: {  	_ =	shalt  }
0x61: {  	_ =	shalt  }
0x62: {  	_ =	shalt  }
0x63: {  	_ =	shalt  }
0x64: {  	_ =	shalt  }
0x65: {  	_ =	shalt  }
0x66: {  	_ =	shalt  }
0x67: {  	_ =	shalt  }
0x68: {  	_ =	shalt  }
0x69: {  	_ =	shalt  }
0x6a: {  	_ =	shalt  }
0x6b: {  	_ =	shalt  }
0x6c: {  	_ =	shalt  }
0x6d: {  	_ =	shalt  }
0x6e: {  	_ =	shalt  }
0x6f: {  	_ =	shalt  }
0x70: {  	_ =	shalt  }
0x71: {  	_ =	shalt  }
0x72: {  	_ =	shalt  }
0x73: {  	_ =	shalt  }
0x74: {  	_ =	shalt  }
0x75: {  	_ =	shalt  }
0x76: {  	_ =	shalt  }
0x77: {  	_ =	shalt  }
0x78: {  	_ =	shalt  }
0x79: {  	_ =	shalt  }
0x7a: {  	_ =	shalt  }
0x7b: {  	_ =	shalt  }
0x7c: {  	_ =	shalt  }
0x7d: {  	_ =	shalt  }
0x7e: {  	_ =	shalt  }
0x7f: {  	_ =	shalt  }
0x80: {  	_ =	shalt  }
0x81: {  	_ =	shalt  }
0x82: {  	_ =	shalt  }
0x83: {  	_ =	shalt  }
0x84: {  	_ =	shalt  }
0x85: {  	_ =	shalt  }
0x86: {  	_ =	shalt  }
0x87: {  	_ =	shalt  }
.Lfunc_end0:
.L_simem_size_0:
called_computation.2_lowered:
.L_overlay_start_0:
0x88: {  	s2 =	sld [smem:$0x3FD9]  }
0x89: {  	s3 =	sld [smem:$0x3FFE];
	_ =	sdelay $0x1  }
0x8a: {  	s1 =	srdreg.scid  }
0x8b: {  	s0 =	sand.u32 $0x1, s1  }
0x8c: {  	s16 =	sshll.u32 s0, $0xA;
	s2 =	sadd.s32 s3, s2  }
0x8d: {  	s2 =	sadd.s32 s2, s16  }
0x8e: {  	[smem:$0x3FA9] =	sst s2  }
0x8f: {  	_ = 	snop  }
0x90: {  	(tm) =	ssettm $0x1  }
0x91: {  	s17 =	sld [smem:$0x3FFB];
	_ =	sdelay $0x3  }
0x92: {  	_ =	strace s17  }
0x93: {  	s2 =	sld [smem:$0x3FFC];
	_ =	sdelay $0x3  }
0x94: {  	_ =	strace s2  }
0x95: {  	s2 =	sld [smem:$0x3FFD];
	_ =	sdelay $0x3  }
0x96: {  	_ =	strace s2  }
0x97: {  	_ =	strace $0x8FFFFFFF  }
0x98: {  	s18 =	sld [smem:$0x3FDB];
	_ =	sdelay $0x1  }
0x99: {  	s19 =	simm.s32 $_scs_section_size  }
0x9a: {  	s4 =	simm.s32 $_size__tile_overlayer_lowered;
	s5 =	simm.s32 $_tile_overlayer_lowered  }
0x9b: {  	s22 =	simm.s32 $0x1BFF;
	s21 =	sshll.u32 s5, $0x1;
	s2 =	sadd.s32 s19, s18  }
0x9c: {  	s6 =	simm.s32 $0x0;
	s20 =	sshll.u32 s4, $0x1;
	s4 =	sadd.s32 s21, s2  }
0x9d: {  	[timem:s6], [sflag:s22] =	dma.local [hbm:s4], s20  }
0x9e: {  	_ =	swait.ge [sflag:s22], s20  }
0x9f: {  	s3 =	ssub.s32 $0x0, s20;
	[sflag:s22] =	ssyncset.done $0x0  }
0xa0: {  	[sflag:s22] =	ssyncadd.s32 s3;
	_ =	sdelay $0x1  }
0xa1: {  	s23 =	simm.s32 $0x1B8B  }
0xa2: {  	_ =	swait.ge [sflag:s23], $0x1  }
0xa3: {  	[sflag:s23] =	ssyncset.done $0x0  }
0xa4: {  	s25 =	simm.s32 $0x1B8E;
	s24 =	sld [smem:$0x3FFE];
	[sflag:s23] =	ssyncadd.s32 $0xFFFFFFFF  }
0xa5: {  	s26 =	simm.s32 $execute0_lowered;
	[smem:$0x3FD2] =	sst s25  }
0xa6: {  	s4 =	sshll.u32 s26, $0x1;
	_ =	strace $0x8000004C;
	[dreg:$0x1] =	wrdreg $0xFFFFFFFF  }
0xa7: {  	s28 =	simm.s32 $_size_execute0_lowered;
	s2 =	sadd.s32 s2, s4;
	[dreg:$0x0] =	wrdreg $0x0  }
0xa8: {  	s4 =	sshll.u32 s28, $0x1;
	[dreg:$0x2] =	wrdreg s2  }
0xa9: {  	[dreg:$0x3] =	wrdreg s4  }
0xaa: {  	[dreg:$0x4] =	wrdreg $0xC0  }
0xab: {  	_ =	task [dreg:s6], $0x5FFFF  }
0xac: {  	[dreg:$0x1] =	wrdreg $0xFFFFFFFF  }
0xad: {  	[dreg:$0x0] =	wrdreg $0x60  }
0xae: {  	[dreg:$0x2] =	wrdreg s24  }
0xaf: {  	[dreg:$0x3] =	wrdreg $0x41000  }
0xb0: {  	[dreg:$0x4] =	wrdreg $0x9  }
0xb1: {  	_ =	task.clear_ibuf [dreg:s6], $0x5FFFF;
	_ =	strace $0x9000004C  }
0xb2: {  	s29 =	simm.s32 $0x9;
	_ =	strace $0x8000004E  }
0xb3: {  	_ =	swait.ge [sflag:s29], $0x1  }
0xb4: {  	[sflag:s29] =	ssyncadd.s32 $0xFFFFFFFF  }
0xb5: {  	_ =	strace $0x9000004E  }
0xb6: {  	_ =	sfence  }
0xb7: {  	s30 =	sld [smem:$0x0];
	_ =	sdelay $0x2  }
0xb8: {  	s31 =	sshll.u32 s1, $0xD;
	s1 =	sshrl.u32 s1, $0x2  }
0xb9: {  	s3 =	sand.u32 $0x4000, s31;
	s1 =	sadd.s32 s1, s30  }
0xba: {  	s0 =	sor.u32 s3, s0;
	s1 =	sshll.u32 s1, $0x11  }
0xbb: {  	s0 =	sor.u32 s1, s0  }
0xbc: {  	s0 =	sadd.s32 $0x8F2B, s0  }
0xbd: {  	[sflag:s0] =	ssyncadd.remote.s32 $0x1  }
0xbe: {  	_ =	sfence.sel $0xFFFF  }
0xbf: {  	[dreg:$0x0] =	wrdreg $0xFFFFFFFF;
	(pc) =	sbr.abs _section_cstart, $3  }
0xc0: {  	[dreg:$0x1] =	wrdreg $0xFFFFFFFF  }
0xc1: {  	_ =	task.clear_ibuf [dreg:s6], $0x2FFFF;
	_ =	strace $0x9FFFFFFF  }
0xc2: {  	(tm) =	ssettm $0x7FFFFFFF  }
0xc3: {  	_ =	shalt  }
tec
execute0_lowered:
.L_overlay_start_1:
0x0: {  	(tag) =	ssettag $0x1  }
0x1: {  	s0 =	rddreg [dreg:$0x0]  }
0x2: {  	s1 =	rddreg [dreg:$0x1];
	s3 =	simm.s32 $0x0;
	s10 =	stileid.u32  }
0x3: {  	s8 =	srdreg.scid;
	[smem:$0x7FF] =	sst s3  }
0x4: {  	s4 =	sadd.s32 $0x210C00, s0;
	s5 =	sadd.s32 $0xD8400, s0;
	s7 =	sshll.u32 s10, $0x4  }
0x5: {  	s6 =	sadd.s32 $0x400400, s0;
	s8 =	sand.u32 $0x1, s8;
	s2 =	sadd.s32 $0x85C00, s0  }
0x6: {  	s13 =	smul.u32 $0x50000, s10;
	s15 =	sadd.s32 $0x2AD000, s0;
	s16 =	sadd.s32 $0x34D000, s0  }
0x7: {  	s19 =	sshll.u32 s10, $0x6;
	_ =	strace $0x8000004D;
	[dreg:$0x3] =	wrdreg s2  }
0x8: {  	s25 =	smul.u32 $0x2800, s10;
	s12 =	sadd.s32 s7, s0;
	[dreg:$0x4] =	wrdreg s15  }
0x9: {  	s11 =	ssub.s32 $0x2, s8;
	s15 =	smul.u32 $0x14000, s10;
	[dreg:$0x5] =	wrdreg s16  }
0xa: {  	s0 =	sadd.s32 $0x5AE400, s0;
	p0 =	sne.s32 s8, $0x0;
	s14 =	sshrl.u32 s11, $0x1  }
0xb: {  	[dreg:$0x6] =	wrdreg s0;
	s16 =	sadd.s32 $0x4B4400, s12;
	s18 =	sadd.s32 $0x4AF400, s12  }
0xc: {  	s13 =	sshrl.u32 s13, $0x2;
	s26 =	sadd.s32 $0x4AA400, s12;
	s28 =	sadd.s32 $0x3F6400, s12  }
0xd: {  	s29 =	sadd.s32 $0xAA00, s12;
	s30 =	sadd.s32 $0x14A00, s12;
	s31 =	sadd.s32 $0x3F1400, s12  }
0xe: {  	[dreg:$0xc] =	wrdreg s25;
	s25 =	simm.s32 $0x2;
	s17 =	ssub.s32 s11, s14  }
0xf: {  	s20 =	sshrl.u32 s15, $0x3;
	s11 =	sor.u32 $0x1C02, s19;
	s15 =	sadd.s32 $0x76C00, s12  }
0x10: {  	s24 =	sadd.s32 s13, s1;
	s19 =	sadd.s32 $0x4B9400, s12;
	s21 =	sadd.s32 $0x50000, s20  }
.Ltmp0:
0x11: {  	s22 =	sadd.s32 $0x78000, s20;
	[dreg:$0xa] =	wrdreg s24;
	(pc) =	sbr.rel .LBB2_1-.Ltmp0, $4  }
0x12: {  	s23 =	sadd.s32 $0x28000, s20;
	s20 =	sadd.s32 $0x80C00, s12;
	[dreg:$0x7] =	wrdreg s21  }
0x13: {  	s24 =	sadd.s32 $0x4A0400, s12;
	s0 =	smax.u32 s17, $0x1;
	[dreg:$0x8] =	wrdreg s22  }
0x14: {  	[dreg:$0x9] =	wrdreg s23;
	s21 =	sadd.s32 $0x71C00, s12;
	s22 =	sadd.s32 $0x4A5400, s12  }
0x15: {  	s23 =	sadd.s32 $0x7BC00, s12;
	[dreg:$0xb] =	wrdreg s0;
	s0 =	sadd.s32 $0x3FB400, s12  }
.LBB2_42:
0x16: {  	s2 =	sadd.s32 @!p2 s13, s31;
	s7 =	simm.s32 @!p2 $0x0;
	[sflag:s8] =	ssyncadd.s32 @!p1 $0xFFFFC000  }
0x17: {  	[tilespmem:s7], [sflag:$0x1] =	stream.linear.gather @!p2 [hbm4b:s2+s7], $0x80, $0x38;
	[tilespmem:$0x18100] =	vst v63  }
0x18: {  	s8 =	simm.s32 @!p2 $0x80;
	s9 =	simm.s32 @!p2 $0x1;
	s2 =	sadd.s32 @!p2 s13, s29  }
0x19: {  	[tilespmem:s8], [sflag:$0x1] =	stream.linear.gather @!p2 [hbm4b:s2+s7], $0x80, $0x38;
	[tilespmem:$0x18100] =	vst v63  }
0x1a: {  	_ =	swait.ge @!p2 [sflag:s9], $0x80  }
0x1b: {  	p1 =	por p2, p2;
	[sflag:s9] =	ssyncset.done @!p2 $0x0  }
0x1c: {  	[sflag:s9] =	ssyncadd.s32 @!p1 $0xFFFFFF80  }
0x1d: {  	_ =	swait.ge @!p1 [sflag:s9], $0x80  }
0x1e: {  	[sflag:s9] =	ssyncset.done @!p1 $0x0  }
0x1f: {  	s2 =	simm.s32 @!p1 $0x100;
	[sflag:s9] =	ssyncadd.s32 @!p1 $0xFFFFFF80  }
0x20: {  	[tilespmem:s2], [sflag:$0x1] =	stream.indirect.gather @!p1 [hbm4b:s6+s8], $0x80, s7, s8, $0xb8;
	[tilespmem:$0x18100] =	vst v63  }
0x21: {  	_ =	swait.ge @!p1 [sflag:s9], $0x4000  }
0x22: {  	[sflag:s9] =	ssyncset.done @!p1 $0x0  }
0x23: {  	s7 =	simm.s32 @!p1 $0x2;
	[sflag:s9] =	ssyncadd.s32 @!p1 $0xFFFFC000  }
0x24: {  	[spmem:s1] =	stream.indirect.scatter.add.f32 @!p1 [tilespmem:s2], [sflag:$0x2], $0x80, s8, s8, $0xb8;
	[tilespmem:$0x18100] =	vst v63  }
0x25: {  	_ =	swait.ge @!p1 [sflag:s7], $0x4000  }
0x26: {  	[sflag:s7] =	ssyncset.done @!p1 $0x0  }
0x27: {  	s8 =	rddreg [dreg:$0x8];
	[sflag:s7] =	ssyncadd.s32 @!p1 $0xFFFFC000  }
.LBB2_43:
0x28: {  	s2 =	rddreg [dreg:$0x6]  }
0x29: {  	[bflag:$0x0] =	sbarrier.arrive $0xFFFF;
	s2 =	sadd.s32 s2, s8  }
0x2a: {  	[hbm:s2], [sflag:s11] =	dma.local [spmem:s12], $0x2800  }
0x2b: {  	_ =	swait.ge [sflag:s25], $0x2800  }
0x2c: {  	s3 =	sadd.s32 $0x1, s3;
	s17 =	rddreg [dreg:$0xb]  }
0x2d: {  	p1 =	sne.s32 s3, s17  }
.Ltmp1:
0x2e: {  	_ = 	snop;
	(pc) =	sbr.rel @!p1 .LBB2_44-.Ltmp1, $3  }
0x2f: {  	_ =	sdelay $0x1  }
0x30: {  	[sflag:s25] =	ssyncset.done $0x0  }
0x31: {  	[sflag:s25] =	ssyncadd.s32 $0xFFFFD800  }
.LBB2_1:
0x32: {  	s2 =	rddreg [dreg:$0xa]  }
0x33: {  	s17 =	rddreg [dreg:$0x3];
	s12 =	sshrl.u32 s2, $0x3  }
0x34: {  	[spmem:s12], [sflag:s11] =	dma.local [hbm:s17], $0x2800  }
.Ltmp2:
0x35: {  	_ =	swait.ge [sflag:s25], $0x2800;
	(pc) =	sbr.rel @p0 .LBB2_5-.Ltmp2, $4  }
0x36: {  	[sflag:s25] =	ssyncset.done $0x0  }
0x37: {  	[sflag:s25] =	ssyncadd.s32 $0xFFFFD800  }
0x38: {  	[bflag:$0x0] =	sbarrier.arrive $0xFFFF  }
0x39: {  	p1 =	sgt.u32 s10, $0x4E1  }
0x3a: {  	s8 =	sadd.s32 @!p1 $0x0, s20;
	s13 =	simm.s32 @!p1 $0x0  }
0x3b: {  	[tilespmem:s13], [sflag:$0x1] =	stream.linear.gather @!p1 [hbm4b:s8+s13], $0x80, $0x38;
	[tilespmem:$0x18100] =	vst v63  }
0x3c: {  	s14 =	simm.s32 @!p1 $0x80;
	s17 =	simm.s32 @!p1 $0x1;
	s8 =	sadd.s32 @!p1 $0x0, s15  }
0x3d: {  	[tilespmem:s14], [sflag:$0x1] =	stream.linear.gather @!p1 [hbm4b:s8+s13], $0x80, $0x38;
	[tilespmem:$0x18100] =	vst v63  }
0x3e: {  	_ =	swait.ge @!p1 [sflag:s17], $0x80  }
0x3f: {  	[sflag:s17] =	ssyncset.done @!p1 $0x0;
	p1 =	por p1, p1  }
0x40: {  	[sflag:s17] =	ssyncadd.s32 @!p1 $0xFFFFFF80  }
0x41: {  	_ =	swait.ge @!p1 [sflag:s17], $0x80  }
0x42: {  	[sflag:s17] =	ssyncset.done @!p1 $0x0  }
0x43: {  	s9 =	simm.s32 @!p1 $0x100;
	[sflag:s17] =	ssyncadd.s32 @!p1 $0xFFFFFF80  }
0x44: {  	[tilespmem:s9], [sflag:$0x1] =	stream.indirect.gather @!p1 [hbm4b:s4+s14], $0x80, s13, s14, $0xb8;
	[tilespmem:$0x18100] =	vst v63  }
0x45: {  	_ =	swait.ge @!p1 [sflag:s17], $0x4000  }
0x46: {  	[sflag:s17] =	ssyncset.done @!p1 $0x0  }
0x47: {  	s8 =	simm.s32 @!p1 $0x2;
	[sflag:s17] =	ssyncadd.s32 @!p1 $0xFFFFC000  }
0x48: {  	[spmem:s1] =	stream.indirect.scatter.add.f32 @!p1 [tilespmem:s9], [sflag:$0x2], $0x80, s14, s14, $0xb8;
	[tilespmem:$0x18100] =	vst v63  }
0x49: {  	s13 =	simm.s32 $0x100;
	s14 =	sadd.s32 $0x10, s10;
	_ =	swait.ge @!p1 [sflag:s8], $0x4000  }
0x4a: {  	s17 =	simm.s32 $0x200;
	p2 =	sgt.u32 s14, $0x4E1;
	[sflag:s8] =	ssyncset.done @!p1 $0x0  }
.LBB2_3:
0x4b: {  	s9 =	sadd.s32 @!p2 s13, s20;
	s10 =	simm.s32 @!p2 $0x0;
	[sflag:s8] =	ssyncadd.s32 @!p1 $0xFFFFC000  }
0x4c: {  	[tilespmem:s10], [sflag:$0x1] =	stream.linear.gather @!p2 [hbm4b:s9+s10], $0x80, $0x38;
	[tilespmem:$0x18100] =	vst v63  }
0x4d: {  	s8 =	sadd.s32 @!p2 s13, s15;
	s7 =	simm.s32 @!p2 $0x1;
	s9 =	simm.s32 @!p2 $0x80  }
0x4e: {  	[tilespmem:s9], [sflag:$0x1] =	stream.linear.gather @!p2 [hbm4b:s8+s10], $0x80, $0x38;
	[tilespmem:$0x18100] =	vst v63  }
0x4f: {  	s13 =	smov.u32 s17;
	s17 =	sadd.s32 $0x100, s17;
	_ =	swait.ge @!p2 [sflag:s7], $0x80  }
0x50: {  	p1 =	por p2, p2;
	p3 =	seq.s32 s17, $0x4F00;
	[sflag:s7] =	ssyncset.done @!p2 $0x0  }
0x51: {  	[sflag:s7] =	ssyncadd.s32 @!p1 $0xFFFFFF80  }
0x52: {  	_ =	swait.ge @!p1 [sflag:s7], $0x80  }
0x53: {  	[sflag:s7] =	ssyncset.done @!p1 $0x0  }
0x54: {  	s2 =	simm.s32 @!p1 $0x100;
	[sflag:s7] =	ssyncadd.s32 @!p1 $0xFFFFFF80  }
0x55: {  	[tilespmem:s2], [sflag:$0x1] =	stream.indirect.gather @!p1 [hbm4b:s4+s9], $0x80, s10, s9, $0xb8;
	[tilespmem:$0x18100] =	vst v63  }
0x56: {  	_ =	swait.ge @!p1 [sflag:s7], $0x4000  }
.Ltmp3:
0x57: {  	[sflag:s7] =	ssyncset.done @!p1 $0x0;
	(pc) =	sbr.rel @!p3 .LBB2_3-.Ltmp3, $4  }
0x58: {  	s8 =	simm.s32 @!p1 $0x2;
	[sflag:s7] =	ssyncadd.s32 @!p1 $0xFFFFC000  }
0x59: {  	[spmem:s1] =	stream.indirect.scatter.add.f32 @!p1 [tilespmem:s2], [sflag:$0x2], $0x80, s9, s9, $0xb8;
	[tilespmem:$0x18100] =	vst v63  }
0x5a: {  	s14 =	sadd.s32 $0x10, s14;
	_ =	swait.ge @!p1 [sflag:s8], $0x4000  }
0x5b: {  	p2 =	sgt.u32 s14, $0x4E1;
	[sflag:s8] =	ssyncset.done @!p1 $0x0  }
0x5c: {  	s2 =	sadd.s32 @!p2 s13, s20;
	s7 =	simm.s32 @!p2 $0x0;
	[sflag:s8] =	ssyncadd.s32 @!p1 $0xFFFFC000  }
0x5d: {  	[tilespmem:s7], [sflag:$0x1] =	stream.linear.gather @!p2 [hbm4b:s2+s7], $0x80, $0x38;
	[tilespmem:$0x18100] =	vst v63  }
0x5e: {  	s8 =	simm.s32 @!p2 $0x80;
	s9 =	simm.s32 @!p2 $0x1;
	s2 =	sadd.s32 @!p2 s13, s15  }
0x5f: {  	[tilespmem:s8], [sflag:$0x1] =	stream.linear.gather @!p2 [hbm4b:s2+s7], $0x80, $0x38;
	[tilespmem:$0x18100] =	vst v63  }
0x60: {  	_ =	swait.ge @!p2 [sflag:s9], $0x80  }
0x61: {  	p1 =	por p2, p2;
	[sflag:s9] =	ssyncset.done @!p2 $0x0  }
0x62: {  	[sflag:s9] =	ssyncadd.s32 @!p1 $0xFFFFFF80  }
0x63: {  	_ =	swait.ge @!p1 [sflag:s9], $0x80  }
0x64: {  	[sflag:s9] =	ssyncset.done @!p1 $0x0  }
0x65: {  	s2 =	simm.s32 @!p1 $0x100;
	[sflag:s9] =	ssyncadd.s32 @!p1 $0xFFFFFF80  }
0x66: {  	[tilespmem:s2], [sflag:$0x1] =	stream.indirect.gather @!p1 [hbm4b:s4+s8], $0x80, s7, s8, $0xb8;
	[tilespmem:$0x18100] =	vst v63  }
0x67: {  	_ =	swait.ge @!p1 [sflag:s9], $0x4000  }
0x68: {  	[sflag:s9] =	ssyncset.done @!p1 $0x0  }
.Ltmp4:
0x69: {  	s7 =	simm.s32 @!p1 $0x2;
	[sflag:s9] =	ssyncadd.s32 @!p1 $0xFFFFC000;
	(pc) =	sbr.rel .LBB2_8-.Ltmp4, $4  }
0x6a: {  	[spmem:s1] =	stream.indirect.scatter.add.f32 @!p1 [tilespmem:s2], [sflag:$0x2], $0x80, s8, s8, $0xb8;
	[tilespmem:$0x18100] =	vst v63  }
0x6b: {  	_ =	swait.ge @!p1 [sflag:s7], $0x4000  }
0x6c: {  	[sflag:s7] =	ssyncset.done @!p1 $0x0  }
0x6d: {  	s10 =	stileid.u32;
	s8 =	rddreg [dreg:$0xc];
	[sflag:s7] =	ssyncadd.s32 @!p1 $0xFFFFC000  }
.LBB2_5:
0x6e: {  	s2 =	sadd.s32 @!p1 $0x0, s16;
	s7 =	simm.s32 @!p1 $0x0  }
0x6f: {  	[tilespmem:s7], [sflag:$0x1] =	stream.linear.gather @!p1 [hbm4b:s2+s7], $0x80, $0x38;
	[tilespmem:$0x18100] =	vst v63  }
0x70: {  	s9 =	simm.s32 @!p1 $0x80;
	s8 =	simm.s32 @!p1 $0x1;
	s2 =	sadd.s32 @!p1 $0x0, s15  }
0x71: {  	[tilespmem:s9], [sflag:$0x1] =	stream.linear.gather @!p1 [hbm4b:s2+s7], $0x80, $0x38;
	[tilespmem:$0x18100] =	vst v63  }
0x72: {  	_ =	swait.ge @!p1 [sflag:s8], $0x80  }
0x73: {  	[sflag:s8] =	ssyncset.done @!p1 $0x0;
	p1 =	por p1, p1  }
0x74: {  	[sflag:s8] =	ssyncadd.s32 @!p1 $0xFFFFFF80  }
0x75: {  	_ =	swait.ge @!p1 [sflag:s8], $0x80  }
0x76: {  	[sflag:s8] =	ssyncset.done @!p1 $0x0  }
0x77: {  	s2 =	simm.s32 @!p1 $0x100;
	[sflag:s8] =	ssyncadd.s32 @!p1 $0xFFFFFF80  }
0x78: {  	[tilespmem:s2], [sflag:$0x1] =	stream.indirect.gather @!p1 [hbm4b:s4+s9], $0x80, s7, s9, $0xb8;
	[tilespmem:$0x18100] =	vst v63  }
0x79: {  	_ =	swait.ge @!p1 [sflag:s8], $0x4000  }
0x7a: {  	[sflag:s8] =	ssyncset.done @!p1 $0x0  }
0x7b: {  	[sflag:s8] =	ssyncadd.s32 @!p1 $0xFFFFC000;
	s8 =	simm.s32 @!p1 $0x2  }
0x7c: {  	[spmem:s1] =	stream.indirect.scatter.add.f32 @!p1 [tilespmem:s2], [sflag:$0x2], $0x80, s9, s9, $0xb8;
	[tilespmem:$0x18100] =	vst v63  }
0x7d: {  	s13 =	simm.s32 $0x100;
	s14 =	sadd.s32 $0x10, s10;
	_ =	swait.ge @!p1 [sflag:s8], $0x4000  }
0x7e: {  	s17 =	simm.s32 $0x200;
	p2 =	sgt.u32 s14, $0x4E1;
	[sflag:s8] =	ssyncset.done @!p1 $0x0  }
.LBB2_6:
0x7f: {  	s2 =	sadd.s32 @!p2 s13, s16;
	s7 =	simm.s32 @!p2 $0x0;
	[sflag:s8] =	ssyncadd.s32 @!p1 $0xFFFFC000  }
0x80: {  	[tilespmem:s7], [sflag:$0x1] =	stream.linear.gather @!p2 [hbm4b:s2+s7], $0x80, $0x38;
	[tilespmem:$0x18100] =	vst v63  }
0x81: {  	s9 =	simm.s32 @!p2 $0x80;
	s8 =	simm.s32 @!p2 $0x1;
	s2 =	sadd.s32 @!p2 s13, s15  }
0x82: {  	[tilespmem:s9], [sflag:$0x1] =	stream.linear.gather @!p2 [hbm4b:s2+s7], $0x80, $0x38;
	[tilespmem:$0x18100] =	vst v63  }
0x83: {  	s13 =	smov.u32 s17;
	s17 =	sadd.s32 $0x100, s17;
	_ =	swait.ge @!p2 [sflag:s8], $0x80  }
0x84: {  	p1 =	por p2, p2;
	p3 =	sne.s32 s17, $0x4F00;
	[sflag:s8] =	ssyncset.done @!p2 $0x0  }
0x85: {  	[sflag:s8] =	ssyncadd.s32 @!p1 $0xFFFFFF80  }
0x86: {  	_ =	swait.ge @!p1 [sflag:s8], $0x80  }
0x87: {  	[sflag:s8] =	ssyncset.done @!p1 $0x0  }
0x88: {  	s2 =	simm.s32 @!p1 $0x100;
	[sflag:s8] =	ssyncadd.s32 @!p1 $0xFFFFFF80  }
0x89: {  	[tilespmem:s2], [sflag:$0x1] =	stream.indirect.gather @!p1 [hbm4b:s4+s9], $0x80, s7, s9, $0xb8;
	[tilespmem:$0x18100] =	vst v63  }
0x8a: {  	_ =	swait.ge @!p1 [sflag:s8], $0x4000  }
.Ltmp5:
0x8b: {  	[sflag:s8] =	ssyncset.done @!p1 $0x0;
	(pc) =	sbr.rel @p3 .LBB2_6-.Ltmp5, $4  }
0x8c: {  	[sflag:s8] =	ssyncadd.s32 @!p1 $0xFFFFC000;
	s8 =	simm.s32 @!p1 $0x2  }
0x8d: {  	[spmem:s1] =	stream.indirect.scatter.add.f32 @!p1 [tilespmem:s2], [sflag:$0x2], $0x80, s9, s9, $0xb8;
	[tilespmem:$0x18100] =	vst v63  }
0x8e: {  	s14 =	sadd.s32 $0x10, s14;
	_ =	swait.ge @!p1 [sflag:s8], $0x4000  }
0x8f: {  	p2 =	sgt.u32 s14, $0x4E1;
	[sflag:s8] =	ssyncset.done @!p1 $0x0  }
0x90: {  	s2 =	sadd.s32 @!p2 s13, s16;
	s7 =	simm.s32 @!p2 $0x0;
	[sflag:s8] =	ssyncadd.s32 @!p1 $0xFFFFC000  }
0x91: {  	[tilespmem:s7], [sflag:$0x1] =	stream.linear.gather @!p2 [hbm4b:s2+s7], $0x80, $0x38;
	[tilespmem:$0x18100] =	vst v63  }
0x92: {  	s8 =	simm.s32 @!p2 $0x80;
	s9 =	simm.s32 @!p2 $0x1;
	s2 =	sadd.s32 @!p2 s13, s15  }
0x93: {  	[tilespmem:s8], [sflag:$0x1] =	stream.linear.gather @!p2 [hbm4b:s2+s7], $0x80, $0x38;
	[tilespmem:$0x18100] =	vst v63  }
0x94: {  	_ =	swait.ge @!p2 [sflag:s9], $0x80  }
0x95: {  	p1 =	por p2, p2;
	[sflag:s9] =	ssyncset.done @!p2 $0x0  }
0x96: {  	[sflag:s9] =	ssyncadd.s32 @!p1 $0xFFFFFF80  }
0x97: {  	_ =	swait.ge @!p1 [sflag:s9], $0x80  }
0x98: {  	[sflag:s9] =	ssyncset.done @!p1 $0x0  }
0x99: {  	s2 =	simm.s32 @!p1 $0x100;
	[sflag:s9] =	ssyncadd.s32 @!p1 $0xFFFFFF80  }
0x9a: {  	[tilespmem:s2], [sflag:$0x1] =	stream.indirect.gather @!p1 [hbm4b:s4+s8], $0x80, s7, s8, $0xb8;
	[tilespmem:$0x18100] =	vst v63  }
0x9b: {  	_ =	swait.ge @!p1 [sflag:s9], $0x4000  }
0x9c: {  	[sflag:s9] =	ssyncset.done @!p1 $0x0  }
0x9d: {  	s7 =	simm.s32 @!p1 $0x2;
	[sflag:s9] =	ssyncadd.s32 @!p1 $0xFFFFC000  }
0x9e: {  	[spmem:s1] =	stream.indirect.scatter.add.f32 @!p1 [tilespmem:s2], [sflag:$0x2], $0x80, s8, s8, $0xb8;
	[tilespmem:$0x18100] =	vst v63  }
0x9f: {  	_ =	swait.ge @!p1 [sflag:s7], $0x4000  }
0xa0: {  	[sflag:s7] =	ssyncset.done @!p1 $0x0  }
0xa1: {  	s8 =	rddreg [dreg:$0x7];
	[sflag:s7] =	ssyncadd.s32 @!p1 $0xFFFFC000  }
.LBB2_8:
0xa2: {  	s2 =	rddreg [dreg:$0x4]  }
0xa3: {  	[bflag:$0x0] =	sbarrier.arrive $0xFFFF;
	s2 =	sadd.s32 s2, s8  }
0xa4: {  	[hbm:s2], [sflag:s11] =	dma.local [spmem:s12], $0x2800  }
0xa5: {  	_ =	swait.ge [sflag:s25], $0x2800  }
0xa6: {  	[sflag:s25] =	ssyncset.done $0x0  }
0xa7: {  	s17 =	rddreg [dreg:$0x3];
	[sflag:s25] =	ssyncadd.s32 $0xFFFFD800  }
0xa8: {  	[spmem:s12], [sflag:s11] =	dma.local [hbm:s17], $0x2800  }
.Ltmp6:
0xa9: {  	_ =	swait.ge [sflag:s25], $0x2800;
	(pc) =	sbr.rel @p0 .LBB2_12-.Ltmp6, $4  }
0xaa: {  	[sflag:s25] =	ssyncset.done $0x0  }
0xab: {  	[sflag:s25] =	ssyncadd.s32 $0xFFFFD800  }
0xac: {  	[bflag:$0x0] =	sbarrier.arrive $0xFFFF  }
0xad: {  	p1 =	sgt.u32 s10, $0x4E1  }
0xae: {  	s2 =	sadd.s32 @!p1 $0x0, s19;
	s7 =	simm.s32 @!p1 $0x0  }
0xaf: {  	[tilespmem:s7], [sflag:$0x1] =	stream.linear.gather @!p1 [hbm4b:s2+s7], $0x80, $0x38;
	[tilespmem:$0x18100] =	vst v63  }
0xb0: {  	s9 =	simm.s32 @!p1 $0x80;
	s8 =	simm.s32 @!p1 $0x1;
	s2 =	sadd.s32 @!p1 $0x0, s15  }
0xb1: {  	[tilespmem:s9], [sflag:$0x1] =	stream.linear.gather @!p1 [hbm4b:s2+s7], $0x80, $0x38;
	[tilespmem:$0x18100] =	vst v63  }
0xb2: {  	_ =	swait.ge @!p1 [sflag:s8], $0x80  }
0xb3: {  	[sflag:s8] =	ssyncset.done @!p1 $0x0;
	p1 =	por p1, p1  }
0xb4: {  	[sflag:s8] =	ssyncadd.s32 @!p1 $0xFFFFFF80  }
0xb5: {  	_ =	swait.ge @!p1 [sflag:s8], $0x80  }
0xb6: {  	[sflag:s8] =	ssyncset.done @!p1 $0x0  }
0xb7: {  	s2 =	simm.s32 @!p1 $0x100;
	[sflag:s8] =	ssyncadd.s32 @!p1 $0xFFFFFF80  }
0xb8: {  	[tilespmem:s2], [sflag:$0x1] =	stream.indirect.gather @!p1 [hbm4b:s4+s9], $0x80, s7, s9, $0xb8;
	[tilespmem:$0x18100] =	vst v63  }
0xb9: {  	_ =	swait.ge @!p1 [sflag:s8], $0x4000  }
0xba: {  	[sflag:s8] =	ssyncset.done @!p1 $0x0  }
0xbb: {  	[sflag:s8] =	ssyncadd.s32 @!p1 $0xFFFFC000;
	s8 =	simm.s32 @!p1 $0x2  }
0xbc: {  	[spmem:s1] =	stream.indirect.scatter.add.f32 @!p1 [tilespmem:s2], [sflag:$0x2], $0x80, s9, s9, $0xb8;
	[tilespmem:$0x18100] =	vst v63  }
0xbd: {  	s13 =	simm.s32 $0x100;
	s14 =	sadd.s32 $0x10, s10;
	_ =	swait.ge @!p1 [sflag:s8], $0x4000  }
0xbe: {  	s17 =	simm.s32 $0x200;
	p2 =	sgt.u32 s14, $0x4E1;
	[sflag:s8] =	ssyncset.done @!p1 $0x0  }
.LBB2_10:
0xbf: {  	s2 =	sadd.s32 @!p2 s13, s19;
	s7 =	simm.s32 @!p2 $0x0;
	[sflag:s8] =	ssyncadd.s32 @!p1 $0xFFFFC000  }
0xc0: {  	[tilespmem:s7], [sflag:$0x1] =	stream.linear.gather @!p2 [hbm4b:s2+s7], $0x80, $0x38;
	[tilespmem:$0x18100] =	vst v63  }
0xc1: {  	s9 =	simm.s32 @!p2 $0x80;
	s8 =	simm.s32 @!p2 $0x1;
	s2 =	sadd.s32 @!p2 s13, s15  }
0xc2: {  	[tilespmem:s9], [sflag:$0x1] =	stream.linear.gather @!p2 [hbm4b:s2+s7], $0x80, $0x38;
	[tilespmem:$0x18100] =	vst v63  }
0xc3: {  	s13 =	smov.u32 s17;
	s17 =	sadd.s32 $0x100, s17;
	_ =	swait.ge @!p2 [sflag:s8], $0x80  }
0xc4: {  	p1 =	por p2, p2;
	p3 =	seq.s32 s17, $0x4F00;
	[sflag:s8] =	ssyncset.done @!p2 $0x0  }
0xc5: {  	[sflag:s8] =	ssyncadd.s32 @!p1 $0xFFFFFF80  }
0xc6: {  	_ =	swait.ge @!p1 [sflag:s8], $0x80  }
0xc7: {  	[sflag:s8] =	ssyncset.done @!p1 $0x0  }
0xc8: {  	s2 =	simm.s32 @!p1 $0x100;
	[sflag:s8] =	ssyncadd.s32 @!p1 $0xFFFFFF80  }
0xc9: {  	[tilespmem:s2], [sflag:$0x1] =	stream.indirect.gather @!p1 [hbm4b:s4+s9], $0x80, s7, s9, $0xb8;
	[tilespmem:$0x18100] =	vst v63  }
0xca: {  	_ =	swait.ge @!p1 [sflag:s8], $0x4000  }
.Ltmp7:
0xcb: {  	[sflag:s8] =	ssyncset.done @!p1 $0x0;
	(pc) =	sbr.rel @!p3 .LBB2_10-.Ltmp7, $4  }
0xcc: {  	[sflag:s8] =	ssyncadd.s32 @!p1 $0xFFFFC000;
	s8 =	simm.s32 @!p1 $0x2  }
0xcd: {  	[spmem:s1] =	stream.indirect.scatter.add.f32 @!p1 [tilespmem:s2], [sflag:$0x2], $0x80, s9, s9, $0xb8;
	[tilespmem:$0x18100] =	vst v63  }
0xce: {  	s14 =	sadd.s32 $0x10, s14;
	_ =	swait.ge @!p1 [sflag:s8], $0x4000  }
0xcf: {  	p2 =	sgt.u32 s14, $0x4E1;
	[sflag:s8] =	ssyncset.done @!p1 $0x0  }
0xd0: {  	s2 =	sadd.s32 @!p2 s13, s19;
	s7 =	simm.s32 @!p2 $0x0;
	[sflag:s8] =	ssyncadd.s32 @!p1 $0xFFFFC000  }
0xd1: {  	[tilespmem:s7], [sflag:$0x1] =	stream.linear.gather @!p2 [hbm4b:s2+s7], $0x80, $0x38;
	[tilespmem:$0x18100] =	vst v63  }
0xd2: {  	s8 =	simm.s32 @!p2 $0x80;
	s9 =	simm.s32 @!p2 $0x1;
	s2 =	sadd.s32 @!p2 s13, s15  }
0xd3: {  	[tilespmem:s8], [sflag:$0x1] =	stream.linear.gather @!p2 [hbm4b:s2+s7], $0x80, $0x38;
	[tilespmem:$0x18100] =	vst v63  }
0xd4: {  	_ =	swait.ge @!p2 [sflag:s9], $0x80  }
0xd5: {  	p1 =	por p2, p2;
	[sflag:s9] =	ssyncset.done @!p2 $0x0  }
0xd6: {  	[sflag:s9] =	ssyncadd.s32 @!p1 $0xFFFFFF80  }
0xd7: {  	_ =	swait.ge @!p1 [sflag:s9], $0x80  }
0xd8: {  	[sflag:s9] =	ssyncset.done @!p1 $0x0  }
0xd9: {  	s2 =	simm.s32 @!p1 $0x100;
	[sflag:s9] =	ssyncadd.s32 @!p1 $0xFFFFFF80  }
0xda: {  	[tilespmem:s2], [sflag:$0x1] =	stream.indirect.gather @!p1 [hbm4b:s4+s8], $0x80, s7, s8, $0xb8;
	[tilespmem:$0x18100] =	vst v63  }
0xdb: {  	_ =	swait.ge @!p1 [sflag:s9], $0x4000  }
0xdc: {  	[sflag:s9] =	ssyncset.done @!p1 $0x0  }
.Ltmp8:
0xdd: {  	s7 =	simm.s32 @!p1 $0x2;
	[sflag:s9] =	ssyncadd.s32 @!p1 $0xFFFFC000;
	(pc) =	sbr.rel .LBB2_15-.Ltmp8, $4  }
0xde: {  	[spmem:s1] =	stream.indirect.scatter.add.f32 @!p1 [tilespmem:s2], [sflag:$0x2], $0x80, s8, s8, $0xb8;
	[tilespmem:$0x18100] =	vst v63  }
0xdf: {  	_ =	swait.ge @!p1 [sflag:s7], $0x4000  }
0xe0: {  	[sflag:s7] =	ssyncset.done @!p1 $0x0  }
0xe1: {  	s8 =	rddreg [dreg:$0x9];
	[sflag:s7] =	ssyncadd.s32 @!p1 $0xFFFFC000  }
.LBB2_12:
0xe2: {  	s2 =	sadd.s32 @!p1 $0x0, s18;
	s7 =	simm.s32 @!p1 $0x0  }
0xe3: {  	[tilespmem:s7], [sflag:$0x1] =	stream.linear.gather @!p1 [hbm4b:s2+s7], $0x80, $0x38;
	[tilespmem:$0x18100] =	vst v63  }
0xe4: {  	s9 =	simm.s32 @!p1 $0x80;
	s8 =	simm.s32 @!p1 $0x1;
	s2 =	sadd.s32 @!p1 $0x0, s15  }
0xe5: {  	[tilespmem:s9], [sflag:$0x1] =	stream.linear.gather @!p1 [hbm4b:s2+s7], $0x80, $0x38;
	[tilespmem:$0x18100] =	vst v63  }
0xe6: {  	_ =	swait.ge @!p1 [sflag:s8], $0x80  }
0xe7: {  	[sflag:s8] =	ssyncset.done @!p1 $0x0;
	p1 =	por p1, p1  }
0xe8: {  	[sflag:s8] =	ssyncadd.s32 @!p1 $0xFFFFFF80  }
0xe9: {  	_ =	swait.ge @!p1 [sflag:s8], $0x80  }
0xea: {  	[sflag:s8] =	ssyncset.done @!p1 $0x0  }
0xeb: {  	s2 =	simm.s32 @!p1 $0x100;
	[sflag:s8] =	ssyncadd.s32 @!p1 $0xFFFFFF80  }
0xec: {  	[tilespmem:s2], [sflag:$0x1] =	stream.indirect.gather @!p1 [hbm4b:s4+s9], $0x80, s7, s9, $0xb8;
	[tilespmem:$0x18100] =	vst v63  }
0xed: {  	_ =	swait.ge @!p1 [sflag:s8], $0x4000  }
0xee: {  	[sflag:s8] =	ssyncset.done @!p1 $0x0  }
0xef: {  	[sflag:s8] =	ssyncadd.s32 @!p1 $0xFFFFC000;
	s8 =	simm.s32 @!p1 $0x2  }
0xf0: {  	[spmem:s1] =	stream.indirect.scatter.add.f32 @!p1 [tilespmem:s2], [sflag:$0x2], $0x80, s9, s9, $0xb8;
	[tilespmem:$0x18100] =	vst v63  }
0xf1: {  	s13 =	simm.s32 $0x100;
	s14 =	sadd.s32 $0x10, s10;
	_ =	swait.ge @!p1 [sflag:s8], $0x4000  }
0xf2: {  	s17 =	simm.s32 $0x200;
	p2 =	sgt.u32 s14, $0x4E1;
	[sflag:s8] =	ssyncset.done @!p1 $0x0  }
.LBB2_13:
0xf3: {  	s2 =	sadd.s32 @!p2 s13, s18;
	s7 =	simm.s32 @!p2 $0x0;
	[sflag:s8] =	ssyncadd.s32 @!p1 $0xFFFFC000  }
0xf4: {  	[tilespmem:s7], [sflag:$0x1] =	stream.linear.gather @!p2 [hbm4b:s2+s7], $0x80, $0x38;
	[tilespmem:$0x18100] =	vst v63  }
0xf5: {  	s9 =	simm.s32 @!p2 $0x80;
	s8 =	simm.s32 @!p2 $0x1;
	s2 =	sadd.s32 @!p2 s13, s15  }
0xf6: {  	[tilespmem:s9], [sflag:$0x1] =	stream.linear.gather @!p2 [hbm4b:s2+s7], $0x80, $0x38;
	[tilespmem:$0x18100] =	vst v63  }
0xf7: {  	s13 =	smov.u32 s17;
	s17 =	sadd.s32 $0x100, s17;
	_ =	swait.ge @!p2 [sflag:s8], $0x80  }
0xf8: {  	p1 =	por p2, p2;
	p3 =	sne.s32 s17, $0x4F00;
	[sflag:s8] =	ssyncset.done @!p2 $0x0  }
0xf9: {  	[sflag:s8] =	ssyncadd.s32 @!p1 $0xFFFFFF80  }
0xfa: {  	_ =	swait.ge @!p1 [sflag:s8], $0x80  }
0xfb: {  	[sflag:s8] =	ssyncset.done @!p1 $0x0  }
0xfc: {  	s2 =	simm.s32 @!p1 $0x100;
	[sflag:s8] =	ssyncadd.s32 @!p1 $0xFFFFFF80  }
0xfd: {  	[tilespmem:s2], [sflag:$0x1] =	stream.indirect.gather @!p1 [hbm4b:s4+s9], $0x80, s7, s9, $0xb8;
	[tilespmem:$0x18100] =	vst v63  }
0xfe: {  	_ =	swait.ge @!p1 [sflag:s8], $0x4000  }
.Ltmp9:
0xff: {  	[sflag:s8] =	ssyncset.done @!p1 $0x0;
	(pc) =	sbr.rel @p3 .LBB2_13-.Ltmp9, $4  }
0x100: {  	[sflag:s8] =	ssyncadd.s32 @!p1 $0xFFFFC000;
	s8 =	simm.s32 @!p1 $0x2  }
0x101: {  	[spmem:s1] =	stream.indirect.scatter.add.f32 @!p1 [tilespmem:s2], [sflag:$0x2], $0x80, s9, s9, $0xb8;
	[tilespmem:$0x18100] =	vst v63  }
0x102: {  	s14 =	sadd.s32 $0x10, s14;
	_ =	swait.ge @!p1 [sflag:s8], $0x4000  }
0x103: {  	p2 =	sgt.u32 s14, $0x4E1;
	[sflag:s8] =	ssyncset.done @!p1 $0x0  }
0x104: {  	s2 =	sadd.s32 @!p2 s13, s18;
	s7 =	simm.s32 @!p2 $0x0;
	[sflag:s8] =	ssyncadd.s32 @!p1 $0xFFFFC000  }
0x105: {  	[tilespmem:s7], [sflag:$0x1] =	stream.linear.gather @!p2 [hbm4b:s2+s7], $0x80, $0x38;
	[tilespmem:$0x18100] =	vst v63  }
0x106: {  	s8 =	simm.s32 @!p2 $0x80;
	s9 =	simm.s32 @!p2 $0x1;
	s2 =	sadd.s32 @!p2 s13, s15  }
0x107: {  	[tilespmem:s8], [sflag:$0x1] =	stream.linear.gather @!p2 [hbm4b:s2+s7], $0x80, $0x38;
	[tilespmem:$0x18100] =	vst v63  }
0x108: {  	_ =	swait.ge @!p2 [sflag:s9], $0x80  }
0x109: {  	p1 =	por p2, p2;
	[sflag:s9] =	ssyncset.done @!p2 $0x0  }
0x10a: {  	[sflag:s9] =	ssyncadd.s32 @!p1 $0xFFFFFF80  }
0x10b: {  	_ =	swait.ge @!p1 [sflag:s9], $0x80  }
0x10c: {  	[sflag:s9] =	ssyncset.done @!p1 $0x0  }
0x10d: {  	s2 =	simm.s32 @!p1 $0x100;
	[sflag:s9] =	ssyncadd.s32 @!p1 $0xFFFFFF80  }
0x10e: {  	[tilespmem:s2], [sflag:$0x1] =	stream.indirect.gather @!p1 [hbm4b:s4+s8], $0x80, s7, s8, $0xb8;
	[tilespmem:$0x18100] =	vst v63  }
0x10f: {  	_ =	swait.ge @!p1 [sflag:s9], $0x4000  }
0x110: {  	[sflag:s9] =	ssyncset.done @!p1 $0x0  }
0x111: {  	s7 =	simm.s32 @!p1 $0x2;
	[sflag:s9] =	ssyncadd.s32 @!p1 $0xFFFFC000  }
0x112: {  	[spmem:s1] =	stream.indirect.scatter.add.f32 @!p1 [tilespmem:s2], [sflag:$0x2], $0x80, s8, s8, $0xb8;
	[tilespmem:$0x18100] =	vst v63  }
0x113: {  	_ =	swait.ge @!p1 [sflag:s7], $0x4000  }
0x114: {  	[sflag:s7] =	ssyncset.done @!p1 $0x0  }
0x115: {  	s8 =	rddreg [dreg:$0x8];
	[sflag:s7] =	ssyncadd.s32 @!p1 $0xFFFFC000  }
.LBB2_15:
0x116: {  	s2 =	rddreg [dreg:$0x4]  }
0x117: {  	[bflag:$0x0] =	sbarrier.arrive $0xFFFF;
	s2 =	sadd.s32 s2, s8  }
0x118: {  	[hbm:s2], [sflag:s11] =	dma.local [spmem:s12], $0x2800  }
0x119: {  	_ =	swait.ge [sflag:s25], $0x2800  }
0x11a: {  	[sflag:s25] =	ssyncset.done $0x0  }
0x11b: {  	s17 =	rddreg [dreg:$0x3];
	[sflag:s25] =	ssyncadd.s32 $0xFFFFD800  }
0x11c: {  	[spmem:s12], [sflag:s11] =	dma.local [hbm:s17], $0x2800  }
.Ltmp10:
0x11d: {  	_ =	swait.ge [sflag:s25], $0x2800;
	(pc) =	sbr.rel @p0 .LBB2_19-.Ltmp10, $4  }
0x11e: {  	[sflag:s25] =	ssyncset.done $0x0  }
0x11f: {  	[sflag:s25] =	ssyncadd.s32 $0xFFFFD800  }
0x120: {  	[bflag:$0x0] =	sbarrier.arrive $0xFFFF  }
0x121: {  	p1 =	sgt.u32 s10, $0x4E1  }
0x122: {  	s2 =	sadd.s32 @!p1 $0x0, s23;
	s7 =	simm.s32 @!p1 $0x0  }
0x123: {  	[tilespmem:s7], [sflag:$0x1] =	stream.linear.gather @!p1 [hbm4b:s2+s7], $0x80, $0x38;
	[tilespmem:$0x18100] =	vst v63  }
0x124: {  	s9 =	simm.s32 @!p1 $0x80;
	s8 =	simm.s32 @!p1 $0x1;
	s2 =	sadd.s32 @!p1 $0x0, s21  }
0x125: {  	[tilespmem:s9], [sflag:$0x1] =	stream.linear.gather @!p1 [hbm4b:s2+s7], $0x80, $0x38;
	[tilespmem:$0x18100] =	vst v63  }
0x126: {  	_ =	swait.ge @!p1 [sflag:s8], $0x80  }
0x127: {  	[sflag:s8] =	ssyncset.done @!p1 $0x0;
	p1 =	por p1, p1  }
0x128: {  	[sflag:s8] =	ssyncadd.s32 @!p1 $0xFFFFFF80  }
0x129: {  	_ =	swait.ge @!p1 [sflag:s8], $0x80  }
0x12a: {  	[sflag:s8] =	ssyncset.done @!p1 $0x0  }
0x12b: {  	s2 =	simm.s32 @!p1 $0x100;
	[sflag:s8] =	ssyncadd.s32 @!p1 $0xFFFFFF80  }
0x12c: {  	[tilespmem:s2], [sflag:$0x1] =	stream.indirect.gather @!p1 [hbm4b:s5+s9], $0x80, s7, s9, $0xb8;
	[tilespmem:$0x18100] =	vst v63  }
0x12d: {  	_ =	swait.ge @!p1 [sflag:s8], $0x4000  }
0x12e: {  	[sflag:s8] =	ssyncset.done @!p1 $0x0  }
0x12f: {  	[sflag:s8] =	ssyncadd.s32 @!p1 $0xFFFFC000;
	s8 =	simm.s32 @!p1 $0x2  }
0x130: {  	[spmem:s1] =	stream.indirect.scatter.add.f32 @!p1 [tilespmem:s2], [sflag:$0x2], $0x80, s9, s9, $0xb8;
	[tilespmem:$0x18100] =	vst v63  }
0x131: {  	s13 =	simm.s32 $0x100;
	s14 =	sadd.s32 $0x10, s10;
	_ =	swait.ge @!p1 [sflag:s8], $0x4000  }
0x132: {  	s17 =	simm.s32 $0x200;
	p2 =	sgt.u32 s14, $0x4E1;
	[sflag:s8] =	ssyncset.done @!p1 $0x0  }
.LBB2_17:
0x133: {  	s2 =	sadd.s32 @!p2 s13, s23;
	s7 =	simm.s32 @!p2 $0x0;
	[sflag:s8] =	ssyncadd.s32 @!p1 $0xFFFFC000  }
0x134: {  	[tilespmem:s7], [sflag:$0x1] =	stream.linear.gather @!p2 [hbm4b:s2+s7], $0x80, $0x38;
	[tilespmem:$0x18100] =	vst v63  }
0x135: {  	s9 =	simm.s32 @!p2 $0x80;
	s8 =	simm.s32 @!p2 $0x1;
	s2 =	sadd.s32 @!p2 s13, s21  }
0x136: {  	[tilespmem:s9], [sflag:$0x1] =	stream.linear.gather @!p2 [hbm4b:s2+s7], $0x80, $0x38;
	[tilespmem:$0x18100] =	vst v63  }
0x137: {  	s13 =	smov.u32 s17;
	s17 =	sadd.s32 $0x100, s17;
	_ =	swait.ge @!p2 [sflag:s8], $0x80  }
0x138: {  	p1 =	por p2, p2;
	p3 =	seq.s32 s17, $0x4F00;
	[sflag:s8] =	ssyncset.done @!p2 $0x0  }
0x139: {  	[sflag:s8] =	ssyncadd.s32 @!p1 $0xFFFFFF80  }
0x13a: {  	_ =	swait.ge @!p1 [sflag:s8], $0x80  }
0x13b: {  	[sflag:s8] =	ssyncset.done @!p1 $0x0  }
0x13c: {  	s2 =	simm.s32 @!p1 $0x100;
	[sflag:s8] =	ssyncadd.s32 @!p1 $0xFFFFFF80  }
0x13d: {  	[tilespmem:s2], [sflag:$0x1] =	stream.indirect.gather @!p1 [hbm4b:s5+s9], $0x80, s7, s9, $0xb8;
	[tilespmem:$0x18100] =	vst v63  }
0x13e: {  	_ =	swait.ge @!p1 [sflag:s8], $0x4000  }
.Ltmp11:
0x13f: {  	[sflag:s8] =	ssyncset.done @!p1 $0x0;
	(pc) =	sbr.rel @!p3 .LBB2_17-.Ltmp11, $4  }
0x140: {  	[sflag:s8] =	ssyncadd.s32 @!p1 $0xFFFFC000;
	s8 =	simm.s32 @!p1 $0x2  }
0x141: {  	[spmem:s1] =	stream.indirect.scatter.add.f32 @!p1 [tilespmem:s2], [sflag:$0x2], $0x80, s9, s9, $0xb8;
	[tilespmem:$0x18100] =	vst v63  }
0x142: {  	s14 =	sadd.s32 $0x10, s14;
	_ =	swait.ge @!p1 [sflag:s8], $0x4000  }
0x143: {  	p2 =	sgt.u32 s14, $0x4E1;
	[sflag:s8] =	ssyncset.done @!p1 $0x0  }
0x144: {  	s2 =	sadd.s32 @!p2 s13, s23;
	s7 =	simm.s32 @!p2 $0x0;
	[sflag:s8] =	ssyncadd.s32 @!p1 $0xFFFFC000  }
0x145: {  	[tilespmem:s7], [sflag:$0x1] =	stream.linear.gather @!p2 [hbm4b:s2+s7], $0x80, $0x38;
	[tilespmem:$0x18100] =	vst v63  }
0x146: {  	s8 =	simm.s32 @!p2 $0x80;
	s9 =	simm.s32 @!p2 $0x1;
	s2 =	sadd.s32 @!p2 s13, s21  }
0x147: {  	[tilespmem:s8], [sflag:$0x1] =	stream.linear.gather @!p2 [hbm4b:s2+s7], $0x80, $0x38;
	[tilespmem:$0x18100] =	vst v63  }
0x148: {  	_ =	swait.ge @!p2 [sflag:s9], $0x80  }
0x149: {  	p1 =	por p2, p2;
	[sflag:s9] =	ssyncset.done @!p2 $0x0  }
0x14a: {  	[sflag:s9] =	ssyncadd.s32 @!p1 $0xFFFFFF80  }
0x14b: {  	_ =	swait.ge @!p1 [sflag:s9], $0x80  }
0x14c: {  	[sflag:s9] =	ssyncset.done @!p1 $0x0  }
0x14d: {  	s2 =	simm.s32 @!p1 $0x100;
	[sflag:s9] =	ssyncadd.s32 @!p1 $0xFFFFFF80  }
0x14e: {  	[tilespmem:s2], [sflag:$0x1] =	stream.indirect.gather @!p1 [hbm4b:s5+s8], $0x80, s7, s8, $0xb8;
	[tilespmem:$0x18100] =	vst v63  }
0x14f: {  	_ =	swait.ge @!p1 [sflag:s9], $0x4000  }
0x150: {  	[sflag:s9] =	ssyncset.done @!p1 $0x0  }
.Ltmp12:
0x151: {  	s7 =	simm.s32 @!p1 $0x2;
	[sflag:s9] =	ssyncadd.s32 @!p1 $0xFFFFC000;
	(pc) =	sbr.rel .LBB2_22-.Ltmp12, $4  }
0x152: {  	[spmem:s1] =	stream.indirect.scatter.add.f32 @!p1 [tilespmem:s2], [sflag:$0x2], $0x80, s8, s8, $0xb8;
	[tilespmem:$0x18100] =	vst v63  }
0x153: {  	_ =	swait.ge @!p1 [sflag:s7], $0x4000  }
0x154: {  	[sflag:s7] =	ssyncset.done @!p1 $0x0  }
0x155: {  	s8 =	rddreg [dreg:$0xc];
	[sflag:s7] =	ssyncadd.s32 @!p1 $0xFFFFC000  }
.LBB2_19:
0x156: {  	s2 =	sadd.s32 @!p1 $0x0, s22;
	s7 =	simm.s32 @!p1 $0x0  }
0x157: {  	[tilespmem:s7], [sflag:$0x1] =	stream.linear.gather @!p1 [hbm4b:s2+s7], $0x80, $0x38;
	[tilespmem:$0x18100] =	vst v63  }
0x158: {  	s9 =	simm.s32 @!p1 $0x80;
	s8 =	simm.s32 @!p1 $0x1;
	s2 =	sadd.s32 @!p1 $0x0, s21  }
0x159: {  	[tilespmem:s9], [sflag:$0x1] =	stream.linear.gather @!p1 [hbm4b:s2+s7], $0x80, $0x38;
	[tilespmem:$0x18100] =	vst v63  }
0x15a: {  	_ =	swait.ge @!p1 [sflag:s8], $0x80  }
0x15b: {  	[sflag:s8] =	ssyncset.done @!p1 $0x0;
	p1 =	por p1, p1  }
0x15c: {  	[sflag:s8] =	ssyncadd.s32 @!p1 $0xFFFFFF80  }
0x15d: {  	_ =	swait.ge @!p1 [sflag:s8], $0x80  }
0x15e: {  	[sflag:s8] =	ssyncset.done @!p1 $0x0  }
0x15f: {  	s2 =	simm.s32 @!p1 $0x100;
	[sflag:s8] =	ssyncadd.s32 @!p1 $0xFFFFFF80  }
0x160: {  	[tilespmem:s2], [sflag:$0x1] =	stream.indirect.gather @!p1 [hbm4b:s5+s9], $0x80, s7, s9, $0xb8;
	[tilespmem:$0x18100] =	vst v63  }
0x161: {  	_ =	swait.ge @!p1 [sflag:s8], $0x4000  }
0x162: {  	[sflag:s8] =	ssyncset.done @!p1 $0x0  }
0x163: {  	[sflag:s8] =	ssyncadd.s32 @!p1 $0xFFFFC000;
	s8 =	simm.s32 @!p1 $0x2  }
0x164: {  	[spmem:s1] =	stream.indirect.scatter.add.f32 @!p1 [tilespmem:s2], [sflag:$0x2], $0x80, s9, s9, $0xb8;
	[tilespmem:$0x18100] =	vst v63  }
0x165: {  	s13 =	simm.s32 $0x100;
	s14 =	sadd.s32 $0x10, s10;
	_ =	swait.ge @!p1 [sflag:s8], $0x4000  }
0x166: {  	s17 =	simm.s32 $0x200;
	p2 =	sgt.u32 s14, $0x4E1;
	[sflag:s8] =	ssyncset.done @!p1 $0x0  }
.LBB2_20:
0x167: {  	s2 =	sadd.s32 @!p2 s13, s22;
	s7 =	simm.s32 @!p2 $0x0;
	[sflag:s8] =	ssyncadd.s32 @!p1 $0xFFFFC000  }
0x168: {  	[tilespmem:s7], [sflag:$0x1] =	stream.linear.gather @!p2 [hbm4b:s2+s7], $0x80, $0x38;
	[tilespmem:$0x18100] =	vst v63  }
0x169: {  	s9 =	simm.s32 @!p2 $0x80;
	s8 =	simm.s32 @!p2 $0x1;
	s2 =	sadd.s32 @!p2 s13, s21  }
0x16a: {  	[tilespmem:s9], [sflag:$0x1] =	stream.linear.gather @!p2 [hbm4b:s2+s7], $0x80, $0x38;
	[tilespmem:$0x18100] =	vst v63  }
0x16b: {  	s13 =	smov.u32 s17;
	s17 =	sadd.s32 $0x100, s17;
	_ =	swait.ge @!p2 [sflag:s8], $0x80  }
0x16c: {  	p1 =	por p2, p2;
	p3 =	sne.s32 s17, $0x4F00;
	[sflag:s8] =	ssyncset.done @!p2 $0x0  }
0x16d: {  	[sflag:s8] =	ssyncadd.s32 @!p1 $0xFFFFFF80  }
0x16e: {  	_ =	swait.ge @!p1 [sflag:s8], $0x80  }
0x16f: {  	[sflag:s8] =	ssyncset.done @!p1 $0x0  }
0x170: {  	s2 =	simm.s32 @!p1 $0x100;
	[sflag:s8] =	ssyncadd.s32 @!p1 $0xFFFFFF80  }
0x171: {  	[tilespmem:s2], [sflag:$0x1] =	stream.indirect.gather @!p1 [hbm4b:s5+s9], $0x80, s7, s9, $0xb8;
	[tilespmem:$0x18100] =	vst v63  }
0x172: {  	_ =	swait.ge @!p1 [sflag:s8], $0x4000  }
.Ltmp13:
0x173: {  	[sflag:s8] =	ssyncset.done @!p1 $0x0;
	(pc) =	sbr.rel @p3 .LBB2_20-.Ltmp13, $4  }
0x174: {  	[sflag:s8] =	ssyncadd.s32 @!p1 $0xFFFFC000;
	s8 =	simm.s32 @!p1 $0x2  }
0x175: {  	[spmem:s1] =	stream.indirect.scatter.add.f32 @!p1 [tilespmem:s2], [sflag:$0x2], $0x80, s9, s9, $0xb8;
	[tilespmem:$0x18100] =	vst v63  }
0x176: {  	s14 =	sadd.s32 $0x10, s14;
	_ =	swait.ge @!p1 [sflag:s8], $0x4000  }
0x177: {  	p2 =	sgt.u32 s14, $0x4E1;
	[sflag:s8] =	ssyncset.done @!p1 $0x0  }
0x178: {  	s2 =	sadd.s32 @!p2 s13, s22;
	s7 =	simm.s32 @!p2 $0x0;
	[sflag:s8] =	ssyncadd.s32 @!p1 $0xFFFFC000  }
0x179: {  	[tilespmem:s7], [sflag:$0x1] =	stream.linear.gather @!p2 [hbm4b:s2+s7], $0x80, $0x38;
	[tilespmem:$0x18100] =	vst v63  }
0x17a: {  	s8 =	simm.s32 @!p2 $0x80;
	s9 =	simm.s32 @!p2 $0x1;
	s2 =	sadd.s32 @!p2 s13, s21  }
0x17b: {  	[tilespmem:s8], [sflag:$0x1] =	stream.linear.gather @!p2 [hbm4b:s2+s7], $0x80, $0x38;
	[tilespmem:$0x18100] =	vst v63  }
0x17c: {  	_ =	swait.ge @!p2 [sflag:s9], $0x80  }
0x17d: {  	p1 =	por p2, p2;
	[sflag:s9] =	ssyncset.done @!p2 $0x0  }
0x17e: {  	[sflag:s9] =	ssyncadd.s32 @!p1 $0xFFFFFF80  }
0x17f: {  	_ =	swait.ge @!p1 [sflag:s9], $0x80  }
0x180: {  	[sflag:s9] =	ssyncset.done @!p1 $0x0  }
0x181: {  	s2 =	simm.s32 @!p1 $0x100;
	[sflag:s9] =	ssyncadd.s32 @!p1 $0xFFFFFF80  }
0x182: {  	[tilespmem:s2], [sflag:$0x1] =	stream.indirect.gather @!p1 [hbm4b:s5+s8], $0x80, s7, s8, $0xb8;
	[tilespmem:$0x18100] =	vst v63  }
0x183: {  	_ =	swait.ge @!p1 [sflag:s9], $0x4000  }
0x184: {  	[sflag:s9] =	ssyncset.done @!p1 $0x0  }
0x185: {  	s7 =	simm.s32 @!p1 $0x2;
	[sflag:s9] =	ssyncadd.s32 @!p1 $0xFFFFC000  }
0x186: {  	[spmem:s1] =	stream.indirect.scatter.add.f32 @!p1 [tilespmem:s2], [sflag:$0x2], $0x80, s8, s8, $0xb8;
	[tilespmem:$0x18100] =	vst v63  }
0x187: {  	_ =	swait.ge @!p1 [sflag:s7], $0x4000  }
0x188: {  	[sflag:s7] =	ssyncset.done @!p1 $0x0  }
0x189: {  	s8 =	rddreg [dreg:$0x7];
	[sflag:s7] =	ssyncadd.s32 @!p1 $0xFFFFC000  }
.LBB2_22:
0x18a: {  	s2 =	rddreg [dreg:$0x5]  }
0x18b: {  	[bflag:$0x0] =	sbarrier.arrive $0xFFFF;
	s2 =	sadd.s32 s2, s8  }
0x18c: {  	[hbm:s2], [sflag:s11] =	dma.local [spmem:s12], $0x2800  }
0x18d: {  	_ =	swait.ge [sflag:s25], $0x2800  }
0x18e: {  	[sflag:s25] =	ssyncset.done $0x0  }
0x18f: {  	s17 =	rddreg [dreg:$0x3];
	[sflag:s25] =	ssyncadd.s32 $0xFFFFD800  }
0x190: {  	[spmem:s12], [sflag:s11] =	dma.local [hbm:s17], $0x2800  }
.Ltmp14:
0x191: {  	_ =	swait.ge [sflag:s25], $0x2800;
	(pc) =	sbr.rel @p0 .LBB2_26-.Ltmp14, $4  }
0x192: {  	[sflag:s25] =	ssyncset.done $0x0  }
0x193: {  	[sflag:s25] =	ssyncadd.s32 $0xFFFFD800  }
0x194: {  	[bflag:$0x0] =	sbarrier.arrive $0xFFFF  }
0x195: {  	p1 =	sgt.u32 s10, $0x4E1  }
0x196: {  	s2 =	sadd.s32 @!p1 $0x0, s26;
	s7 =	simm.s32 @!p1 $0x0  }
0x197: {  	[tilespmem:s7], [sflag:$0x1] =	stream.linear.gather @!p1 [hbm4b:s2+s7], $0x80, $0x38;
	[tilespmem:$0x18100] =	vst v63  }
0x198: {  	s9 =	simm.s32 @!p1 $0x80;
	s8 =	simm.s32 @!p1 $0x1;
	s2 =	sadd.s32 @!p1 $0x0, s21  }
0x199: {  	[tilespmem:s9], [sflag:$0x1] =	stream.linear.gather @!p1 [hbm4b:s2+s7], $0x80, $0x38;
	[tilespmem:$0x18100] =	vst v63  }
0x19a: {  	_ =	swait.ge @!p1 [sflag:s8], $0x80  }
0x19b: {  	[sflag:s8] =	ssyncset.done @!p1 $0x0;
	p1 =	por p1, p1  }
0x19c: {  	[sflag:s8] =	ssyncadd.s32 @!p1 $0xFFFFFF80  }
0x19d: {  	_ =	swait.ge @!p1 [sflag:s8], $0x80  }
0x19e: {  	[sflag:s8] =	ssyncset.done @!p1 $0x0  }
0x19f: {  	s2 =	simm.s32 @!p1 $0x100;
	[sflag:s8] =	ssyncadd.s32 @!p1 $0xFFFFFF80  }
0x1a0: {  	[tilespmem:s2], [sflag:$0x1] =	stream.indirect.gather @!p1 [hbm4b:s5+s9], $0x80, s7, s9, $0xb8;
	[tilespmem:$0x18100] =	vst v63  }
0x1a1: {  	_ =	swait.ge @!p1 [sflag:s8], $0x4000  }
0x1a2: {  	[sflag:s8] =	ssyncset.done @!p1 $0x0  }
0x1a3: {  	[sflag:s8] =	ssyncadd.s32 @!p1 $0xFFFFC000;
	s8 =	simm.s32 @!p1 $0x2  }
0x1a4: {  	[spmem:s1] =	stream.indirect.scatter.add.f32 @!p1 [tilespmem:s2], [sflag:$0x2], $0x80, s9, s9, $0xb8;
	[tilespmem:$0x18100] =	vst v63  }
0x1a5: {  	s13 =	simm.s32 $0x100;
	s14 =	sadd.s32 $0x10, s10;
	_ =	swait.ge @!p1 [sflag:s8], $0x4000  }
0x1a6: {  	s17 =	simm.s32 $0x200;
	p2 =	sgt.u32 s14, $0x4E1;
	[sflag:s8] =	ssyncset.done @!p1 $0x0  }
.LBB2_24:
0x1a7: {  	s2 =	sadd.s32 @!p2 s13, s26;
	s7 =	simm.s32 @!p2 $0x0;
	[sflag:s8] =	ssyncadd.s32 @!p1 $0xFFFFC000  }
0x1a8: {  	[tilespmem:s7], [sflag:$0x1] =	stream.linear.gather @!p2 [hbm4b:s2+s7], $0x80, $0x38;
	[tilespmem:$0x18100] =	vst v63  }
0x1a9: {  	s9 =	simm.s32 @!p2 $0x80;
	s8 =	simm.s32 @!p2 $0x1;
	s2 =	sadd.s32 @!p2 s13, s21  }
0x1aa: {  	[tilespmem:s9], [sflag:$0x1] =	stream.linear.gather @!p2 [hbm4b:s2+s7], $0x80, $0x38;
	[tilespmem:$0x18100] =	vst v63  }
0x1ab: {  	s13 =	smov.u32 s17;
	s17 =	sadd.s32 $0x100, s17;
	_ =	swait.ge @!p2 [sflag:s8], $0x80  }
0x1ac: {  	p1 =	por p2, p2;
	p3 =	seq.s32 s17, $0x4F00;
	[sflag:s8] =	ssyncset.done @!p2 $0x0  }
0x1ad: {  	[sflag:s8] =	ssyncadd.s32 @!p1 $0xFFFFFF80  }
0x1ae: {  	_ =	swait.ge @!p1 [sflag:s8], $0x80  }
0x1af: {  	[sflag:s8] =	ssyncset.done @!p1 $0x0  }
0x1b0: {  	s2 =	simm.s32 @!p1 $0x100;
	[sflag:s8] =	ssyncadd.s32 @!p1 $0xFFFFFF80  }
0x1b1: {  	[tilespmem:s2], [sflag:$0x1] =	stream.indirect.gather @!p1 [hbm4b:s5+s9], $0x80, s7, s9, $0xb8;
	[tilespmem:$0x18100] =	vst v63  }
0x1b2: {  	_ =	swait.ge @!p1 [sflag:s8], $0x4000  }
.Ltmp15:
0x1b3: {  	[sflag:s8] =	ssyncset.done @!p1 $0x0;
	(pc) =	sbr.rel @!p3 .LBB2_24-.Ltmp15, $4  }
0x1b4: {  	[sflag:s8] =	ssyncadd.s32 @!p1 $0xFFFFC000;
	s8 =	simm.s32 @!p1 $0x2  }
0x1b5: {  	[spmem:s1] =	stream.indirect.scatter.add.f32 @!p1 [tilespmem:s2], [sflag:$0x2], $0x80, s9, s9, $0xb8;
	[tilespmem:$0x18100] =	vst v63  }
0x1b6: {  	s14 =	sadd.s32 $0x10, s14;
	_ =	swait.ge @!p1 [sflag:s8], $0x4000  }
0x1b7: {  	p2 =	sgt.u32 s14, $0x4E1;
	[sflag:s8] =	ssyncset.done @!p1 $0x0  }
0x1b8: {  	s2 =	sadd.s32 @!p2 s13, s26;
	s7 =	simm.s32 @!p2 $0x0;
	[sflag:s8] =	ssyncadd.s32 @!p1 $0xFFFFC000  }
0x1b9: {  	[tilespmem:s7], [sflag:$0x1] =	stream.linear.gather @!p2 [hbm4b:s2+s7], $0x80, $0x38;
	[tilespmem:$0x18100] =	vst v63  }
0x1ba: {  	s8 =	simm.s32 @!p2 $0x80;
	s9 =	simm.s32 @!p2 $0x1;
	s2 =	sadd.s32 @!p2 s13, s21  }
0x1bb: {  	[tilespmem:s8], [sflag:$0x1] =	stream.linear.gather @!p2 [hbm4b:s2+s7], $0x80, $0x38;
	[tilespmem:$0x18100] =	vst v63  }
0x1bc: {  	_ =	swait.ge @!p2 [sflag:s9], $0x80  }
0x1bd: {  	p1 =	por p2, p2;
	[sflag:s9] =	ssyncset.done @!p2 $0x0  }
0x1be: {  	[sflag:s9] =	ssyncadd.s32 @!p1 $0xFFFFFF80  }
0x1bf: {  	_ =	swait.ge @!p1 [sflag:s9], $0x80  }
0x1c0: {  	[sflag:s9] =	ssyncset.done @!p1 $0x0  }
0x1c1: {  	s2 =	simm.s32 @!p1 $0x100;
	[sflag:s9] =	ssyncadd.s32 @!p1 $0xFFFFFF80  }
0x1c2: {  	[tilespmem:s2], [sflag:$0x1] =	stream.indirect.gather @!p1 [hbm4b:s5+s8], $0x80, s7, s8, $0xb8;
	[tilespmem:$0x18100] =	vst v63  }
0x1c3: {  	_ =	swait.ge @!p1 [sflag:s9], $0x4000  }
0x1c4: {  	[sflag:s9] =	ssyncset.done @!p1 $0x0  }
.Ltmp16:
0x1c5: {  	s7 =	simm.s32 @!p1 $0x2;
	[sflag:s9] =	ssyncadd.s32 @!p1 $0xFFFFC000;
	(pc) =	sbr.rel .LBB2_29-.Ltmp16, $4  }
0x1c6: {  	[spmem:s1] =	stream.indirect.scatter.add.f32 @!p1 [tilespmem:s2], [sflag:$0x2], $0x80, s8, s8, $0xb8;
	[tilespmem:$0x18100] =	vst v63  }
0x1c7: {  	_ =	swait.ge @!p1 [sflag:s7], $0x4000  }
0x1c8: {  	[sflag:s7] =	ssyncset.done @!p1 $0x0  }
0x1c9: {  	s8 =	rddreg [dreg:$0x9];
	[sflag:s7] =	ssyncadd.s32 @!p1 $0xFFFFC000  }
.LBB2_26:
0x1ca: {  	s2 =	sadd.s32 @!p1 $0x0, s24;
	s7 =	simm.s32 @!p1 $0x0  }
0x1cb: {  	[tilespmem:s7], [sflag:$0x1] =	stream.linear.gather @!p1 [hbm4b:s2+s7], $0x80, $0x38;
	[tilespmem:$0x18100] =	vst v63  }
0x1cc: {  	s9 =	simm.s32 @!p1 $0x80;
	s8 =	simm.s32 @!p1 $0x1;
	s2 =	sadd.s32 @!p1 $0x0, s21  }
0x1cd: {  	[tilespmem:s9], [sflag:$0x1] =	stream.linear.gather @!p1 [hbm4b:s2+s7], $0x80, $0x38;
	[tilespmem:$0x18100] =	vst v63  }
0x1ce: {  	_ =	swait.ge @!p1 [sflag:s8], $0x80  }
0x1cf: {  	[sflag:s8] =	ssyncset.done @!p1 $0x0;
	p1 =	por p1, p1  }
0x1d0: {  	[sflag:s8] =	ssyncadd.s32 @!p1 $0xFFFFFF80  }
0x1d1: {  	_ =	swait.ge @!p1 [sflag:s8], $0x80  }
0x1d2: {  	[sflag:s8] =	ssyncset.done @!p1 $0x0  }
0x1d3: {  	s2 =	simm.s32 @!p1 $0x100;
	[sflag:s8] =	ssyncadd.s32 @!p1 $0xFFFFFF80  }
0x1d4: {  	[tilespmem:s2], [sflag:$0x1] =	stream.indirect.gather @!p1 [hbm4b:s5+s9], $0x80, s7, s9, $0xb8;
	[tilespmem:$0x18100] =	vst v63  }
0x1d5: {  	_ =	swait.ge @!p1 [sflag:s8], $0x4000  }
0x1d6: {  	[sflag:s8] =	ssyncset.done @!p1 $0x0  }
0x1d7: {  	[sflag:s8] =	ssyncadd.s32 @!p1 $0xFFFFC000;
	s8 =	simm.s32 @!p1 $0x2  }
0x1d8: {  	[spmem:s1] =	stream.indirect.scatter.add.f32 @!p1 [tilespmem:s2], [sflag:$0x2], $0x80, s9, s9, $0xb8;
	[tilespmem:$0x18100] =	vst v63  }
0x1d9: {  	s13 =	simm.s32 $0x100;
	s14 =	sadd.s32 $0x10, s10;
	_ =	swait.ge @!p1 [sflag:s8], $0x4000  }
0x1da: {  	s17 =	simm.s32 $0x200;
	p2 =	sgt.u32 s14, $0x4E1;
	[sflag:s8] =	ssyncset.done @!p1 $0x0  }
.LBB2_27:
0x1db: {  	s2 =	sadd.s32 @!p2 s13, s24;
	s7 =	simm.s32 @!p2 $0x0;
	[sflag:s8] =	ssyncadd.s32 @!p1 $0xFFFFC000  }
0x1dc: {  	[tilespmem:s7], [sflag:$0x1] =	stream.linear.gather @!p2 [hbm4b:s2+s7], $0x80, $0x38;
	[tilespmem:$0x18100] =	vst v63  }
0x1dd: {  	s9 =	simm.s32 @!p2 $0x80;
	s8 =	simm.s32 @!p2 $0x1;
	s2 =	sadd.s32 @!p2 s13, s21  }
0x1de: {  	[tilespmem:s9], [sflag:$0x1] =	stream.linear.gather @!p2 [hbm4b:s2+s7], $0x80, $0x38;
	[tilespmem:$0x18100] =	vst v63  }
0x1df: {  	s13 =	smov.u32 s17;
	s17 =	sadd.s32 $0x100, s17;
	_ =	swait.ge @!p2 [sflag:s8], $0x80  }
0x1e0: {  	p1 =	por p2, p2;
	p3 =	sne.s32 s17, $0x4F00;
	[sflag:s8] =	ssyncset.done @!p2 $0x0  }
0x1e1: {  	[sflag:s8] =	ssyncadd.s32 @!p1 $0xFFFFFF80  }
0x1e2: {  	_ =	swait.ge @!p1 [sflag:s8], $0x80  }
0x1e3: {  	[sflag:s8] =	ssyncset.done @!p1 $0x0  }
0x1e4: {  	s2 =	simm.s32 @!p1 $0x100;
	[sflag:s8] =	ssyncadd.s32 @!p1 $0xFFFFFF80  }
0x1e5: {  	[tilespmem:s2], [sflag:$0x1] =	stream.indirect.gather @!p1 [hbm4b:s5+s9], $0x80, s7, s9, $0xb8;
	[tilespmem:$0x18100] =	vst v63  }
0x1e6: {  	_ =	swait.ge @!p1 [sflag:s8], $0x4000  }
.Ltmp17:
0x1e7: {  	[sflag:s8] =	ssyncset.done @!p1 $0x0;
	(pc) =	sbr.rel @p3 .LBB2_27-.Ltmp17, $4  }
0x1e8: {  	[sflag:s8] =	ssyncadd.s32 @!p1 $0xFFFFC000;
	s8 =	simm.s32 @!p1 $0x2  }
0x1e9: {  	[spmem:s1] =	stream.indirect.scatter.add.f32 @!p1 [tilespmem:s2], [sflag:$0x2], $0x80, s9, s9, $0xb8;
	[tilespmem:$0x18100] =	vst v63  }
0x1ea: {  	s14 =	sadd.s32 $0x10, s14;
	_ =	swait.ge @!p1 [sflag:s8], $0x4000  }
0x1eb: {  	p2 =	sgt.u32 s14, $0x4E1;
	[sflag:s8] =	ssyncset.done @!p1 $0x0  }
0x1ec: {  	s2 =	sadd.s32 @!p2 s13, s24;
	s7 =	simm.s32 @!p2 $0x0;
	[sflag:s8] =	ssyncadd.s32 @!p1 $0xFFFFC000  }
0x1ed: {  	[tilespmem:s7], [sflag:$0x1] =	stream.linear.gather @!p2 [hbm4b:s2+s7], $0x80, $0x38;
	[tilespmem:$0x18100] =	vst v63  }
0x1ee: {  	s8 =	simm.s32 @!p2 $0x80;
	s9 =	simm.s32 @!p2 $0x1;
	s2 =	sadd.s32 @!p2 s13, s21  }
0x1ef: {  	[tilespmem:s8], [sflag:$0x1] =	stream.linear.gather @!p2 [hbm4b:s2+s7], $0x80, $0x38;
	[tilespmem:$0x18100] =	vst v63  }
0x1f0: {  	_ =	swait.ge @!p2 [sflag:s9], $0x80  }
0x1f1: {  	p1 =	por p2, p2;
	[sflag:s9] =	ssyncset.done @!p2 $0x0  }
0x1f2: {  	[sflag:s9] =	ssyncadd.s32 @!p1 $0xFFFFFF80  }
0x1f3: {  	_ =	swait.ge @!p1 [sflag:s9], $0x80  }
0x1f4: {  	[sflag:s9] =	ssyncset.done @!p1 $0x0  }
0x1f5: {  	s2 =	simm.s32 @!p1 $0x100;
	[sflag:s9] =	ssyncadd.s32 @!p1 $0xFFFFFF80  }
0x1f6: {  	[tilespmem:s2], [sflag:$0x1] =	stream.indirect.gather @!p1 [hbm4b:s5+s8], $0x80, s7, s8, $0xb8;
	[tilespmem:$0x18100] =	vst v63  }
0x1f7: {  	_ =	swait.ge @!p1 [sflag:s9], $0x4000  }
0x1f8: {  	[sflag:s9] =	ssyncset.done @!p1 $0x0  }
0x1f9: {  	s7 =	simm.s32 @!p1 $0x2;
	[sflag:s9] =	ssyncadd.s32 @!p1 $0xFFFFC000  }
0x1fa: {  	[spmem:s1] =	stream.indirect.scatter.add.f32 @!p1 [tilespmem:s2], [sflag:$0x2], $0x80, s8, s8, $0xb8;
	[tilespmem:$0x18100] =	vst v63  }
0x1fb: {  	_ =	swait.ge @!p1 [sflag:s7], $0x4000  }
0x1fc: {  	[sflag:s7] =	ssyncset.done @!p1 $0x0  }
0x1fd: {  	s8 =	rddreg [dreg:$0x8];
	[sflag:s7] =	ssyncadd.s32 @!p1 $0xFFFFC000  }
.LBB2_29:
0x1fe: {  	s2 =	rddreg [dreg:$0x5]  }
0x1ff: {  	[bflag:$0x0] =	sbarrier.arrive $0xFFFF;
	s2 =	sadd.s32 s2, s8  }
0x200: {  	[hbm:s2], [sflag:s11] =	dma.local [spmem:s12], $0x2800  }
0x201: {  	_ =	swait.ge [sflag:s25], $0x2800  }
0x202: {  	[sflag:s25] =	ssyncset.done $0x0  }
0x203: {  	s17 =	rddreg [dreg:$0x3];
	[sflag:s25] =	ssyncadd.s32 $0xFFFFD800  }
0x204: {  	[spmem:s12], [sflag:s11] =	dma.local [hbm:s17], $0x2800  }
.Ltmp18:
0x205: {  	_ =	swait.ge [sflag:s25], $0x2800;
	(pc) =	sbr.rel @p0 .LBB2_33-.Ltmp18, $4  }
0x206: {  	[sflag:s25] =	ssyncset.done $0x0  }
0x207: {  	[sflag:s25] =	ssyncadd.s32 $0xFFFFD800  }
0x208: {  	[bflag:$0x0] =	sbarrier.arrive $0xFFFF  }
0x209: {  	p1 =	sgt.u32 s10, $0x4E1  }
0x20a: {  	s2 =	sadd.s32 @!p1 $0x0, s30;
	s7 =	simm.s32 @!p1 $0x0  }
0x20b: {  	[tilespmem:s7], [sflag:$0x1] =	stream.linear.gather @!p1 [hbm4b:s2+s7], $0x80, $0x38;
	[tilespmem:$0x18100] =	vst v63  }
0x20c: {  	s9 =	simm.s32 @!p1 $0x80;
	s8 =	simm.s32 @!p1 $0x1;
	s2 =	sadd.s32 @!p1 $0x0, s29  }
0x20d: {  	[tilespmem:s9], [sflag:$0x1] =	stream.linear.gather @!p1 [hbm4b:s2+s7], $0x80, $0x38;
	[tilespmem:$0x18100] =	vst v63  }
0x20e: {  	_ =	swait.ge @!p1 [sflag:s8], $0x80  }
0x20f: {  	[sflag:s8] =	ssyncset.done @!p1 $0x0;
	p1 =	por p1, p1  }
0x210: {  	[sflag:s8] =	ssyncadd.s32 @!p1 $0xFFFFFF80  }
0x211: {  	_ =	swait.ge @!p1 [sflag:s8], $0x80  }
0x212: {  	[sflag:s8] =	ssyncset.done @!p1 $0x0  }
0x213: {  	s2 =	simm.s32 @!p1 $0x100;
	[sflag:s8] =	ssyncadd.s32 @!p1 $0xFFFFFF80  }
0x214: {  	[tilespmem:s2], [sflag:$0x1] =	stream.indirect.gather @!p1 [hbm4b:s6+s9], $0x80, s7, s9, $0xb8;
	[tilespmem:$0x18100] =	vst v63  }
0x215: {  	_ =	swait.ge @!p1 [sflag:s8], $0x4000  }
0x216: {  	[sflag:s8] =	ssyncset.done @!p1 $0x0  }
0x217: {  	[sflag:s8] =	ssyncadd.s32 @!p1 $0xFFFFC000;
	s8 =	simm.s32 @!p1 $0x2  }
0x218: {  	[spmem:s1] =	stream.indirect.scatter.add.f32 @!p1 [tilespmem:s2], [sflag:$0x2], $0x80, s9, s9, $0xb8;
	[tilespmem:$0x18100] =	vst v63  }
0x219: {  	s13 =	simm.s32 $0x100;
	s14 =	sadd.s32 $0x10, s10;
	_ =	swait.ge @!p1 [sflag:s8], $0x4000  }
0x21a: {  	s17 =	simm.s32 $0x200;
	p2 =	sgt.u32 s14, $0x4E1;
	[sflag:s8] =	ssyncset.done @!p1 $0x0  }
.LBB2_31:
0x21b: {  	s2 =	sadd.s32 @!p2 s13, s30;
	s7 =	simm.s32 @!p2 $0x0;
	[sflag:s8] =	ssyncadd.s32 @!p1 $0xFFFFC000  }
0x21c: {  	[tilespmem:s7], [sflag:$0x1] =	stream.linear.gather @!p2 [hbm4b:s2+s7], $0x80, $0x38;
	[tilespmem:$0x18100] =	vst v63  }
0x21d: {  	s9 =	simm.s32 @!p2 $0x80;
	s8 =	simm.s32 @!p2 $0x1;
	s2 =	sadd.s32 @!p2 s13, s29  }
0x21e: {  	[tilespmem:s9], [sflag:$0x1] =	stream.linear.gather @!p2 [hbm4b:s2+s7], $0x80, $0x38;
	[tilespmem:$0x18100] =	vst v63  }
0x21f: {  	s13 =	smov.u32 s17;
	s17 =	sadd.s32 $0x100, s17;
	_ =	swait.ge @!p2 [sflag:s8], $0x80  }
0x220: {  	p1 =	por p2, p2;
	p3 =	seq.s32 s17, $0x4F00;
	[sflag:s8] =	ssyncset.done @!p2 $0x0  }
0x221: {  	[sflag:s8] =	ssyncadd.s32 @!p1 $0xFFFFFF80  }
0x222: {  	_ =	swait.ge @!p1 [sflag:s8], $0x80  }
0x223: {  	[sflag:s8] =	ssyncset.done @!p1 $0x0  }
0x224: {  	s2 =	simm.s32 @!p1 $0x100;
	[sflag:s8] =	ssyncadd.s32 @!p1 $0xFFFFFF80  }
0x225: {  	[tilespmem:s2], [sflag:$0x1] =	stream.indirect.gather @!p1 [hbm4b:s6+s9], $0x80, s7, s9, $0xb8;
	[tilespmem:$0x18100] =	vst v63  }
0x226: {  	_ =	swait.ge @!p1 [sflag:s8], $0x4000  }
.Ltmp19:
0x227: {  	[sflag:s8] =	ssyncset.done @!p1 $0x0;
	(pc) =	sbr.rel @!p3 .LBB2_31-.Ltmp19, $4  }
0x228: {  	[sflag:s8] =	ssyncadd.s32 @!p1 $0xFFFFC000;
	s8 =	simm.s32 @!p1 $0x2  }
0x229: {  	[spmem:s1] =	stream.indirect.scatter.add.f32 @!p1 [tilespmem:s2], [sflag:$0x2], $0x80, s9, s9, $0xb8;
	[tilespmem:$0x18100] =	vst v63  }
0x22a: {  	s14 =	sadd.s32 $0x10, s14;
	_ =	swait.ge @!p1 [sflag:s8], $0x4000  }
0x22b: {  	p2 =	sgt.u32 s14, $0x4E1;
	[sflag:s8] =	ssyncset.done @!p1 $0x0  }
0x22c: {  	s2 =	sadd.s32 @!p2 s13, s30;
	s7 =	simm.s32 @!p2 $0x0;
	[sflag:s8] =	ssyncadd.s32 @!p1 $0xFFFFC000  }
0x22d: {  	[tilespmem:s7], [sflag:$0x1] =	stream.linear.gather @!p2 [hbm4b:s2+s7], $0x80, $0x38;
	[tilespmem:$0x18100] =	vst v63  }
0x22e: {  	s8 =	simm.s32 @!p2 $0x80;
	s9 =	simm.s32 @!p2 $0x1;
	s2 =	sadd.s32 @!p2 s13, s29  }
0x22f: {  	[tilespmem:s8], [sflag:$0x1] =	stream.linear.gather @!p2 [hbm4b:s2+s7], $0x80, $0x38;
	[tilespmem:$0x18100] =	vst v63  }
0x230: {  	_ =	swait.ge @!p2 [sflag:s9], $0x80  }
0x231: {  	p1 =	por p2, p2;
	[sflag:s9] =	ssyncset.done @!p2 $0x0  }
0x232: {  	[sflag:s9] =	ssyncadd.s32 @!p1 $0xFFFFFF80  }
0x233: {  	_ =	swait.ge @!p1 [sflag:s9], $0x80  }
0x234: {  	[sflag:s9] =	ssyncset.done @!p1 $0x0  }
0x235: {  	s2 =	simm.s32 @!p1 $0x100;
	[sflag:s9] =	ssyncadd.s32 @!p1 $0xFFFFFF80  }
0x236: {  	[tilespmem:s2], [sflag:$0x1] =	stream.indirect.gather @!p1 [hbm4b:s6+s8], $0x80, s7, s8, $0xb8;
	[tilespmem:$0x18100] =	vst v63  }
0x237: {  	_ =	swait.ge @!p1 [sflag:s9], $0x4000  }
0x238: {  	[sflag:s9] =	ssyncset.done @!p1 $0x0  }
.Ltmp20:
0x239: {  	s7 =	simm.s32 @!p1 $0x2;
	[sflag:s9] =	ssyncadd.s32 @!p1 $0xFFFFC000;
	(pc) =	sbr.rel .LBB2_36-.Ltmp20, $4  }
0x23a: {  	[spmem:s1] =	stream.indirect.scatter.add.f32 @!p1 [tilespmem:s2], [sflag:$0x2], $0x80, s8, s8, $0xb8;
	[tilespmem:$0x18100] =	vst v63  }
0x23b: {  	_ =	swait.ge @!p1 [sflag:s7], $0x4000  }
0x23c: {  	[sflag:s7] =	ssyncset.done @!p1 $0x0  }
0x23d: {  	s8 =	rddreg [dreg:$0xc];
	[sflag:s7] =	ssyncadd.s32 @!p1 $0xFFFFC000  }
.LBB2_33:
0x23e: {  	s2 =	sadd.s32 @!p1 $0x0, s28;
	s7 =	simm.s32 @!p1 $0x0  }
0x23f: {  	[tilespmem:s7], [sflag:$0x1] =	stream.linear.gather @!p1 [hbm4b:s2+s7], $0x80, $0x38;
	[tilespmem:$0x18100] =	vst v63  }
0x240: {  	s9 =	simm.s32 @!p1 $0x80;
	s8 =	simm.s32 @!p1 $0x1;
	s2 =	sadd.s32 @!p1 $0x0, s29  }
0x241: {  	[tilespmem:s9], [sflag:$0x1] =	stream.linear.gather @!p1 [hbm4b:s2+s7], $0x80, $0x38;
	[tilespmem:$0x18100] =	vst v63  }
0x242: {  	_ =	swait.ge @!p1 [sflag:s8], $0x80  }
0x243: {  	[sflag:s8] =	ssyncset.done @!p1 $0x0;
	p1 =	por p1, p1  }
0x244: {  	[sflag:s8] =	ssyncadd.s32 @!p1 $0xFFFFFF80  }
0x245: {  	_ =	swait.ge @!p1 [sflag:s8], $0x80  }
0x246: {  	[sflag:s8] =	ssyncset.done @!p1 $0x0  }
0x247: {  	s2 =	simm.s32 @!p1 $0x100;
	[sflag:s8] =	ssyncadd.s32 @!p1 $0xFFFFFF80  }
0x248: {  	[tilespmem:s2], [sflag:$0x1] =	stream.indirect.gather @!p1 [hbm4b:s6+s9], $0x80, s7, s9, $0xb8;
	[tilespmem:$0x18100] =	vst v63  }
0x249: {  	_ =	swait.ge @!p1 [sflag:s8], $0x4000  }
0x24a: {  	[sflag:s8] =	ssyncset.done @!p1 $0x0  }
0x24b: {  	[sflag:s8] =	ssyncadd.s32 @!p1 $0xFFFFC000;
	s8 =	simm.s32 @!p1 $0x2  }
0x24c: {  	[spmem:s1] =	stream.indirect.scatter.add.f32 @!p1 [tilespmem:s2], [sflag:$0x2], $0x80, s9, s9, $0xb8;
	[tilespmem:$0x18100] =	vst v63  }
0x24d: {  	s13 =	simm.s32 $0x100;
	s14 =	sadd.s32 $0x10, s10;
	_ =	swait.ge @!p1 [sflag:s8], $0x4000  }
0x24e: {  	s17 =	simm.s32 $0x200;
	p2 =	sgt.u32 s14, $0x4E1;
	[sflag:s8] =	ssyncset.done @!p1 $0x0  }
.LBB2_34:
0x24f: {  	s2 =	sadd.s32 @!p2 s13, s28;
	s7 =	simm.s32 @!p2 $0x0;
	[sflag:s8] =	ssyncadd.s32 @!p1 $0xFFFFC000  }
0x250: {  	[tilespmem:s7], [sflag:$0x1] =	stream.linear.gather @!p2 [hbm4b:s2+s7], $0x80, $0x38;
	[tilespmem:$0x18100] =	vst v63  }
0x251: {  	s9 =	simm.s32 @!p2 $0x80;
	s8 =	simm.s32 @!p2 $0x1;
	s2 =	sadd.s32 @!p2 s13, s29  }
0x252: {  	[tilespmem:s9], [sflag:$0x1] =	stream.linear.gather @!p2 [hbm4b:s2+s7], $0x80, $0x38;
	[tilespmem:$0x18100] =	vst v63  }
0x253: {  	s13 =	smov.u32 s17;
	s17 =	sadd.s32 $0x100, s17;
	_ =	swait.ge @!p2 [sflag:s8], $0x80  }
0x254: {  	p1 =	por p2, p2;
	p3 =	sne.s32 s17, $0x4F00;
	[sflag:s8] =	ssyncset.done @!p2 $0x0  }
0x255: {  	[sflag:s8] =	ssyncadd.s32 @!p1 $0xFFFFFF80  }
0x256: {  	_ =	swait.ge @!p1 [sflag:s8], $0x80  }
0x257: {  	[sflag:s8] =	ssyncset.done @!p1 $0x0  }
0x258: {  	s2 =	simm.s32 @!p1 $0x100;
	[sflag:s8] =	ssyncadd.s32 @!p1 $0xFFFFFF80  }
0x259: {  	[tilespmem:s2], [sflag:$0x1] =	stream.indirect.gather @!p1 [hbm4b:s6+s9], $0x80, s7, s9, $0xb8;
	[tilespmem:$0x18100] =	vst v63  }
0x25a: {  	_ =	swait.ge @!p1 [sflag:s8], $0x4000  }
.Ltmp21:
0x25b: {  	[sflag:s8] =	ssyncset.done @!p1 $0x0;
	(pc) =	sbr.rel @p3 .LBB2_34-.Ltmp21, $4  }
0x25c: {  	[sflag:s8] =	ssyncadd.s32 @!p1 $0xFFFFC000;
	s8 =	simm.s32 @!p1 $0x2  }
0x25d: {  	[spmem:s1] =	stream.indirect.scatter.add.f32 @!p1 [tilespmem:s2], [sflag:$0x2], $0x80, s9, s9, $0xb8;
	[tilespmem:$0x18100] =	vst v63  }
0x25e: {  	s14 =	sadd.s32 $0x10, s14;
	_ =	swait.ge @!p1 [sflag:s8], $0x4000  }
0x25f: {  	p2 =	sgt.u32 s14, $0x4E1;
	[sflag:s8] =	ssyncset.done @!p1 $0x0  }
0x260: {  	s2 =	sadd.s32 @!p2 s13, s28;
	s7 =	simm.s32 @!p2 $0x0;
	[sflag:s8] =	ssyncadd.s32 @!p1 $0xFFFFC000  }
0x261: {  	[tilespmem:s7], [sflag:$0x1] =	stream.linear.gather @!p2 [hbm4b:s2+s7], $0x80, $0x38;
	[tilespmem:$0x18100] =	vst v63  }
0x262: {  	s8 =	simm.s32 @!p2 $0x80;
	s9 =	simm.s32 @!p2 $0x1;
	s2 =	sadd.s32 @!p2 s13, s29  }
0x263: {  	[tilespmem:s8], [sflag:$0x1] =	stream.linear.gather @!p2 [hbm4b:s2+s7], $0x80, $0x38;
	[tilespmem:$0x18100] =	vst v63  }
0x264: {  	_ =	swait.ge @!p2 [sflag:s9], $0x80  }
0x265: {  	p1 =	por p2, p2;
	[sflag:s9] =	ssyncset.done @!p2 $0x0  }
0x266: {  	[sflag:s9] =	ssyncadd.s32 @!p1 $0xFFFFFF80  }
0x267: {  	_ =	swait.ge @!p1 [sflag:s9], $0x80  }
0x268: {  	[sflag:s9] =	ssyncset.done @!p1 $0x0  }
0x269: {  	s2 =	simm.s32 @!p1 $0x100;
	[sflag:s9] =	ssyncadd.s32 @!p1 $0xFFFFFF80  }
0x26a: {  	[tilespmem:s2], [sflag:$0x1] =	stream.indirect.gather @!p1 [hbm4b:s6+s8], $0x80, s7, s8, $0xb8;
	[tilespmem:$0x18100] =	vst v63  }
0x26b: {  	_ =	swait.ge @!p1 [sflag:s9], $0x4000  }
0x26c: {  	[sflag:s9] =	ssyncset.done @!p1 $0x0  }
0x26d: {  	s7 =	simm.s32 @!p1 $0x2;
	[sflag:s9] =	ssyncadd.s32 @!p1 $0xFFFFC000  }
0x26e: {  	[spmem:s1] =	stream.indirect.scatter.add.f32 @!p1 [tilespmem:s2], [sflag:$0x2], $0x80, s8, s8, $0xb8;
	[tilespmem:$0x18100] =	vst v63  }
0x26f: {  	_ =	swait.ge @!p1 [sflag:s7], $0x4000  }
0x270: {  	[sflag:s7] =	ssyncset.done @!p1 $0x0  }
0x271: {  	s8 =	rddreg [dreg:$0x7];
	[sflag:s7] =	ssyncadd.s32 @!p1 $0xFFFFC000  }
.LBB2_36:
0x272: {  	s2 =	rddreg [dreg:$0x6]  }
0x273: {  	[bflag:$0x0] =	sbarrier.arrive $0xFFFF;
	s2 =	sadd.s32 s2, s8  }
0x274: {  	[hbm:s2], [sflag:s11] =	dma.local [spmem:s12], $0x2800  }
0x275: {  	_ =	swait.ge [sflag:s25], $0x2800  }
0x276: {  	[sflag:s25] =	ssyncset.done $0x0  }
0x277: {  	s17 =	rddreg [dreg:$0x3];
	[sflag:s25] =	ssyncadd.s32 $0xFFFFD800  }
0x278: {  	[spmem:s12], [sflag:s11] =	dma.local [hbm:s17], $0x2800  }
.Ltmp22:
0x279: {  	_ =	swait.ge [sflag:s25], $0x2800;
	(pc) =	sbr.rel @p0 .LBB2_40-.Ltmp22, $4  }
0x27a: {  	[sflag:s25] =	ssyncset.done $0x0  }
0x27b: {  	[sflag:s25] =	ssyncadd.s32 $0xFFFFD800  }
0x27c: {  	[bflag:$0x0] =	sbarrier.arrive $0xFFFF  }
0x27d: {  	p1 =	sgt.u32 s10, $0x4E1  }
0x27e: {  	s2 =	sadd.s32 @!p1 $0x0, s0;
	s7 =	simm.s32 @!p1 $0x0  }
0x27f: {  	[tilespmem:s7], [sflag:$0x1] =	stream.linear.gather @!p1 [hbm4b:s2+s7], $0x80, $0x38;
	[tilespmem:$0x18100] =	vst v63  }
0x280: {  	s9 =	simm.s32 @!p1 $0x80;
	s8 =	simm.s32 @!p1 $0x1;
	s2 =	sadd.s32 @!p1 $0x0, s29  }
0x281: {  	[tilespmem:s9], [sflag:$0x1] =	stream.linear.gather @!p1 [hbm4b:s2+s7], $0x80, $0x38;
	[tilespmem:$0x18100] =	vst v63  }
0x282: {  	_ =	swait.ge @!p1 [sflag:s8], $0x80  }
0x283: {  	[sflag:s8] =	ssyncset.done @!p1 $0x0;
	p1 =	por p1, p1  }
0x284: {  	[sflag:s8] =	ssyncadd.s32 @!p1 $0xFFFFFF80  }
0x285: {  	_ =	swait.ge @!p1 [sflag:s8], $0x80  }
0x286: {  	[sflag:s8] =	ssyncset.done @!p1 $0x0  }
0x287: {  	s2 =	simm.s32 @!p1 $0x100;
	[sflag:s8] =	ssyncadd.s32 @!p1 $0xFFFFFF80  }
0x288: {  	[tilespmem:s2], [sflag:$0x1] =	stream.indirect.gather @!p1 [hbm4b:s6+s9], $0x80, s7, s9, $0xb8;
	[tilespmem:$0x18100] =	vst v63  }
0x289: {  	_ =	swait.ge @!p1 [sflag:s8], $0x4000  }
0x28a: {  	[sflag:s8] =	ssyncset.done @!p1 $0x0  }
0x28b: {  	[sflag:s8] =	ssyncadd.s32 @!p1 $0xFFFFC000;
	s8 =	simm.s32 @!p1 $0x2  }
0x28c: {  	[spmem:s1] =	stream.indirect.scatter.add.f32 @!p1 [tilespmem:s2], [sflag:$0x2], $0x80, s9, s9, $0xb8;
	[tilespmem:$0x18100] =	vst v63  }
0x28d: {  	s13 =	simm.s32 $0x100;
	s14 =	sadd.s32 $0x10, s10;
	_ =	swait.ge @!p1 [sflag:s8], $0x4000  }
0x28e: {  	s17 =	simm.s32 $0x200;
	p2 =	sgt.u32 s14, $0x4E1;
	[sflag:s8] =	ssyncset.done @!p1 $0x0  }
.LBB2_38:
0x28f: {  	s2 =	sadd.s32 @!p2 s13, s0;
	s7 =	simm.s32 @!p2 $0x0;
	[sflag:s8] =	ssyncadd.s32 @!p1 $0xFFFFC000  }
0x290: {  	[tilespmem:s7], [sflag:$0x1] =	stream.linear.gather @!p2 [hbm4b:s2+s7], $0x80, $0x38;
	[tilespmem:$0x18100] =	vst v63  }
0x291: {  	s9 =	simm.s32 @!p2 $0x80;
	s8 =	simm.s32 @!p2 $0x1;
	s2 =	sadd.s32 @!p2 s13, s29  }
0x292: {  	[tilespmem:s9], [sflag:$0x1] =	stream.linear.gather @!p2 [hbm4b:s2+s7], $0x80, $0x38;
	[tilespmem:$0x18100] =	vst v63  }
0x293: {  	s13 =	smov.u32 s17;
	s17 =	sadd.s32 $0x100, s17;
	_ =	swait.ge @!p2 [sflag:s8], $0x80  }
0x294: {  	p1 =	por p2, p2;
	p3 =	seq.s32 s17, $0x4F00;
	[sflag:s8] =	ssyncset.done @!p2 $0x0  }
0x295: {  	[sflag:s8] =	ssyncadd.s32 @!p1 $0xFFFFFF80  }
0x296: {  	_ =	swait.ge @!p1 [sflag:s8], $0x80  }
0x297: {  	[sflag:s8] =	ssyncset.done @!p1 $0x0  }
0x298: {  	s2 =	simm.s32 @!p1 $0x100;
	[sflag:s8] =	ssyncadd.s32 @!p1 $0xFFFFFF80  }
0x299: {  	[tilespmem:s2], [sflag:$0x1] =	stream.indirect.gather @!p1 [hbm4b:s6+s9], $0x80, s7, s9, $0xb8;
	[tilespmem:$0x18100] =	vst v63  }
0x29a: {  	_ =	swait.ge @!p1 [sflag:s8], $0x4000  }
.Ltmp23:
0x29b: {  	[sflag:s8] =	ssyncset.done @!p1 $0x0;
	(pc) =	sbr.rel @!p3 .LBB2_38-.Ltmp23, $4  }
0x29c: {  	[sflag:s8] =	ssyncadd.s32 @!p1 $0xFFFFC000;
	s8 =	simm.s32 @!p1 $0x2  }
0x29d: {  	[spmem:s1] =	stream.indirect.scatter.add.f32 @!p1 [tilespmem:s2], [sflag:$0x2], $0x80, s9, s9, $0xb8;
	[tilespmem:$0x18100] =	vst v63  }
0x29e: {  	s14 =	sadd.s32 $0x10, s14;
	_ =	swait.ge @!p1 [sflag:s8], $0x4000  }
0x29f: {  	p2 =	sgt.u32 s14, $0x4E1;
	[sflag:s8] =	ssyncset.done @!p1 $0x0  }
0x2a0: {  	s2 =	sadd.s32 @!p2 s13, s0;
	s7 =	simm.s32 @!p2 $0x0;
	[sflag:s8] =	ssyncadd.s32 @!p1 $0xFFFFC000  }
0x2a1: {  	[tilespmem:s7], [sflag:$0x1] =	stream.linear.gather @!p2 [hbm4b:s2+s7], $0x80, $0x38;
	[tilespmem:$0x18100] =	vst v63  }
0x2a2: {  	s8 =	simm.s32 @!p2 $0x80;
	s9 =	simm.s32 @!p2 $0x1;
	s2 =	sadd.s32 @!p2 s13, s29  }
0x2a3: {  	[tilespmem:s8], [sflag:$0x1] =	stream.linear.gather @!p2 [hbm4b:s2+s7], $0x80, $0x38;
	[tilespmem:$0x18100] =	vst v63  }
0x2a4: {  	_ =	swait.ge @!p2 [sflag:s9], $0x80  }
0x2a5: {  	p1 =	por p2, p2;
	[sflag:s9] =	ssyncset.done @!p2 $0x0  }
0x2a6: {  	[sflag:s9] =	ssyncadd.s32 @!p1 $0xFFFFFF80  }
0x2a7: {  	_ =	swait.ge @!p1 [sflag:s9], $0x80  }
0x2a8: {  	[sflag:s9] =	ssyncset.done @!p1 $0x0  }
0x2a9: {  	s2 =	simm.s32 @!p1 $0x100;
	[sflag:s9] =	ssyncadd.s32 @!p1 $0xFFFFFF80  }
0x2aa: {  	[tilespmem:s2], [sflag:$0x1] =	stream.indirect.gather @!p1 [hbm4b:s6+s8], $0x80, s7, s8, $0xb8;
	[tilespmem:$0x18100] =	vst v63  }
0x2ab: {  	_ =	swait.ge @!p1 [sflag:s9], $0x4000  }
0x2ac: {  	[sflag:s9] =	ssyncset.done @!p1 $0x0  }
.Ltmp24:
0x2ad: {  	s7 =	simm.s32 @!p1 $0x2;
	[sflag:s9] =	ssyncadd.s32 @!p1 $0xFFFFC000;
	(pc) =	sbr.rel .LBB2_43-.Ltmp24, $4  }
0x2ae: {  	[spmem:s1] =	stream.indirect.scatter.add.f32 @!p1 [tilespmem:s2], [sflag:$0x2], $0x80, s8, s8, $0xb8;
	[tilespmem:$0x18100] =	vst v63  }
0x2af: {  	_ =	swait.ge @!p1 [sflag:s7], $0x4000  }
0x2b0: {  	[sflag:s7] =	ssyncset.done @!p1 $0x0  }
0x2b1: {  	s8 =	rddreg [dreg:$0x9];
	[sflag:s7] =	ssyncadd.s32 @!p1 $0xFFFFC000  }
.LBB2_40:
0x2b2: {  	s2 =	sadd.s32 @!p1 $0x0, s31;
	s7 =	simm.s32 @!p1 $0x0  }
0x2b3: {  	[tilespmem:s7], [sflag:$0x1] =	stream.linear.gather @!p1 [hbm4b:s2+s7], $0x80, $0x38;
	[tilespmem:$0x18100] =	vst v63  }
0x2b4: {  	s9 =	simm.s32 @!p1 $0x80;
	s8 =	simm.s32 @!p1 $0x1;
	s2 =	sadd.s32 @!p1 $0x0, s29  }
0x2b5: {  	[tilespmem:s9], [sflag:$0x1] =	stream.linear.gather @!p1 [hbm4b:s2+s7], $0x80, $0x38;
	[tilespmem:$0x18100] =	vst v63  }
0x2b6: {  	_ =	swait.ge @!p1 [sflag:s8], $0x80  }
0x2b7: {  	[sflag:s8] =	ssyncset.done @!p1 $0x0;
	p1 =	por p1, p1  }
0x2b8: {  	[sflag:s8] =	ssyncadd.s32 @!p1 $0xFFFFFF80  }
0x2b9: {  	_ =	swait.ge @!p1 [sflag:s8], $0x80  }
0x2ba: {  	[sflag:s8] =	ssyncset.done @!p1 $0x0  }
0x2bb: {  	s2 =	simm.s32 @!p1 $0x100;
	[sflag:s8] =	ssyncadd.s32 @!p1 $0xFFFFFF80  }
0x2bc: {  	[tilespmem:s2], [sflag:$0x1] =	stream.indirect.gather @!p1 [hbm4b:s6+s9], $0x80, s7, s9, $0xb8;
	[tilespmem:$0x18100] =	vst v63  }
0x2bd: {  	_ =	swait.ge @!p1 [sflag:s8], $0x4000  }
0x2be: {  	[sflag:s8] =	ssyncset.done @!p1 $0x0  }
0x2bf: {  	[sflag:s8] =	ssyncadd.s32 @!p1 $0xFFFFC000;
	s8 =	simm.s32 @!p1 $0x2  }
0x2c0: {  	[spmem:s1] =	stream.indirect.scatter.add.f32 @!p1 [tilespmem:s2], [sflag:$0x2], $0x80, s9, s9, $0xb8;
	[tilespmem:$0x18100] =	vst v63  }
0x2c1: {  	s13 =	simm.s32 $0x100;
	s14 =	sadd.s32 $0x10, s10;
	_ =	swait.ge @!p1 [sflag:s8], $0x4000  }
0x2c2: {  	s17 =	simm.s32 $0x200;
	p2 =	sgt.u32 s14, $0x4E1;
	[sflag:s8] =	ssyncset.done @!p1 $0x0  }
.LBB2_41:
0x2c3: {  	s2 =	sadd.s32 @!p2 s13, s31;
	s7 =	simm.s32 @!p2 $0x0;
	[sflag:s8] =	ssyncadd.s32 @!p1 $0xFFFFC000  }
0x2c4: {  	[tilespmem:s7], [sflag:$0x1] =	stream.linear.gather @!p2 [hbm4b:s2+s7], $0x80, $0x38;
	[tilespmem:$0x18100] =	vst v63  }
0x2c5: {  	s9 =	simm.s32 @!p2 $0x80;
	s8 =	simm.s32 @!p2 $0x1;
	s2 =	sadd.s32 @!p2 s13, s29  }
0x2c6: {  	[tilespmem:s9], [sflag:$0x1] =	stream.linear.gather @!p2 [hbm4b:s2+s7], $0x80, $0x38;
	[tilespmem:$0x18100] =	vst v63  }
0x2c7: {  	s13 =	smov.u32 s17;
	s17 =	sadd.s32 $0x100, s17;
	_ =	swait.ge @!p2 [sflag:s8], $0x80  }
0x2c8: {  	p1 =	por p2, p2;
	p3 =	sne.s32 s17, $0x4F00;
	[sflag:s8] =	ssyncset.done @!p2 $0x0  }
0x2c9: {  	[sflag:s8] =	ssyncadd.s32 @!p1 $0xFFFFFF80  }
0x2ca: {  	_ =	swait.ge @!p1 [sflag:s8], $0x80  }
0x2cb: {  	[sflag:s8] =	ssyncset.done @!p1 $0x0  }
0x2cc: {  	s2 =	simm.s32 @!p1 $0x100;
	[sflag:s8] =	ssyncadd.s32 @!p1 $0xFFFFFF80  }
0x2cd: {  	[tilespmem:s2], [sflag:$0x1] =	stream.indirect.gather @!p1 [hbm4b:s6+s9], $0x80, s7, s9, $0xb8;
	[tilespmem:$0x18100] =	vst v63  }
0x2ce: {  	_ =	swait.ge @!p1 [sflag:s8], $0x4000  }
.Ltmp25:
0x2cf: {  	[sflag:s8] =	ssyncset.done @!p1 $0x0;
	(pc) =	sbr.rel @p3 .LBB2_41-.Ltmp25, $4  }
0x2d0: {  	[sflag:s8] =	ssyncadd.s32 @!p1 $0xFFFFC000;
	s8 =	simm.s32 @!p1 $0x2  }
0x2d1: {  	[spmem:s1] =	stream.indirect.scatter.add.f32 @!p1 [tilespmem:s2], [sflag:$0x2], $0x80, s9, s9, $0xb8;
	[tilespmem:$0x18100] =	vst v63  }
0x2d2: {  	s14 =	sadd.s32 $0x10, s14;
	_ =	swait.ge @!p1 [sflag:s8], $0x4000  }
0x2d3: {  	p2 =	sgt.u32 s14, $0x4E1;
	[sflag:s8] =	ssyncset.done @!p1 $0x0  }
.Ltmp26:
0x2d4: {  	_ = 	snop;
	(pc) =	sbr.rel .LBB2_42-.Ltmp26, $1  }
0x2d5: {  	_ =	sdelay $0x3  }
.LBB2_44:
0x2d6: {  	_ =	sfence.sel $0x180000  }
0x2d7: {  	[bflag:$0x0] =	sbarrier.arrive $0xFFFF  }
0x2d8: {  	_ =	strace $0x9000004D  }
0x2d9: {  	[bflag:$0x2] =	sbarrier.arrive $0xFFFF  }
0x2da: {  	p0 =	sne.s32 s10, $0x0;
	s0 =	rddreg [dreg:$0x2]  }
0x2db: {  	s0 =	sadd.s32 @!p0 $0x100000, s0  }
0x2dc: {  	[sflag:s0] =	ssyncadd.tile.s32 @!p0 $0x1;
	_ =	shalt  }
.Lfunc_end2:
_tile_overlayer_lowered:
.L_overlay_start_2:
0x2dd: {  	(tag) =	ssettag $0x2  }
0x2de: {  	s0 =	rddreg [dreg:$0x0];
	s2 =	stileid.u32  }
0x2df: {  	s1 =	rddreg [dreg:$0x1];
	p0 =	sne.s32 s2, $0x0  }
0x2e0: {  	s3 =	rddreg [dreg:$0x2];
	[bflag:$0x3] =	sbarrier.arrive $0xFFFF;
	s2 =	simm.s32 @!p0 $0x1C02  }
0x2e1: {  	[timem:s3], [sflag:s2] =	dma.local @!p0 [hbm:s0], s1  }
0x2e2: {  	s0 =	simm.s32 @!p0 $0x2  }
0x2e3: {  	_ =	swait.ge @!p0 [sflag:s0], s1  }
0x2e4: {  	s1 =	ssub.s32 @!p0 $0x0, s1;
	[sflag:s0] =	ssyncset.done @!p0 $0x0  }
0x2e5: {  	[sflag:s0] =	ssyncadd.s32 @!p0 s1  }
0x2e6: {  	[bflag:$0x3] =	sbarrier.arrive $0xFFFF  }
0x2e7: {  	_ =	shalt  }

// kernel: kernel.9.cloned.1.call-start
scs
__scs_entry_jumppad:
0x0: {  	(pc) =	sbr.rel $0x88, $3  }
0x1: {  	(tag) =	ssettag $0x0;
	lr =	simm.s32 $0x1  }
0x2: {  	[smem:$0x3F82] =	sst lr;
	_ =	strace $0xD0000000  }
0x3: {  	_ = 	snop  }
0x4: {  	_ = 	snop  }
0x5: {  	_ = 	snop  }
0x6: {  	_ = 	snop  }
0x7: {  	_ = 	snop  }
__scs_overlays_trampoline_lowered:
0x8: {  	[smem:$0x3F91] =	sst s0  }
0x9: {  	[smem:$0x3F92] =	sst s1  }
0xa: {  	[smem:$0x3F93] =	sst s2  }
0xb: {  	[smem:$0x3F94] =	sst s3  }
0xc: {  	[smem:$0x3F95] =	sst s4  }
0xd: {  	[smem:$0x3F96] =	sst s5  }
0xe: {  	[smem:$0x3F97] =	sst s6  }
0xf: {  	[smem:$0x3F98] =	sst s7  }
0x10: {  	[smem:$0x3F99] =	sst s8  }
0x11: {  	[smem:$0x3F9A] =	sst s9;
	s0 =	simm.s32 @!p0 $0x0  }
0x12: {  	s1 =	sld [smem:$0x3F80];
	s0 =	simm.s32 @p0 $0x1  }
0x13: {  	[smem:$0x3F9B] =	sst s0;
	s0 =	simm.s32 @!p1 $0x0  }
0x14: {  	s2 =	sld [smem:$0x3F7F];
	s0 =	simm.s32 @p1 $0x1  }
0x15: {  	[smem:$0x3F9C] =	sst s0;
	s0 =	simm.s32 @!p2 $0x0  }
0x16: {  	s3 =	sld [smem:$0x3FDB];
	s0 =	simm.s32 @p2 $0x1  }
0x17: {  	s4 =	simm.s32 $0x1BF5;
	[smem:$0x3F9E] =	sst s0  }
0x18: {  	s0 =	sld [smem:$0x3F81];
	_ =	swait.ge [sflag:s4], $0x0  }
0x19: {  	s7 =	sld [smem:$0x3F82]  }
0x1a: {  	s8 =	sadd.s32 $0xFFFFE003, lr  }
0x1b: {  	s9 =	sadd.s32 $0xFFFFFEF7, lr;
	s5 =	simm.s32 $0xFFFFFFFF;
	p2 =	slt.u32 s8, $0xFFFFF086  }
0x1c: {  	p1 =	slt.u32 s9, $0xF7A;
	s5 =	simm.s32 @!p2 $0x0  }
0x1d: {  	s5 =	simm.s32 @p1 $0x1;
	p0 =	seq.s32 s7, s2  }
0x1e: {  	s7 =	smul.u32 @!p0 $0xF7A, s2;
	p2 =	seq.s32 @!p0 s5, $0x0  }
0x1f: {  	s9 =	smul.u32 $0xF7A, s1;
	s8 =	simm.s32 @!p0 $0x1BF5;
	p2 =	por !p2, p0  }
0x20: {  	[sflag:s8] =	ssyncset.s32 @!p0 $0xFFFFF086;
	s6 =	sadd.s32 @!p0 s3, s7;
	s7 =	simm.s32 @!p0 $0x108  }
0x21: {  	s3 =	sadd.s32 s3, s9;
	s6 =	sadd.s32 @!p0 $0x88, s6;
	s7 =	simm.s32 @p2 $0x1082  }
0x22: {  	[simem:s7], [sflag:s8] =	dma.local @!p0 [hbm:s6], $0xF7A  }
0x23: {  	s9 =	sor.u32 $0xD0000000, s2;
	s6 =	simm.s32 $0x108;
	_ =	swait.ge @!p0 [sflag:s8], $0x0  }
0x24: {  	s3 =	sadd.s32 $0x88, s3;
	s6 =	simm.s32 @!p1 $0x1082;
	[sflag:s4] =	ssyncset.s32 $0xFFFFF086  }
0x25: {  	[simem:s6], [sflag:s4] =	dma.local [hbm:s3], $0xF7A  }
0x26: {  	[smem:$0x3F82] =	sst s1;
	(tag) =	ssettag s2;
	_ =	strace s9  }
0x27: {  	s1 =	sld [smem:$0x3F92]  }
0x28: {  	s2 =	sld [smem:$0x3F93]  }
0x29: {  	s4 =	sld [smem:$0x3F95]  }
0x2a: {  	p0 =	seq.s32 s5, $0x0;
	s5 =	sld [smem:$0x3F96]  }
0x2b: {  	s6 =	sld [smem:$0x3F97]  }
0x2c: {  	s7 =	sld [smem:$0x3F98]  }
0x2d: {  	s3 =	simm.s32 $0x108;
	s8 =	sld [smem:$0x3F99]  }
0x2e: {  	s3 =	simm.s32 @!p0 $0x1082;
	s9 =	sld [smem:$0x3F9A]  }
0x2f: {  	lr =	sadd.s32 s0, s3;
	s0 =	sld [smem:$0x3F91]  }
0x30: {  	s3 =	sld [smem:$0x3F94]  }
0x31: {  	[smem:$0x3F9D] =	sst s10  }
0x32: {  	s10 =	sld [smem:$0x3F9B];
	_ =	sdelay $0x3  }
0x33: {  	p0 =	seq.s32 s10, $0x1;
	s10 =	sld [smem:$0x3F9D];
	_ =	sdelay $0x3  }
0x34: {  	[smem:$0x3F9D] =	sst s10  }
0x35: {  	s10 =	sld [smem:$0x3F9C];
	_ =	sdelay $0x3  }
0x36: {  	p1 =	seq.s32 s10, $0x1;
	s10 =	sld [smem:$0x3F9D];
	_ =	sdelay $0x3  }
0x37: {  	[smem:$0x3F9D] =	sst s10  }
0x38: {  	s10 =	sld [smem:$0x3F9E]  }
0x39: {  	_ = 	snop;
	(pc) =	sbr.ind lr, $3  }
0x3a: {  	_ = 	snop  }
0x3b: {  	_ = 	snop  }
0x3c: {  	p2 =	seq.s32 s10, $0x1;
	s10 =	sld [smem:$0x3F9D]  }
0x3d: {  	_ =	shalt  }
0x3e: {  	_ =	shalt  }
0x3f: {  	_ =	shalt  }
0x40: {  	_ =	shalt  }
0x41: {  	_ =	shalt  }
0x42: {  	_ =	shalt  }
0x43: {  	_ =	shalt  }
0x44: {  	_ =	shalt  }
0x45: {  	_ =	shalt  }
0x46: {  	_ =	shalt  }
0x47: {  	_ =	shalt  }
0x48: {  	_ =	shalt  }
0x49: {  	_ =	shalt  }
0x4a: {  	_ =	shalt  }
0x4b: {  	_ =	shalt  }
0x4c: {  	_ =	shalt  }
0x4d: {  	_ =	shalt  }
0x4e: {  	_ =	shalt  }
0x4f: {  	_ =	shalt  }
0x50: {  	_ =	shalt  }
0x51: {  	_ =	shalt  }
0x52: {  	_ =	shalt  }
0x53: {  	_ =	shalt  }
0x54: {  	_ =	shalt  }
0x55: {  	_ =	shalt  }
0x56: {  	_ =	shalt  }
0x57: {  	_ =	shalt  }
0x58: {  	_ =	shalt  }
0x59: {  	_ =	shalt  }
0x5a: {  	_ =	shalt  }
0x5b: {  	_ =	shalt  }
0x5c: {  	_ =	shalt  }
0x5d: {  	_ =	shalt  }
0x5e: {  	_ =	shalt  }
0x5f: {  	_ =	shalt  }
0x60: {  	_ =	shalt  }
0x61: {  	_ =	shalt  }
0x62: {  	_ =	shalt  }
0x63: {  	_ =	shalt  }
0x64: {  	_ =	shalt  }
0x65: {  	_ =	shalt  }
0x66: {  	_ =	shalt  }
0x67: {  	_ =	shalt  }
0x68: {  	_ =	shalt  }
0x69: {  	_ =	shalt  }
0x6a: {  	_ =	shalt  }
0x6b: {  	_ =	shalt  }
0x6c: {  	_ =	shalt  }
0x6d: {  	_ =	shalt  }
0x6e: {  	_ =	shalt  }
0x6f: {  	_ =	shalt  }
0x70: {  	_ =	shalt  }
0x71: {  	_ =	shalt  }
0x72: {  	_ =	shalt  }
0x73: {  	_ =	shalt  }
0x74: {  	_ =	shalt  }
0x75: {  	_ =	shalt  }
0x76: {  	_ =	shalt  }
0x77: {  	_ =	shalt  }
0x78: {  	_ =	shalt  }
0x79: {  	_ =	shalt  }
0x7a: {  	_ =	shalt  }
0x7b: {  	_ =	shalt  }
0x7c: {  	_ =	shalt  }
0x7d: {  	_ =	shalt  }
0x7e: {  	_ =	shalt  }
0x7f: {  	_ =	shalt  }
0x80: {  	_ =	shalt  }
0x81: {  	_ =	shalt  }
0x82: {  	_ =	shalt  }
0x83: {  	_ =	shalt  }
0x84: {  	_ =	shalt  }
0x85: {  	_ =	shalt  }
0x86: {  	_ =	shalt  }
0x87: {  	_ =	shalt  }
.Lfunc_end0:
.L_simem_size_0:
called_computation_lowered:
.L_overlay_start_0:
0x88: {  	s2 =	sld [smem:$0x3FD9]  }
0x89: {  	s3 =	sld [smem:$0x3FFE];
	_ =	sdelay $0x1  }
0x8a: {  	s1 =	srdreg.scid  }
0x8b: {  	s0 =	sand.u32 $0x1, s1  }
0x8c: {  	s17 =	sshll.u32 s0, $0xA;
	s2 =	sadd.s32 s3, s2  }
0x8d: {  	s2 =	sadd.s32 s2, s17  }
0x8e: {  	[smem:$0x3FA9] =	sst s2  }
0x8f: {  	_ = 	snop  }
0x90: {  	s2 =	sld [smem:$0x3FC9]  }
0x91: {  	s18 =	sld [smem:$0x3FD0];
	(tm) =	ssettm $0x1  }
0x92: {  	s4 =	sld [smem:$0x3FFB];
	_ =	sdelay $0x3  }
0x93: {  	_ =	strace s4  }
0x94: {  	s4 =	sld [smem:$0x3FFC];
	_ =	sdelay $0x3  }
0x95: {  	_ =	strace s4  }
0x96: {  	s4 =	sld [smem:$0x3FFD];
	_ =	sdelay $0x3  }
0x97: {  	_ =	strace s4  }
0x98: {  	_ =	strace $0x8FFFFFFF  }
0x99: {  	s19 =	sld [smem:$0x3FDB];
	_ =	sdelay $0x1  }
0x9a: {  	s5 =	simm.s32 $_scs_section_size  }
0x9b: {  	s6 =	simm.s32 $_size__tile_overlayer_lowered;
	s7 =	simm.s32 $_tile_overlayer_lowered  }
0x9c: {  	s22 =	simm.s32 $0x1BFF;
	s21 =	sshll.u32 s7, $0x1;
	s4 =	sadd.s32 s5, s19  }
0x9d: {  	s8 =	simm.s32 $0x0;
	s20 =	sshll.u32 s6, $0x1;
	s6 =	sadd.s32 s21, s4  }
0x9e: {  	[timem:s8], [sflag:s22] =	dma.local [hbm:s6], s20  }
0x9f: {  	_ =	swait.ge [sflag:s22], s20  }
0xa0: {  	s5 =	ssub.s32 $0x0, s20;
	[sflag:s22] =	ssyncset.done $0x0  }
0xa1: {  	[sflag:s22] =	ssyncadd.s32 s5;
	_ =	sdelay $0x1  }
0xa2: {  	s23 =	simm.s32 $0x1B8B  }
0xa3: {  	_ =	swait.ge [sflag:s23], $0x1  }
0xa4: {  	[sflag:s23] =	ssyncset.done $0x0  }
0xa5: {  	s25 =	simm.s32 $0x1B8E;
	s24 =	sld [smem:$0x3FFE];
	[sflag:s23] =	ssyncadd.s32 $0xFFFFFFFF  }
0xa6: {  	s26 =	simm.s32 $execute0_lowered;
	[smem:$0x3FD2] =	sst s25  }
0xa7: {  	s6 =	sshll.u32 s26, $0x1;
	_ =	strace $0x80000046;
	[dreg:$0x1] =	wrdreg $0xFFFFFFFF  }
0xa8: {  	s28 =	simm.s32 $_size_execute0_lowered;
	s4 =	sadd.s32 s4, s6;
	[dreg:$0x0] =	wrdreg $0x0  }
0xa9: {  	s6 =	sshll.u32 s28, $0x1;
	[dreg:$0x2] =	wrdreg s4  }
0xaa: {  	[dreg:$0x3] =	wrdreg s6  }
0xab: {  	[dreg:$0x4] =	wrdreg $0xC0  }
0xac: {  	_ =	task [dreg:s8], $0x5FFFF  }
0xad: {  	[dreg:$0x1] =	wrdreg $0xFFFFFFFF  }
0xae: {  	[dreg:$0x0] =	wrdreg $0x60  }
0xaf: {  	[dreg:$0x2] =	wrdreg s2  }
0xb0: {  	[dreg:$0x3] =	wrdreg s24  }
0xb1: {  	[dreg:$0x4] =	wrdreg s18  }
0xb2: {  	[dreg:$0x5] =	wrdreg $0x41000  }
0xb3: {  	[dreg:$0x6] =	wrdreg $0x9  }
0xb4: {  	_ =	task.clear_ibuf [dreg:s8], $0x7FFFF;
	_ =	strace $0x90000046  }
0xb5: {  	s29 =	simm.s32 $0x9;
	_ =	strace $0x80000048  }
0xb6: {  	_ =	swait.ge [sflag:s29], $0x1  }
0xb7: {  	[sflag:s29] =	ssyncadd.s32 $0xFFFFFFFF  }
0xb8: {  	_ =	strace $0x90000048  }
0xb9: {  	_ =	sfence  }
0xba: {  	s30 =	sld [smem:$0x0];
	_ =	sdelay $0x2  }
0xbb: {  	s31 =	sshll.u32 s1, $0xD;
	s1 =	sshrl.u32 s1, $0x2  }
0xbc: {  	s3 =	sand.u32 $0x4000, s31;
	s1 =	sadd.s32 s1, s30  }
0xbd: {  	s0 =	sor.u32 s3, s0;
	s1 =	sshll.u32 s1, $0x11  }
0xbe: {  	s0 =	sor.u32 s1, s0  }
0xbf: {  	s0 =	sadd.s32 $0x8F2B, s0  }
0xc0: {  	[sflag:s0] =	ssyncadd.remote.s32 $0x1  }
0xc1: {  	_ =	sfence.sel $0xFFFF  }
0xc2: {  	[dreg:$0x0] =	wrdreg $0xFFFFFFFF;
	(pc) =	sbr.abs _section_cstart, $3  }
0xc3: {  	[dreg:$0x1] =	wrdreg $0xFFFFFFFF  }
0xc4: {  	_ =	task.clear_ibuf [dreg:s8], $0x2FFFF;
	_ =	strace $0x9FFFFFFF  }
0xc5: {  	(tm) =	ssettm $0x7FFFFFFF  }
tec
execute0_lowered:
.L_overlay_start_1:
0x0: {  	(tag) =	ssettag $0x1  }
0x1: {  	s1 =	rddreg [dreg:$0x0]  }
0x2: {  	s0 =	rddreg [dreg:$0x1]  }
0x3: {  	s4 =	rddreg [dreg:$0x2]  }
0x4: {  	s3 =	rddreg [dreg:$0x3];
	s2 =	simm.s32 $0x0;
	s15 =	srdreg.scid  }
0x5: {  	[smem:$0x7FF] =	sst s2;
	s2 =	stileid.u32;
	s5 =	sadd.s32 $0x23A00, s0  }
0x6: {  	s6 =	sadd.s32 $0x85C00, s0;
	s9 =	sadd.s32 $0x88400, s0;
	s10 =	sadd.s32 $0x218C00, s0  }
0x7: {  	s16 =	sadd.s32 $0x268C00, s0;
	_ =	strace $0x80000047;
	[dreg:$0x5] =	wrdreg s9  }
0x8: {  	s7 =	sshll.u32 s2, $0x4;
	s11 =	smul.u32 $0x50000, s2;
	[dreg:$0x6] =	wrdreg s10  }
0x9: {  	s9 =	sand.u32 $0x1, s15;
	s14 =	smul.u32 $0x14000, s2;
	[dreg:$0x7] =	wrdreg s16  }
0xa: {  	s10 =	sadd.s32 $0x88C00, s0;
	s13 =	smul.u32 $0x2800, s2;
	s17 =	ssub.s32 $0x2, s9  }
0xb: {  	s8 =	sadd.s32 s7, s0;
	p0 =	sne.s32 s9, $0x0;
	s12 =	sshrl.u32 s17, $0x1  }
0xc: {  	s11 =	sshrl.u32 s11, $0x2;
	s15 =	sshrl.u32 s14, $0x3;
	s18 =	sadd.s32 $0x3C0000, s14  }
0xd: {  	s19 =	sadd.s32 $0x280000, s14;
	s20 =	sadd.s32 $0x640000, s14;
	s21 =	sadd.s32 $0x500000, s14  }
0xe: {  	s22 =	sadd.s32 $0x8C0000, s14;
	s24 =	sadd.s32 s13, s10;
	s25 =	sadd.s32 $0x780000, s14  }
0xf: {  	s28 =	sadd.s32 $0x19A00, s8;
	s29 =	sadd.s32 $0xFA00, s8;
	[dreg:$0x9] =	wrdreg s18  }
0x10: {  	s30 =	sadd.s32 $0x8110, s8;
	s31 =	sadd.s32 $0xAA00, s8;
	[dreg:$0xa] =	wrdreg s19  }
0x11: {  	s14 =	sadd.s32 $0x79310, s8;
	s16 =	sadd.s32 $0x74310, s8;
	[dreg:$0xb] =	wrdreg s20  }
0x12: {  	s0 =	ssub.s32 s17, s12;
	s11 =	sadd.s32 s11, s3;
	[dreg:$0xc] =	wrdreg s21  }
0x13: {  	s12 =	sadd.s32 $0x28000, s15;
	[dreg:$0xd] =	wrdreg s22;
	s23 =	sadd.s32 s10, s15  }
0x14: {  	s19 =	sadd.s32 s7, s4;
	[dreg:$0xe] =	wrdreg s25;
	s4 =	sadd.s32 $0x140000, s24  }
0x15: {  	s24 =	sadd.s32 $0x1EA00, s8;
	s25 =	sadd.s32 $0x21110, s8;
	[dreg:$0x12] =	wrdreg s30  }
.Ltmp0:
0x16: {  	[dreg:$0x13] =	wrdreg s31;
	s15 =	sadd.s32 $0x71C00, s8;
	(pc) =	sbr.rel .LBB2_1-.Ltmp0, $4  }
0x17: {  	s18 =	simm.s32 $0x2;
	s20 =	simm.s32 $0x0;
	[dreg:$0x8] =	wrdreg s11  }
0x18: {  	s26 =	sadd.s32 $0x168000, s23;
	[dreg:$0x10] =	wrdreg s4;
	s0 =	smax.u32 s0, $0x1  }
0x19: {  	s4 =	sadd.s32 $0x76C00, s8;
	s17 =	sadd.s32 $0x2710, s19;
	[dreg:$0xf] =	wrdreg s26  }
0x1a: {  	[dreg:$0x11] =	wrdreg s0;
	s26 =	sadd.s32 $0x5A00, s8;
	s0 =	sadd.s32 $0xD110, s8  }
.LBB2_49:
0x1b: {  	s8 =	simm.s32 @!p2 $0x0;
	[sflag:s9] =	ssyncset.done @!p1 $0x0  }
0x1c: {  	s11 =	simm.s32 @!p2 $0x80;
	s23 =	simm.s32 @!p2 $0x3;
	[sflag:s9] =	ssyncadd.s32 @!p1 $0xFFFFC000  }
0x1d: {  	[tilespmem:s11], [sflag:$0x3] =	stream.linear.gather @!p2 [hbm4b:s7+s8], $0x80, $0x38;
	[tilespmem:$0x1C100] =	vst v63  }
0x1e: {  	_ =	swait.ge @!p2 [sflag:s23], $0x80  }
0x1f: {  	p1 =	por p2, p2;
	[sflag:s23] =	ssyncset.done @!p2 $0x0  }
0x20: {  	s7 =	simm.s32 @!p2 $0x2;
	s8 =	simm.s32 @!p1 $0x18100;
	[sflag:s23] =	ssyncadd.s32 @!p1 $0xFFFFFF80  }
0x21: {  	[spmem:s3] =	stream.indirect.scatter.add.f32 @!p1 [tilespmem:s8], [sflag:$0x2], $0x80, s11, s11, $0xb8;
	[tilespmem:$0x1C100] =	vst v63  }
0x22: {  	_ =	swait.ge @!p1 [sflag:s7], $0x4000  }
0x23: {  	[sflag:s7] =	ssyncset.done @!p1 $0x0  }
0x24: {  	[sflag:s7] =	ssyncadd.s32 @!p1 $0xFFFFC000;
	s7 =	rddreg [dreg:$0xf]  }
.LBB2_50:
0x25: {  	[bflag:$0x0] =	sbarrier.arrive $0xFFFF  }
0x26: {  	[hbm:s7], [sflag:s21] =	dma.local [spmem:s22], $0x2800  }
0x27: {  	_ =	swait.ge [sflag:s18], $0x2800  }
0x28: {  	s20 =	sadd.s32 $0x1, s20;
	s31 =	rddreg [dreg:$0x11]  }
0x29: {  	p1 =	sne.s32 s20, s31  }
.Ltmp1:
0x2a: {  	_ = 	snop;
	(pc) =	sbr.rel @!p1 .LBB2_51-.Ltmp1, $3  }
0x2b: {  	_ =	sdelay $0x1  }
0x2c: {  	[sflag:s18] =	ssyncset.done $0x0  }
0x2d: {  	[sflag:s18] =	ssyncadd.s32 $0xFFFFD800  }
.LBB2_1:
0x2e: {  	s7 =	simm.s32 $0x0;
	s8 =	rddreg [dreg:$0x5];
	s9 =	simm.s32 $0x18100  }
0x2f: {  	[tilespmem:s9], [sflag:$0x2] =	stream.linear.gather [hbm4b:s8+s7], $0x4000, $0x38;
	[tilespmem:$0x1C100] =	vst v63  }
0x30: {  	_ =	swait.ge [sflag:s18], $0x4000  }
0x31: {  	s30 =	sshll.u32 s2, $0x6;
	[sflag:s18] =	ssyncset.done $0x0;
	s31 =	rddreg [dreg:$0x8]  }
0x32: {  	s21 =	sor.u32 $0x1C02, s30;
	[sflag:s18] =	ssyncadd.s32 $0xFFFFC000;
	s22 =	sshrl.u32 s31, $0x3  }
0x33: {  	[spmem:s22], [sflag:s21] =	dma.local [hbm:s6], $0x2800  }
.Ltmp2:
0x34: {  	_ =	swait.ge [sflag:s18], $0x2800;
	(pc) =	sbr.rel @p0 .LBB2_5-.Ltmp2, $4  }
0x35: {  	[sflag:s18] =	ssyncset.done $0x0  }
0x36: {  	[sflag:s18] =	ssyncadd.s32 $0xFFFFD800  }
0x37: {  	[bflag:$0x0] =	sbarrier.arrive $0xFFFF  }
0x38: {  	p1 =	sgt.u32 s2, $0x270  }
0x39: {  	s7 =	sadd.s32 @!p1 $0x0, s24;
	s8 =	simm.s32 @!p1 $0x0  }
0x3a: {  	[tilespmem:s8], [sflag:$0x1] =	stream.linear.gather @!p1 [hbm4b:s7+s8], $0x80, $0x38;
	[tilespmem:$0x1C100] =	vst v63  }
0x3b: {  	s9 =	simm.s32 @!p1 $0x80;
	s11 =	simm.s32 @!p1 $0x1;
	s7 =	sadd.s32 @!p1 $0x0, s19  }
0x3c: {  	[tilespmem:s9], [sflag:$0x1] =	stream.linear.gather @!p1 [hbm4b:s7+s8], $0x80, $0x38;
	[tilespmem:$0x1C100] =	vst v63  }
0x3d: {  	_ =	swait.ge @!p1 [sflag:s11], $0x80  }
0x3e: {  	[sflag:s11] =	ssyncset.done @!p1 $0x0;
	p1 =	por p1, p1  }
0x3f: {  	[sflag:s11] =	ssyncadd.s32 @!p1 $0xFFFFFF80  }
0x40: {  	_ =	swait.ge @!p1 [sflag:s11], $0x80  }
0x41: {  	[sflag:s11] =	ssyncset.done @!p1 $0x0  }
0x42: {  	s7 =	simm.s32 @!p1 $0x100;
	[sflag:s11] =	ssyncadd.s32 @!p1 $0xFFFFFF80  }
0x43: {  	[tilespmem:s7], [sflag:$0x1] =	stream.indirect.gather @!p1 [hbm4b:s1+s9], $0x80, s8, s9, $0xb8;
	[tilespmem:$0x1C100] =	vst v63  }
0x44: {  	_ =	swait.ge @!p1 [sflag:s11], $0x4000  }
0x45: {  	[sflag:s11] =	ssyncset.done @!p1 $0x0  }
0x46: {  	s8 =	sadd.s32 $0x10, s2;
	[sflag:s11] =	ssyncadd.s32 @!p1 $0xFFFFC000;
	s11 =	simm.s32 @!p1 $0x2  }
0x47: {  	[spmem:s3] =	stream.indirect.scatter.add.f32 @!p1 [tilespmem:s7], [sflag:$0x2], $0x80, s9, s9, $0xb8;
	[tilespmem:$0x1C100] =	vst v63  }
0x48: {  	p2 =	sgt.u32 s8, $0x270;
	_ =	swait.ge @!p1 [sflag:s11], $0x4000  }
0x49: {  	s7 =	simm.s32 $0x100;
	s9 =	simm.s32 $0x200;
	[sflag:s11] =	ssyncset.done @!p1 $0x0  }
.LBB2_3:
0x4a: {  	s23 =	sadd.s32 @!p2 s7, s24;
	s30 =	simm.s32 @!p2 $0x0;
	[sflag:s11] =	ssyncadd.s32 @!p1 $0xFFFFC000  }
0x4b: {  	[tilespmem:s30], [sflag:$0x1] =	stream.linear.gather @!p2 [hbm4b:s23+s30], $0x80, $0x38;
	[tilespmem:$0x1C100] =	vst v63  }
0x4c: {  	s7 =	sadd.s32 @!p2 s7, s19;
	s11 =	simm.s32 @!p2 $0x1;
	s23 =	simm.s32 @!p2 $0x80  }
0x4d: {  	[tilespmem:s23], [sflag:$0x1] =	stream.linear.gather @!p2 [hbm4b:s7+s30], $0x80, $0x38;
	[tilespmem:$0x1C100] =	vst v63  }
0x4e: {  	s7 =	smov.u32 s9;
	s9 =	sadd.s32 $0x100, s9;
	_ =	swait.ge @!p2 [sflag:s11], $0x80  }
0x4f: {  	p1 =	por p2, p2;
	p3 =	seq.s32 s9, $0x2800;
	[sflag:s11] =	ssyncset.done @!p2 $0x0  }
0x50: {  	[sflag:s11] =	ssyncadd.s32 @!p1 $0xFFFFFF80  }
0x51: {  	_ =	swait.ge @!p1 [sflag:s11], $0x80  }
0x52: {  	[sflag:s11] =	ssyncset.done @!p1 $0x0  }
0x53: {  	s31 =	simm.s32 @!p1 $0x100;
	[sflag:s11] =	ssyncadd.s32 @!p1 $0xFFFFFF80  }
0x54: {  	[tilespmem:s31], [sflag:$0x1] =	stream.indirect.gather @!p1 [hbm4b:s1+s23], $0x80, s30, s23, $0xb8;
	[tilespmem:$0x1C100] =	vst v63  }
0x55: {  	_ =	swait.ge @!p1 [sflag:s11], $0x4000  }
.Ltmp3:
0x56: {  	[sflag:s11] =	ssyncset.done @!p1 $0x0;
	(pc) =	sbr.rel @!p3 .LBB2_3-.Ltmp3, $4  }
0x57: {  	[sflag:s11] =	ssyncadd.s32 @!p1 $0xFFFFC000;
	s11 =	simm.s32 @!p1 $0x2  }
0x58: {  	[spmem:s3] =	stream.indirect.scatter.add.f32 @!p1 [tilespmem:s31], [sflag:$0x2], $0x80, s23, s23, $0xb8;
	[tilespmem:$0x1C100] =	vst v63  }
0x59: {  	s8 =	sadd.s32 $0x10, s8;
	_ =	swait.ge @!p1 [sflag:s11], $0x4000  }
0x5a: {  	p2 =	sgt.u32 s8, $0x270;
	[sflag:s11] =	ssyncset.done @!p1 $0x0  }
0x5b: {  	s8 =	sadd.s32 @!p2 s7, s24;
	s9 =	simm.s32 @!p2 $0x0;
	[sflag:s11] =	ssyncadd.s32 @!p1 $0xFFFFC000  }
0x5c: {  	[tilespmem:s9], [sflag:$0x1] =	stream.linear.gather @!p2 [hbm4b:s8+s9], $0x80, $0x38;
	[tilespmem:$0x1C100] =	vst v63  }
0x5d: {  	s7 =	sadd.s32 @!p2 s7, s19;
	s11 =	simm.s32 @!p2 $0x1;
	s8 =	simm.s32 @!p2 $0x80  }
0x5e: {  	[tilespmem:s8], [sflag:$0x1] =	stream.linear.gather @!p2 [hbm4b:s7+s9], $0x80, $0x38;
	[tilespmem:$0x1C100] =	vst v63  }
0x5f: {  	_ =	swait.ge @!p2 [sflag:s11], $0x80  }
0x60: {  	p1 =	por p2, p2;
	[sflag:s11] =	ssyncset.done @!p2 $0x0  }
0x61: {  	[sflag:s11] =	ssyncadd.s32 @!p1 $0xFFFFFF80  }
0x62: {  	_ =	swait.ge @!p1 [sflag:s11], $0x80  }
0x63: {  	[sflag:s11] =	ssyncset.done @!p1 $0x0  }
0x64: {  	s7 =	simm.s32 @!p1 $0x100;
	[sflag:s11] =	ssyncadd.s32 @!p1 $0xFFFFFF80  }
0x65: {  	[tilespmem:s7], [sflag:$0x1] =	stream.indirect.gather @!p1 [hbm4b:s1+s8], $0x80, s9, s8, $0xb8;
	[tilespmem:$0x1C100] =	vst v63  }
0x66: {  	_ =	swait.ge @!p1 [sflag:s11], $0x4000  }
0x67: {  	[sflag:s11] =	ssyncset.done @!p1 $0x0  }
.Ltmp4:
0x68: {  	s9 =	simm.s32 @!p1 $0x2;
	[sflag:s11] =	ssyncadd.s32 @!p1 $0xFFFFC000;
	(pc) =	sbr.rel .LBB2_8-.Ltmp4, $4  }
0x69: {  	[spmem:s3] =	stream.indirect.scatter.add.f32 @!p1 [tilespmem:s7], [sflag:$0x2], $0x80, s8, s8, $0xb8;
	[tilespmem:$0x1C100] =	vst v63  }
0x6a: {  	_ =	swait.ge @!p1 [sflag:s9], $0x4000  }
0x6b: {  	[sflag:s9] =	ssyncset.done @!p1 $0x0  }
0x6c: {  	s7 =	smov.u32 s13;
	[sflag:s9] =	ssyncadd.s32 @!p1 $0xFFFFC000  }
.LBB2_5:
0x6d: {  	s7 =	sadd.s32 @!p1 $0x0, s25;
	s8 =	simm.s32 @!p1 $0x0  }
0x6e: {  	[tilespmem:s8], [sflag:$0x1] =	stream.linear.gather @!p1 [hbm4b:s7+s8], $0x80, $0x38;
	[tilespmem:$0x1C100] =	vst v63  }
0x6f: {  	s9 =	simm.s32 @!p1 $0x80;
	s11 =	simm.s32 @!p1 $0x1;
	s7 =	sadd.s32 @!p1 $0x0, s17  }
0x70: {  	[tilespmem:s9], [sflag:$0x1] =	stream.linear.gather @!p1 [hbm4b:s7+s8], $0x80, $0x38;
	[tilespmem:$0x1C100] =	vst v63  }
0x71: {  	_ =	swait.ge @!p1 [sflag:s11], $0x80  }
0x72: {  	[sflag:s11] =	ssyncset.done @!p1 $0x0;
	p1 =	por p1, p1  }
0x73: {  	[sflag:s11] =	ssyncadd.s32 @!p1 $0xFFFFFF80  }
0x74: {  	_ =	swait.ge @!p1 [sflag:s11], $0x80  }
0x75: {  	[sflag:s11] =	ssyncset.done @!p1 $0x0  }
0x76: {  	s7 =	simm.s32 @!p1 $0x100;
	[sflag:s11] =	ssyncadd.s32 @!p1 $0xFFFFFF80  }
0x77: {  	[tilespmem:s7], [sflag:$0x1] =	stream.indirect.gather @!p1 [hbm4b:s1+s9], $0x80, s8, s9, $0xb8;
	[tilespmem:$0x1C100] =	vst v63  }
0x78: {  	_ =	swait.ge @!p1 [sflag:s11], $0x4000  }
0x79: {  	[sflag:s11] =	ssyncset.done @!p1 $0x0  }
0x7a: {  	s8 =	sadd.s32 $0x10, s2;
	[sflag:s11] =	ssyncadd.s32 @!p1 $0xFFFFC000;
	s11 =	simm.s32 @!p1 $0x2  }
0x7b: {  	[spmem:s3] =	stream.indirect.scatter.add.f32 @!p1 [tilespmem:s7], [sflag:$0x2], $0x80, s9, s9, $0xb8;
	[tilespmem:$0x1C100] =	vst v63  }
0x7c: {  	p2 =	sgt.u32 s8, $0x270;
	_ =	swait.ge @!p1 [sflag:s11], $0x4000  }
0x7d: {  	s7 =	simm.s32 $0x100;
	s9 =	simm.s32 $0x200;
	[sflag:s11] =	ssyncset.done @!p1 $0x0  }
.LBB2_6:
0x7e: {  	s23 =	sadd.s32 @!p2 s7, s25;
	s30 =	simm.s32 @!p2 $0x0;
	[sflag:s11] =	ssyncadd.s32 @!p1 $0xFFFFC000  }
0x7f: {  	[tilespmem:s30], [sflag:$0x1] =	stream.linear.gather @!p2 [hbm4b:s23+s30], $0x80, $0x38;
	[tilespmem:$0x1C100] =	vst v63  }
0x80: {  	s7 =	sadd.s32 @!p2 s7, s17;
	s11 =	simm.s32 @!p2 $0x1;
	s23 =	simm.s32 @!p2 $0x80  }
0x81: {  	[tilespmem:s23], [sflag:$0x1] =	stream.linear.gather @!p2 [hbm4b:s7+s30], $0x80, $0x38;
	[tilespmem:$0x1C100] =	vst v63  }
0x82: {  	s7 =	smov.u32 s9;
	s9 =	sadd.s32 $0x100, s9;
	_ =	swait.ge @!p2 [sflag:s11], $0x80  }
0x83: {  	p1 =	por p2, p2;
	p3 =	sne.s32 s9, $0x2800;
	[sflag:s11] =	ssyncset.done @!p2 $0x0  }
0x84: {  	[sflag:s11] =	ssyncadd.s32 @!p1 $0xFFFFFF80  }
0x85: {  	_ =	swait.ge @!p1 [sflag:s11], $0x80  }
0x86: {  	[sflag:s11] =	ssyncset.done @!p1 $0x0  }
0x87: {  	s31 =	simm.s32 @!p1 $0x100;
	[sflag:s11] =	ssyncadd.s32 @!p1 $0xFFFFFF80  }
0x88: {  	[tilespmem:s31], [sflag:$0x1] =	stream.indirect.gather @!p1 [hbm4b:s1+s23], $0x80, s30, s23, $0xb8;
	[tilespmem:$0x1C100] =	vst v63  }
0x89: {  	_ =	swait.ge @!p1 [sflag:s11], $0x4000  }
.Ltmp5:
0x8a: {  	[sflag:s11] =	ssyncset.done @!p1 $0x0;
	(pc) =	sbr.rel @p3 .LBB2_6-.Ltmp5, $4  }
0x8b: {  	[sflag:s11] =	ssyncadd.s32 @!p1 $0xFFFFC000;
	s11 =	simm.s32 @!p1 $0x2  }
0x8c: {  	[spmem:s3] =	stream.indirect.scatter.add.f32 @!p1 [tilespmem:s31], [sflag:$0x2], $0x80, s23, s23, $0xb8;
	[tilespmem:$0x1C100] =	vst v63  }
0x8d: {  	s8 =	sadd.s32 $0x10, s8;
	_ =	swait.ge @!p1 [sflag:s11], $0x4000  }
0x8e: {  	p2 =	sgt.u32 s8, $0x270;
	[sflag:s11] =	ssyncset.done @!p1 $0x0  }
0x8f: {  	s8 =	sadd.s32 @!p2 s7, s25;
	s9 =	simm.s32 @!p2 $0x0;
	[sflag:s11] =	ssyncadd.s32 @!p1 $0xFFFFC000  }
0x90: {  	[tilespmem:s9], [sflag:$0x1] =	stream.linear.gather @!p2 [hbm4b:s8+s9], $0x80, $0x38;
	[tilespmem:$0x1C100] =	vst v63  }
0x91: {  	s7 =	sadd.s32 @!p2 s7, s17;
	s11 =	simm.s32 @!p2 $0x1;
	s8 =	simm.s32 @!p2 $0x80  }
0x92: {  	[tilespmem:s8], [sflag:$0x1] =	stream.linear.gather @!p2 [hbm4b:s7+s9], $0x80, $0x38;
	[tilespmem:$0x1C100] =	vst v63  }
0x93: {  	_ =	swait.ge @!p2 [sflag:s11], $0x80  }
0x94: {  	p1 =	por p2, p2;
	[sflag:s11] =	ssyncset.done @!p2 $0x0  }
0x95: {  	[sflag:s11] =	ssyncadd.s32 @!p1 $0xFFFFFF80  }
0x96: {  	_ =	swait.ge @!p1 [sflag:s11], $0x80  }
0x97: {  	[sflag:s11] =	ssyncset.done @!p1 $0x0  }
0x98: {  	s7 =	simm.s32 @!p1 $0x100;
	[sflag:s11] =	ssyncadd.s32 @!p1 $0xFFFFFF80  }
0x99: {  	[tilespmem:s7], [sflag:$0x1] =	stream.indirect.gather @!p1 [hbm4b:s1+s8], $0x80, s9, s8, $0xb8;
	[tilespmem:$0x1C100] =	vst v63  }
0x9a: {  	_ =	swait.ge @!p1 [sflag:s11], $0x4000  }
0x9b: {  	[sflag:s11] =	ssyncset.done @!p1 $0x0  }
0x9c: {  	s9 =	simm.s32 @!p1 $0x2;
	[sflag:s11] =	ssyncadd.s32 @!p1 $0xFFFFC000  }
0x9d: {  	[spmem:s3] =	stream.indirect.scatter.add.f32 @!p1 [tilespmem:s7], [sflag:$0x2], $0x80, s8, s8, $0xb8;
	[tilespmem:$0x1C100] =	vst v63  }
0x9e: {  	_ =	swait.ge @!p1 [sflag:s9], $0x4000  }
0x9f: {  	[sflag:s9] =	ssyncset.done @!p1 $0x0  }
0xa0: {  	s7 =	smov.u32 s12;
	[sflag:s9] =	ssyncadd.s32 @!p1 $0xFFFFC000  }
.LBB2_8:
0xa1: {  	s8 =	rddreg [dreg:$0x6]  }
0xa2: {  	[bflag:$0x0] =	sbarrier.arrive $0xFFFF;
	s7 =	sadd.s32 s8, s7  }
0xa3: {  	[hbm:s7], [sflag:s21] =	dma.local [spmem:s22], $0x2800  }
0xa4: {  	_ =	swait.ge [sflag:s18], $0x2800  }
0xa5: {  	[sflag:s18] =	ssyncset.done $0x0  }
0xa6: {  	[sflag:s18] =	ssyncadd.s32 $0xFFFFD800  }
0xa7: {  	[spmem:s22], [sflag:s21] =	dma.local [hbm:s6], $0x2800  }
.Ltmp6:
0xa8: {  	_ =	swait.ge [sflag:s18], $0x2800;
	(pc) =	sbr.rel @p0 .LBB2_12-.Ltmp6, $4  }
0xa9: {  	[sflag:s18] =	ssyncset.done $0x0  }
0xaa: {  	[sflag:s18] =	ssyncadd.s32 $0xFFFFD800  }
0xab: {  	[bflag:$0x0] =	sbarrier.arrive $0xFFFF  }
0xac: {  	p1 =	sgt.u32 s2, $0x4E1  }
0xad: {  	s7 =	sadd.s32 @!p1 $0x0, s29;
	s8 =	simm.s32 @!p1 $0x0  }
0xae: {  	[tilespmem:s8], [sflag:$0x1] =	stream.linear.gather @!p1 [hbm4b:s7+s8], $0x80, $0x38;
	[tilespmem:$0x1C100] =	vst v63  }
0xaf: {  	s9 =	simm.s32 @!p1 $0x80;
	s11 =	simm.s32 @!p1 $0x1;
	s7 =	sadd.s32 @!p1 $0x0, s26  }
0xb0: {  	[tilespmem:s9], [sflag:$0x1] =	stream.linear.gather @!p1 [hbm4b:s7+s8], $0x80, $0x38;
	[tilespmem:$0x1C100] =	vst v63  }
0xb1: {  	_ =	swait.ge @!p1 [sflag:s11], $0x80  }
0xb2: {  	[sflag:s11] =	ssyncset.done @!p1 $0x0;
	p1 =	por p1, p1  }
0xb3: {  	[sflag:s11] =	ssyncadd.s32 @!p1 $0xFFFFFF80  }
0xb4: {  	_ =	swait.ge @!p1 [sflag:s11], $0x80  }
0xb5: {  	[sflag:s11] =	ssyncset.done @!p1 $0x0  }
0xb6: {  	s7 =	simm.s32 @!p1 $0x100;
	[sflag:s11] =	ssyncadd.s32 @!p1 $0xFFFFFF80  }
0xb7: {  	[tilespmem:s7], [sflag:$0x1] =	stream.indirect.gather @!p1 [hbm4b:s5+s9], $0x80, s8, s9, $0xb8;
	[tilespmem:$0x1C100] =	vst v63  }
0xb8: {  	_ =	swait.ge @!p1 [sflag:s11], $0x4000  }
0xb9: {  	[sflag:s11] =	ssyncset.done @!p1 $0x0  }
0xba: {  	s8 =	sadd.s32 $0x10, s2;
	[sflag:s11] =	ssyncadd.s32 @!p1 $0xFFFFC000;
	s11 =	simm.s32 @!p1 $0x2  }
0xbb: {  	[spmem:s3] =	stream.indirect.scatter.add.f32 @!p1 [tilespmem:s7], [sflag:$0x2], $0x80, s9, s9, $0xb8;
	[tilespmem:$0x1C100] =	vst v63  }
0xbc: {  	p2 =	sgt.u32 s8, $0x4E1;
	_ =	swait.ge @!p1 [sflag:s11], $0x4000  }
0xbd: {  	s7 =	simm.s32 $0x100;
	s9 =	simm.s32 $0x200;
	[sflag:s11] =	ssyncset.done @!p1 $0x0  }
.LBB2_10:
0xbe: {  	s23 =	sadd.s32 @!p2 s7, s29;
	s30 =	simm.s32 @!p2 $0x0;
	[sflag:s11] =	ssyncadd.s32 @!p1 $0xFFFFC000  }
0xbf: {  	[tilespmem:s30], [sflag:$0x1] =	stream.linear.gather @!p2 [hbm4b:s23+s30], $0x80, $0x38;
	[tilespmem:$0x1C100] =	vst v63  }
0xc0: {  	s7 =	sadd.s32 @!p2 s7, s26;
	s11 =	simm.s32 @!p2 $0x1;
	s23 =	simm.s32 @!p2 $0x80  }
0xc1: {  	[tilespmem:s23], [sflag:$0x1] =	stream.linear.gather @!p2 [hbm4b:s7+s30], $0x80, $0x38;
	[tilespmem:$0x1C100] =	vst v63  }
0xc2: {  	s7 =	smov.u32 s9;
	s9 =	sadd.s32 $0x100, s9;
	_ =	swait.ge @!p2 [sflag:s11], $0x80  }
0xc3: {  	p1 =	por p2, p2;
	p3 =	seq.s32 s9, $0x4F00;
	[sflag:s11] =	ssyncset.done @!p2 $0x0  }
0xc4: {  	[sflag:s11] =	ssyncadd.s32 @!p1 $0xFFFFFF80  }
0xc5: {  	_ =	swait.ge @!p1 [sflag:s11], $0x80  }
0xc6: {  	[sflag:s11] =	ssyncset.done @!p1 $0x0  }
0xc7: {  	s31 =	simm.s32 @!p1 $0x100;
	[sflag:s11] =	ssyncadd.s32 @!p1 $0xFFFFFF80  }
0xc8: {  	[tilespmem:s31], [sflag:$0x1] =	stream.indirect.gather @!p1 [hbm4b:s5+s23], $0x80, s30, s23, $0xb8;
	[tilespmem:$0x1C100] =	vst v63  }
0xc9: {  	_ =	swait.ge @!p1 [sflag:s11], $0x4000  }
.Ltmp7:
0xca: {  	[sflag:s11] =	ssyncset.done @!p1 $0x0;
	(pc) =	sbr.rel @!p3 .LBB2_10-.Ltmp7, $4  }
0xcb: {  	[sflag:s11] =	ssyncadd.s32 @!p1 $0xFFFFC000;
	s11 =	simm.s32 @!p1 $0x2  }
0xcc: {  	[spmem:s3] =	stream.indirect.scatter.add.f32 @!p1 [tilespmem:s31], [sflag:$0x2], $0x80, s23, s23, $0xb8;
	[tilespmem:$0x1C100] =	vst v63  }
0xcd: {  	s8 =	sadd.s32 $0x10, s8;
	_ =	swait.ge @!p1 [sflag:s11], $0x4000  }
0xce: {  	p2 =	sgt.u32 s8, $0x4E1;
	[sflag:s11] =	ssyncset.done @!p1 $0x0  }
0xcf: {  	s8 =	sadd.s32 @!p2 s7, s29;
	s9 =	simm.s32 @!p2 $0x0;
	[sflag:s11] =	ssyncadd.s32 @!p1 $0xFFFFC000  }
0xd0: {  	[tilespmem:s9], [sflag:$0x1] =	stream.linear.gather @!p2 [hbm4b:s8+s9], $0x80, $0x38;
	[tilespmem:$0x1C100] =	vst v63  }
0xd1: {  	s7 =	sadd.s32 @!p2 s7, s26;
	s11 =	simm.s32 @!p2 $0x1;
	s8 =	simm.s32 @!p2 $0x80  }
0xd2: {  	[tilespmem:s8], [sflag:$0x1] =	stream.linear.gather @!p2 [hbm4b:s7+s9], $0x80, $0x38;
	[tilespmem:$0x1C100] =	vst v63  }
0xd3: {  	_ =	swait.ge @!p2 [sflag:s11], $0x80  }
0xd4: {  	p1 =	por p2, p2;
	[sflag:s11] =	ssyncset.done @!p2 $0x0  }
0xd5: {  	[sflag:s11] =	ssyncadd.s32 @!p1 $0xFFFFFF80  }
0xd6: {  	_ =	swait.ge @!p1 [sflag:s11], $0x80  }
0xd7: {  	[sflag:s11] =	ssyncset.done @!p1 $0x0  }
0xd8: {  	s7 =	simm.s32 @!p1 $0x100;
	[sflag:s11] =	ssyncadd.s32 @!p1 $0xFFFFFF80  }
0xd9: {  	[tilespmem:s7], [sflag:$0x1] =	stream.indirect.gather @!p1 [hbm4b:s5+s8], $0x80, s9, s8, $0xb8;
	[tilespmem:$0x1C100] =	vst v63  }
0xda: {  	_ =	swait.ge @!p1 [sflag:s11], $0x4000  }
0xdb: {  	[sflag:s11] =	ssyncset.done @!p1 $0x0  }
.Ltmp8:
0xdc: {  	s9 =	simm.s32 @!p1 $0x2;
	[sflag:s11] =	ssyncadd.s32 @!p1 $0xFFFFC000;
	(pc) =	sbr.rel .LBB2_15-.Ltmp8, $4  }
0xdd: {  	[spmem:s3] =	stream.indirect.scatter.add.f32 @!p1 [tilespmem:s7], [sflag:$0x2], $0x80, s8, s8, $0xb8;
	[tilespmem:$0x1C100] =	vst v63  }
0xde: {  	_ =	swait.ge @!p1 [sflag:s9], $0x4000  }
0xdf: {  	[sflag:s9] =	ssyncset.done @!p1 $0x0  }
0xe0: {  	s7 =	smov.u32 s13;
	[sflag:s9] =	ssyncadd.s32 @!p1 $0xFFFFC000  }
.LBB2_12:
0xe1: {  	s7 =	sadd.s32 @!p1 $0x0, s28;
	s8 =	simm.s32 @!p1 $0x0  }
0xe2: {  	[tilespmem:s8], [sflag:$0x1] =	stream.linear.gather @!p1 [hbm4b:s7+s8], $0x80, $0x38;
	[tilespmem:$0x1C100] =	vst v63  }
0xe3: {  	s9 =	simm.s32 @!p1 $0x80;
	s11 =	simm.s32 @!p1 $0x1;
	s7 =	sadd.s32 @!p1 $0x0, s26  }
0xe4: {  	[tilespmem:s9], [sflag:$0x1] =	stream.linear.gather @!p1 [hbm4b:s7+s8], $0x80, $0x38;
	[tilespmem:$0x1C100] =	vst v63  }
0xe5: {  	_ =	swait.ge @!p1 [sflag:s11], $0x80  }
0xe6: {  	[sflag:s11] =	ssyncset.done @!p1 $0x0;
	p1 =	por p1, p1  }
0xe7: {  	[sflag:s11] =	ssyncadd.s32 @!p1 $0xFFFFFF80  }
0xe8: {  	_ =	swait.ge @!p1 [sflag:s11], $0x80  }
0xe9: {  	[sflag:s11] =	ssyncset.done @!p1 $0x0  }
0xea: {  	s7 =	simm.s32 @!p1 $0x100;
	[sflag:s11] =	ssyncadd.s32 @!p1 $0xFFFFFF80  }
0xeb: {  	[tilespmem:s7], [sflag:$0x1] =	stream.indirect.gather @!p1 [hbm4b:s5+s9], $0x80, s8, s9, $0xb8;
	[tilespmem:$0x1C100] =	vst v63  }
0xec: {  	_ =	swait.ge @!p1 [sflag:s11], $0x4000  }
0xed: {  	[sflag:s11] =	ssyncset.done @!p1 $0x0  }
0xee: {  	s8 =	sadd.s32 $0x10, s2;
	[sflag:s11] =	ssyncadd.s32 @!p1 $0xFFFFC000;
	s11 =	simm.s32 @!p1 $0x2  }
0xef: {  	[spmem:s3] =	stream.indirect.scatter.add.f32 @!p1 [tilespmem:s7], [sflag:$0x2], $0x80, s9, s9, $0xb8;
	[tilespmem:$0x1C100] =	vst v63  }
0xf0: {  	p2 =	sgt.u32 s8, $0x4E1;
	_ =	swait.ge @!p1 [sflag:s11], $0x4000  }
0xf1: {  	s7 =	simm.s32 $0x100;
	s9 =	simm.s32 $0x200;
	[sflag:s11] =	ssyncset.done @!p1 $0x0  }
.LBB2_13:
0xf2: {  	s23 =	sadd.s32 @!p2 s7, s28;
	s30 =	simm.s32 @!p2 $0x0;
	[sflag:s11] =	ssyncadd.s32 @!p1 $0xFFFFC000  }
0xf3: {  	[tilespmem:s30], [sflag:$0x1] =	stream.linear.gather @!p2 [hbm4b:s23+s30], $0x80, $0x38;
	[tilespmem:$0x1C100] =	vst v63  }
0xf4: {  	s7 =	sadd.s32 @!p2 s7, s26;
	s11 =	simm.s32 @!p2 $0x1;
	s23 =	simm.s32 @!p2 $0x80  }
0xf5: {  	[tilespmem:s23], [sflag:$0x1] =	stream.linear.gather @!p2 [hbm4b:s7+s30], $0x80, $0x38;
	[tilespmem:$0x1C100] =	vst v63  }
0xf6: {  	s7 =	smov.u32 s9;
	s9 =	sadd.s32 $0x100, s9;
	_ =	swait.ge @!p2 [sflag:s11], $0x80  }
0xf7: {  	p1 =	por p2, p2;
	p3 =	sne.s32 s9, $0x4F00;
	[sflag:s11] =	ssyncset.done @!p2 $0x0  }
0xf8: {  	[sflag:s11] =	ssyncadd.s32 @!p1 $0xFFFFFF80  }
0xf9: {  	_ =	swait.ge @!p1 [sflag:s11], $0x80  }
0xfa: {  	[sflag:s11] =	ssyncset.done @!p1 $0x0  }
0xfb: {  	s31 =	simm.s32 @!p1 $0x100;
	[sflag:s11] =	ssyncadd.s32 @!p1 $0xFFFFFF80  }
0xfc: {  	[tilespmem:s31], [sflag:$0x1] =	stream.indirect.gather @!p1 [hbm4b:s5+s23], $0x80, s30, s23, $0xb8;
	[tilespmem:$0x1C100] =	vst v63  }
0xfd: {  	_ =	swait.ge @!p1 [sflag:s11], $0x4000  }
.Ltmp9:
0xfe: {  	[sflag:s11] =	ssyncset.done @!p1 $0x0;
	(pc) =	sbr.rel @p3 .LBB2_13-.Ltmp9, $4  }
0xff: {  	[sflag:s11] =	ssyncadd.s32 @!p1 $0xFFFFC000;
	s11 =	simm.s32 @!p1 $0x2  }
0x100: {  	[spmem:s3] =	stream.indirect.scatter.add.f32 @!p1 [tilespmem:s31], [sflag:$0x2], $0x80, s23, s23, $0xb8;
	[tilespmem:$0x1C100] =	vst v63  }
0x101: {  	s8 =	sadd.s32 $0x10, s8;
	_ =	swait.ge @!p1 [sflag:s11], $0x4000  }
0x102: {  	p2 =	sgt.u32 s8, $0x4E1;
	[sflag:s11] =	ssyncset.done @!p1 $0x0  }
0x103: {  	s8 =	sadd.s32 @!p2 s7, s28;
	s9 =	simm.s32 @!p2 $0x0;
	[sflag:s11] =	ssyncadd.s32 @!p1 $0xFFFFC000  }
0x104: {  	[tilespmem:s9], [sflag:$0x1] =	stream.linear.gather @!p2 [hbm4b:s8+s9], $0x80, $0x38;
	[tilespmem:$0x1C100] =	vst v63  }
0x105: {  	s7 =	sadd.s32 @!p2 s7, s26;
	s11 =	simm.s32 @!p2 $0x1;
	s8 =	simm.s32 @!p2 $0x80  }
0x106: {  	[tilespmem:s8], [sflag:$0x1] =	stream.linear.gather @!p2 [hbm4b:s7+s9], $0x80, $0x38;
	[tilespmem:$0x1C100] =	vst v63  }
0x107: {  	_ =	swait.ge @!p2 [sflag:s11], $0x80  }
0x108: {  	p1 =	por p2, p2;
	[sflag:s11] =	ssyncset.done @!p2 $0x0  }
0x109: {  	[sflag:s11] =	ssyncadd.s32 @!p1 $0xFFFFFF80  }
0x10a: {  	_ =	swait.ge @!p1 [sflag:s11], $0x80  }
0x10b: {  	[sflag:s11] =	ssyncset.done @!p1 $0x0  }
0x10c: {  	s7 =	simm.s32 @!p1 $0x100;
	[sflag:s11] =	ssyncadd.s32 @!p1 $0xFFFFFF80  }
0x10d: {  	[tilespmem:s7], [sflag:$0x1] =	stream.indirect.gather @!p1 [hbm4b:s5+s8], $0x80, s9, s8, $0xb8;
	[tilespmem:$0x1C100] =	vst v63  }
0x10e: {  	_ =	swait.ge @!p1 [sflag:s11], $0x4000  }
0x10f: {  	[sflag:s11] =	ssyncset.done @!p1 $0x0  }
0x110: {  	s9 =	simm.s32 @!p1 $0x2;
	[sflag:s11] =	ssyncadd.s32 @!p1 $0xFFFFC000  }
0x111: {  	[spmem:s3] =	stream.indirect.scatter.add.f32 @!p1 [tilespmem:s7], [sflag:$0x2], $0x80, s8, s8, $0xb8;
	[tilespmem:$0x1C100] =	vst v63  }
0x112: {  	_ =	swait.ge @!p1 [sflag:s9], $0x4000  }
0x113: {  	[sflag:s9] =	ssyncset.done @!p1 $0x0  }
0x114: {  	s7 =	smov.u32 s12;
	[sflag:s9] =	ssyncadd.s32 @!p1 $0xFFFFC000  }
.LBB2_15:
0x115: {  	s8 =	rddreg [dreg:$0x7]  }
0x116: {  	[bflag:$0x0] =	sbarrier.arrive $0xFFFF;
	s7 =	sadd.s32 s8, s7  }
0x117: {  	[hbm:s7], [sflag:s21] =	dma.local [spmem:s22], $0x2800  }
0x118: {  	_ =	swait.ge [sflag:s18], $0x2800  }
0x119: {  	[sflag:s18] =	ssyncset.done $0x0  }
0x11a: {  	[sflag:s18] =	ssyncadd.s32 $0xFFFFD800  }
0x11b: {  	[spmem:s22], [sflag:s21] =	dma.local [hbm:s6], $0x2800  }
.Ltmp10:
0x11c: {  	_ =	swait.ge [sflag:s18], $0x2800;
	(pc) =	sbr.rel @p0 .LBB2_19-.Ltmp10, $4  }
0x11d: {  	[sflag:s18] =	ssyncset.done $0x0  }
0x11e: {  	[sflag:s18] =	ssyncadd.s32 $0xFFFFD800  }
0x11f: {  	s31 =	sadd.s32 $0x0, s2;
	[bflag:$0x0] =	sbarrier.arrive $0xFFFF  }
0x120: {  	p2 =	sgt.u32 s31, $0x270  }
0x121: {  	s7 =	simm.s32 @!p2 $0x0;
	s8 =	simm.s32 @!p2 $0x80;
	s9 =	simm.s32 @!p2 $0x3  }
0x122: {  	[tilespmem:s8], [sflag:$0x3] =	stream.linear.gather @!p2 [hbm4b:s19+s7], $0x80, $0x38;
	[tilespmem:$0x1C100] =	vst v63  }
0x123: {  	p1 =	por p2, p2;
	_ =	swait.ge @!p2 [sflag:s9], $0x80  }
0x124: {  	s31 =	sadd.s32 $0x10, s2;
	s7 =	simm.s32 @!p1 $0x18100;
	[sflag:s9] =	ssyncset.done @!p2 $0x0  }
0x125: {  	[sflag:s9] =	ssyncadd.s32 @!p1 $0xFFFFFF80;
	s9 =	simm.s32 @!p2 $0x2;
	p2 =	sgt.u32 s31, $0x270  }
0x126: {  	[spmem:s3] =	stream.indirect.scatter.add.f32 @!p1 [tilespmem:s7], [sflag:$0x2], $0x80, s8, s8, $0xb8;
	[tilespmem:$0x1C100] =	vst v63  }
0x127: {  	s8 =	simm.s32 $0x20;
	s7 =	sadd.s32 $0x100, s19;
	_ =	swait.ge @!p1 [sflag:s9], $0x4000  }
.LBB2_17:
0x128: {  	s11 =	simm.s32 @!p2 $0x0;
	s23 =	simm.s32 @!p2 $0x80  }
0x129: {  	[sflag:s9] =	ssyncset.done @!p1 $0x0;
	s30 =	smov.u32 s8;
	s8 =	sadd.s32 $0x10, s8  }
0x12a: {  	s31 =	simm.s32 @!p2 $0x3;
	[sflag:s9] =	ssyncadd.s32 @!p1 $0xFFFFC000;
	p3 =	seq.s32 s8, $0x280  }
0x12b: {  	[tilespmem:s23], [sflag:$0x3] =	stream.linear.gather @!p2 [hbm4b:s7+s11], $0x80, $0x38;
	[tilespmem:$0x1C100] =	vst v63  }
.Ltmp11:
0x12c: {  	_ =	swait.ge @!p2 [sflag:s31], $0x80;
	(pc) =	sbr.rel @!p3 .LBB2_17-.Ltmp11, $4  }
0x12d: {  	s9 =	simm.s32 @!p2 $0x2;
	p1 =	por p2, p2;
	[sflag:s31] =	ssyncset.done @!p2 $0x0  }
0x12e: {  	s11 =	sadd.s32 s30, s2;
	s30 =	simm.s32 @!p1 $0x18100;
	[sflag:s31] =	ssyncadd.s32 @!p1 $0xFFFFFF80  }
0x12f: {  	[spmem:s3] =	stream.indirect.scatter.add.f32 @!p1 [tilespmem:s30], [sflag:$0x2], $0x80, s23, s23, $0xb8;
	[tilespmem:$0x1C100] =	vst v63  }
0x130: {  	s7 =	sadd.s32 $0x100, s7;
	p2 =	sgt.u32 s11, $0x270;
	_ =	swait.ge @!p1 [sflag:s9], $0x4000  }
0x131: {  	s8 =	simm.s32 @!p2 $0x0;
	[sflag:s9] =	ssyncset.done @!p1 $0x0  }
0x132: {  	s11 =	simm.s32 @!p2 $0x80;
	s23 =	simm.s32 @!p2 $0x3;
	[sflag:s9] =	ssyncadd.s32 @!p1 $0xFFFFC000  }
0x133: {  	[tilespmem:s11], [sflag:$0x3] =	stream.linear.gather @!p2 [hbm4b:s7+s8], $0x80, $0x38;
	[tilespmem:$0x1C100] =	vst v63  }
0x134: {  	_ =	swait.ge @!p2 [sflag:s23], $0x80  }
0x135: {  	p1 =	por p2, p2;
	s7 =	simm.s32 @!p2 $0x2;
	[sflag:s23] =	ssyncset.done @!p2 $0x0  }
.Ltmp12:
0x136: {  	s8 =	simm.s32 @!p1 $0x18100;
	[sflag:s23] =	ssyncadd.s32 @!p1 $0xFFFFFF80;
	(pc) =	sbr.rel .LBB2_22-.Ltmp12, $4  }
0x137: {  	[spmem:s3] =	stream.indirect.scatter.add.f32 @!p1 [tilespmem:s8], [sflag:$0x2], $0x80, s11, s11, $0xb8;
	[tilespmem:$0x1C100] =	vst v63  }
0x138: {  	_ =	swait.ge @!p1 [sflag:s7], $0x4000  }
0x139: {  	[sflag:s7] =	ssyncset.done @!p1 $0x0  }
0x13a: {  	[sflag:s7] =	ssyncadd.s32 @!p1 $0xFFFFC000;
	s7 =	smov.u32 s13  }
.LBB2_19:
0x13b: {  	s7 =	simm.s32 @!p2 $0x0;
	s8 =	simm.s32 @!p2 $0x80;
	s9 =	simm.s32 @!p2 $0x3  }
0x13c: {  	[tilespmem:s8], [sflag:$0x3] =	stream.linear.gather @!p2 [hbm4b:s17+s7], $0x80, $0x38;
	[tilespmem:$0x1C100] =	vst v63  }
0x13d: {  	p1 =	por p2, p2;
	_ =	swait.ge @!p2 [sflag:s9], $0x80  }
0x13e: {  	s31 =	sadd.s32 $0x10, s2;
	s7 =	simm.s32 @!p1 $0x18100;
	[sflag:s9] =	ssyncset.done @!p2 $0x0  }
0x13f: {  	[sflag:s9] =	ssyncadd.s32 @!p1 $0xFFFFFF80;
	s9 =	simm.s32 @!p2 $0x2;
	p2 =	sgt.u32 s31, $0x270  }
0x140: {  	[spmem:s3] =	stream.indirect.scatter.add.f32 @!p1 [tilespmem:s7], [sflag:$0x2], $0x80, s8, s8, $0xb8;
	[tilespmem:$0x1C100] =	vst v63  }
0x141: {  	s8 =	simm.s32 $0x20;
	s7 =	sadd.s32 $0x100, s17;
	_ =	swait.ge @!p1 [sflag:s9], $0x4000  }
.LBB2_20:
0x142: {  	s11 =	simm.s32 @!p2 $0x0;
	s23 =	simm.s32 @!p2 $0x80  }
0x143: {  	[sflag:s9] =	ssyncset.done @!p1 $0x0;
	s30 =	smov.u32 s8;
	s8 =	sadd.s32 $0x10, s8  }
0x144: {  	s31 =	simm.s32 @!p2 $0x3;
	[sflag:s9] =	ssyncadd.s32 @!p1 $0xFFFFC000;
	p3 =	sne.s32 s8, $0x280  }
0x145: {  	[tilespmem:s23], [sflag:$0x3] =	stream.linear.gather @!p2 [hbm4b:s7+s11], $0x80, $0x38;
	[tilespmem:$0x1C100] =	vst v63  }
.Ltmp13:
0x146: {  	_ =	swait.ge @!p2 [sflag:s31], $0x80;
	(pc) =	sbr.rel @p3 .LBB2_20-.Ltmp13, $4  }
0x147: {  	s9 =	simm.s32 @!p2 $0x2;
	p1 =	por p2, p2;
	[sflag:s31] =	ssyncset.done @!p2 $0x0  }
0x148: {  	s11 =	sadd.s32 s30, s2;
	s30 =	simm.s32 @!p1 $0x18100;
	[sflag:s31] =	ssyncadd.s32 @!p1 $0xFFFFFF80  }
0x149: {  	[spmem:s3] =	stream.indirect.scatter.add.f32 @!p1 [tilespmem:s30], [sflag:$0x2], $0x80, s23, s23, $0xb8;
	[tilespmem:$0x1C100] =	vst v63  }
0x14a: {  	s7 =	sadd.s32 $0x100, s7;
	p2 =	sgt.u32 s11, $0x270;
	_ =	swait.ge @!p1 [sflag:s9], $0x4000  }
0x14b: {  	s8 =	simm.s32 @!p2 $0x0;
	[sflag:s9] =	ssyncset.done @!p1 $0x0  }
0x14c: {  	s11 =	simm.s32 @!p2 $0x80;
	s23 =	simm.s32 @!p2 $0x3;
	[sflag:s9] =	ssyncadd.s32 @!p1 $0xFFFFC000  }
0x14d: {  	[tilespmem:s11], [sflag:$0x3] =	stream.linear.gather @!p2 [hbm4b:s7+s8], $0x80, $0x38;
	[tilespmem:$0x1C100] =	vst v63  }
0x14e: {  	_ =	swait.ge @!p2 [sflag:s23], $0x80  }
0x14f: {  	p1 =	por p2, p2;
	[sflag:s23] =	ssyncset.done @!p2 $0x0  }
0x150: {  	s7 =	simm.s32 @!p2 $0x2;
	s8 =	simm.s32 @!p1 $0x18100;
	[sflag:s23] =	ssyncadd.s32 @!p1 $0xFFFFFF80  }
0x151: {  	[spmem:s3] =	stream.indirect.scatter.add.f32 @!p1 [tilespmem:s8], [sflag:$0x2], $0x80, s11, s11, $0xb8;
	[tilespmem:$0x1C100] =	vst v63  }
0x152: {  	_ =	swait.ge @!p1 [sflag:s7], $0x4000  }
0x153: {  	[sflag:s7] =	ssyncset.done @!p1 $0x0  }
0x154: {  	[sflag:s7] =	ssyncadd.s32 @!p1 $0xFFFFC000;
	s7 =	smov.u32 s12  }
.LBB2_22:
0x155: {  	s7 =	sadd.s32 s10, s7;
	[bflag:$0x0] =	sbarrier.arrive $0xFFFF  }
0x156: {  	[hbm:s7], [sflag:s21] =	dma.local [spmem:s22], $0x2800  }
0x157: {  	_ =	swait.ge [sflag:s18], $0x2800  }
0x158: {  	[sflag:s18] =	ssyncset.done $0x0  }
0x159: {  	[sflag:s18] =	ssyncadd.s32 $0xFFFFD800  }
0x15a: {  	[spmem:s22], [sflag:s21] =	dma.local [hbm:s6], $0x2800  }
.Ltmp14:
0x15b: {  	_ =	swait.ge [sflag:s18], $0x2800;
	(pc) =	sbr.rel @p0 .LBB2_26-.Ltmp14, $4  }
0x15c: {  	[sflag:s18] =	ssyncset.done $0x0  }
0x15d: {  	[sflag:s18] =	ssyncadd.s32 $0xFFFFD800  }
0x15e: {  	s31 =	sadd.s32 $0x0, s2;
	[bflag:$0x0] =	sbarrier.arrive $0xFFFF  }
0x15f: {  	p2 =	sgt.u32 s31, $0x270  }
0x160: {  	s7 =	simm.s32 @!p2 $0x0;
	s8 =	simm.s32 @!p2 $0x80;
	s9 =	simm.s32 @!p2 $0x3  }
0x161: {  	[tilespmem:s8], [sflag:$0x3] =	stream.linear.gather @!p2 [hbm4b:s26+s7], $0x80, $0x38;
	[tilespmem:$0x1C100] =	vst v63  }
0x162: {  	p1 =	por p2, p2;
	_ =	swait.ge @!p2 [sflag:s9], $0x80  }
0x163: {  	s31 =	sadd.s32 $0x10, s2;
	s7 =	simm.s32 @!p1 $0x18100;
	[sflag:s9] =	ssyncset.done @!p2 $0x0  }
0x164: {  	[sflag:s9] =	ssyncadd.s32 @!p1 $0xFFFFFF80;
	s9 =	simm.s32 @!p2 $0x2;
	p2 =	sgt.u32 s31, $0x270  }
0x165: {  	[spmem:s3] =	stream.indirect.scatter.add.f32 @!p1 [tilespmem:s7], [sflag:$0x2], $0x80, s8, s8, $0xb8;
	[tilespmem:$0x1C100] =	vst v63  }
0x166: {  	s8 =	simm.s32 $0x20;
	s7 =	sadd.s32 $0x100, s26;
	_ =	swait.ge @!p1 [sflag:s9], $0x4000  }
.LBB2_24:
0x167: {  	s11 =	simm.s32 @!p2 $0x0;
	s23 =	simm.s32 @!p2 $0x80  }
0x168: {  	[sflag:s9] =	ssyncset.done @!p1 $0x0;
	s30 =	smov.u32 s8;
	s8 =	sadd.s32 $0x10, s8  }
0x169: {  	s31 =	simm.s32 @!p2 $0x3;
	[sflag:s9] =	ssyncadd.s32 @!p1 $0xFFFFC000;
	p3 =	seq.s32 s8, $0x280  }
0x16a: {  	[tilespmem:s23], [sflag:$0x3] =	stream.linear.gather @!p2 [hbm4b:s7+s11], $0x80, $0x38;
	[tilespmem:$0x1C100] =	vst v63  }
.Ltmp15:
0x16b: {  	_ =	swait.ge @!p2 [sflag:s31], $0x80;
	(pc) =	sbr.rel @!p3 .LBB2_24-.Ltmp15, $4  }
0x16c: {  	s9 =	simm.s32 @!p2 $0x2;
	p1 =	por p2, p2;
	[sflag:s31] =	ssyncset.done @!p2 $0x0  }
0x16d: {  	s11 =	sadd.s32 s30, s2;
	s30 =	simm.s32 @!p1 $0x18100;
	[sflag:s31] =	ssyncadd.s32 @!p1 $0xFFFFFF80  }
0x16e: {  	[spmem:s3] =	stream.indirect.scatter.add.f32 @!p1 [tilespmem:s30], [sflag:$0x2], $0x80, s23, s23, $0xb8;
	[tilespmem:$0x1C100] =	vst v63  }
0x16f: {  	s7 =	sadd.s32 $0x100, s7;
	p2 =	sgt.u32 s11, $0x270;
	_ =	swait.ge @!p1 [sflag:s9], $0x4000  }
0x170: {  	s8 =	simm.s32 @!p2 $0x0;
	[sflag:s9] =	ssyncset.done @!p1 $0x0  }
0x171: {  	s11 =	simm.s32 @!p2 $0x80;
	s23 =	simm.s32 @!p2 $0x3;
	[sflag:s9] =	ssyncadd.s32 @!p1 $0xFFFFC000  }
0x172: {  	[tilespmem:s11], [sflag:$0x3] =	stream.linear.gather @!p2 [hbm4b:s7+s8], $0x80, $0x38;
	[tilespmem:$0x1C100] =	vst v63  }
0x173: {  	_ =	swait.ge @!p2 [sflag:s23], $0x80  }
0x174: {  	p1 =	por p2, p2;
	s7 =	simm.s32 @!p2 $0x2;
	[sflag:s23] =	ssyncset.done @!p2 $0x0  }
.Ltmp16:
0x175: {  	s8 =	simm.s32 @!p1 $0x18100;
	[sflag:s23] =	ssyncadd.s32 @!p1 $0xFFFFFF80;
	(pc) =	sbr.rel .LBB2_29-.Ltmp16, $4  }
0x176: {  	[spmem:s3] =	stream.indirect.scatter.add.f32 @!p1 [tilespmem:s8], [sflag:$0x2], $0x80, s11, s11, $0xb8;
	[tilespmem:$0x1C100] =	vst v63  }
0x177: {  	_ =	swait.ge @!p1 [sflag:s7], $0x4000  }
0x178: {  	[sflag:s7] =	ssyncset.done @!p1 $0x0  }
0x179: {  	[sflag:s7] =	ssyncadd.s32 @!p1 $0xFFFFC000;
	s7 =	rddreg [dreg:$0xa]  }
.LBB2_26:
0x17a: {  	s7 =	simm.s32 @!p2 $0x0  }
0x17b: {  	s8 =	simm.s32 @!p2 $0x80;
	s9 =	simm.s32 @!p2 $0x3;
	s11 =	rddreg [dreg:$0x12]  }
0x17c: {  	[tilespmem:s8], [sflag:$0x3] =	stream.linear.gather @!p2 [hbm4b:s11+s7], $0x80, $0x38;
	[tilespmem:$0x1C100] =	vst v63  }
0x17d: {  	p1 =	por p2, p2;
	_ =	swait.ge @!p2 [sflag:s9], $0x80  }
0x17e: {  	s31 =	sadd.s32 $0x10, s2;
	s7 =	simm.s32 @!p1 $0x18100;
	[sflag:s9] =	ssyncset.done @!p2 $0x0  }
0x17f: {  	[sflag:s9] =	ssyncadd.s32 @!p1 $0xFFFFFF80;
	s9 =	simm.s32 @!p2 $0x2;
	p2 =	sgt.u32 s31, $0x270  }
0x180: {  	[spmem:s3] =	stream.indirect.scatter.add.f32 @!p1 [tilespmem:s7], [sflag:$0x2], $0x80, s8, s8, $0xb8;
	[tilespmem:$0x1C100] =	vst v63  }
0x181: {  	s8 =	simm.s32 $0x20;
	s7 =	sadd.s32 $0x100, s11;
	_ =	swait.ge @!p1 [sflag:s9], $0x4000  }
.LBB2_27:
0x182: {  	s11 =	simm.s32 @!p2 $0x0;
	s23 =	simm.s32 @!p2 $0x80  }
0x183: {  	[sflag:s9] =	ssyncset.done @!p1 $0x0;
	s30 =	smov.u32 s8;
	s8 =	sadd.s32 $0x10, s8  }
0x184: {  	s31 =	simm.s32 @!p2 $0x3;
	[sflag:s9] =	ssyncadd.s32 @!p1 $0xFFFFC000;
	p3 =	sne.s32 s8, $0x280  }
0x185: {  	[tilespmem:s23], [sflag:$0x3] =	stream.linear.gather @!p2 [hbm4b:s7+s11], $0x80, $0x38;
	[tilespmem:$0x1C100] =	vst v63  }
.Ltmp17:
0x186: {  	_ =	swait.ge @!p2 [sflag:s31], $0x80;
	(pc) =	sbr.rel @p3 .LBB2_27-.Ltmp17, $4  }
0x187: {  	s9 =	simm.s32 @!p2 $0x2;
	p1 =	por p2, p2;
	[sflag:s31] =	ssyncset.done @!p2 $0x0  }
0x188: {  	s11 =	sadd.s32 s30, s2;
	s30 =	simm.s32 @!p1 $0x18100;
	[sflag:s31] =	ssyncadd.s32 @!p1 $0xFFFFFF80  }
0x189: {  	[spmem:s3] =	stream.indirect.scatter.add.f32 @!p1 [tilespmem:s30], [sflag:$0x2], $0x80, s23, s23, $0xb8;
	[tilespmem:$0x1C100] =	vst v63  }
0x18a: {  	s7 =	sadd.s32 $0x100, s7;
	p2 =	sgt.u32 s11, $0x270;
	_ =	swait.ge @!p1 [sflag:s9], $0x4000  }
0x18b: {  	s8 =	simm.s32 @!p2 $0x0;
	[sflag:s9] =	ssyncset.done @!p1 $0x0  }
0x18c: {  	s11 =	simm.s32 @!p2 $0x80;
	s23 =	simm.s32 @!p2 $0x3;
	[sflag:s9] =	ssyncadd.s32 @!p1 $0xFFFFC000  }
0x18d: {  	[tilespmem:s11], [sflag:$0x3] =	stream.linear.gather @!p2 [hbm4b:s7+s8], $0x80, $0x38;
	[tilespmem:$0x1C100] =	vst v63  }
0x18e: {  	_ =	swait.ge @!p2 [sflag:s23], $0x80  }
0x18f: {  	p1 =	por p2, p2;
	[sflag:s23] =	ssyncset.done @!p2 $0x0  }
0x190: {  	s7 =	simm.s32 @!p2 $0x2;
	s8 =	simm.s32 @!p1 $0x18100;
	[sflag:s23] =	ssyncadd.s32 @!p1 $0xFFFFFF80  }
0x191: {  	[spmem:s3] =	stream.indirect.scatter.add.f32 @!p1 [tilespmem:s8], [sflag:$0x2], $0x80, s11, s11, $0xb8;
	[tilespmem:$0x1C100] =	vst v63  }
0x192: {  	_ =	swait.ge @!p1 [sflag:s7], $0x4000  }
0x193: {  	[sflag:s7] =	ssyncset.done @!p1 $0x0  }
0x194: {  	[sflag:s7] =	ssyncadd.s32 @!p1 $0xFFFFC000;
	s7 =	rddreg [dreg:$0x9]  }
.LBB2_29:
0x195: {  	s7 =	sshrl.u32 s7, $0x3  }
0x196: {  	[bflag:$0x0] =	sbarrier.arrive $0xFFFF;
	s7 =	sadd.s32 s10, s7  }
0x197: {  	[hbm:s7], [sflag:s21] =	dma.local [spmem:s22], $0x2800  }
0x198: {  	_ =	swait.ge [sflag:s18], $0x2800  }
0x199: {  	[sflag:s18] =	ssyncset.done $0x0  }
0x19a: {  	[sflag:s18] =	ssyncadd.s32 $0xFFFFD800  }
0x19b: {  	[spmem:s22], [sflag:s21] =	dma.local [hbm:s6], $0x2800  }
.Ltmp18:
0x19c: {  	_ =	swait.ge [sflag:s18], $0x2800;
	(pc) =	sbr.rel @p0 .LBB2_33-.Ltmp18, $4  }
0x19d: {  	[sflag:s18] =	ssyncset.done $0x0  }
0x19e: {  	[sflag:s18] =	ssyncadd.s32 $0xFFFFD800  }
0x19f: {  	s31 =	sadd.s32 $0x0, s2;
	[bflag:$0x0] =	sbarrier.arrive $0xFFFF  }
0x1a0: {  	p2 =	sgt.u32 s31, $0x270  }
0x1a1: {  	s7 =	simm.s32 @!p2 $0x0  }
0x1a2: {  	s8 =	simm.s32 @!p2 $0x80;
	s9 =	simm.s32 @!p2 $0x3;
	s11 =	rddreg [dreg:$0x13]  }
0x1a3: {  	[tilespmem:s8], [sflag:$0x3] =	stream.linear.gather @!p2 [hbm4b:s11+s7], $0x80, $0x38;
	[tilespmem:$0x1C100] =	vst v63  }
0x1a4: {  	p1 =	por p2, p2;
	_ =	swait.ge @!p2 [sflag:s9], $0x80  }
0x1a5: {  	s31 =	sadd.s32 $0x10, s2;
	s7 =	simm.s32 @!p1 $0x18100;
	[sflag:s9] =	ssyncset.done @!p2 $0x0  }
0x1a6: {  	[sflag:s9] =	ssyncadd.s32 @!p1 $0xFFFFFF80;
	s9 =	simm.s32 @!p2 $0x2;
	p2 =	sgt.u32 s31, $0x270  }
0x1a7: {  	[spmem:s3] =	stream.indirect.scatter.add.f32 @!p1 [tilespmem:s7], [sflag:$0x2], $0x80, s8, s8, $0xb8;
	[tilespmem:$0x1C100] =	vst v63  }
0x1a8: {  	s8 =	simm.s32 $0x20;
	s7 =	sadd.s32 $0x100, s11;
	_ =	swait.ge @!p1 [sflag:s9], $0x4000  }
.LBB2_31:
0x1a9: {  	s11 =	simm.s32 @!p2 $0x0;
	s23 =	simm.s32 @!p2 $0x80  }
0x1aa: {  	[sflag:s9] =	ssyncset.done @!p1 $0x0;
	s30 =	smov.u32 s8;
	s8 =	sadd.s32 $0x10, s8  }
0x1ab: {  	s31 =	simm.s32 @!p2 $0x3;
	[sflag:s9] =	ssyncadd.s32 @!p1 $0xFFFFC000;
	p3 =	seq.s32 s8, $0x280  }
0x1ac: {  	[tilespmem:s23], [sflag:$0x3] =	stream.linear.gather @!p2 [hbm4b:s7+s11], $0x80, $0x38;
	[tilespmem:$0x1C100] =	vst v63  }
.Ltmp19:
0x1ad: {  	_ =	swait.ge @!p2 [sflag:s31], $0x80;
	(pc) =	sbr.rel @!p3 .LBB2_31-.Ltmp19, $4  }
0x1ae: {  	s9 =	simm.s32 @!p2 $0x2;
	p1 =	por p2, p2;
	[sflag:s31] =	ssyncset.done @!p2 $0x0  }
0x1af: {  	s11 =	sadd.s32 s30, s2;
	s30 =	simm.s32 @!p1 $0x18100;
	[sflag:s31] =	ssyncadd.s32 @!p1 $0xFFFFFF80  }
0x1b0: {  	[spmem:s3] =	stream.indirect.scatter.add.f32 @!p1 [tilespmem:s30], [sflag:$0x2], $0x80, s23, s23, $0xb8;
	[tilespmem:$0x1C100] =	vst v63  }
0x1b1: {  	s7 =	sadd.s32 $0x100, s7;
	p2 =	sgt.u32 s11, $0x270;
	_ =	swait.ge @!p1 [sflag:s9], $0x4000  }
0x1b2: {  	s8 =	simm.s32 @!p2 $0x0;
	[sflag:s9] =	ssyncset.done @!p1 $0x0  }
0x1b3: {  	s11 =	simm.s32 @!p2 $0x80;
	s23 =	simm.s32 @!p2 $0x3;
	[sflag:s9] =	ssyncadd.s32 @!p1 $0xFFFFC000  }
0x1b4: {  	[tilespmem:s11], [sflag:$0x3] =	stream.linear.gather @!p2 [hbm4b:s7+s8], $0x80, $0x38;
	[tilespmem:$0x1C100] =	vst v63  }
0x1b5: {  	_ =	swait.ge @!p2 [sflag:s23], $0x80  }
0x1b6: {  	p1 =	por p2, p2;
	s7 =	simm.s32 @!p2 $0x2;
	[sflag:s23] =	ssyncset.done @!p2 $0x0  }
.Ltmp20:
0x1b7: {  	s8 =	simm.s32 @!p1 $0x18100;
	[sflag:s23] =	ssyncadd.s32 @!p1 $0xFFFFFF80;
	(pc) =	sbr.rel .LBB2_36-.Ltmp20, $4  }
0x1b8: {  	[spmem:s3] =	stream.indirect.scatter.add.f32 @!p1 [tilespmem:s8], [sflag:$0x2], $0x80, s11, s11, $0xb8;
	[tilespmem:$0x1C100] =	vst v63  }
0x1b9: {  	_ =	swait.ge @!p1 [sflag:s7], $0x4000  }
0x1ba: {  	[sflag:s7] =	ssyncset.done @!p1 $0x0  }
0x1bb: {  	[sflag:s7] =	ssyncadd.s32 @!p1 $0xFFFFC000;
	s7 =	rddreg [dreg:$0xc]  }
.LBB2_33:
0x1bc: {  	s7 =	simm.s32 @!p2 $0x0;
	s8 =	simm.s32 @!p2 $0x80;
	s9 =	simm.s32 @!p2 $0x3  }
0x1bd: {  	[tilespmem:s8], [sflag:$0x3] =	stream.linear.gather @!p2 [hbm4b:s0+s7], $0x80, $0x38;
	[tilespmem:$0x1C100] =	vst v63  }
0x1be: {  	p1 =	por p2, p2;
	_ =	swait.ge @!p2 [sflag:s9], $0x80  }
0x1bf: {  	s31 =	sadd.s32 $0x10, s2;
	s7 =	simm.s32 @!p1 $0x18100;
	[sflag:s9] =	ssyncset.done @!p2 $0x0  }
0x1c0: {  	[sflag:s9] =	ssyncadd.s32 @!p1 $0xFFFFFF80;
	s9 =	simm.s32 @!p2 $0x2;
	p2 =	sgt.u32 s31, $0x270  }
0x1c1: {  	[spmem:s3] =	stream.indirect.scatter.add.f32 @!p1 [tilespmem:s7], [sflag:$0x2], $0x80, s8, s8, $0xb8;
	[tilespmem:$0x1C100] =	vst v63  }
0x1c2: {  	s8 =	simm.s32 $0x20;
	s7 =	sadd.s32 $0x100, s0;
	_ =	swait.ge @!p1 [sflag:s9], $0x4000  }
.LBB2_34:
0x1c3: {  	s11 =	simm.s32 @!p2 $0x0;
	s23 =	simm.s32 @!p2 $0x80  }
0x1c4: {  	[sflag:s9] =	ssyncset.done @!p1 $0x0;
	s30 =	smov.u32 s8;
	s8 =	sadd.s32 $0x10, s8  }
0x1c5: {  	s31 =	simm.s32 @!p2 $0x3;
	[sflag:s9] =	ssyncadd.s32 @!p1 $0xFFFFC000;
	p3 =	sne.s32 s8, $0x280  }
0x1c6: {  	[tilespmem:s23], [sflag:$0x3] =	stream.linear.gather @!p2 [hbm4b:s7+s11], $0x80, $0x38;
	[tilespmem:$0x1C100] =	vst v63  }
.Ltmp21:
0x1c7: {  	_ =	swait.ge @!p2 [sflag:s31], $0x80;
	(pc) =	sbr.rel @p3 .LBB2_34-.Ltmp21, $4  }
0x1c8: {  	s9 =	simm.s32 @!p2 $0x2;
	p1 =	por p2, p2;
	[sflag:s31] =	ssyncset.done @!p2 $0x0  }
0x1c9: {  	s11 =	sadd.s32 s30, s2;
	s30 =	simm.s32 @!p1 $0x18100;
	[sflag:s31] =	ssyncadd.s32 @!p1 $0xFFFFFF80  }
0x1ca: {  	[spmem:s3] =	stream.indirect.scatter.add.f32 @!p1 [tilespmem:s30], [sflag:$0x2], $0x80, s23, s23, $0xb8;
	[tilespmem:$0x1C100] =	vst v63  }
0x1cb: {  	s7 =	sadd.s32 $0x100, s7;
	p2 =	sgt.u32 s11, $0x270;
	_ =	swait.ge @!p1 [sflag:s9], $0x4000  }
0x1cc: {  	s8 =	simm.s32 @!p2 $0x0;
	[sflag:s9] =	ssyncset.done @!p1 $0x0  }
0x1cd: {  	s11 =	simm.s32 @!p2 $0x80;
	s23 =	simm.s32 @!p2 $0x3;
	[sflag:s9] =	ssyncadd.s32 @!p1 $0xFFFFC000  }
0x1ce: {  	[tilespmem:s11], [sflag:$0x3] =	stream.linear.gather @!p2 [hbm4b:s7+s8], $0x80, $0x38;
	[tilespmem:$0x1C100] =	vst v63  }
0x1cf: {  	_ =	swait.ge @!p2 [sflag:s23], $0x80  }
0x1d0: {  	p1 =	por p2, p2;
	[sflag:s23] =	ssyncset.done @!p2 $0x0  }
0x1d1: {  	s7 =	simm.s32 @!p2 $0x2;
	s8 =	simm.s32 @!p1 $0x18100;
	[sflag:s23] =	ssyncadd.s32 @!p1 $0xFFFFFF80  }
0x1d2: {  	[spmem:s3] =	stream.indirect.scatter.add.f32 @!p1 [tilespmem:s8], [sflag:$0x2], $0x80, s11, s11, $0xb8;
	[tilespmem:$0x1C100] =	vst v63  }
0x1d3: {  	_ =	swait.ge @!p1 [sflag:s7], $0x4000  }
0x1d4: {  	[sflag:s7] =	ssyncset.done @!p1 $0x0  }
0x1d5: {  	[sflag:s7] =	ssyncadd.s32 @!p1 $0xFFFFC000;
	s7 =	rddreg [dreg:$0xb]  }
.LBB2_36:
0x1d6: {  	s7 =	sshrl.u32 s7, $0x3  }
0x1d7: {  	[bflag:$0x0] =	sbarrier.arrive $0xFFFF;
	s7 =	sadd.s32 s10, s7  }
0x1d8: {  	[hbm:s7], [sflag:s21] =	dma.local [spmem:s22], $0x2800  }
0x1d9: {  	_ =	swait.ge [sflag:s18], $0x2800  }
0x1da: {  	[sflag:s18] =	ssyncset.done $0x0  }
0x1db: {  	[sflag:s18] =	ssyncadd.s32 $0xFFFFD800  }
0x1dc: {  	[spmem:s22], [sflag:s21] =	dma.local [hbm:s6], $0x2800  }
.Ltmp22:
0x1dd: {  	_ =	swait.ge [sflag:s18], $0x2800;
	(pc) =	sbr.rel @p0 .LBB2_40-.Ltmp22, $4  }
0x1de: {  	[sflag:s18] =	ssyncset.done $0x0  }
0x1df: {  	[sflag:s18] =	ssyncadd.s32 $0xFFFFD800  }
0x1e0: {  	s31 =	sadd.s32 $0x0, s2;
	[bflag:$0x0] =	sbarrier.arrive $0xFFFF  }
0x1e1: {  	p2 =	sgt.u32 s31, $0x270  }
0x1e2: {  	s7 =	simm.s32 @!p2 $0x0;
	s8 =	simm.s32 @!p2 $0x80;
	s9 =	simm.s32 @!p2 $0x3  }
0x1e3: {  	[tilespmem:s8], [sflag:$0x3] =	stream.linear.gather @!p2 [hbm4b:s4+s7], $0x80, $0x38;
	[tilespmem:$0x1C100] =	vst v63  }
0x1e4: {  	p1 =	por p2, p2;
	_ =	swait.ge @!p2 [sflag:s9], $0x80  }
0x1e5: {  	s31 =	sadd.s32 $0x10, s2;
	s7 =	simm.s32 @!p1 $0x18100;
	[sflag:s9] =	ssyncset.done @!p2 $0x0  }
0x1e6: {  	[sflag:s9] =	ssyncadd.s32 @!p1 $0xFFFFFF80;
	s9 =	simm.s32 @!p2 $0x2;
	p2 =	sgt.u32 s31, $0x270  }
0x1e7: {  	[spmem:s3] =	stream.indirect.scatter.add.f32 @!p1 [tilespmem:s7], [sflag:$0x2], $0x80, s8, s8, $0xb8;
	[tilespmem:$0x1C100] =	vst v63  }
0x1e8: {  	s8 =	simm.s32 $0x20;
	s7 =	sadd.s32 $0x100, s4;
	_ =	swait.ge @!p1 [sflag:s9], $0x4000  }
.LBB2_38:
0x1e9: {  	s11 =	simm.s32 @!p2 $0x0;
	s23 =	simm.s32 @!p2 $0x80  }
0x1ea: {  	[sflag:s9] =	ssyncset.done @!p1 $0x0;
	s30 =	smov.u32 s8;
	s8 =	sadd.s32 $0x10, s8  }
0x1eb: {  	s31 =	simm.s32 @!p2 $0x3;
	[sflag:s9] =	ssyncadd.s32 @!p1 $0xFFFFC000;
	p3 =	seq.s32 s8, $0x280  }
0x1ec: {  	[tilespmem:s23], [sflag:$0x3] =	stream.linear.gather @!p2 [hbm4b:s7+s11], $0x80, $0x38;
	[tilespmem:$0x1C100] =	vst v63  }
.Ltmp23:
0x1ed: {  	_ =	swait.ge @!p2 [sflag:s31], $0x80;
	(pc) =	sbr.rel @!p3 .LBB2_38-.Ltmp23, $4  }
0x1ee: {  	s9 =	simm.s32 @!p2 $0x2;
	p1 =	por p2, p2;
	[sflag:s31] =	ssyncset.done @!p2 $0x0  }
0x1ef: {  	s11 =	sadd.s32 s30, s2;
	s30 =	simm.s32 @!p1 $0x18100;
	[sflag:s31] =	ssyncadd.s32 @!p1 $0xFFFFFF80  }
0x1f0: {  	[spmem:s3] =	stream.indirect.scatter.add.f32 @!p1 [tilespmem:s30], [sflag:$0x2], $0x80, s23, s23, $0xb8;
	[tilespmem:$0x1C100] =	vst v63  }
0x1f1: {  	s7 =	sadd.s32 $0x100, s7;
	p2 =	sgt.u32 s11, $0x270;
	_ =	swait.ge @!p1 [sflag:s9], $0x4000  }
0x1f2: {  	s8 =	simm.s32 @!p2 $0x0;
	[sflag:s9] =	ssyncset.done @!p1 $0x0  }
0x1f3: {  	s11 =	simm.s32 @!p2 $0x80;
	s23 =	simm.s32 @!p2 $0x3;
	[sflag:s9] =	ssyncadd.s32 @!p1 $0xFFFFC000  }
0x1f4: {  	[tilespmem:s11], [sflag:$0x3] =	stream.linear.gather @!p2 [hbm4b:s7+s8], $0x80, $0x38;
	[tilespmem:$0x1C100] =	vst v63  }
0x1f5: {  	_ =	swait.ge @!p2 [sflag:s23], $0x80  }
0x1f6: {  	p1 =	por p2, p2;
	s7 =	simm.s32 @!p2 $0x2;
	[sflag:s23] =	ssyncset.done @!p2 $0x0  }
.Ltmp24:
0x1f7: {  	s8 =	simm.s32 @!p1 $0x18100;
	[sflag:s23] =	ssyncadd.s32 @!p1 $0xFFFFFF80;
	(pc) =	sbr.rel .LBB2_43-.Ltmp24, $4  }
0x1f8: {  	[spmem:s3] =	stream.indirect.scatter.add.f32 @!p1 [tilespmem:s8], [sflag:$0x2], $0x80, s11, s11, $0xb8;
	[tilespmem:$0x1C100] =	vst v63  }
0x1f9: {  	_ =	swait.ge @!p1 [sflag:s7], $0x4000  }
0x1fa: {  	[sflag:s7] =	ssyncset.done @!p1 $0x0  }
0x1fb: {  	[sflag:s7] =	ssyncadd.s32 @!p1 $0xFFFFC000;
	s7 =	rddreg [dreg:$0xe]  }
.LBB2_40:
0x1fc: {  	s7 =	simm.s32 @!p2 $0x0;
	s8 =	simm.s32 @!p2 $0x80;
	s9 =	simm.s32 @!p2 $0x3  }
0x1fd: {  	[tilespmem:s8], [sflag:$0x3] =	stream.linear.gather @!p2 [hbm4b:s14+s7], $0x80, $0x38;
	[tilespmem:$0x1C100] =	vst v63  }
0x1fe: {  	p1 =	por p2, p2;
	_ =	swait.ge @!p2 [sflag:s9], $0x80  }
0x1ff: {  	s31 =	sadd.s32 $0x10, s2;
	s7 =	simm.s32 @!p1 $0x18100;
	[sflag:s9] =	ssyncset.done @!p2 $0x0  }
0x200: {  	[sflag:s9] =	ssyncadd.s32 @!p1 $0xFFFFFF80;
	s9 =	simm.s32 @!p2 $0x2;
	p2 =	sgt.u32 s31, $0x270  }
0x201: {  	[spmem:s3] =	stream.indirect.scatter.add.f32 @!p1 [tilespmem:s7], [sflag:$0x2], $0x80, s8, s8, $0xb8;
	[tilespmem:$0x1C100] =	vst v63  }
0x202: {  	s8 =	simm.s32 $0x20;
	s7 =	sadd.s32 $0x100, s14;
	_ =	swait.ge @!p1 [sflag:s9], $0x4000  }
.LBB2_41:
0x203: {  	s11 =	simm.s32 @!p2 $0x0;
	s23 =	simm.s32 @!p2 $0x80  }
0x204: {  	[sflag:s9] =	ssyncset.done @!p1 $0x0;
	s30 =	smov.u32 s8;
	s8 =	sadd.s32 $0x10, s8  }
0x205: {  	s31 =	simm.s32 @!p2 $0x3;
	[sflag:s9] =	ssyncadd.s32 @!p1 $0xFFFFC000;
	p3 =	sne.s32 s8, $0x280  }
0x206: {  	[tilespmem:s23], [sflag:$0x3] =	stream.linear.gather @!p2 [hbm4b:s7+s11], $0x80, $0x38;
	[tilespmem:$0x1C100] =	vst v63  }
.Ltmp25:
0x207: {  	_ =	swait.ge @!p2 [sflag:s31], $0x80;
	(pc) =	sbr.rel @p3 .LBB2_41-.Ltmp25, $4  }
0x208: {  	s9 =	simm.s32 @!p2 $0x2;
	p1 =	por p2, p2;
	[sflag:s31] =	ssyncset.done @!p2 $0x0  }
0x209: {  	s11 =	sadd.s32 s30, s2;
	s30 =	simm.s32 @!p1 $0x18100;
	[sflag:s31] =	ssyncadd.s32 @!p1 $0xFFFFFF80  }
0x20a: {  	[spmem:s3] =	stream.indirect.scatter.add.f32 @!p1 [tilespmem:s30], [sflag:$0x2], $0x80, s23, s23, $0xb8;
	[tilespmem:$0x1C100] =	vst v63  }
0x20b: {  	s7 =	sadd.s32 $0x100, s7;
	p2 =	sgt.u32 s11, $0x270;
	_ =	swait.ge @!p1 [sflag:s9], $0x4000  }
0x20c: {  	s8 =	simm.s32 @!p2 $0x0;
	[sflag:s9] =	ssyncset.done @!p1 $0x0  }
0x20d: {  	s11 =	simm.s32 @!p2 $0x80;
	s23 =	simm.s32 @!p2 $0x3;
	[sflag:s9] =	ssyncadd.s32 @!p1 $0xFFFFC000  }
0x20e: {  	[tilespmem:s11], [sflag:$0x3] =	stream.linear.gather @!p2 [hbm4b:s7+s8], $0x80, $0x38;
	[tilespmem:$0x1C100] =	vst v63  }
0x20f: {  	_ =	swait.ge @!p2 [sflag:s23], $0x80  }
0x210: {  	p1 =	por p2, p2;
	[sflag:s23] =	ssyncset.done @!p2 $0x0  }
0x211: {  	s7 =	simm.s32 @!p2 $0x2;
	s8 =	simm.s32 @!p1 $0x18100;
	[sflag:s23] =	ssyncadd.s32 @!p1 $0xFFFFFF80  }
0x212: {  	[spmem:s3] =	stream.indirect.scatter.add.f32 @!p1 [tilespmem:s8], [sflag:$0x2], $0x80, s11, s11, $0xb8;
	[tilespmem:$0x1C100] =	vst v63  }
0x213: {  	_ =	swait.ge @!p1 [sflag:s7], $0x4000  }
0x214: {  	[sflag:s7] =	ssyncset.done @!p1 $0x0  }
0x215: {  	[sflag:s7] =	ssyncadd.s32 @!p1 $0xFFFFC000;
	s7 =	rddreg [dreg:$0xd]  }
.LBB2_43:
0x216: {  	s7 =	sshrl.u32 s7, $0x3  }
0x217: {  	[bflag:$0x0] =	sbarrier.arrive $0xFFFF;
	s7 =	sadd.s32 s10, s7  }
0x218: {  	[hbm:s7], [sflag:s21] =	dma.local [spmem:s22], $0x2800  }
0x219: {  	_ =	swait.ge [sflag:s18], $0x2800  }
0x21a: {  	[sflag:s18] =	ssyncset.done $0x0  }
0x21b: {  	[sflag:s18] =	ssyncadd.s32 $0xFFFFD800  }
0x21c: {  	[spmem:s22], [sflag:s21] =	dma.local [hbm:s6], $0x2800  }
.Ltmp26:
0x21d: {  	_ =	swait.ge [sflag:s18], $0x2800;
	(pc) =	sbr.rel @p0 .LBB2_47-.Ltmp26, $4  }
0x21e: {  	[sflag:s18] =	ssyncset.done $0x0  }
0x21f: {  	[sflag:s18] =	ssyncadd.s32 $0xFFFFD800  }
0x220: {  	s31 =	sadd.s32 $0x0, s2;
	[bflag:$0x0] =	sbarrier.arrive $0xFFFF  }
0x221: {  	p2 =	sgt.u32 s31, $0x270  }
0x222: {  	s7 =	simm.s32 @!p2 $0x0;
	s8 =	simm.s32 @!p2 $0x80;
	s9 =	simm.s32 @!p2 $0x3  }
0x223: {  	[tilespmem:s8], [sflag:$0x3] =	stream.linear.gather @!p2 [hbm4b:s15+s7], $0x80, $0x38;
	[tilespmem:$0x1C100] =	vst v63  }
0x224: {  	p1 =	por p2, p2;
	_ =	swait.ge @!p2 [sflag:s9], $0x80  }
0x225: {  	s31 =	sadd.s32 $0x10, s2;
	s7 =	simm.s32 @!p1 $0x18100;
	[sflag:s9] =	ssyncset.done @!p2 $0x0  }
0x226: {  	[sflag:s9] =	ssyncadd.s32 @!p1 $0xFFFFFF80;
	s9 =	simm.s32 @!p2 $0x2;
	p2 =	sgt.u32 s31, $0x270  }
0x227: {  	[spmem:s3] =	stream.indirect.scatter.add.f32 @!p1 [tilespmem:s7], [sflag:$0x2], $0x80, s8, s8, $0xb8;
	[tilespmem:$0x1C100] =	vst v63  }
0x228: {  	s8 =	simm.s32 $0x20;
	s7 =	sadd.s32 $0x100, s15;
	_ =	swait.ge @!p1 [sflag:s9], $0x4000  }
.LBB2_45:
0x229: {  	s11 =	simm.s32 @!p2 $0x0;
	s23 =	simm.s32 @!p2 $0x80  }
0x22a: {  	[sflag:s9] =	ssyncset.done @!p1 $0x0;
	s30 =	smov.u32 s8;
	s8 =	sadd.s32 $0x10, s8  }
0x22b: {  	s31 =	simm.s32 @!p2 $0x3;
	[sflag:s9] =	ssyncadd.s32 @!p1 $0xFFFFC000;
	p3 =	seq.s32 s8, $0x280  }
0x22c: {  	[tilespmem:s23], [sflag:$0x3] =	stream.linear.gather @!p2 [hbm4b:s7+s11], $0x80, $0x38;
	[tilespmem:$0x1C100] =	vst v63  }
.Ltmp27:
0x22d: {  	_ =	swait.ge @!p2 [sflag:s31], $0x80;
	(pc) =	sbr.rel @!p3 .LBB2_45-.Ltmp27, $4  }
0x22e: {  	s9 =	simm.s32 @!p2 $0x2;
	p1 =	por p2, p2;
	[sflag:s31] =	ssyncset.done @!p2 $0x0  }
0x22f: {  	s11 =	sadd.s32 s30, s2;
	s30 =	simm.s32 @!p1 $0x18100;
	[sflag:s31] =	ssyncadd.s32 @!p1 $0xFFFFFF80  }
0x230: {  	[spmem:s3] =	stream.indirect.scatter.add.f32 @!p1 [tilespmem:s30], [sflag:$0x2], $0x80, s23, s23, $0xb8;
	[tilespmem:$0x1C100] =	vst v63  }
0x231: {  	s7 =	sadd.s32 $0x100, s7;
	p2 =	sgt.u32 s11, $0x270;
	_ =	swait.ge @!p1 [sflag:s9], $0x4000  }
0x232: {  	s8 =	simm.s32 @!p2 $0x0;
	[sflag:s9] =	ssyncset.done @!p1 $0x0  }
0x233: {  	s11 =	simm.s32 @!p2 $0x80;
	s23 =	simm.s32 @!p2 $0x3;
	[sflag:s9] =	ssyncadd.s32 @!p1 $0xFFFFC000  }
0x234: {  	[tilespmem:s11], [sflag:$0x3] =	stream.linear.gather @!p2 [hbm4b:s7+s8], $0x80, $0x38;
	[tilespmem:$0x1C100] =	vst v63  }
0x235: {  	_ =	swait.ge @!p2 [sflag:s23], $0x80  }
0x236: {  	p1 =	por p2, p2;
	s7 =	simm.s32 @!p2 $0x2;
	[sflag:s23] =	ssyncset.done @!p2 $0x0  }
.Ltmp28:
0x237: {  	s8 =	simm.s32 @!p1 $0x18100;
	[sflag:s23] =	ssyncadd.s32 @!p1 $0xFFFFFF80;
	(pc) =	sbr.rel .LBB2_50-.Ltmp28, $4  }
0x238: {  	[spmem:s3] =	stream.indirect.scatter.add.f32 @!p1 [tilespmem:s8], [sflag:$0x2], $0x80, s11, s11, $0xb8;
	[tilespmem:$0x1C100] =	vst v63  }
0x239: {  	_ =	swait.ge @!p1 [sflag:s7], $0x4000  }
0x23a: {  	[sflag:s7] =	ssyncset.done @!p1 $0x0  }
0x23b: {  	[sflag:s7] =	ssyncadd.s32 @!p1 $0xFFFFC000;
	s7 =	rddreg [dreg:$0x10]  }
.LBB2_47:
0x23c: {  	s7 =	simm.s32 @!p2 $0x0;
	s8 =	simm.s32 @!p2 $0x80;
	s9 =	simm.s32 @!p2 $0x3  }
0x23d: {  	[tilespmem:s8], [sflag:$0x3] =	stream.linear.gather @!p2 [hbm4b:s16+s7], $0x80, $0x38;
	[tilespmem:$0x1C100] =	vst v63  }
0x23e: {  	p1 =	por p2, p2;
	_ =	swait.ge @!p2 [sflag:s9], $0x80  }
0x23f: {  	s31 =	sadd.s32 $0x10, s2;
	s7 =	simm.s32 @!p1 $0x18100;
	[sflag:s9] =	ssyncset.done @!p2 $0x0  }
0x240: {  	[sflag:s9] =	ssyncadd.s32 @!p1 $0xFFFFFF80;
	s9 =	simm.s32 @!p2 $0x2;
	p2 =	sgt.u32 s31, $0x270  }
0x241: {  	[spmem:s3] =	stream.indirect.scatter.add.f32 @!p1 [tilespmem:s7], [sflag:$0x2], $0x80, s8, s8, $0xb8;
	[tilespmem:$0x1C100] =	vst v63  }
0x242: {  	s8 =	simm.s32 $0x20;
	s7 =	sadd.s32 $0x100, s16;
	_ =	swait.ge @!p1 [sflag:s9], $0x4000  }
.LBB2_48:
0x243: {  	s11 =	simm.s32 @!p2 $0x0;
	s23 =	simm.s32 @!p2 $0x80  }
0x244: {  	[sflag:s9] =	ssyncset.done @!p1 $0x0;
	s30 =	smov.u32 s8;
	s8 =	sadd.s32 $0x10, s8  }
0x245: {  	s31 =	simm.s32 @!p2 $0x3;
	[sflag:s9] =	ssyncadd.s32 @!p1 $0xFFFFC000;
	p3 =	sne.s32 s8, $0x280  }
0x246: {  	[tilespmem:s23], [sflag:$0x3] =	stream.linear.gather @!p2 [hbm4b:s7+s11], $0x80, $0x38;
	[tilespmem:$0x1C100] =	vst v63  }
.Ltmp29:
0x247: {  	_ =	swait.ge @!p2 [sflag:s31], $0x80;
	(pc) =	sbr.rel @p3 .LBB2_48-.Ltmp29, $4  }
0x248: {  	s9 =	simm.s32 @!p2 $0x2;
	p1 =	por p2, p2;
	[sflag:s31] =	ssyncset.done @!p2 $0x0  }
0x249: {  	s11 =	sadd.s32 s30, s2;
	s30 =	simm.s32 @!p1 $0x18100;
	[sflag:s31] =	ssyncadd.s32 @!p1 $0xFFFFFF80  }
0x24a: {  	[spmem:s3] =	stream.indirect.scatter.add.f32 @!p1 [tilespmem:s30], [sflag:$0x2], $0x80, s23, s23, $0xb8;
	[tilespmem:$0x1C100] =	vst v63  }
0x24b: {  	s7 =	sadd.s32 $0x100, s7;
	p2 =	sgt.u32 s11, $0x270;
	_ =	swait.ge @!p1 [sflag:s9], $0x4000  }
.Ltmp30:
0x24c: {  	_ = 	snop;
	(pc) =	sbr.rel .LBB2_49-.Ltmp30, $1  }
0x24d: {  	_ =	sdelay $0x3  }
.LBB2_51:
0x24e: {  	_ =	sfence.sel $0x180000  }
0x24f: {  	[bflag:$0x0] =	sbarrier.arrive $0xFFFF  }
0x250: {  	_ =	strace $0x90000047  }
0x251: {  	[bflag:$0x2] =	sbarrier.arrive $0xFFFF  }
0x252: {  	p0 =	sne.s32 s2, $0x0;
	s0 =	rddreg [dreg:$0x4]  }
0x253: {  	s0 =	sadd.s32 @!p0 $0x100000, s0  }
0x254: {  	[sflag:s0] =	ssyncadd.tile.s32 @!p0 $0x1;
	_ =	shalt  }
.Lfunc_end2:
_tile_overlayer_lowered:
.L_overlay_start_2:
0x255: {  	(tag) =	ssettag $0x2  }
0x256: {  	s0 =	rddreg [dreg:$0x0];
	s2 =	stileid.u32  }
0x257: {  	s1 =	rddreg [dreg:$0x1];
	p0 =	sne.s32 s2, $0x0  }
0x258: {  	s3 =	rddreg [dreg:$0x2];
	[bflag:$0x3] =	sbarrier.arrive $0xFFFF;
	s2 =	simm.s32 @!p0 $0x1C02  }
0x259: {  	[timem:s3], [sflag:s2] =	dma.local @!p0 [hbm:s0], s1  }
0x25a: {  	s0 =	simm.s32 @!p0 $0x2  }
0x25b: {  	_ =	swait.ge @!p0 [sflag:s0], s1  }
0x25c: {  	s1 =	ssub.s32 @!p0 $0x0, s1;
	[sflag:s0] =	ssyncset.done @!p0 $0x0  }
0x25d: {  	[sflag:s0] =	ssyncadd.s32 @!p0 s1  }
0x25e: {  	[bflag:$0x3] =	sbarrier.arrive $0xFFFF  }
0x25f: {  	_ =	shalt  }

</sc_bundles>
